<compile_context>
chip_gen: v7x
topology: tpu7x:2x2x1
jax: 0.10.2.dev20260603
libtpu: 0.0.44.dev20260713+nightly
codegen_flags: <defaults>
</compile_context>

<pallas_src>
import functools

import jax
import jax.numpy as jnp
from jax import lax
from jax.experimental import pallas as pl
from jax.experimental.pallas import tpu as pltpu, tpu_sc as plsc

_CS = [64, 128, 256, 512]
_SHAPES = [(64, 70, 70), (128, 40, 40), (256, 24, 24), (512, 12, 12)]
_KS = [7, 5, 3, 1]
_TOPK = [4, 3, 3, 1]
_HEADS = 4
_T_NUM = 2
_EPS = 1e-5
_PREC = jax.lax.Precision.DEFAULT


def _dot(a, b, dims):
    return jax.lax.dot_general(a, b, (dims, ((), ())), precision=_PREC,
                               preferred_element_type=jnp.float32)


def _ln(x, g, b):
    mu = jnp.mean(x, axis=-1, keepdims=True)
    var = jnp.mean((x - mu) ** 2, axis=-1, keepdims=True)
    return (x - mu) / jnp.sqrt(var + _EPS) * g + b



def _select_body(K, L_total, u_ref, out_ref):
    u = u_ref[0]
    L, v, C = u.shape
    ub = u.astype(jnp.bfloat16).astype(jnp.float32)
    s = jnp.sum(ub, axis=1)
    rel = jnp.sum(ub * s[:, None, :], axis=2) / v
    iota = jax.lax.broadcasted_iota(jnp.int32, (L, v), 1)
    b = pl.program_id(0)
    row0 = (b * L + jax.lax.broadcasted_iota(jnp.int32, (L, 1), 0)) * v
    picks = []
    for _ in range(K):
        mn = jnp.min(rel, axis=1, keepdims=True)
        cand = jnp.where(rel == mn, iota, v)
        first = jnp.min(cand, axis=1, keepdims=True)
        picks.append(row0 + first)
        rel = jnp.where(iota == first, jnp.inf, rel)
    out_ref[0] = jnp.concatenate(picks, axis=1)


def _select_tokens_all(us, Ks):
    B = us[0].shape[0]

    def body(*refs):
        n = len(us)
        for i in range(n):
            _select_body(Ks[i], us[i].shape[1], refs[i], refs[n + i])

    out = pl.pallas_call(
        body,
        grid=(B,),
        in_specs=[pl.BlockSpec((1,) + u.shape[1:], lambda b: (b, 0, 0, 0))
                  for u in us],
        out_specs=[pl.BlockSpec((1, u.shape[1], K), lambda b: (b, 0, 0))
                   for u, K in zip(us, Ks)],
        out_shape=[jax.ShapeDtypeStruct((B, u.shape[1], K), jnp.int32)
                   for u, K in zip(us, Ks)],
    )(*us)
    return [o.reshape(-1) for o in out]


def _sc_gather(us, idxs):
    info = plsc.get_sparse_core_info()
    NC, NS = info.num_cores, info.num_subcores
    NW = NC * NS
    widths = [u.shape[3] for u in us]
    tables = []
    for u in us:
        t = u.reshape(-1, u.shape[3])
        if t.shape[1] % 128:
            t = jnp.pad(t, ((0, 0), (0, 128 - t.shape[1] % 128)))
        tables.append(t)
    counts = [i.shape[0] for i in idxs]
    plan = []
    for n in counts:
        per = 8
        while n % (per * 2) == 0 and n // (per * 2) >= NW // 2:
            per *= 2
        nw = n // per
        assert nw <= NW and n % per == 0
        plan.append((per, nw))
    scratch = []
    for (per, nw), t in zip(plan, tables):
        scratch.append(pltpu.VMEM((per,), jnp.int32))
        scratch.append(pltpu.VMEM((per, t.shape[1]), jnp.float32))
        scratch.append(pltpu.SemaphoreType.DMA)

    @functools.partial(
        pl.kernel,
        mesh=plsc.VectorSubcoreMesh(core_axis_name="c", subcore_axis_name="s"),
        out_type=[jax.ShapeDtypeStruct((counts[i], tables[i].shape[1]),
                                       jnp.float32) for i in range(3)],
        scratch_types=scratch,
    )
    def k(u0, i0, u1, i1, u2, i2, s0, s1, s2, *scr):
        wid = lax.axis_index("s") * NC + lax.axis_index("c")
        trips = ((u0, i0, s0), (u1, i1, s1), (u2, i2, s2))

        def chain(levels):
            stage = {}
            for i in levels:
                per = plan[i][0]
                stage[i] = pltpu.async_copy(
                    trips[i][1].at[pl.ds(wid * per, per)], scr[3 * i],
                    scr[3 * i + 2])
            gath = {}
            for i in levels:
                stage[i].wait()
                gath[i] = pltpu.async_copy(trips[i][0].at[scr[3 * i]],
                                           scr[3 * i + 1], scr[3 * i + 2])
            outc = {}
            for i in levels:
                per = plan[i][0]
                gath[i].wait()
                outc[i] = pltpu.async_copy(
                    scr[3 * i + 1], trips[i][2].at[pl.ds(wid * per, per)],
                    scr[3 * i + 2])
            for i in levels:
                outc[i].wait()

        nw_min = min(nw for _, nw in plan)

        @pl.when(wid < nw_min)
        def _():
            chain(range(3))

        for i in range(3):
            nw = plan[i][1]
            if nw > nw_min:
                @pl.when((wid >= nw_min) & (wid < nw))
                def _(i=i):
                    chain([i])

    res = k(tables[0], idxs[0], tables[1], idxs[1], tables[2], idxs[2])
    return [r[:, :w] if r.shape[1] != w else r
            for r, w in zip(res, widths)]


def _unfold_tok(xt, H, W, k):
    B, N, C = xt.shape
    Hp, Wp = H // k, W // k
    u = xt.reshape(B, Hp, k, Wp, k, C)
    return jnp.transpose(u, (0, 1, 3, 2, 4, 5)).reshape(B, Hp * Wp, k * k, C)



def _kv_project_all(skips, gs, bs, ws, inner):
    B = skips[0].shape[0]

    def body(*refs):
        for c in range(3):
            x_ref, g_ref, b_ref, w_ref = refs[4 * c:4 * c + 4]
            k_ref, v_ref = refs[12 + 2 * c:12 + 2 * c + 2]
            x = _ln(x_ref[0], g_ref[0], b_ref[0])
            kvt = _dot(w_ref[...], x, ((1,), (1,)))
            k_ref[0] = kvt[:inner, :].astype(jnp.bfloat16)
            v_ref[0] = kvt[inner:, :].astype(jnp.bfloat16)

    in_specs = []
    args = []
    out_specs = []
    out_shape = []
    for c in range(3):
        M, Cj = skips[c].shape[1], skips[c].shape[2]
        in_specs += [
            pl.BlockSpec((1, M, Cj), lambda bb: (bb, 0, 0)),
            pl.BlockSpec((1, Cj), lambda bb: (0, 0)),
            pl.BlockSpec((1, Cj), lambda bb: (0, 0)),
            pl.BlockSpec((2 * inner, Cj), lambda bb: (0, 0)),
        ]
        args += [skips[c], gs[c].reshape(1, Cj), bs[c].reshape(1, Cj), ws[c]]
        out_specs += [pl.BlockSpec((1, inner, M), lambda bb: (bb, 0, 0))] * 2
        out_shape += [jax.ShapeDtypeStruct((B, inner, M), jnp.bfloat16)] * 2
    res = pl.pallas_call(
        body, grid=(B,), in_specs=in_specs, out_specs=out_specs,
        out_shape=out_shape,
    )(*args)
    return [res[0], res[2], res[4]], [res[1], res[3], res[5]]



def _pad128(m):
    return -(-m // 128) * 128


def _fold_body(dh, Ms, x_refs, g_refs, b_refs, w_refs, wq_ref, wot_ref,
               kk_ref, vv_ref):
    inner = _HEADS * dh
    S1 = sum(_pad128(m) for m in Ms)
    off = 0
    for c in range(3):
        M = Ms[c]
        Mp = _pad128(M)
        x = _ln(x_refs[c][0], g_refs[c][0], b_refs[c][0])
        kvt = _dot(w_refs[c][...], x, ((1,), (1,)))
        for h in range(_HEADS):
            kh = kvt[h * dh:(h + 1) * dh, :]
            wqh = wq_ref[h * dh:(h + 1) * dh, :]
            kk = _dot(wqh, kh, ((0,), (0,))).astype(jnp.bfloat16)
            vh = kvt[inner + h * dh:inner + (h + 1) * dh, :]
            wth = wot_ref[(h * 3 + c) * dh:(h * 3 + c + 1) * dh, :]
            vv = _dot(vh, wth, ((0,), (0,))).astype(jnp.bfloat16)
            if Mp != M:
                C = kk.shape[0]
                kk = jnp.concatenate(
                    [kk, jnp.zeros((C, Mp - M), jnp.bfloat16)], axis=1)
                vv = jnp.concatenate(
                    [vv, jnp.zeros((Mp - M, C), jnp.bfloat16)], axis=0)
            kk_ref[0, :, h * S1 + off:h * S1 + off + Mp] = kk
            vv_ref[0, h * S1 + off:h * S1 + off + Mp, :] = vv
        off += Mp


def _fold_kv_multi(cfgs):
    B = cfgs[0][0][0].shape[0]
    in_specs = []
    args = []
    out_specs = []
    out_shape = []
    metas = []
    for (skips, gs, bs, ws, wq, wout, dh) in cfgs:
        C = wq.shape[1]
        inner = _HEADS * dh
        Ms = [s.shape[1] for s in skips]
        S = _HEADS * sum(_pad128(m) for m in Ms)
        metas.append((dh, Ms))
        for c in range(3):
            M, Cj = skips[c].shape[1], skips[c].shape[2]
            in_specs += [
                pl.BlockSpec((1, M, Cj), lambda bb: (bb, 0, 0)),
                pl.BlockSpec((1, Cj), lambda bb: (0, 0)),
                pl.BlockSpec((1, Cj), lambda bb: (0, 0)),
                pl.BlockSpec((2 * inner, Cj), lambda bb: (0, 0)),
            ]
            args += [skips[c], gs[c].reshape(1, Cj), bs[c].reshape(1, Cj),
                     ws[c]]
        in_specs += [
            pl.BlockSpec((inner, C), lambda bb: (0, 0)),
            pl.BlockSpec((3 * inner, C), lambda bb: (0, 0)),
        ]
        args += [wq, wout.T]
        out_specs += [
            pl.BlockSpec((1, C, S), lambda bb: (bb, 0, 0)),
            pl.BlockSpec((1, S, C), lambda bb: (bb, 0, 0)),
        ]
        out_shape += [
            jax.ShapeDtypeStruct((B, C, S), jnp.bfloat16),
            jax.ShapeDtypeStruct((B, S, C), jnp.bfloat16),
        ]

    n_in = len(in_specs)

    def body(*refs):
        pos = 0
        for i, (dh, Ms) in enumerate(metas):
            r = refs[pos:pos + 14]
            _fold_body(dh, Ms, (r[0], r[4], r[8]), (r[1], r[5], r[9]),
                       (r[2], r[6], r[10]), (r[3], r[7], r[11]),
                       r[12], r[13],
                       refs[n_in + 2 * i], refs[n_in + 2 * i + 1])
            pos += 14

    res = pl.pallas_call(
        body, grid=(B,), in_specs=in_specs, out_specs=out_specs,
        out_shape=out_shape,
    )(*args)
    return [(res[2 * i], res[2 * i + 1]) for i in range(len(cfgs))]


def _attn_fold_body(scale, segs, x_ref, g_ref, b_ref, kk_ref, vv_ref,
                    bias_ref, out_ref):
    x = x_ref[0]
    BN, C = x.shape
    one = jnp.ones((C, 1), jnp.float32)
    s1 = _dot(x, one, ((1,), (0,)))
    s2 = _dot(x * x, one, ((1,), (0,)))
    mu = s1 / C
    var = s2 / C - mu * mu
    xn = (x - mu) * jax.lax.rsqrt(var + _EPS) * g_ref[...] + b_ref[...]
    d = _dot(xn.astype(jnp.bfloat16), kk_ref[0], ((1,), (0,)))
    d = d * scale + bias_ref[...]
    e = jnp.exp(d)
    parts = []
    for off, w in segs:
        es = e[:, off:off + w]
        parts.append(es / jnp.sum(es, axis=1, keepdims=True))
    a = jnp.concatenate(parts, axis=1)
    out_ref[0] = _dot(a.astype(jnp.bfloat16), vv_ref[0], ((1,), (0,)))


def _attention_fold(q_tokens, kk, vv, g, b, Ms, dh, bn):
    B, N, C = q_tokens.shape
    S = kk.shape[2]
    S1 = S // _HEADS
    nb = -(-N // bn)
    Np = nb * bn
    if Np != N:
        q_tokens = jnp.pad(q_tokens, ((0, 0), (0, Np - N), (0, 0)))
    scale = dh ** (-0.5)
    segs = []
    bias = jnp.zeros((S,), jnp.float32)
    for h in range(_HEADS):
        off = 0
        for M in Ms:
            Mp = _pad128(M)
            segs.append((h * S1 + off, Mp))
            if Mp != M:
                bias = bias.at[h * S1 + off + M:h * S1 + off + Mp].set(-1e30)
            off += Mp
    out = pl.pallas_call(
        functools.partial(_attn_fold_body, scale, segs),
        grid=(B, nb),
        in_specs=[
            pl.BlockSpec((1, bn, C), lambda bb, nn: (bb, nn, 0)),
            pl.BlockSpec((1, C), lambda bb, nn: (0, 0)),
            pl.BlockSpec((1, C), lambda bb, nn: (0, 0)),
            pl.BlockSpec((1, C, S), lambda bb, nn: (bb, 0, 0)),
            pl.BlockSpec((1, S, C), lambda bb, nn: (bb, 0, 0)),
            pl.BlockSpec((1, S), lambda bb, nn: (0, 0)),
        ],
        out_specs=pl.BlockSpec((1, bn, C), lambda bb, nn: (bb, nn, 0)),
        out_shape=jax.ShapeDtypeStruct((B, Np, C), jnp.float32),
    )(q_tokens, g.reshape(1, C), b.reshape(1, C), kk, vv,
      bias.reshape(1, S))
    return out[:, :N, :]



def _attn_body(dh, scale, q_ref, k0, v0, k1, v1, k2, v2,
               g_ref, b_ref, wq_ref, wot_ref, out_ref):
    ks = (k0, k1, k2)
    vs = (v0, v1, v2)
    x = _ln(q_ref[0], g_ref[0], b_ref[0])
    BN, C = x.shape
    acc = jnp.zeros((BN, C), jnp.float32)
    for h in range(_HEADS):
        wq_h = wq_ref[h * dh:(h + 1) * dh, :]
        qh = _dot(x, wq_h, ((1,), (1,)))
        for c in range(3):
            kh = ks[c][0][h * dh:(h + 1) * dh, :]
            d = _dot(qh.astype(jnp.bfloat16), kh, ((1,), (0,))) * scale
            d = d - jnp.max(d, axis=1, keepdims=True)
            e = jnp.exp(d)
            a = e / jnp.sum(e, axis=1, keepdims=True)
            vh = vs[c][0][h * dh:(h + 1) * dh, :]
            o = _dot(a.astype(jnp.bfloat16), vh, ((1,), (1,)))
            wsl = wot_ref[(h * 3 + c) * dh:(h * 3 + c + 1) * dh, :]
            acc = acc + _dot(o, wsl, ((1,), (0,)))
    out_ref[0] = acc


def _attention(q_tokens, kts, vts, g, b, wq, wout, dh, bn):
    B, N, C = q_tokens.shape
    inner = _HEADS * dh
    nb = -(-N // bn)
    Np = nb * bn
    if Np != N:
        q_tokens = jnp.pad(q_tokens, ((0, 0), (0, Np - N), (0, 0)))
    scale = dh ** (-0.5)
    kv_specs = []
    for kt in kts:
        M = kt.shape[2]
        kv_specs.append(pl.BlockSpec((1, inner, M), lambda bb, nn: (bb, 0, 0)))
        kv_specs.append(pl.BlockSpec((1, inner, M), lambda bb, nn: (bb, 0, 0)))
    out = pl.pallas_call(
        functools.partial(_attn_body, dh, scale),
        grid=(B, nb),
        in_specs=[pl.BlockSpec((1, bn, C), lambda bb, nn: (bb, nn, 0))]
        + kv_specs
        + [
            pl.BlockSpec((1, C), lambda bb, nn: (0, 0)),
            pl.BlockSpec((1, C), lambda bb, nn: (0, 0)),
            pl.BlockSpec((inner, C), lambda bb, nn: (0, 0)),
            pl.BlockSpec((3 * inner, C), lambda bb, nn: (0, 0)),
        ],
        out_specs=pl.BlockSpec((1, bn, C), lambda bb, nn: (bb, nn, 0)),
        out_shape=jax.ShapeDtypeStruct((B, Np, C), jnp.float32),
    )(q_tokens, kts[0], vts[0], kts[1], vts[1], kts[2], vts[2],
      g.reshape(1, C), b.reshape(1, C), wq, wout.T)
    return out[:, :N, :]


_BN = [1024, 800, 576, 144]


def _smla(xs, blocks):
    B = xs[0].shape[0]
    us = [_unfold_tok(xs[i], _SHAPES[i][1], _SHAPES[i][2], _KS[i])
          for i in range(3)]
    idxs = _select_tokens_all(us, _TOPK[:3])
    sels = _sc_gather(us, idxs)
    tmp_skips = [sels[i].reshape(B, -1, us[i].shape[3]) for i in range(3)]
    tmp_skips.append(xs[3])
    folded = _fold_kv_multi([
        ([tmp_skips[j] for j in range(4) if j != idx],
         blocks[idx]['kvn_g'], blocks[idx]['kvn_b'], blocks[idx]['Wkv'],
         blocks[idx]['Wq'], blocks[idx]['Wout'], _CS[idx])
        for idx in range(3)])
    kts3, vts3 = _kv_project_all(tmp_skips[:3], blocks[3]['kvn_g'],
                                 blocks[3]['kvn_b'], blocks[3]['Wkv'],
                                 _HEADS * _CS[3])
    outs = []
    for idx in range(3):
        ap = blocks[idx]
        kk, vv = folded[idx]
        Ms = [tmp_skips[j].shape[1] for j in range(4) if j != idx]
        outs.append(_attention_fold(xs[idx], kk, vv, ap['qn_g'], ap['qn_b'],
                                    Ms, _CS[idx], _BN[idx]))
    ap = blocks[3]
    outs.append(_attention(xs[3], kts3, vts3, ap['qn_g'], ap['qn_b'],
                           ap['Wq'], ap['Wout'], _CS[3], _BN[3]))
    return outs


def kernel(x0, x1, x2, x3, params):
    B = x0.shape[0]
    xs = []
    for i, x in enumerate([x0, x1, x2, x3]):
        C, H, W = _SHAPES[i]
        xs.append(x.reshape(B, C, H * W).transpose(0, 2, 1))
    for t in range(_T_NUM):
        xs = _smla(xs, params[t])
    outs = []
    for i, o in enumerate(xs):
        C, H, W = _SHAPES[i]
        outs.append(o.transpose(0, 2, 1).reshape(B, C, H, W))
    return tuple(outs)

# --- scband reference (transcript-rebuilt; emitter-appended) ---
"""Pipeline reference for scband-atts-11751030522296 (READ-ONLY COPY).

The authoritative reference and input builder live on the scoring server;
editing this copy changes nothing except your own understanding.
"""

import jax, jax.numpy as jnp
import numpy as np

CS = [64, 128, 256, 512]
SHAPES = [(64, 70, 70), (128, 40, 40), (256, 24, 24), (512, 12, 12)]
KS = [7, 5, 3, 1]
TOPK = [4, 3, 3, 1]  # ceil(k*k / [15,10,4,1])
T_NUM = 2
HEADS = 4


def _normal(key, shape):
    return jax.random.normal(key, shape, dtype=jnp.float32) * 0.02


def init_params(key):
    params = []
    cnt = 0
    for t in range(T_NUM):
        blocks = []
        for i in range(4):
            Ci = CS[i]
            inner = HEADS * Ci
            kv_dims = [CS[j] for j in range(4) if j != i]
            k1 = jax.random.fold_in(key, cnt); cnt += 1
            k2 = jax.random.fold_in(key, cnt); cnt += 1
            wkvs = []
            for d in kv_dims:
                kk = jax.random.fold_in(key, cnt); cnt += 1
                wkvs.append(_normal(kk, (2 * inner, d)))
            blocks.append({
                'qn_g': jnp.ones((Ci,), jnp.float32),
                'qn_b': jnp.zeros((Ci,), jnp.float32),
                'Wq': _normal(k1, (inner, Ci)),
                'kvn_g': [jnp.ones((d,), jnp.float32) for d in kv_dims],
                'kvn_b': [jnp.zeros((d,), jnp.float32) for d in kv_dims],
                'Wkv': wkvs,
                'Wout': _normal(k2, (Ci, 3 * inner)),
            })
        params.append(blocks)
    return params


def layernorm(x, g, b, eps=1e-5):
    mu = jnp.mean(x, axis=-1, keepdims=True)
    var = jnp.mean((x - mu) ** 2, axis=-1, keepdims=True)
    return (x - mu) / jnp.sqrt(var + eps) * g + b


def unfold_rearranged(x, k):
    # torch unfoldNd with kernel==stride (non-overlapping) followed by
    # rearrange 'b (n v) f -> b f v n' with n=C  ->  [B, L, k*k, C]
    B, C, H, W = x.shape
    Hp, Wp = H // k, W // k
    u = x.reshape(B, C, Hp, k, Wp, k)
    u = jnp.transpose(u, (0, 2, 4, 3, 5, 1)).reshape(B, Hp * Wp, k * k, C)
    return u


def attention4(query, skips, index, ap):
    B, N, Ci = query.shape
    dh = Ci  # dim_head = layer channel dim
    scale = dh ** (-0.5)
    Q = layernorm(query, ap['qn_g'], ap['qn_b'])
    kvs = []
    c = 0
    for j in range(len(skips)):
        if j != index:
            kvs.append(layernorm(skips[j], ap['kvn_g'][c], ap['kvn_b'][c]))
            c += 1
    q = Q @ ap['Wq'].T
    q = q.reshape(B, N, HEADS, dh).transpose(0, 2, 1, 3)
    outs = []
    for c in range(len(kvs)):
        kv = kvs[c] @ ap['Wkv'][c].T
        k, v = jnp.split(kv, 2, axis=-1)
        M = k.shape[1]
        k = k.reshape(B, M, HEADS, dh).transpose(0, 2, 1, 3)
        v = v.reshape(B, M, HEADS, dh).transpose(0, 2, 1, 3)
        dots = jnp.matmul(q, k.transpose(0, 1, 3, 2)) * scale
        attn = jax.nn.softmax(dots, axis=-1)
        outs.append(jnp.matmul(attn, v))
    o = jnp.concatenate(outs, axis=-1)          # [B, H, N, 3*dh]
    o = o.transpose(0, 2, 1, 3).reshape(B, N, -1)  # 'b h n d -> b n (h d)'
    return o @ ap['Wout'].T


def smla(x_skips, blocks):
    tmp_Qs = []
    tmp_skips = []
    for i, x in enumerate(x_skips):
        B, C, H, W = x.shape
        tmp_Qs.append(x.reshape(B, C, H * W).transpose(0, 2, 1))
        u = unfold_rearranged(x, KS[i])            # [B, L, v, C]
        ud = jax.lax.stop_gradient(u)               # .detach() in torch
        rel = jnp.matmul(ud, ud.transpose(0, 1, 3, 2)).mean(-1)  # [B, L, v]
        _, top_p = jax.lax.top_k(-rel, TOPK[i])     # [B, L, k]
        sel = jnp.take_along_axis(u, top_p[..., None], axis=2)   # [B, L, k, C]
        tmp_skips.append(sel.reshape(B, -1, C))
    new_skips = []
    for idx in range(4):
        new_skips.append(attention4(tmp_Qs[idx], tmp_skips, idx, blocks[idx]))
    outs = []
    for i, ns in enumerate(new_skips):
        B = ns.shape[0]
        C, H, W = SHAPES[i]
        outs.append(ns.transpose(0, 2, 1).reshape(B, C, H, W))
    return outs


def forward(x0, x1, x2, x3, params):
    xs = [x0, x1, x2, x3]
    for t in range(T_NUM):
        xs = smla(xs, params[t])
    return tuple(xs)


def setup_inputs(seed: int = 0):
    key = jax.random.key(seed)
    inp = {}
    for i, (C, H, W) in enumerate(SHAPES):
        inp['x%d' % i] = jax.random.normal(jax.random.fold_in(key, i), (2, C, H, W), dtype=jnp.float32)
    inp['params'] = init_params(jax.random.fold_in(key, 100))
    return inp


def reference(x0, x1, x2, x3, params):
    return forward(x0, x1, x2, x3, params)

if __name__ == "__main__":
    import jax
    _d = setup_inputs()
    print(jax.jit(kernel)(*tuple(_d.values())))

</pallas_src>

<mosaic_0001>
#map = affine_map<(d0, d1) -> (0, 0)>
#map1 = affine_map<(d0, d1) -> (0)>
module attributes {stable_mosaic.version = 14 : i64} {
  func.func @k(%arg0: i32, %arg1: i32, %arg2: memref<9800x128xf32, #tpu.memory_space<hbm>>, %arg3: memref<800xi32, #tpu.memory_space<hbm>>, %arg4: memref<3200x128xf32, #tpu.memory_space<hbm>>, %arg5: memref<384xi32, #tpu.memory_space<hbm>>, %arg6: memref<1152x256xf32, #tpu.memory_space<hbm>>, %arg7: memref<384xi32, #tpu.memory_space<hbm>>, %arg8: memref<800x128xf32, #tpu.memory_space<hbm>>, %arg9: memref<384x128xf32, #tpu.memory_space<hbm>>, %arg10: memref<384x256xf32, #tpu.memory_space<hbm>>, %arg11: memref<32xi32, #tpu.memory_space<vmem>>, %arg12: memref<32x128xf32, #tpu.memory_space<vmem>>, %arg13: memref<!tpu.dma_semaphore, #tpu.memory_space<semaphore_mem>>, %arg14: memref<16xi32, #tpu.memory_space<vmem>>, %arg15: memref<16x128xf32, #tpu.memory_space<vmem>>, %arg16: memref<!tpu.dma_semaphore, #tpu.memory_space<semaphore_mem>>, %arg17: memref<16xi32, #tpu.memory_space<vmem>>, %arg18: memref<16x256xf32, #tpu.memory_space<vmem>>, %arg19: memref<!tpu.dma_semaphore, #tpu.memory_space<semaphore_mem>>) attributes {dimension_semantics = [#tpu.dimension_semantics<core_parallel>, #tpu.dimension_semantics<subcore_parallel>], iteration_bounds = array<i64: 2, 16>, scalar_prefetch = 0 : i64, scratch_operands = 9 : i64, tpu.core_type = #tpu.core_type<sc_vector_subcore>, window_params = [{transform_indices = #map}, {transform_indices = #map1}, {transform_indices = #map}, {transform_indices = #map1}, {transform_indices = #map}, {transform_indices = #map1}, {transform_indices = #map}, {transform_indices = #map}, {transform_indices = #map}]} {
    %mul3A = arith.constant 2 : i32
    %mul3A_0 = arith.muli %arg1, %mul3A : i32
    %add3A = arith.addi %mul3A_0, %arg0 : i32
    %lt3A = arith.constant 24 : i32
    %lt3A_1 = arith.cmpi slt, %add3A, %lt3A : i32
    %convert_element_type3A = arith.extui %lt3A_1 : i1 to i32
    %cond3A = arith.constant 0 : i32
    %cond3A_2 = arith.cmpi ne, %convert_element_type3A, %cond3A : i32
    scf.if %cond3A_2 {
      %mul3A_9 = arith.constant 32 : i32
      %mul3A_10 = arith.muli %add3A, %mul3A_9 : i32
      %dma_start3A = tpu.memref_slice %arg3[%mul3A_10] : memref<800xi32, #tpu.memory_space<hbm>> -> memref<32xi32, #tpu.memory_space<hbm>>
      %dma_start3A_11 = tpu.memref_slice %arg3[%mul3A_10] : memref<800xi32, #tpu.memory_space<hbm>> -> memref<32xi32, #tpu.memory_space<hbm>>
      tpu.enqueue_dma source(%dma_start3A_11 : memref<32xi32, #tpu.memory_space<hbm>>) target(%arg11 : memref<32xi32, #tpu.memory_space<vmem>>) target_semaphore(%arg13 : memref<!tpu.dma_semaphore, #tpu.memory_space<semaphore_mem>>)
      %mul3A_12 = arith.constant 16 : i32
      %mul3A_13 = arith.muli %add3A, %mul3A_12 : i32
      %dma_start3A_14 = tpu.memref_slice %arg5[%mul3A_13] : memref<384xi32, #tpu.memory_space<hbm>> -> memref<16xi32, #tpu.memory_space<hbm>>
      %dma_start3A_15 = tpu.memref_slice %arg5[%mul3A_13] : memref<384xi32, #tpu.memory_space<hbm>> -> memref<16xi32, #tpu.memory_space<hbm>>
      tpu.enqueue_dma source(%dma_start3A_15 : memref<16xi32, #tpu.memory_space<hbm>>) target(%arg14 : memref<16xi32, #tpu.memory_space<vmem>>) target_semaphore(%arg16 : memref<!tpu.dma_semaphore, #tpu.memory_space<semaphore_mem>>)
      %mul3A_16 = arith.constant 16 : i32
      %mul3A_17 = arith.muli %add3A, %mul3A_16 : i32
      %dma_start3A_18 = tpu.memref_slice %arg7[%mul3A_17] : memref<384xi32, #tpu.memory_space<hbm>> -> memref<16xi32, #tpu.memory_space<hbm>>
      %dma_start3A_19 = tpu.memref_slice %arg7[%mul3A_17] : memref<384xi32, #tpu.memory_space<hbm>> -> memref<16xi32, #tpu.memory_space<hbm>>
      tpu.enqueue_dma source(%dma_start3A_19 : memref<16xi32, #tpu.memory_space<hbm>>) target(%arg17 : memref<16xi32, #tpu.memory_space<vmem>>) target_semaphore(%arg19 : memref<!tpu.dma_semaphore, #tpu.memory_space<semaphore_mem>>)
      %dma_wait3A = tpu.memref_slice %arg3[%mul3A_10] : memref<800xi32, #tpu.memory_space<hbm>> -> memref<32xi32, #tpu.memory_space<hbm>>
      %dma_wait3A_20 = tpu.memref_slice %arg3[%mul3A_10] : memref<800xi32, #tpu.memory_space<hbm>> -> memref<32xi32, #tpu.memory_space<hbm>>
      tpu.wait_dma2 semaphore(%arg13 : memref<!tpu.dma_semaphore, #tpu.memory_space<semaphore_mem>>) src(%dma_wait3A_20 : memref<32xi32, #tpu.memory_space<hbm>>) dst(%arg11 : memref<32xi32, #tpu.memory_space<vmem>>)
      %dma_start3A_21 = arith.constant 0 : i32
      %dma_start3A_22 = arith.constant 0 : i32
      %dma_start3A_23 = tpu.memref_slice %arg2[%dma_start3A_21, %dma_start3A_22] : memref<9800x128xf32, #tpu.memory_space<hbm>> -> memref<9800x128xf32, #tpu.memory_space<hbm>>
      tpu.enqueue_indirect_dma source(%dma_start3A_23 : memref<9800x128xf32, #tpu.memory_space<hbm>>) target(%arg12 : memref<32x128xf32, #tpu.memory_space<vmem>>) offsets(%arg11 : memref<32xi32, #tpu.memory_space<vmem>>) semaphore(%arg13 : memref<!tpu.dma_semaphore, #tpu.memory_space<semaphore_mem>>)
      %dma_wait3A_24 = tpu.memref_slice %arg5[%mul3A_13] : memref<384xi32, #tpu.memory_space<hbm>> -> memref<16xi32, #tpu.memory_space<hbm>>
      %dma_wait3A_25 = tpu.memref_slice %arg5[%mul3A_13] : memref<384xi32, #tpu.memory_space<hbm>> -> memref<16xi32, #tpu.memory_space<hbm>>
      tpu.wait_dma2 semaphore(%arg16 : memref<!tpu.dma_semaphore, #tpu.memory_space<semaphore_mem>>) src(%dma_wait3A_25 : memref<16xi32, #tpu.memory_space<hbm>>) dst(%arg14 : memref<16xi32, #tpu.memory_space<vmem>>)
      %dma_start3A_26 = arith.constant 0 : i32
      %dma_start3A_27 = arith.constant 0 : i32
      %dma_start3A_28 = tpu.memref_slice %arg4[%dma_start3A_26, %dma_start3A_27] : memref<3200x128xf32, #tpu.memory_space<hbm>> -> memref<3200x128xf32, #tpu.memory_space<hbm>>
      tpu.enqueue_indirect_dma source(%dma_start3A_28 : memref<3200x128xf32, #tpu.memory_space<hbm>>) target(%arg15 : memref<16x128xf32, #tpu.memory_space<vmem>>) offsets(%arg14 : memref<16xi32, #tpu.memory_space<vmem>>) semaphore(%arg16 : memref<!tpu.dma_semaphore, #tpu.memory_space<semaphore_mem>>)
      %dma_wait3A_29 = tpu.memref_slice %arg7[%mul3A_17] : memref<384xi32, #tpu.memory_space<hbm>> -> memref<16xi32, #tpu.memory_space<hbm>>
      %dma_wait3A_30 = tpu.memref_slice %arg7[%mul3A_17] : memref<384xi32, #tpu.memory_space<hbm>> -> memref<16xi32, #tpu.memory_space<hbm>>
      tpu.wait_dma2 semaphore(%arg19 : memref<!tpu.dma_semaphore, #tpu.memory_space<semaphore_mem>>) src(%dma_wait3A_30 : memref<16xi32, #tpu.memory_space<hbm>>) dst(%arg17 : memref<16xi32, #tpu.memory_space<vmem>>)
      %dma_start3A_31 = arith.constant 0 : i32
      %dma_start3A_32 = arith.constant 0 : i32
      %dma_start3A_33 = tpu.memref_slice %arg6[%dma_start3A_31, %dma_start3A_32] : memref<1152x256xf32, #tpu.memory_space<hbm>> -> memref<1152x256xf32, #tpu.memory_space<hbm>>
      tpu.enqueue_indirect_dma source(%dma_start3A_33 : memref<1152x256xf32, #tpu.memory_space<hbm>>) target(%arg18 : memref<16x256xf32, #tpu.memory_space<vmem>>) offsets(%arg17 : memref<16xi32, #tpu.memory_space<vmem>>) semaphore(%arg19 : memref<!tpu.dma_semaphore, #tpu.memory_space<semaphore_mem>>)
      %dma_wait3A_34 = arith.constant 0 : i32
      %dma_wait3A_35 = arith.constant 0 : i32
      %dma_wait3A_36 = tpu.memref_slice %arg2[%dma_wait3A_34, %dma_wait3A_35] : memref<9800x128xf32, #tpu.memory_space<hbm>> -> memref<9800x128xf32, #tpu.memory_space<hbm>>
      tpu.wait_indirect_dma semaphore(%arg13 : memref<!tpu.dma_semaphore, #tpu.memory_space<semaphore_mem>>) src(%dma_wait3A_36 : memref<9800x128xf32, #tpu.memory_space<hbm>>) dst(%arg12 : memref<32x128xf32, #tpu.memory_space<vmem>>)
      %mul3A_37 = arith.constant 32 : i32
      %mul3A_38 = arith.muli %add3A, %mul3A_37 : i32
      %dma_start3A_39 = arith.constant 0 : i32
      %dma_start3A_40 = tpu.memref_slice %arg8[%mul3A_38, %dma_start3A_39] : memref<800x128xf32, #tpu.memory_space<hbm>> -> memref<32x128xf32, #tpu.memory_space<hbm>>
      %dma_start3A_41 = arith.constant 0 : i32
      %dma_start3A_42 = tpu.memref_slice %arg8[%mul3A_38, %dma_start3A_41] : memref<800x128xf32, #tpu.memory_space<hbm>> -> memref<32x128xf32, #tpu.memory_space<hbm>>
      tpu.enqueue_dma source(%arg12 : memref<32x128xf32, #tpu.memory_space<vmem>>) target(%dma_start3A_42 : memref<32x128xf32, #tpu.memory_space<hbm>>) target_semaphore(%arg13 : memref<!tpu.dma_semaphore, #tpu.memory_space<semaphore_mem>>)
      %dma_wait3A_43 = arith.constant 0 : i32
      %dma_wait3A_44 = arith.constant 0 : i32
      %dma_wait3A_45 = tpu.memref_slice %arg4[%dma_wait3A_43, %dma_wait3A_44] : memref<3200x128xf32, #tpu.memory_space<hbm>> -> memref<3200x128xf32, #tpu.memory_space<hbm>>
      tpu.wait_indirect_dma semaphore(%arg16 : memref<!tpu.dma_semaphore, #tpu.memory_space<semaphore_mem>>) src(%dma_wait3A_45 : memref<3200x128xf32, #tpu.memory_space<hbm>>) dst(%arg15 : memref<16x128xf32, #tpu.memory_space<vmem>>)
      %mul3A_46 = arith.constant 16 : i32
      %mul3A_47 = arith.muli %add3A, %mul3A_46 : i32
      %dma_start3A_48 = arith.constant 0 : i32
      %dma_start3A_49 = tpu.memref_slice %arg9[%mul3A_47, %dma_start3A_48] : memref<384x128xf32, #tpu.memory_space<hbm>> -> memref<16x128xf32, #tpu.memory_space<hbm>>
      %dma_start3A_50 = arith.constant 0 : i32
      %dma_start3A_51 = tpu.memref_slice %arg9[%mul3A_47, %dma_start3A_50] : memref<384x128xf32, #tpu.memory_space<hbm>> -> memref<16x128xf32, #tpu.memory_space<hbm>>
      tpu.enqueue_dma source(%arg15 : memref<16x128xf32, #tpu.memory_space<vmem>>) target(%dma_start3A_51 : memref<16x128xf32, #tpu.memory_space<hbm>>) target_semaphore(%arg16 : memref<!tpu.dma_semaphore, #tpu.memory_space<semaphore_mem>>)
      %dma_wait3A_52 = arith.constant 0 : i32
      %dma_wait3A_53 = arith.constant 0 : i32
      %dma_wait3A_54 = tpu.memref_slice %arg6[%dma_wait3A_52, %dma_wait3A_53] : memref<1152x256xf32, #tpu.memory_space<hbm>> -> memref<1152x256xf32, #tpu.memory_space<hbm>>
      tpu.wait_indirect_dma semaphore(%arg19 : memref<!tpu.dma_semaphore, #tpu.memory_space<semaphore_mem>>) src(%dma_wait3A_54 : memref<1152x256xf32, #tpu.memory_space<hbm>>) dst(%arg18 : memref<16x256xf32, #tpu.memory_space<vmem>>)
      %mul3A_55 = arith.constant 16 : i32
      %mul3A_56 = arith.muli %add3A, %mul3A_55 : i32
      %dma_start3A_57 = arith.constant 0 : i32
      %dma_start3A_58 = tpu.memref_slice %arg10[%mul3A_56, %dma_start3A_57] : memref<384x256xf32, #tpu.memory_space<hbm>> -> memref<16x256xf32, #tpu.memory_space<hbm>>
      %dma_start3A_59 = arith.constant 0 : i32
      %dma_start3A_60 = tpu.memref_slice %arg10[%mul3A_56, %dma_start3A_59] : memref<384x256xf32, #tpu.memory_space<hbm>> -> memref<16x256xf32, #tpu.memory_space<hbm>>
      tpu.enqueue_dma source(%arg18 : memref<16x256xf32, #tpu.memory_space<vmem>>) target(%dma_start3A_60 : memref<16x256xf32, #tpu.memory_space<hbm>>) target_semaphore(%arg19 : memref<!tpu.dma_semaphore, #tpu.memory_space<semaphore_mem>>)
      %dma_wait3A_61 = arith.constant 0 : i32
      %dma_wait3A_62 = tpu.memref_slice %arg8[%mul3A_38, %dma_wait3A_61] : memref<800x128xf32, #tpu.memory_space<hbm>> -> memref<32x128xf32, #tpu.memory_space<hbm>>
      %dma_wait3A_63 = arith.constant 0 : i32
      %dma_wait3A_64 = tpu.memref_slice %arg8[%mul3A_38, %dma_wait3A_63] : memref<800x128xf32, #tpu.memory_space<hbm>> -> memref<32x128xf32, #tpu.memory_space<hbm>>
      tpu.wait_dma2 semaphore(%arg13 : memref<!tpu.dma_semaphore, #tpu.memory_space<semaphore_mem>>) src(%arg12 : memref<32x128xf32, #tpu.memory_space<vmem>>) dst(%dma_wait3A_64 : memref<32x128xf32, #tpu.memory_space<hbm>>)
      %dma_wait3A_65 = arith.constant 0 : i32
      %dma_wait3A_66 = tpu.memref_slice %arg9[%mul3A_47, %dma_wait3A_65] : memref<384x128xf32, #tpu.memory_space<hbm>> -> memref<16x128xf32, #tpu.memory_space<hbm>>
      %dma_wait3A_67 = arith.constant 0 : i32
      %dma_wait3A_68 = tpu.memref_slice %arg9[%mul3A_47, %dma_wait3A_67] : memref<384x128xf32, #tpu.memory_space<hbm>> -> memref<16x128xf32, #tpu.memory_space<hbm>>
      tpu.wait_dma2 semaphore(%arg16 : memref<!tpu.dma_semaphore, #tpu.memory_space<semaphore_mem>>) src(%arg15 : memref<16x128xf32, #tpu.memory_space<vmem>>) dst(%dma_wait3A_68 : memref<16x128xf32, #tpu.memory_space<hbm>>)
      %dma_wait3A_69 = arith.constant 0 : i32
      %dma_wait3A_70 = tpu.memref_slice %arg10[%mul3A_56, %dma_wait3A_69] : memref<384x256xf32, #tpu.memory_space<hbm>> -> memref<16x256xf32, #tpu.memory_space<hbm>>
      %dma_wait3A_71 = arith.constant 0 : i32
      %dma_wait3A_72 = tpu.memref_slice %arg10[%mul3A_56, %dma_wait3A_71] : memref<384x256xf32, #tpu.memory_space<hbm>> -> memref<16x256xf32, #tpu.memory_space<hbm>>
      tpu.wait_dma2 semaphore(%arg19 : memref<!tpu.dma_semaphore, #tpu.memory_space<semaphore_mem>>) src(%arg18 : memref<16x256xf32, #tpu.memory_space<vmem>>) dst(%dma_wait3A_72 : memref<16x256xf32, #tpu.memory_space<hbm>>)
    } else {
    }
    %ge3A = arith.constant 24 : i32
    %ge3A_3 = arith.cmpi sge, %add3A, %ge3A : i32
    %lt3A_4 = arith.constant 25 : i32
    %lt3A_5 = arith.cmpi slt, %add3A, %lt3A_4 : i32
    %and3A = arith.andi %ge3A_3, %lt3A_5 : i1
    %convert_element_type3A_6 = arith.extui %and3A : i1 to i32
    %cond3A_7 = arith.constant 0 : i32
    %cond3A_8 = arith.cmpi ne, %convert_element_type3A_6, %cond3A_7 : i32
    scf.if %cond3A_8 {
      %mul3A_9 = arith.constant 32 : i32
      %mul3A_10 = arith.muli %add3A, %mul3A_9 : i32
      %dma_start3A = tpu.memref_slice %arg3[%mul3A_10] : memref<800xi32, #tpu.memory_space<hbm>> -> memref<32xi32, #tpu.memory_space<hbm>>
      %dma_start3A_11 = tpu.memref_slice %arg3[%mul3A_10] : memref<800xi32, #tpu.memory_space<hbm>> -> memref<32xi32, #tpu.memory_space<hbm>>
      tpu.enqueue_dma source(%dma_start3A_11 : memref<32xi32, #tpu.memory_space<hbm>>) target(%arg11 : memref<32xi32, #tpu.memory_space<vmem>>) target_semaphore(%arg13 : memref<!tpu.dma_semaphore, #tpu.memory_space<semaphore_mem>>)
      %dma_wait3A = tpu.memref_slice %arg3[%mul3A_10] : memref<800xi32, #tpu.memory_space<hbm>> -> memref<32xi32, #tpu.memory_space<hbm>>
      %dma_wait3A_12 = tpu.memref_slice %arg3[%mul3A_10] : memref<800xi32, #tpu.memory_space<hbm>> -> memref<32xi32, #tpu.memory_space<hbm>>
      tpu.wait_dma2 semaphore(%arg13 : memref<!tpu.dma_semaphore, #tpu.memory_space<semaphore_mem>>) src(%dma_wait3A_12 : memref<32xi32, #tpu.memory_space<hbm>>) dst(%arg11 : memref<32xi32, #tpu.memory_space<vmem>>)
      %dma_start3A_13 = arith.constant 0 : i32
      %dma_start3A_14 = arith.constant 0 : i32
      %dma_start3A_15 = tpu.memref_slice %arg2[%dma_start3A_13, %dma_start3A_14] : memref<9800x128xf32, #tpu.memory_space<hbm>> -> memref<9800x128xf32, #tpu.memory_space<hbm>>
      tpu.enqueue_indirect_dma source(%dma_start3A_15 : memref<9800x128xf32, #tpu.memory_space<hbm>>) target(%arg12 : memref<32x128xf32, #tpu.memory_space<vmem>>) offsets(%arg11 : memref<32xi32, #tpu.memory_space<vmem>>) semaphore(%arg13 : memref<!tpu.dma_semaphore, #tpu.memory_space<semaphore_mem>>)
      %dma_wait3A_16 = arith.constant 0 : i32
      %dma_wait3A_17 = arith.constant 0 : i32
      %dma_wait3A_18 = tpu.memref_slice %arg2[%dma_wait3A_16, %dma_wait3A_17] : memref<9800x128xf32, #tpu.memory_space<hbm>> -> memref<9800x128xf32, #tpu.memory_space<hbm>>
      tpu.wait_indirect_dma semaphore(%arg13 : memref<!tpu.dma_semaphore, #tpu.memory_space<semaphore_mem>>) src(%dma_wait3A_18 : memref<9800x128xf32, #tpu.memory_space<hbm>>) dst(%arg12 : memref<32x128xf32, #tpu.memory_space<vmem>>)
      %mul3A_19 = arith.constant 32 : i32
      %mul3A_20 = arith.muli %add3A, %mul3A_19 : i32
      %dma_start3A_21 = arith.constant 0 : i32
      %dma_start3A_22 = tpu.memref_slice %arg8[%mul3A_20, %dma_start3A_21] : memref<800x128xf32, #tpu.memory_space<hbm>> -> memref<32x128xf32, #tpu.memory_space<hbm>>
      %dma_start3A_23 = arith.constant 0 : i32
      %dma_start3A_24 = tpu.memref_slice %arg8[%mul3A_20, %dma_start3A_23] : memref<800x128xf32, #tpu.memory_space<hbm>> -> memref<32x128xf32, #tpu.memory_space<hbm>>
      tpu.enqueue_dma source(%arg12 : memref<32x128xf32, #tpu.memory_space<vmem>>) target(%dma_start3A_24 : memref<32x128xf32, #tpu.memory_space<hbm>>) target_semaphore(%arg13 : memref<!tpu.dma_semaphore, #tpu.memory_space<semaphore_mem>>)
      %dma_wait3A_25 = arith.constant 0 : i32
      %dma_wait3A_26 = tpu.memref_slice %arg8[%mul3A_20, %dma_wait3A_25] : memref<800x128xf32, #tpu.memory_space<hbm>> -> memref<32x128xf32, #tpu.memory_space<hbm>>
      %dma_wait3A_27 = arith.constant 0 : i32
      %dma_wait3A_28 = tpu.memref_slice %arg8[%mul3A_20, %dma_wait3A_27] : memref<800x128xf32, #tpu.memory_space<hbm>> -> memref<32x128xf32, #tpu.memory_space<hbm>>
      tpu.wait_dma2 semaphore(%arg13 : memref<!tpu.dma_semaphore, #tpu.memory_space<semaphore_mem>>) src(%arg12 : memref<32x128xf32, #tpu.memory_space<vmem>>) dst(%dma_wait3A_28 : memref<32x128xf32, #tpu.memory_space<hbm>>)
    } else {
    }
    return
  }
}

#map = affine_map<(d0, d1) -> (0, 0)>
#map1 = affine_map<(d0, d1) -> (0)>
module attributes {stable_mosaic.version = 14 : i64} {
  func.func @k(%arg0: i32, %arg1: i32, %arg2: memref<9800x128xf32, #tpu.memory_space<hbm>>, %arg3: memref<800xi32, #tpu.memory_space<hbm>>, %arg4: memref<3200x128xf32, #tpu.memory_space<hbm>>, %arg5: memref<384xi32, #tpu.memory_space<hbm>>, %arg6: memref<1152x256xf32, #tpu.memory_space<hbm>>, %arg7: memref<384xi32, #tpu.memory_space<hbm>>, %arg8: memref<800x128xf32, #tpu.memory_space<hbm>>, %arg9: memref<384x128xf32, #tpu.memory_space<hbm>>, %arg10: memref<384x256xf32, #tpu.memory_space<hbm>>, %arg11: memref<32xi32, #tpu.memory_space<vmem>>, %arg12: memref<32x128xf32, #tpu.memory_space<vmem>>, %arg13: memref<!tpu.dma_semaphore, #tpu.memory_space<semaphore_mem>>, %arg14: memref<16xi32, #tpu.memory_space<vmem>>, %arg15: memref<16x128xf32, #tpu.memory_space<vmem>>, %arg16: memref<!tpu.dma_semaphore, #tpu.memory_space<semaphore_mem>>, %arg17: memref<16xi32, #tpu.memory_space<vmem>>, %arg18: memref<16x256xf32, #tpu.memory_space<vmem>>, %arg19: memref<!tpu.dma_semaphore, #tpu.memory_space<semaphore_mem>>) attributes {dimension_semantics = [#tpu.dimension_semantics<core_parallel>, #tpu.dimension_semantics<subcore_parallel>], iteration_bounds = array<i64: 2, 16>, scalar_prefetch = 0 : i64, scratch_operands = 9 : i64, tpu.core_type = #tpu.core_type<sc_vector_subcore>, window_params = [{transform_indices = #map}, {transform_indices = #map1}, {transform_indices = #map}, {transform_indices = #map1}, {transform_indices = #map}, {transform_indices = #map1}, {transform_indices = #map}, {transform_indices = #map}, {transform_indices = #map}]} {
    %mul3A = arith.constant 2 : i32
    %mul3A_0 = arith.muli %arg1, %mul3A : i32
    %add3A = arith.addi %mul3A_0, %arg0 : i32
    %lt3A = arith.constant 24 : i32
    %lt3A_1 = arith.cmpi slt, %add3A, %lt3A : i32
    %convert_element_type3A = arith.extui %lt3A_1 : i1 to i32
    %cond3A = arith.constant 0 : i32
    %cond3A_2 = arith.cmpi ne, %convert_element_type3A, %cond3A : i32
    scf.if %cond3A_2 {
      %mul3A_9 = arith.constant 32 : i32
      %mul3A_10 = arith.muli %add3A, %mul3A_9 : i32
      %dma_start3A = tpu.memref_slice %arg3[%mul3A_10] : memref<800xi32, #tpu.memory_space<hbm>> -> memref<32xi32, #tpu.memory_space<hbm>>
      %dma_start3A_11 = tpu.memref_slice %arg3[%mul3A_10] : memref<800xi32, #tpu.memory_space<hbm>> -> memref<32xi32, #tpu.memory_space<hbm>>
      tpu.enqueue_dma source(%dma_start3A_11 : memref<32xi32, #tpu.memory_space<hbm>>) target(%arg11 : memref<32xi32, #tpu.memory_space<vmem>>) target_semaphore(%arg13 : memref<!tpu.dma_semaphore, #tpu.memory_space<semaphore_mem>>)
      %mul3A_12 = arith.constant 16 : i32
      %mul3A_13 = arith.muli %add3A, %mul3A_12 : i32
      %dma_start3A_14 = tpu.memref_slice %arg5[%mul3A_13] : memref<384xi32, #tpu.memory_space<hbm>> -> memref<16xi32, #tpu.memory_space<hbm>>
      %dma_start3A_15 = tpu.memref_slice %arg5[%mul3A_13] : memref<384xi32, #tpu.memory_space<hbm>> -> memref<16xi32, #tpu.memory_space<hbm>>
      tpu.enqueue_dma source(%dma_start3A_15 : memref<16xi32, #tpu.memory_space<hbm>>) target(%arg14 : memref<16xi32, #tpu.memory_space<vmem>>) target_semaphore(%arg16 : memref<!tpu.dma_semaphore, #tpu.memory_space<semaphore_mem>>)
      %mul3A_16 = arith.constant 16 : i32
      %mul3A_17 = arith.muli %add3A, %mul3A_16 : i32
      %dma_start3A_18 = tpu.memref_slice %arg7[%mul3A_17] : memref<384xi32, #tpu.memory_space<hbm>> -> memref<16xi32, #tpu.memory_space<hbm>>
      %dma_start3A_19 = tpu.memref_slice %arg7[%mul3A_17] : memref<384xi32, #tpu.memory_space<hbm>> -> memref<16xi32, #tpu.memory_space<hbm>>
      tpu.enqueue_dma source(%dma_start3A_19 : memref<16xi32, #tpu.memory_space<hbm>>) target(%arg17 : memref<16xi32, #tpu.memory_space<vmem>>) target_semaphore(%arg19 : memref<!tpu.dma_semaphore, #tpu.memory_space<semaphore_mem>>)
      %dma_wait3A = tpu.memref_slice %arg3[%mul3A_10] : memref<800xi32, #tpu.memory_space<hbm>> -> memref<32xi32, #tpu.memory_space<hbm>>
      %dma_wait3A_20 = tpu.memref_slice %arg3[%mul3A_10] : memref<800xi32, #tpu.memory_space<hbm>> -> memref<32xi32, #tpu.memory_space<hbm>>
      tpu.wait_dma2 semaphore(%arg13 : memref<!tpu.dma_semaphore, #tpu.memory_space<semaphore_mem>>) src(%dma_wait3A_20 : memref<32xi32, #tpu.memory_space<hbm>>) dst(%arg11 : memref<32xi32, #tpu.memory_space<vmem>>)
      %dma_start3A_21 = arith.constant 0 : i32
      %dma_start3A_22 = arith.constant 0 : i32
      %dma_start3A_23 = tpu.memref_slice %arg2[%dma_start3A_21, %dma_start3A_22] : memref<9800x128xf32, #tpu.memory_space<hbm>> -> memref<9800x128xf32, #tpu.memory_space<hbm>>
      tpu.enqueue_indirect_dma source(%dma_start3A_23 : memref<9800x128xf32, #tpu.memory_space<hbm>>) target(%arg12 : memref<32x128xf32, #tpu.memory_space<vmem>>) offsets(%arg11 : memref<32xi32, #tpu.memory_space<vmem>>) semaphore(%arg13 : memref<!tpu.dma_semaphore, #tpu.memory_space<semaphore_mem>>)
      %dma_wait3A_24 = tpu.memref_slice %arg5[%mul3A_13] : memref<384xi32, #tpu.memory_space<hbm>> -> memref<16xi32, #tpu.memory_space<hbm>>
      %dma_wait3A_25 = tpu.memref_slice %arg5[%mul3A_13] : memref<384xi32, #tpu.memory_space<hbm>> -> memref<16xi32, #tpu.memory_space<hbm>>
      tpu.wait_dma2 semaphore(%arg16 : memref<!tpu.dma_semaphore, #tpu.memory_space<semaphore_mem>>) src(%dma_wait3A_25 : memref<16xi32, #tpu.memory_space<hbm>>) dst(%arg14 : memref<16xi32, #tpu.memory_space<vmem>>)
      %dma_start3A_26 = arith.constant 0 : i32
      %dma_start3A_27 = arith.constant 0 : i32
      %dma_start3A_28 = tpu.memref_slice %arg4[%dma_start3A_26, %dma_start3A_27] : memref<3200x128xf32, #tpu.memory_space<hbm>> -> memref<3200x128xf32, #tpu.memory_space<hbm>>
      tpu.enqueue_indirect_dma source(%dma_start3A_28 : memref<3200x128xf32, #tpu.memory_space<hbm>>) target(%arg15 : memref<16x128xf32, #tpu.memory_space<vmem>>) offsets(%arg14 : memref<16xi32, #tpu.memory_space<vmem>>) semaphore(%arg16 : memref<!tpu.dma_semaphore, #tpu.memory_space<semaphore_mem>>)
      %dma_wait3A_29 = tpu.memref_slice %arg7[%mul3A_17] : memref<384xi32, #tpu.memory_space<hbm>> -> memref<16xi32, #tpu.memory_space<hbm>>
      %dma_wait3A_30 = tpu.memref_slice %arg7[%mul3A_17] : memref<384xi32, #tpu.memory_space<hbm>> -> memref<16xi32, #tpu.memory_space<hbm>>
      tpu.wait_dma2 semaphore(%arg19 : memref<!tpu.dma_semaphore, #tpu.memory_space<semaphore_mem>>) src(%dma_wait3A_30 : memref<16xi32, #tpu.memory_space<hbm>>) dst(%arg17 : memref<16xi32, #tpu.memory_space<vmem>>)
      %dma_start3A_31 = arith.constant 0 : i32
      %dma_start3A_32 = arith.constant 0 : i32
      %dma_start3A_33 = tpu.memref_slice %arg6[%dma_start3A_31, %dma_start3A_32] : memref<1152x256xf32, #tpu.memory_space<hbm>> -> memref<1152x256xf32, #tpu.memory_space<hbm>>
      tpu.enqueue_indirect_dma source(%dma_start3A_33 : memref<1152x256xf32, #tpu.memory_space<hbm>>) target(%arg18 : memref<16x256xf32, #tpu.memory_space<vmem>>) offsets(%arg17 : memref<16xi32, #tpu.memory_space<vmem>>) semaphore(%arg19 : memref<!tpu.dma_semaphore, #tpu.memory_space<semaphore_mem>>)
      %dma_wait3A_34 = arith.constant 0 : i32
      %dma_wait3A_35 = arith.constant 0 : i32
      %dma_wait3A_36 = tpu.memref_slice %arg2[%dma_wait3A_34, %dma_wait3A_35] : memref<9800x128xf32, #tpu.memory_space<hbm>> -> memref<9800x128xf32, #tpu.memory_space<hbm>>
      tpu.wait_indirect_dma semaphore(%arg13 : memref<!tpu.dma_semaphore, #tpu.memory_space<semaphore_mem>>) src(%dma_wait3A_36 : memref<9800x128xf32, #tpu.memory_space<hbm>>) dst(%arg12 : memref<32x128xf32, #tpu.memory_space<vmem>>)
      %mul3A_37 = arith.constant 32 : i32
      %mul3A_38 = arith.muli %add3A, %mul3A_37 : i32
      %dma_start3A_39 = arith.constant 0 : i32
      %dma_start3A_40 = tpu.memref_slice %arg8[%mul3A_38, %dma_start3A_39] : memref<800x128xf32, #tpu.memory_space<hbm>> -> memref<32x128xf32, #tpu.memory_space<hbm>>
      %dma_start3A_41 = arith.constant 0 : i32
      %dma_start3A_42 = tpu.memref_slice %arg8[%mul3A_38, %dma_start3A_41] : memref<800x128xf32, #tpu.memory_space<hbm>> -> memref<32x128xf32, #tpu.memory_space<hbm>>
      tpu.enqueue_dma source(%arg12 : memref<32x128xf32, #tpu.memory_space<vmem>>) target(%dma_start3A_42 : memref<32x128xf32, #tpu.memory_space<hbm>>) target_semaphore(%arg13 : memref<!tpu.dma_semaphore, #tpu.memory_space<semaphore_mem>>)
      %dma_wait3A_43 = arith.constant 0 : i32
      %dma_wait3A_44 = arith.constant 0 : i32
      %dma_wait3A_45 = tpu.memref_slice %arg4[%dma_wait3A_43, %dma_wait3A_44] : memref<3200x128xf32, #tpu.memory_space<hbm>> -> memref<3200x128xf32, #tpu.memory_space<hbm>>
      tpu.wait_indirect_dma semaphore(%arg16 : memref<!tpu.dma_semaphore, #tpu.memory_space<semaphore_mem>>) src(%dma_wait3A_45 : memref<3200x128xf32, #tpu.memory_space<hbm>>) dst(%arg15 : memref<16x128xf32, #tpu.memory_space<vmem>>)
      %mul3A_46 = arith.constant 16 : i32
      %mul3A_47 = arith.muli %add3A, %mul3A_46 : i32
      %dma_start3A_48 = arith.constant 0 : i32
      %dma_start3A_49 = tpu.memref_slice %arg9[%mul3A_47, %dma_start3A_48] : memref<384x128xf32, #tpu.memory_space<hbm>> -> memref<16x128xf32, #tpu.memory_space<hbm>>
      %dma_start3A_50 = arith.constant 0 : i32
      %dma_start3A_51 = tpu.memref_slice %arg9[%mul3A_47, %dma_start3A_50] : memref<384x128xf32, #tpu.memory_space<hbm>> -> memref<16x128xf32, #tpu.memory_space<hbm>>
      tpu.enqueue_dma source(%arg15 : memref<16x128xf32, #tpu.memory_space<vmem>>) target(%dma_start3A_51 : memref<16x128xf32, #tpu.memory_space<hbm>>) target_semaphore(%arg16 : memref<!tpu.dma_semaphore, #tpu.memory_space<semaphore_mem>>)
      %dma_wait3A_52 = arith.constant 0 : i32
      %dma_wait3A_53 = arith.constant 0 : i32
      %dma_wait3A_54 = tpu.memref_slice %arg6[%dma_wait3A_52, %dma_wait3A_53] : memref<1152x256xf32, #tpu.memory_space<hbm>> -> memref<1152x256xf32, #tpu.memory_space<hbm>>
      tpu.wait_indirect_dma semaphore(%arg19 : memref<!tpu.dma_semaphore, #tpu.memory_space<semaphore_mem>>) src(%dma_wait3A_54 : memref<1152x256xf32, #tpu.memory_space<hbm>>) dst(%arg18 : memref<16x256xf32, #tpu.memory_space<vmem>>)
      %mul3A_55 = arith.constant 16 : i32
      %mul3A_56 = arith.muli %add3A, %mul3A_55 : i32
      %dma_start3A_57 = arith.constant 0 : i32
      %dma_start3A_58 = tpu.memref_slice %arg10[%mul3A_56, %dma_start3A_57] : memref<384x256xf32, #tpu.memory_space<hbm>> -> memref<16x256xf32, #tpu.memory_space<hbm>>
      %dma_start3A_59 = arith.constant 0 : i32
      %dma_start3A_60 = tpu.memref_slice %arg10[%mul3A_56, %dma_start3A_59] : memref<384x256xf32, #tpu.memory_space<hbm>> -> memref<16x256xf32, #tpu.memory_space<hbm>>
      tpu.enqueue_dma source(%arg18 : memref<16x256xf32, #tpu.memory_space<vmem>>) target(%dma_start3A_60 : memref<16x256xf32, #tpu.memory_space<hbm>>) target_semaphore(%arg19 : memref<!tpu.dma_semaphore, #tpu.memory_space<semaphore_mem>>)
      %dma_wait3A_61 = arith.constant 0 : i32
      %dma_wait3A_62 = tpu.memref_slice %arg8[%mul3A_38, %dma_wait3A_61] : memref<800x128xf32, #tpu.memory_space<hbm>> -> memref<32x128xf32, #tpu.memory_space<hbm>>
      %dma_wait3A_63 = arith.constant 0 : i32
      %dma_wait3A_64 = tpu.memref_slice %arg8[%mul3A_38, %dma_wait3A_63] : memref<800x128xf32, #tpu.memory_space<hbm>> -> memref<32x128xf32, #tpu.memory_space<hbm>>
      tpu.wait_dma2 semaphore(%arg13 : memref<!tpu.dma_semaphore, #tpu.memory_space<semaphore_mem>>) src(%arg12 : memref<32x128xf32, #tpu.memory_space<vmem>>) dst(%dma_wait3A_64 : memref<32x128xf32, #tpu.memory_space<hbm>>)
      %dma_wait3A_65 = arith.constant 0 : i32
      %dma_wait3A_66 = tpu.memref_slice %arg9[%mul3A_47, %dma_wait3A_65] : memref<384x128xf32, #tpu.memory_space<hbm>> -> memref<16x128xf32, #tpu.memory_space<hbm>>
      %dma_wait3A_67 = arith.constant 0 : i32
      %dma_wait3A_68 = tpu.memref_slice %arg9[%mul3A_47, %dma_wait3A_67] : memref<384x128xf32, #tpu.memory_space<hbm>> -> memref<16x128xf32, #tpu.memory_space<hbm>>
      tpu.wait_dma2 semaphore(%arg16 : memref<!tpu.dma_semaphore, #tpu.memory_space<semaphore_mem>>) src(%arg15 : memref<16x128xf32, #tpu.memory_space<vmem>>) dst(%dma_wait3A_68 : memref<16x128xf32, #tpu.memory_space<hbm>>)
      %dma_wait3A_69 = arith.constant 0 : i32
      %dma_wait3A_70 = tpu.memref_slice %arg10[%mul3A_56, %dma_wait3A_69] : memref<384x256xf32, #tpu.memory_space<hbm>> -> memref<16x256xf32, #tpu.memory_space<hbm>>
      %dma_wait3A_71 = arith.constant 0 : i32
      %dma_wait3A_72 = tpu.memref_slice %arg10[%mul3A_56, %dma_wait3A_71] : memref<384x256xf32, #tpu.memory_space<hbm>> -> memref<16x256xf32, #tpu.memory_space<hbm>>
      tpu.wait_dma2 semaphore(%arg19 : memref<!tpu.dma_semaphore, #tpu.memory_space<semaphore_mem>>) src(%arg18 : memref<16x256xf32, #tpu.memory_space<vmem>>) dst(%dma_wait3A_72 : memref<16x256xf32, #tpu.memory_space<hbm>>)
    } else {
    }
    %ge3A = arith.constant 24 : i32
    %ge3A_3 = arith.cmpi sge, %add3A, %ge3A : i32
    %lt3A_4 = arith.constant 25 : i32
    %lt3A_5 = arith.cmpi slt, %add3A, %lt3A_4 : i32
    %and3A = arith.andi %ge3A_3, %lt3A_5 : i1
    %convert_element_type3A_6 = arith.extui %and3A : i1 to i32
    %cond3A_7 = arith.constant 0 : i32
    %cond3A_8 = arith.cmpi ne, %convert_element_type3A_6, %cond3A_7 : i32
    scf.if %cond3A_8 {
      %mul3A_9 = arith.constant 32 : i32
      %mul3A_10 = arith.muli %add3A, %mul3A_9 : i32
      %dma_start3A = tpu.memref_slice %arg3[%mul3A_10] : memref<800xi32, #tpu.memory_space<hbm>> -> memref<32xi32, #tpu.memory_space<hbm>>
      %dma_start3A_11 = tpu.memref_slice %arg3[%mul3A_10] : memref<800xi32, #tpu.memory_space<hbm>> -> memref<32xi32, #tpu.memory_space<hbm>>
      tpu.enqueue_dma source(%dma_start3A_11 : memref<32xi32, #tpu.memory_space<hbm>>) target(%arg11 : memref<32xi32, #tpu.memory_space<vmem>>) target_semaphore(%arg13 : memref<!tpu.dma_semaphore, #tpu.memory_space<semaphore_mem>>)
      %dma_wait3A = tpu.memref_slice %arg3[%mul3A_10] : memref<800xi32, #tpu.memory_space<hbm>> -> memref<32xi32, #tpu.memory_space<hbm>>
      %dma_wait3A_12 = tpu.memref_slice %arg3[%mul3A_10] : memref<800xi32, #tpu.memory_space<hbm>> -> memref<32xi32, #tpu.memory_space<hbm>>
      tpu.wait_dma2 semaphore(%arg13 : memref<!tpu.dma_semaphore, #tpu.memory_space<semaphore_mem>>) src(%dma_wait3A_12 : memref<32xi32, #tpu.memory_space<hbm>>) dst(%arg11 : memref<32xi32, #tpu.memory_space<vmem>>)
      %dma_start3A_13 = arith.constant 0 : i32
      %dma_start3A_14 = arith.constant 0 : i32
      %dma_start3A_15 = tpu.memref_slice %arg2[%dma_start3A_13, %dma_start3A_14] : memref<9800x128xf32, #tpu.memory_space<hbm>> -> memref<9800x128xf32, #tpu.memory_space<hbm>>
      tpu.enqueue_indirect_dma source(%dma_start3A_15 : memref<9800x128xf32, #tpu.memory_space<hbm>>) target(%arg12 : memref<32x128xf32, #tpu.memory_space<vmem>>) offsets(%arg11 : memref<32xi32, #tpu.memory_space<vmem>>) semaphore(%arg13 : memref<!tpu.dma_semaphore, #tpu.memory_space<semaphore_mem>>)
      %dma_wait3A_16 = arith.constant 0 : i32
      %dma_wait3A_17 = arith.constant 0 : i32
      %dma_wait3A_18 = tpu.memref_slice %arg2[%dma_wait3A_16, %dma_wait3A_17] : memref<9800x128xf32, #tpu.memory_space<hbm>> -> memref<9800x128xf32, #tpu.memory_space<hbm>>
      tpu.wait_indirect_dma semaphore(%arg13 : memref<!tpu.dma_semaphore, #tpu.memory_space<semaphore_mem>>) src(%dma_wait3A_18 : memref<9800x128xf32, #tpu.memory_space<hbm>>) dst(%arg12 : memref<32x128xf32, #tpu.memory_space<vmem>>)
      %mul3A_19 = arith.constant 32 : i32
      %mul3A_20 = arith.muli %add3A, %mul3A_19 : i32
      %dma_start3A_21 = arith.constant 0 : i32
      %dma_start3A_22 = tpu.memref_slice %arg8[%mul3A_20, %dma_start3A_21] : memref<800x128xf32, #tpu.memory_space<hbm>> -> memref<32x128xf32, #tpu.memory_space<hbm>>
      %dma_start3A_23 = arith.constant 0 : i32
      %dma_start3A_24 = tpu.memref_slice %arg8[%mul3A_20, %dma_start3A_23] : memref<800x128xf32, #tpu.memory_space<hbm>> -> memref<32x128xf32, #tpu.memory_space<hbm>>
      tpu.enqueue_dma source(%arg12 : memref<32x128xf32, #tpu.memory_space<vmem>>) target(%dma_start3A_24 : memref<32x128xf32, #tpu.memory_space<hbm>>) target_semaphore(%arg13 : memref<!tpu.dma_semaphore, #tpu.memory_space<semaphore_mem>>)
      %dma_wait3A_25 = arith.constant 0 : i32
      %dma_wait3A_26 = tpu.memref_slice %arg8[%mul3A_20, %dma_wait3A_25] : memref<800x128xf32, #tpu.memory_space<hbm>> -> memref<32x128xf32, #tpu.memory_space<hbm>>
      %dma_wait3A_27 = arith.constant 0 : i32
      %dma_wait3A_28 = tpu.memref_slice %arg8[%mul3A_20, %dma_wait3A_27] : memref<800x128xf32, #tpu.memory_space<hbm>> -> memref<32x128xf32, #tpu.memory_space<hbm>>
      tpu.wait_dma2 semaphore(%arg13 : memref<!tpu.dma_semaphore, #tpu.memory_space<semaphore_mem>>) src(%arg12 : memref<32x128xf32, #tpu.memory_space<vmem>>) dst(%dma_wait3A_28 : memref<32x128xf32, #tpu.memory_space<hbm>>)
    } else {
    }
    return
  }
}

module attributes {stable_mosaic.version = 14 : i64} {
  func.func @body(%arg0: i32, %arg1: memref<1x100x49x64xf32, #tpu.memory_space<vmem>>, %arg2: memref<1x64x25x128xf32, #tpu.memory_space<vmem>>, %arg3: memref<1x64x9x256xf32, #tpu.memory_space<vmem>>, %arg4: memref<1x100x4xi32, #tpu.memory_space<vmem>>, %arg5: memref<1x64x3xi32, #tpu.memory_space<vmem>>, %arg6: memref<1x64x3xi32, #tpu.memory_space<vmem>>) attributes {dimension_semantics = [#tpu.dimension_semantics<arbitrary>], iteration_bounds = array<i64: 2>, scalar_prefetch = 0 : i64, scratch_operands = 0 : i64, tpu.core_type = #tpu.core_type<tc>, window_params = [{transform_indices = @transform_0, window_bounds = array<i64: 1, 100, 49, 64>}, {transform_indices = @transform_1, window_bounds = array<i64: 1, 64, 25, 128>}, {transform_indices = @transform_2, window_bounds = array<i64: 1, 64, 9, 256>}, {transform_indices = @transform_3, window_bounds = array<i64: 1, 100, 4>}, {transform_indices = @transform_4, window_bounds = array<i64: 1, 64, 3>}, {transform_indices = @transform_5, window_bounds = array<i64: 1, 64, 3>}]} {
    %get3A = arith.constant 0 : index
    %get3A_0 = arith.constant 0 : index
    %get3A_1 = arith.constant 0 : index
    %get3A_2 = arith.constant 0 : index
    %get3A_3 = vector.load %arg1[%get3A, %get3A_0, %get3A_1, %get3A_2] : memref<1x100x49x64xf32, #tpu.memory_space<vmem>>, vector<1x100x49x64xf32>
    %get3A_4 = vector.shape_cast %get3A_3 : vector<1x100x49x64xf32> to vector<100x49x64xf32>
    %convert_element_type3A = arith.truncf %get3A_4 : vector<100x49x64xf32> to vector<100x49x64xbf16>
    %convert_element_type3A_5 = arith.extf %convert_element_type3A : vector<100x49x64xbf16> to vector<100x49x64xf32>
    %reduce_sum3A = arith.constant dense<0.000000e+00> : vector<100x64xf32>
    %reduce_sum3A_6 = vector.multi_reduction <add>, %convert_element_type3A_5, %reduce_sum3A [1] : vector<100x49x64xf32> to vector<100x64xf32>
    %broadcast_in_dim3A = vector.shape_cast %reduce_sum3A_6 : vector<100x64xf32> to vector<100x1x64xf32>
    %mul3A = vector.broadcast %broadcast_in_dim3A : vector<100x1x64xf32> to vector<100x49x64xf32>
    %mul3A_7 = arith.mulf %convert_element_type3A_5, %mul3A : vector<100x49x64xf32>
    %reduce_sum3A_8 = arith.constant dense<0.000000e+00> : vector<100x49xf32>
    %reduce_sum3A_9 = vector.multi_reduction <add>, %mul3A_7, %reduce_sum3A_8 [2] : vector<100x49x64xf32> to vector<100x49xf32>
    %div3A = arith.constant 4.900000e+01 : f32
    %div3A_10 = vector.broadcast %div3A : f32 to vector<100x49xf32>
    %div3A_11 = arith.divf %reduce_sum3A_9, %div3A_10 : vector<100x49xf32>
    %iota3A = tpu.iota {dimensions = array<i32: 1>} : vector<100x49xi32>
    %mul3A_12 = arith.constant 100 : i32
    %mul3A_13 = arith.muli %arg0, %mul3A_12 : i32
    %iota3A_14 = tpu.iota {dimensions = array<i32: 0>} : vector<100x1xi32>
    %add3A = vector.broadcast %mul3A_13 : i32 to vector<100x1xi32>
    %add3A_15 = arith.addi %add3A, %iota3A_14 : vector<100x1xi32>
    %mul3A_16 = arith.constant 49 : i32
    %mul3A_17 = vector.broadcast %mul3A_16 : i32 to vector<100x1xi32>
    %mul3A_18 = arith.muli %add3A_15, %mul3A_17 : vector<100x1xi32>
    %reduce_min3A = arith.constant dense<0x7F800000> : vector<100xf32>
    %reduce_min3A_19 = vector.multi_reduction <minimumf>, %div3A_11, %reduce_min3A [1] : vector<100x49xf32> to vector<100xf32>
    %broadcast_in_dim3A_20 = vector.shape_cast %reduce_min3A_19 : vector<100xf32> to vector<100x1xf32>
    %eq3A = vector.broadcast %broadcast_in_dim3A_20 : vector<100x1xf32> to vector<100x49xf32>
    %eq3A_21 = arith.cmpf oeq, %div3A_11, %eq3A : vector<100x49xf32>
    %jit3A = arith.constant 49 : i32
    %broadcast_in_dim3A_22 = vector.broadcast %jit3A : i32 to vector<100x49xi32>
    %select_n3A = arith.select %eq3A_21, %iota3A, %broadcast_in_dim3A_22 : vector<100x49xi1>, vector<100x49xi32>
    %reduce_min3A_23 = arith.constant dense<2147483647> : vector<100xi32>
    %reduce_min3A_24 = vector.multi_reduction <minsi>, %select_n3A, %reduce_min3A_23 [1] : vector<100x49xi32> to vector<100xi32>
    %broadcast_in_dim3A_25 = vector.shape_cast %reduce_min3A_24 : vector<100xi32> to vector<100x1xi32>
    %add3A_26 = arith.addi %mul3A_18, %broadcast_in_dim3A_25 : vector<100x1xi32>
    %eq3A_27 = vector.broadcast %broadcast_in_dim3A_25 : vector<100x1xi32> to vector<100x49xi32>
    %eq3A_28 = arith.cmpi eq, %iota3A, %eq3A_27 : vector<100x49xi32>
    %jit3A_29 = arith.constant 0x7F800000 : f32
    %broadcast_in_dim3A_30 = vector.broadcast %jit3A_29 : f32 to vector<100x49xf32>
    %select_n3A_31 = arith.select %eq3A_28, %broadcast_in_dim3A_30, %div3A_11 : vector<100x49xi1>, vector<100x49xf32>
    %reduce_min3A_32 = arith.constant dense<0x7F800000> : vector<100xf32>
    %reduce_min3A_33 = vector.multi_reduction <minimumf>, %select_n3A_31, %reduce_min3A_32 [1] : vector<100x49xf32> to vector<100xf32>
    %broadcast_in_dim3A_34 = vector.shape_cast %reduce_min3A_33 : vector<100xf32> to vector<100x1xf32>
    %eq3A_35 = vector.broadcast %broadcast_in_dim3A_34 : vector<100x1xf32> to vector<100x49xf32>
    %eq3A_36 = arith.cmpf oeq, %select_n3A_31, %eq3A_35 : vector<100x49xf32>
    %jit3A_37 = arith.constant 49 : i32
    %broadcast_in_dim3A_38 = vector.broadcast %jit3A_37 : i32 to vector<100x49xi32>
    %select_n3A_39 = arith.select %eq3A_36, %iota3A, %broadcast_in_dim3A_38 : vector<100x49xi1>, vector<100x49xi32>
    %reduce_min3A_40 = arith.constant dense<2147483647> : vector<100xi32>
    %reduce_min3A_41 = vector.multi_reduction <minsi>, %select_n3A_39, %reduce_min3A_40 [1] : vector<100x49xi32> to vector<100xi32>
    %broadcast_in_dim3A_42 = vector.shape_cast %reduce_min3A_41 : vector<100xi32> to vector<100x1xi32>
    %add3A_43 = arith.addi %mul3A_18, %broadcast_in_dim3A_42 : vector<100x1xi32>
    %eq3A_44 = vector.broadcast %broadcast_in_dim3A_42 : vector<100x1xi32> to vector<100x49xi32>
    %eq3A_45 = arith.cmpi eq, %iota3A, %eq3A_44 : vector<100x49xi32>
    %jit3A_46 = arith.constant 0x7F800000 : f32
    %broadcast_in_dim3A_47 = vector.broadcast %jit3A_46 : f32 to vector<100x49xf32>
    %select_n3A_48 = arith.select %eq3A_45, %broadcast_in_dim3A_47, %select_n3A_31 : vector<100x49xi1>, vector<100x49xf32>
    %reduce_min3A_49 = arith.constant dense<0x7F800000> : vector<100xf32>
    %reduce_min3A_50 = vector.multi_reduction <minimumf>, %select_n3A_48, %reduce_min3A_49 [1] : vector<100x49xf32> to vector<100xf32>
    %broadcast_in_dim3A_51 = vector.shape_cast %reduce_min3A_50 : vector<100xf32> to vector<100x1xf32>
    %eq3A_52 = vector.broadcast %broadcast_in_dim3A_51 : vector<100x1xf32> to vector<100x49xf32>
    %eq3A_53 = arith.cmpf oeq, %select_n3A_48, %eq3A_52 : vector<100x49xf32>
    %jit3A_54 = arith.constant 49 : i32
    %broadcast_in_dim3A_55 = vector.broadcast %jit3A_54 : i32 to vector<100x49xi32>
    %select_n3A_56 = arith.select %eq3A_53, %iota3A, %broadcast_in_dim3A_55 : vector<100x49xi1>, vector<100x49xi32>
    %reduce_min3A_57 = arith.constant dense<2147483647> : vector<100xi32>
    %reduce_min3A_58 = vector.multi_reduction <minsi>, %select_n3A_56, %reduce_min3A_57 [1] : vector<100x49xi32> to vector<100xi32>
    %broadcast_in_dim3A_59 = vector.shape_cast %reduce_min3A_58 : vector<100xi32> to vector<100x1xi32>
    %add3A_60 = arith.addi %mul3A_18, %broadcast_in_dim3A_59 : vector<100x1xi32>
    %eq3A_61 = vector.broadcast %broadcast_in_dim3A_59 : vector<100x1xi32> to vector<100x49xi32>
    %eq3A_62 = arith.cmpi eq, %iota3A, %eq3A_61 : vector<100x49xi32>
    %jit3A_63 = arith.constant 0x7F800000 : f32
    %broadcast_in_dim3A_64 = vector.broadcast %jit3A_63 : f32 to vector<100x49xf32>
    %select_n3A_65 = arith.select %eq3A_62, %broadcast_in_dim3A_64, %select_n3A_48 : vector<100x49xi1>, vector<100x49xf32>
    %reduce_min3A_66 = arith.constant dense<0x7F800000> : vector<100xf32>
    %reduce_min3A_67 = vector.multi_reduction <minimumf>, %select_n3A_65, %reduce_min3A_66 [1] : vector<100x49xf32> to vector<100xf32>
    %broadcast_in_dim3A_68 = vector.shape_cast %reduce_min3A_67 : vector<100xf32> to vector<100x1xf32>
    %eq3A_69 = vector.broadcast %broadcast_in_dim3A_68 : vector<100x1xf32> to vector<100x49xf32>
    %eq3A_70 = arith.cmpf oeq, %select_n3A_65, %eq3A_69 : vector<100x49xf32>
    %jit3A_71 = arith.constant 49 : i32
    %broadcast_in_dim3A_72 = vector.broadcast %jit3A_71 : i32 to vector<100x49xi32>
    %select_n3A_73 = arith.select %eq3A_70, %iota3A, %broadcast_in_dim3A_72 : vector<100x49xi1>, vector<100x49xi32>
    %reduce_min3A_74 = arith.constant dense<2147483647> : vector<100xi32>
    %reduce_min3A_75 = vector.multi_reduction <minsi>, %select_n3A_73, %reduce_min3A_74 [1] : vector<100x49xi32> to vector<100xi32>
    %broadcast_in_dim3A_76 = vector.shape_cast %reduce_min3A_75 : vector<100xi32> to vector<100x1xi32>
    %add3A_77 = arith.addi %mul3A_18, %broadcast_in_dim3A_76 : vector<100x1xi32>
    %concatenate3A = tpu.concatenate %add3A_26, %add3A_43, %add3A_60, %add3A_77 in 1 : vector<100x1xi32>, vector<100x1xi32>, vector<100x1xi32>, vector<100x1xi32> -> vector<100x4xi32>
    %swap3A = arith.constant 0 : index
    %swap3A_78 = arith.constant 0 : index
    %swap3A_79 = arith.constant 0 : index
    %swap3A_80 = vector.load %arg4[%swap3A, %swap3A_78, %swap3A_79] : memref<1x100x4xi32, #tpu.memory_space<vmem>>, vector<1x100x4xi32>
    %swap3A_81 = vector.shape_cast %swap3A_80 : vector<1x100x4xi32> to vector<100x4xi32>
    %swap3A_82 = vector.shape_cast %concatenate3A : vector<100x4xi32> to vector<1x100x4xi32>
    tpu.vector_store %arg4[%swap3A, %swap3A_78, %swap3A_79], %swap3A_82 {strides = array<i32>} : memref<1x100x4xi32, #tpu.memory_space<vmem>>, vector<1x100x4xi32>,
    %get3A_83 = arith.constant 0 : index
    %get3A_84 = arith.constant 0 : index
    %get3A_85 = arith.constant 0 : index
    %get3A_86 = arith.constant 0 : index
    %get3A_87 = vector.load %arg2[%get3A_83, %get3A_84, %get3A_85, %get3A_86] : memref<1x64x25x128xf32, #tpu.memory_space<vmem>>, vector<1x64x25x128xf32>
    %get3A_88 = vector.shape_cast %get3A_87 : vector<1x64x25x128xf32> to vector<64x25x128xf32>
    %convert_element_type3A_89 = arith.truncf %get3A_88 : vector<64x25x128xf32> to vector<64x25x128xbf16>
    %convert_element_type3A_90 = arith.extf %convert_element_type3A_89 : vector<64x25x128xbf16> to vector<64x25x128xf32>
    %reduce_sum3A_91 = arith.constant dense<0.000000e+00> : vector<64x128xf32>
    %reduce_sum3A_92 = vector.multi_reduction <add>, %convert_element_type3A_90, %reduce_sum3A_91 [1] : vector<64x25x128xf32> to vector<64x128xf32>
    %broadcast_in_dim3A_93 = vector.shape_cast %reduce_sum3A_92 : vector<64x128xf32> to vector<64x1x128xf32>
    %mul3A_94 = vector.broadcast %broadcast_in_dim3A_93 : vector<64x1x128xf32> to vector<64x25x128xf32>
    %mul3A_95 = arith.mulf %convert_element_type3A_90, %mul3A_94 : vector<64x25x128xf32>
    %reduce_sum3A_96 = arith.constant dense<0.000000e+00> : vector<64x25xf32>
    %reduce_sum3A_97 = vector.multi_reduction <add>, %mul3A_95, %reduce_sum3A_96 [2] : vector<64x25x128xf32> to vector<64x25xf32>
    %div3A_98 = arith.constant 2.500000e+01 : f32
    %div3A_99 = vector.broadcast %div3A_98 : f32 to vector<64x25xf32>
    %div3A_100 = arith.divf %reduce_sum3A_97, %div3A_99 : vector<64x25xf32>
    %iota3A_101 = tpu.iota {dimensions = array<i32: 1>} : vector<64x25xi32>
    %mul3A_102 = arith.constant 64 : i32
    %mul3A_103 = arith.muli %arg0, %mul3A_102 : i32
    %iota3A_104 = tpu.iota {dimensions = array<i32: 0>} : vector<64x1xi32>
    %add3A_105 = vector.broadcast %mul3A_103 : i32 to vector<64x1xi32>
    %add3A_106 = arith.addi %add3A_105, %iota3A_104 : vector<64x1xi32>
    %mul3A_107 = arith.constant 25 : i32
    %mul3A_108 = vector.broadcast %mul3A_107 : i32 to vector<64x1xi32>
    %mul3A_109 = arith.muli %add3A_106, %mul3A_108 : vector<64x1xi32>
    %reduce_min3A_110 = arith.constant dense<0x7F800000> : vector<64xf32>
    %reduce_min3A_111 = vector.multi_reduction <minimumf>, %div3A_100, %reduce_min3A_110 [1] : vector<64x25xf32> to vector<64xf32>
    %broadcast_in_dim3A_112 = vector.shape_cast %reduce_min3A_111 : vector<64xf32> to vector<64x1xf32>
    %eq3A_113 = vector.broadcast %broadcast_in_dim3A_112 : vector<64x1xf32> to vector<64x25xf32>
    %eq3A_114 = arith.cmpf oeq, %div3A_100, %eq3A_113 : vector<64x25xf32>
    %jit3A_115 = arith.constant 25 : i32
    %broadcast_in_dim3A_116 = vector.broadcast %jit3A_115 : i32 to vector<64x25xi32>
    %select_n3A_117 = arith.select %eq3A_114, %iota3A_101, %broadcast_in_dim3A_116 : vector<64x25xi1>, vector<64x25xi32>
    %reduce_min3A_118 = arith.constant dense<2147483647> : vector<64xi32>
    %reduce_min3A_119 = vector.multi_reduction <minsi>, %select_n3A_117, %reduce_min3A_118 [1] : vector<64x25xi32> to vector<64xi32>
    %broadcast_in_dim3A_120 = vector.shape_cast %reduce_min3A_119 : vector<64xi32> to vector<64x1xi32>
    %add3A_121 = arith.addi %mul3A_109, %broadcast_in_dim3A_120 : vector<64x1xi32>
    %eq3A_122 = vector.broadcast %broadcast_in_dim3A_120 : vector<64x1xi32> to vector<64x25xi32>
    %eq3A_123 = arith.cmpi eq, %iota3A_101, %eq3A_122 : vector<64x25xi32>
    %jit3A_124 = arith.constant 0x7F800000 : f32
    %broadcast_in_dim3A_125 = vector.broadcast %jit3A_124 : f32 to vector<64x25xf32>
    %select_n3A_126 = arith.select %eq3A_123, %broadcast_in_dim3A_125, %div3A_100 : vector<64x25xi1>, vector<64x25xf32>
    %reduce_min3A_127 = arith.constant dense<0x7F800000> : vector<64xf32>
    %reduce_min3A_128 = vector.multi_reduction <minimumf>, %select_n3A_126, %reduce_min3A_127 [1] : vector<64x25xf32> to vector<64xf32>
    %broadcast_in_dim3A_129 = vector.shape_cast %reduce_min3A_128 : vector<64xf32> to vector<64x1xf32>
    %eq3A_130 = vector.broadcast %broadcast_in_dim3A_129 : vector<64x1xf32> to vector<64x25xf32>
    %eq3A_131 = arith.cmpf oeq, %select_n3A_126, %eq3A_130 : vector<64x25xf32>
    %jit3A_132 = arith.constant 25 : i32
    %broadcast_in_dim3A_133 = vector.broadcast %jit3A_132 : i32 to vector<64x25xi32>
    %select_n3A_134 = arith.select %eq3A_131, %iota3A_101, %broadcast_in_dim3A_133 : vector<64x25xi1>, vector<64x25xi32>
    %reduce_min3A_135 = arith.constant dense<2147483647> : vector<64xi32>
    %reduce_min3A_136 = vector.multi_reduction <minsi>, %select_n3A_134, %reduce_min3A_135 [1] : vector<64x25xi32> to vector<64xi32>
    %broadcast_in_dim3A_137 = vector.shape_cast %reduce_min3A_136 : vector<64xi32> to vector<64x1xi32>
    %add3A_138 = arith.addi %mul3A_109, %broadcast_in_dim3A_137 : vector<64x1xi32>
    %eq3A_139 = vector.broadcast %broadcast_in_dim3A_137 : vector<64x1xi32> to vector<64x25xi32>
    %eq3A_140 = arith.cmpi eq, %iota3A_101, %eq3A_139 : vector<64x25xi32>
    %jit3A_141 = arith.constant 0x7F800000 : f32
    %broadcast_in_dim3A_142 = vector.broadcast %jit3A_141 : f32 to vector<64x25xf32>
    %select_n3A_143 = arith.select %eq3A_140, %broadcast_in_dim3A_142, %select_n3A_126 : vector<64x25xi1>, vector<64x25xf32>
    %reduce_min3A_144 = arith.constant dense<0x7F800000> : vector<64xf32>
    %reduce_min3A_145 = vector.multi_reduction <minimumf>, %select_n3A_143, %reduce_min3A_144 [1] : vector<64x25xf32> to vector<64xf32>
    %broadcast_in_dim3A_146 = vector.shape_cast %reduce_min3A_145 : vector<64xf32> to vector<64x1xf32>
    %eq3A_147 = vector.broadcast %broadcast_in_dim3A_146 : vector<64x1xf32> to vector<64x25xf32>
    %eq3A_148 = arith.cmpf oeq, %select_n3A_143, %eq3A_147 : vector<64x25xf32>
    %jit3A_149 = arith.constant 25 : i32
    %broadcast_in_dim3A_150 = vector.broadcast %jit3A_149 : i32 to vector<64x25xi32>
    %select_n3A_151 = arith.select %eq3A_148, %iota3A_101, %broadcast_in_dim3A_150 : vector<64x25xi1>, vector<64x25xi32>
    %reduce_min3A_152 = arith.constant dense<2147483647> : vector<64xi32>
    %reduce_min3A_153 = vector.multi_reduction <minsi>, %select_n3A_151, %reduce_min3A_152 [1] : vector<64x25xi32> to vector<64xi32>
    %broadcast_in_dim3A_154 = vector.shape_cast %reduce_min3A_153 : vector<64xi32> to vector<64x1xi32>
    %add3A_155 = arith.addi %mul3A_109, %broadcast_in_dim3A_154 : vector<64x1xi32>
    %concatenate3A_156 = tpu.concatenate %add3A_121, %add3A_138, %add3A_155 in 1 : vector<64x1xi32>, vector<64x1xi32>, vector<64x1xi32> -> vector<64x3xi32>
    %swap3A_157 = arith.constant 0 : index
    %swap3A_158 = arith.constant 0 : index
    %swap3A_159 = arith.constant 0 : index
    %swap3A_160 = vector.load %arg5[%swap3A_157, %swap3A_158, %swap3A_159] : memref<1x64x3xi32, #tpu.memory_space<vmem>>, vector<1x64x3xi32>
    %swap3A_161 = vector.shape_cast %swap3A_160 : vector<1x64x3xi32> to vector<64x3xi32>
    %swap3A_162 = vector.shape_cast %concatenate3A_156 : vector<64x3xi32> to vector<1x64x3xi32>
    tpu.vector_store %arg5[%swap3A_157, %swap3A_158, %swap3A_159], %swap3A_162 {strides = array<i32>} : memref<1x64x3xi32, #tpu.memory_space<vmem>>, vector<1x64x3xi32>,
    %get3A_163 = arith.constant 0 : index
    %get3A_164 = arith.constant 0 : index
    %get3A_165 = arith.constant 0 : index
    %get3A_166 = arith.constant 0 : index
    %get3A_167 = vector.load %arg3[%get3A_163, %get3A_164, %get3A_165, %get3A_166] : memref<1x64x9x256xf32, #tpu.memory_space<vmem>>, vector<1x64x9x256xf32>
    %get3A_168 = vector.shape_cast %get3A_167 : vector<1x64x9x256xf32> to vector<64x9x256xf32>
    %convert_element_type3A_169 = arith.truncf %get3A_168 : vector<64x9x256xf32> to vector<64x9x256xbf16>
    %convert_element_type3A_170 = arith.extf %convert_element_type3A_169 : vector<64x9x256xbf16> to vector<64x9x256xf32>
    %reduce_sum3A_171 = arith.constant dense<0.000000e+00> : vector<64x256xf32>
    %reduce_sum3A_172 = vector.multi_reduction <add>, %convert_element_type3A_170, %reduce_sum3A_171 [1] : vector<64x9x256xf32> to vector<64x256xf32>
    %broadcast_in_dim3A_173 = vector.shape_cast %reduce_sum3A_172 : vector<64x256xf32> to vector<64x1x256xf32>
    %mul3A_174 = vector.broadcast %broadcast_in_dim3A_173 : vector<64x1x256xf32> to vector<64x9x256xf32>
    %mul3A_175 = arith.mulf %convert_element_type3A_170, %mul3A_174 : vector<64x9x256xf32>
    %reduce_sum3A_176 = arith.constant dense<0.000000e+00> : vector<64x9xf32>
    %reduce_sum3A_177 = vector.multi_reduction <add>, %mul3A_175, %reduce_sum3A_176 [2] : vector<64x9x256xf32> to vector<64x9xf32>
    %div3A_178 = arith.constant 9.000000e+00 : f32
    %div3A_179 = vector.broadcast %div3A_178 : f32 to vector<64x9xf32>
    %div3A_180 = arith.divf %reduce_sum3A_177, %div3A_179 : vector<64x9xf32>
    %iota3A_181 = tpu.iota {dimensions = array<i32: 1>} : vector<64x9xi32>
    %mul3A_182 = arith.constant 64 : i32
    %mul3A_183 = arith.muli %arg0, %mul3A_182 : i32
    %iota3A_184 = tpu.iota {dimensions = array<i32: 0>} : vector<64x1xi32>
    %add3A_185 = vector.broadcast %mul3A_183 : i32 to vector<64x1xi32>
    %add3A_186 = arith.addi %add3A_185, %iota3A_184 : vector<64x1xi32>
    %mul3A_187 = arith.constant 9 : i32
    %mul3A_188 = vector.broadcast %mul3A_187 : i32 to vector<64x1xi32>
    %mul3A_189 = arith.muli %add3A_186, %mul3A_188 : vector<64x1xi32>
    %reduce_min3A_190 = arith.constant dense<0x7F800000> : vector<64xf32>
    %reduce_min3A_191 = vector.multi_reduction <minimumf>, %div3A_180, %reduce_min3A_190 [1] : vector<64x9xf32> to vector<64xf32>
    %broadcast_in_dim3A_192 = vector.shape_cast %reduce_min3A_191 : vector<64xf32> to vector<64x1xf32>
    %eq3A_193 = vector.broadcast %broadcast_in_dim3A_192 : vector<64x1xf32> to vector<64x9xf32>
    %eq3A_194 = arith.cmpf oeq, %div3A_180, %eq3A_193 : vector<64x9xf32>
    %jit3A_195 = arith.constant 9 : i32
    %broadcast_in_dim3A_196 = vector.broadcast %jit3A_195 : i32 to vector<64x9xi32>
    %select_n3A_197 = arith.select %eq3A_194, %iota3A_181, %broadcast_in_dim3A_196 : vector<64x9xi1>, vector<64x9xi32>
    %reduce_min3A_198 = arith.constant dense<2147483647> : vector<64xi32>
    %reduce_min3A_199 = vector.multi_reduction <minsi>, %select_n3A_197, %reduce_min3A_198 [1] : vector<64x9xi32> to vector<64xi32>
    %broadcast_in_dim3A_200 = vector.shape_cast %reduce_min3A_199 : vector<64xi32> to vector<64x1xi32>
    %add3A_201 = arith.addi %mul3A_189, %broadcast_in_dim3A_200 : vector<64x1xi32>
    %eq3A_202 = vector.broadcast %broadcast_in_dim3A_200 : vector<64x1xi32> to vector<64x9xi32>
    %eq3A_203 = arith.cmpi eq, %iota3A_181, %eq3A_202 : vector<64x9xi32>
    %jit3A_204 = arith.constant 0x7F800000 : f32
    %broadcast_in_dim3A_205 = vector.broadcast %jit3A_204 : f32 to vector<64x9xf32>
    %select_n3A_206 = arith.select %eq3A_203, %broadcast_in_dim3A_205, %div3A_180 : vector<64x9xi1>, vector<64x9xf32>
    %reduce_min3A_207 = arith.constant dense<0x7F800000> : vector<64xf32>
    %reduce_min3A_208 = vector.multi_reduction <minimumf>, %select_n3A_206, %reduce_min3A_207 [1] : vector<64x9xf32> to vector<64xf32>
    %broadcast_in_dim3A_209 = vector.shape_cast %reduce_min3A_208 : vector<64xf32> to vector<64x1xf32>
    %eq3A_210 = vector.broadcast %broadcast_in_dim3A_209 : vector<64x1xf32> to vector<64x9xf32>
    %eq3A_211 = arith.cmpf oeq, %select_n3A_206, %eq3A_210 : vector<64x9xf32>
    %jit3A_212 = arith.constant 9 : i32
    %broadcast_in_dim3A_213 = vector.broadcast %jit3A_212 : i32 to vector<64x9xi32>
    %select_n3A_214 = arith.select %eq3A_211, %iota3A_181, %broadcast_in_dim3A_213 : vector<64x9xi1>, vector<64x9xi32>
    %reduce_min3A_215 = arith.constant dense<2147483647> : vector<64xi32>
    %reduce_min3A_216 = vector.multi_reduction <minsi>, %select_n3A_214, %reduce_min3A_215 [1] : vector<64x9xi32> to vector<64xi32>
    %broadcast_in_dim3A_217 = vector.shape_cast %reduce_min3A_216 : vector<64xi32> to vector<64x1xi32>
    %add3A_218 = arith.addi %mul3A_189, %broadcast_in_dim3A_217 : vector<64x1xi32>
    %eq3A_219 = vector.broadcast %broadcast_in_dim3A_217 : vector<64x1xi32> to vector<64x9xi32>
    %eq3A_220 = arith.cmpi eq, %iota3A_181, %eq3A_219 : vector<64x9xi32>
    %jit3A_221 = arith.constant 0x7F800000 : f32
    %broadcast_in_dim3A_222 = vector.broadcast %jit3A_221 : f32 to vector<64x9xf32>
    %select_n3A_223 = arith.select %eq3A_220, %broadcast_in_dim3A_222, %select_n3A_206 : vector<64x9xi1>, vector<64x9xf32>
    %reduce_min3A_224 = arith.constant dense<0x7F800000> : vector<64xf32>
    %reduce_min3A_225 = vector.multi_reduction <minimumf>, %select_n3A_223, %reduce_min3A_224 [1] : vector<64x9xf32> to vector<64xf32>
    %broadcast_in_dim3A_226 = vector.shape_cast %reduce_min3A_225 : vector<64xf32> to vector<64x1xf32>
    %eq3A_227 = vector.broadcast %broadcast_in_dim3A_226 : vector<64x1xf32> to vector<64x9xf32>
    %eq3A_228 = arith.cmpf oeq, %select_n3A_223, %eq3A_227 : vector<64x9xf32>
    %jit3A_229 = arith.constant 9 : i32
    %broadcast_in_dim3A_230 = vector.broadcast %jit3A_229 : i32 to vector<64x9xi32>
    %select_n3A_231 = arith.select %eq3A_228, %iota3A_181, %broadcast_in_dim3A_230 : vector<64x9xi1>, vector<64x9xi32>
    %reduce_min3A_232 = arith.constant dense<2147483647> : vector<64xi32>
    %reduce_min3A_233 = vector.multi_reduction <minsi>, %select_n3A_231, %reduce_min3A_232 [1] : vector<64x9xi32> to vector<64xi32>
    %broadcast_in_dim3A_234 = vector.shape_cast %reduce_min3A_233 : vector<64xi32> to vector<64x1xi32>
    %add3A_235 = arith.addi %mul3A_189, %broadcast_in_dim3A_234 : vector<64x1xi32>
    %concatenate3A_236 = tpu.concatenate %add3A_201, %add3A_218, %add3A_235 in 1 : vector<64x1xi32>, vector<64x1xi32>, vector<64x1xi32> -> vector<64x3xi32>
    %swap3A_237 = arith.constant 0 : index
    %swap3A_238 = arith.constant 0 : index
    %swap3A_239 = arith.constant 0 : index
    %swap3A_240 = vector.load %arg6[%swap3A_237, %swap3A_238, %swap3A_239] : memref<1x64x3xi32, #tpu.memory_space<vmem>>, vector<1x64x3xi32>
    %swap3A_241 = vector.shape_cast %swap3A_240 : vector<1x64x3xi32> to vector<64x3xi32>
    %swap3A_242 = vector.shape_cast %concatenate3A_236 : vector<64x3xi32> to vector<1x64x3xi32>
    tpu.vector_store %arg6[%swap3A_237, %swap3A_238, %swap3A_239], %swap3A_242 {strides = array<i32>} : memref<1x64x3xi32, #tpu.memory_space<vmem>>, vector<1x64x3xi32>,
    return
  }
  func.func @transform_0(%arg0: i32) -> (i32, i32, i32, i32) {
    %c0_i32 = arith.constant 0 : i32
    %c0_i32_0 = arith.constant 0 : i32
    %c0_i32_1 = arith.constant 0 : i32
    %c0_i32_2 = arith.constant 0 : i32
    return %arg0, %c0_i32, %c0_i32_0, %c0_i32_1 : i32, i32, i32, i32
  }
  func.func @transform_1(%arg0: i32) -> (i32, i32, i32, i32) {
    %c0_i32 = arith.constant 0 : i32
    %c0_i32_0 = arith.constant 0 : i32
    %c0_i32_1 = arith.constant 0 : i32
    %c0_i32_2 = arith.constant 0 : i32
    return %arg0, %c0_i32, %c0_i32_0, %c0_i32_1 : i32, i32, i32, i32
  }
  func.func @transform_2(%arg0: i32) -> (i32, i32, i32, i32) {
    %c0_i32 = arith.constant 0 : i32
    %c0_i32_0 = arith.constant 0 : i32
    %c0_i32_1 = arith.constant 0 : i32
    %c0_i32_2 = arith.constant 0 : i32
    return %arg0, %c0_i32, %c0_i32_0, %c0_i32_1 : i32, i32, i32, i32
  }
  func.func @transform_3(%arg0: i32) -> (i32, i32, i32) {
    %c0_i32 = arith.constant 0 : i32
    %c0_i32_0 = arith.constant 0 : i32
    %c0_i32_1 = arith.constant 0 : i32
    return %arg0, %c0_i32, %c0_i32_0 : i32, i32, i32
  }
  func.func @transform_4(%arg0: i32) -> (i32, i32, i32) {
    %c0_i32 = arith.constant 0 : i32
    %c0_i32_0 = arith.constant 0 : i32
    %c0_i32_1 = arith.constant 0 : i32
    return %arg0, %c0_i32, %c0_i32_0 : i32, i32, i32
  }
  func.func @transform_5(%arg0: i32) -> (i32, i32, i32) {
    %c0_i32 = arith.constant 0 : i32
    %c0_i32_0 = arith.constant 0 : i32
    %c0_i32_1 = arith.constant 0 : i32
    return %arg0, %c0_i32, %c0_i32_0 : i32, i32, i32
  }
}

module attributes {stable_mosaic.version = 14 : i64} {
  func.func @body(%arg0: i32, %arg1: memref<1x192x128xf32, #tpu.memory_space<vmem>>, %arg2: memref<1x128xf32, #tpu.memory_space<vmem>>, %arg3: memref<1x128xf32, #tpu.memory_space<vmem>>, %arg4: memref<512x128xf32, #tpu.memory_space<vmem>>, %arg5: memref<1x192x256xf32, #tpu.memory_space<vmem>>, %arg6: memref<1x256xf32, #tpu.memory_space<vmem>>, %arg7: memref<1x256xf32, #tpu.memory_space<vmem>>, %arg8: memref<512x256xf32, #tpu.memory_space<vmem>>, %arg9: memref<1x144x512xf32, #tpu.memory_space<vmem>>, %arg10: memref<1x512xf32, #tpu.memory_space<vmem>>, %arg11: memref<1x512xf32, #tpu.memory_space<vmem>>, %arg12: memref<512x512xf32, #tpu.memory_space<vmem>>, %arg13: memref<256x64xf32, #tpu.memory_space<vmem>>, %arg14: memref<768x64xf32, #tpu.memory_space<vmem>>, %arg15: memref<1x400x64xf32, #tpu.memory_space<vmem>>, %arg16: memref<1x64xf32, #tpu.memory_space<vmem>>, %arg17: memref<1x64xf32, #tpu.memory_space<vmem>>, %arg18: memref<1024x64xf32, #tpu.memory_space<vmem>>, %arg19: memref<1x192x256xf32, #tpu.memory_space<vmem>>, %arg20: memref<1x256xf32, #tpu.memory_space<vmem>>, %arg21: memref<1x256xf32, #tpu.memory_space<vmem>>, %arg22: memref<1024x256xf32, #tpu.memory_space<vmem>>, %arg23: memref<1x144x512xf32, #tpu.memory_space<vmem>>, %arg24: memref<1x512xf32, #tpu.memory_space<vmem>>, %arg25: memref<1x512xf32, #tpu.memory_space<vmem>>, %arg26: memref<1024x512xf32, #tpu.memory_space<vmem>>, %arg27: memref<512x128xf32, #tpu.memory_space<vmem>>, %arg28: memref<1536x128xf32, #tpu.memory_space<vmem>>, %arg29: memref<1x400x64xf32, #tpu.memory_space<vmem>>, %arg30: memref<1x64xf32, #tpu.memory_space<vmem>>, %arg31: memref<1x64xf32, #tpu.memory_space<vmem>>, %arg32: memref<2048x64xf32, #tpu.memory_space<vmem>>, %arg33: memref<1x192x128xf32, #tpu.memory_space<vmem>>, %arg34: memref<1x128xf32, #tpu.memory_space<vmem>>, %arg35: memref<1x128xf32, #tpu.memory_space<vmem>>, %arg36: memref<2048x128xf32, #tpu.memory_space<vmem>>, %arg37: memref<1x144x512xf32, #tpu.memory_space<vmem>>, %arg38: memref<1x512xf32, #tpu.memory_space<vmem>>, %arg39: memref<1x512xf32, #tpu.memory_space<vmem>>, %arg40: memref<2048x512xf32, #tpu.memory_space<vmem>>, %arg41: memref<1024x256xf32, #tpu.memory_space<vmem>>, %arg42: memref<3072x256xf32, #tpu.memory_space<vmem>>, %arg43: memref<1x64x3072xbf16, #tpu.memory_space<vmem>>, %arg44: memref<1x3072x64xbf16, #tpu.memory_space<vmem>>, %arg45: memref<1x128x4096xbf16, #tpu.memory_space<vmem>>, %arg46: memref<1x4096x128xbf16, #tpu.memory_space<vmem>>, %arg47: memref<1x256x4096xbf16, #tpu.memory_space<vmem>>, %arg48: memref<1x4096x256xbf16, #tpu.memory_space<vmem>>) attributes {dimension_semantics = [#tpu.dimension_semantics<arbitrary>], iteration_bounds = array<i64: 2>, scalar_prefetch = 0 : i64, scratch_operands = 0 : i64, tpu.core_type = #tpu.core_type<tc>, window_params = [{transform_indices = @transform_0, window_bounds = array<i64: 1, 192, 128>}, {pipeline_mode = #tpu.pipeline_mode<synchronous>, transform_indices = @transform_1, window_bounds = array<i64: 1, 128>}, {pipeline_mode = #tpu.pipeline_mode<synchronous>, transform_indices = @transform_2, window_bounds = array<i64: 1, 128>}, {pipeline_mode = #tpu.pipeline_mode<synchronous>, transform_indices = @transform_3, window_bounds = array<i64: 512, 128>}, {transform_indices = @transform_4, window_bounds = array<i64: 1, 192, 256>}, {pipeline_mode = #tpu.pipeline_mode<synchronous>, transform_indices = @transform_5, window_bounds = array<i64: 1, 256>}, {pipeline_mode = #tpu.pipeline_mode<synchronous>, transform_indices = @transform_6, window_bounds = array<i64: 1, 256>}, {pipeline_mode = #tpu.pipeline_mode<synchronous>, transform_indices = @transform_7, window_bounds = array<i64: 512, 256>}, {transform_indices = @transform_8, window_bounds = array<i64: 1, 144, 512>}, {pipeline_mode = #tpu.pipeline_mode<synchronous>, transform_indices = @transform_9, window_bounds = array<i64: 1, 512>}, {pipeline_mode = #tpu.pipeline_mode<synchronous>, transform_indices = @transform_10, window_bounds = array<i64: 1, 512>}, {pipeline_mode = #tpu.pipeline_mode<synchronous>, transform_indices = @transform_11, window_bounds = array<i64: 512, 512>}, {pipeline_mode = #tpu.pipeline_mode<synchronous>, transform_indices = @transform_12, window_bounds = array<i64: 256, 64>}, {pipeline_mode = #tpu.pipeline_mode<synchronous>, transform_indices = @transform_13, window_bounds = array<i64: 768, 64>}, {transform_indices = @transform_14, window_bounds = array<i64: 1, 400, 64>}, {pipeline_mode = #tpu.pipeline_mode<synchronous>, transform_indices = @transform_15, window_bounds = array<i64: 1, 64>}, {pipeline_mode = #tpu.pipeline_mode<synchronous>, transform_indices = @transform_16, window_bounds = array<i64: 1, 64>}, {pipeline_mode = #tpu.pipeline_mode<synchronous>, transform_indices = @transform_17, window_bounds = array<i64: 1024, 64>}, {transform_indices = @transform_18, window_bounds = array<i64: 1, 192, 256>}, {pipeline_mode = #tpu.pipeline_mode<synchronous>, transform_indices = @transform_19, window_bounds = array<i64: 1, 256>}, {pipeline_mode = #tpu.pipeline_mode<synchronous>, transform_indices = @transform_20, window_bounds = array<i64: 1, 256>}, {pipeline_mode = #tpu.pipeline_mode<synchronous>, transform_indices = @transform_21, window_bounds = array<i64: 1024, 256>}, {transform_indices = @transform_22, window_bounds = array<i64: 1, 144, 512>}, {pipeline_mode = #tpu.pipeline_mode<synchronous>, transform_indices = @transform_23, window_bounds = array<i64: 1, 512>}, {pipeline_mode = #tpu.pipeline_mode<synchronous>, transform_indices = @transform_24, window_bounds = array<i64: 1, 512>}, {pipeline_mode = #tpu.pipeline_mode<synchronous>, transform_indices = @transform_25, window_bounds = array<i64: 1024, 512>}, {pipeline_mode = #tpu.pipeline_mode<synchronous>, transform_indices = @transform_26, window_bounds = array<i64: 512, 128>}, {pipeline_mode = #tpu.pipeline_mode<synchronous>, transform_indices = @transform_27, window_bounds = array<i64: 1536, 128>}, {transform_indices = @transform_28, window_bounds = array<i64: 1, 400, 64>}, {pipeline_mode = #tpu.pipeline_mode<synchronous>, transform_indices = @transform_29, window_bounds = array<i64: 1, 64>}, {pipeline_mode = #tpu.pipeline_mode<synchronous>, transform_indices = @transform_30, window_bounds = array<i64: 1, 64>}, {pipeline_mode = #tpu.pipeline_mode<synchronous>, transform_indices = @transform_31, window_bounds = array<i64: 2048, 64>}, {transform_indices = @transform_32, window_bounds = array<i64: 1, 192, 128>}, {pipeline_mode = #tpu.pipeline_mode<synchronous>, transform_indices = @transform_33, window_bounds = array<i64: 1, 128>}, {pipeline_mode = #tpu.pipeline_mode<synchronous>, transform_indices = @transform_34, window_bounds = array<i64: 1, 128>}, {pipeline_mode = #tpu.pipeline_mode<synchronous>, transform_indices = @transform_35, window_bounds = array<i64: 2048, 128>}, {transform_indices = @transform_36, window_bounds = array<i64: 1, 144, 512>}, {pipeline_mode = #tpu.pipeline_mode<synchronous>, transform_indices = @transform_37, window_bounds = array<i64: 1, 512>}, {pipeline_mode = #tpu.pipeline_mode<synchronous>, transform_indices = @transform_38, window_bounds = array<i64: 1, 512>}, {pipeline_mode = #tpu.pipeline_mode<synchronous>, transform_indices = @transform_39, window_bounds = array<i64: 2048, 512>}, {pipeline_mode = #tpu.pipeline_mode<synchronous>, transform_indices = @transform_40, window_bounds = array<i64: 1024, 256>}, {pipeline_mode = #tpu.pipeline_mode<synchronous>, transform_indices = @transform_41, window_bounds = array<i64: 3072, 256>}, {transform_indices = @transform_42, window_bounds = array<i64: 1, 64, 3072>}, {transform_indices = @transform_43, window_bounds = array<i64: 1, 3072, 64>}, {transform_indices = @transform_44, window_bounds = array<i64: 1, 128, 4096>}, {transform_indices = @transform_45, window_bounds = array<i64: 1, 4096, 128>}, {transform_indices = @transform_46, window_bounds = array<i64: 1, 256, 4096>}, {transform_indices = @transform_47, window_bounds = array<i64: 1, 4096, 256>}]} {
    %get3A = arith.constant 0 : index
    %get3A_0 = arith.constant 0 : index
    %get3A_1 = arith.constant 0 : index
    %get3A_2 = vector.load %arg1[%get3A, %get3A_0, %get3A_1] : memref<1x192x128xf32, #tpu.memory_space<vmem>>, vector<1x192x128xf32>
    %get3A_3 = vector.shape_cast %get3A_2 : vector<1x192x128xf32> to vector<192x128xf32>
    %get3A_4 = arith.constant 0 : index
    %get3A_5 = arith.constant 0 : index
    %get3A_6 = vector.load %arg2[%get3A_4, %get3A_5] : memref<1x128xf32, #tpu.memory_space<vmem>>, vector<1x128xf32>
    %get3A_7 = vector.shape_cast %get3A_6 : vector<1x128xf32> to vector<128xf32>
    %get3A_8 = arith.constant 0 : index
    %get3A_9 = arith.constant 0 : index
    %get3A_10 = vector.load %arg3[%get3A_8, %get3A_9] : memref<1x128xf32, #tpu.memory_space<vmem>>, vector<1x128xf32>
    %get3A_11 = vector.shape_cast %get3A_10 : vector<1x128xf32> to vector<128xf32>
    %reduce_sum3A = arith.constant dense<0.000000e+00> : vector<192xf32>
    %reduce_sum3A_12 = vector.multi_reduction <add>, %get3A_3, %reduce_sum3A [1] : vector<192x128xf32> to vector<192xf32>
    %broadcast_in_dim3A = vector.shape_cast %reduce_sum3A_12 : vector<192xf32> to vector<192x1xf32>
    %div3A = arith.constant 1.280000e+02 : f32
    %div3A_13 = vector.broadcast %div3A : f32 to vector<192x1xf32>
    %div3A_14 = arith.divf %broadcast_in_dim3A, %div3A_13 : vector<192x1xf32>
    %sub3A = vector.broadcast %div3A_14 : vector<192x1xf32> to vector<192x128xf32>
    %sub3A_15 = arith.subf %get3A_3, %sub3A : vector<192x128xf32>
    %integer_pow3A = arith.mulf %sub3A_15, %sub3A_15 : vector<192x128xf32>
    %reduce_sum3A_16 = arith.constant dense<0.000000e+00> : vector<192xf32>
    %reduce_sum3A_17 = vector.multi_reduction <add>, %integer_pow3A, %reduce_sum3A_16 [1] : vector<192x128xf32> to vector<192xf32>
    %broadcast_in_dim3A_18 = vector.shape_cast %reduce_sum3A_17 : vector<192xf32> to vector<192x1xf32>
    %div3A_19 = arith.constant 1.280000e+02 : f32
    %div3A_20 = vector.broadcast %div3A_19 : f32 to vector<192x1xf32>
    %div3A_21 = arith.divf %broadcast_in_dim3A_18, %div3A_20 : vector<192x1xf32>
    %sub3A_22 = vector.broadcast %div3A_14 : vector<192x1xf32> to vector<192x128xf32>
    %sub3A_23 = arith.subf %get3A_3, %sub3A_22 : vector<192x128xf32>
    %add3A = arith.constant 9.99999974E-6 : f32
    %add3A_24 = vector.broadcast %add3A : f32 to vector<192x1xf32>
    %add3A_25 = arith.addf %div3A_21, %add3A_24 : vector<192x1xf32>
    %sqrt3A = math.sqrt %add3A_25 : vector<192x1xf32>
    %div3A_26 = vector.broadcast %sqrt3A : vector<192x1xf32> to vector<192x128xf32>
    %div3A_27 = arith.divf %sub3A_23, %div3A_26 : vector<192x128xf32>
    %broadcast_in_dim3A_28 = vector.shape_cast %get3A_7 : vector<128xf32> to vector<1x128xf32>
    %mul3A = vector.broadcast %broadcast_in_dim3A_28 : vector<1x128xf32> to vector<192x128xf32>
    %mul3A_29 = arith.mulf %div3A_27, %mul3A : vector<192x128xf32>
    %broadcast_in_dim3A_30 = vector.shape_cast %get3A_11 : vector<128xf32> to vector<1x128xf32>
    %add3A_31 = vector.broadcast %broadcast_in_dim3A_30 : vector<1x128xf32> to vector<192x128xf32>
    %add3A_32 = arith.addf %mul3A_29, %add3A_31 : vector<192x128xf32>
    %get3A_33 = arith.constant 0 : index
    %get3A_34 = arith.constant 0 : index
    %get3A_35 = vector.load %arg4[%get3A_33, %get3A_34] : memref<512x128xf32, #tpu.memory_space<vmem>>, vector<512x128xf32>
    %dot_general3A = arith.constant dense<0.000000e+00> : vector<512x192xf32>
    %dot_general3A_36 = tpu.matmul %get3A_35, %add3A_32, %dot_general3A {dimension_numbers = #tpu.dot_dimension_numbers<[1], [1], [0], [0], [0, 0, 1, 0], [], []>, transpose_lhs_hint = false} : vector<512x128xf32>, vector<192x128xf32>, vector<512x192xf32> -> vector<512x192xf32>
    %slice3A = vector.extract_strided_slice %dot_general3A_36 {offsets = [0, 0], sizes = [64, 192], strides = [1, 1]} : vector<512x192xf32> to vector<64x192xf32>
    %get3A_37 = arith.constant 0 : index
    %get3A_38 = arith.constant 0 : index
    %get3A_39 = vector.load %arg13[%get3A_37, %get3A_38] : memref<256x64xf32, #tpu.memory_space<vmem>>, vector<64x64xf32>
    %dot_general3A_40 = arith.constant dense<0.000000e+00> : vector<64x192xf32>
    %dot_general3A_41 = tpu.matmul %get3A_39, %slice3A, %dot_general3A_40 {dimension_numbers = #tpu.dot_dimension_numbers<[0], [0], [1], [1], [0, 1, 1, 1], [], []>, transpose_lhs_hint = false} : vector<64x64xf32>, vector<64x192xf32>, vector<64x192xf32> -> vector<64x192xf32>
    %convert_element_type3A = arith.truncf %dot_general3A_41 : vector<64x192xf32> to vector<64x192xbf16>
    %slice3A_42 = vector.extract_strided_slice %dot_general3A_36 {offsets = [256, 0], sizes = [64, 192], strides = [1, 1]} : vector<512x192xf32> to vector<64x192xf32>
    %get3A_43 = arith.constant 0 : index
    %get3A_44 = arith.constant 0 : index
    %get3A_45 = vector.load %arg14[%get3A_43, %get3A_44] : memref<768x64xf32, #tpu.memory_space<vmem>>, vector<64x64xf32>
    %dot_general3A_46 = arith.constant dense<0.000000e+00> : vector<192x64xf32>
    %dot_general3A_47 = tpu.matmul %slice3A_42, %get3A_45, %dot_general3A_46 {dimension_numbers = #tpu.dot_dimension_numbers<[0], [0], [1], [1], [0, 1, 1, 1], [], []>, transpose_lhs_hint = false} : vector<64x192xf32>, vector<64x64xf32>, vector<192x64xf32> -> vector<192x64xf32>
    %convert_element_type3A_48 = arith.truncf %dot_general3A_47 : vector<192x64xf32> to vector<192x64xbf16>
    %broadcast_in_dim3A_49 = arith.constant 0.000000e+00 : bf16
    %broadcast_in_dim3A_50 = vector.broadcast %broadcast_in_dim3A_49 : bf16 to vector<64x64xbf16>
    %concatenate3A = tpu.concatenate %convert_element_type3A, %broadcast_in_dim3A_50 in 1 : vector<64x192xbf16>, vector<64x64xbf16> -> vector<64x256xbf16>
    %broadcast_in_dim3A_51 = arith.constant 0.000000e+00 : bf16
    %broadcast_in_dim3A_52 = vector.broadcast %broadcast_in_dim3A_51 : bf16 to vector<64x64xbf16>
    %concatenate3A_53 = tpu.concatenate %convert_element_type3A_48, %broadcast_in_dim3A_52 in 0 : vector<192x64xbf16>, vector<64x64xbf16> -> vector<256x64xbf16>
    %swap3A = arith.constant 0 : index
    %swap3A_54 = arith.constant 0 : index
    %swap3A_55 = arith.constant 0 : index
    %swap3A_56 = vector.load %arg43[%swap3A, %swap3A_54, %swap3A_55] : memref<1x64x3072xbf16, #tpu.memory_space<vmem>>, vector<1x64x256xbf16>
    %swap3A_57 = vector.shape_cast %swap3A_56 : vector<1x64x256xbf16> to vector<64x256xbf16>
    %swap3A_58 = vector.shape_cast %concatenate3A : vector<64x256xbf16> to vector<1x64x256xbf16>
    tpu.vector_store %arg43[%swap3A, %swap3A_54, %swap3A_55], %swap3A_58 {strides = array<i32>} : memref<1x64x3072xbf16, #tpu.memory_space<vmem>>, vector<1x64x256xbf16>,
    %swap3A_59 = arith.constant 0 : index
    %swap3A_60 = arith.constant 0 : index
    %swap3A_61 = arith.constant 0 : index
    %swap3A_62 = vector.load %arg44[%swap3A_59, %swap3A_60, %swap3A_61] : memref<1x3072x64xbf16, #tpu.memory_space<vmem>>, vector<1x256x64xbf16>
    %swap3A_63 = vector.shape_cast %swap3A_62 : vector<1x256x64xbf16> to vector<256x64xbf16>
    %swap3A_64 = vector.shape_cast %concatenate3A_53 : vector<256x64xbf16> to vector<1x256x64xbf16>
    tpu.vector_store %arg44[%swap3A_59, %swap3A_60, %swap3A_61], %swap3A_64 {strides = array<i32>} : memref<1x3072x64xbf16, #tpu.memory_space<vmem>>, vector<1x256x64xbf16>,
    %slice3A_65 = vector.extract_strided_slice %dot_general3A_36 {offsets = [64, 0], sizes = [64, 192], strides = [1, 1]} : vector<512x192xf32> to vector<64x192xf32>
    %get3A_66 = arith.constant 64 : index
    %get3A_67 = arith.constant 0 : index
    %get3A_68 = vector.load %arg13[%get3A_66, %get3A_67] : memref<256x64xf32, #tpu.memory_space<vmem>>, vector<64x64xf32>
    %dot_general3A_69 = arith.constant dense<0.000000e+00> : vector<64x192xf32>
    %dot_general3A_70 = tpu.matmul %get3A_68, %slice3A_65, %dot_general3A_69 {dimension_numbers = #tpu.dot_dimension_numbers<[0], [0], [1], [1], [0, 1, 1, 1], [], []>, transpose_lhs_hint = false} : vector<64x64xf32>, vector<64x192xf32>, vector<64x192xf32> -> vector<64x192xf32>
    %convert_element_type3A_71 = arith.truncf %dot_general3A_70 : vector<64x192xf32> to vector<64x192xbf16>
    %slice3A_72 = vector.extract_strided_slice %dot_general3A_36 {offsets = [320, 0], sizes = [64, 192], strides = [1, 1]} : vector<512x192xf32> to vector<64x192xf32>
    %get3A_73 = arith.constant 192 : index
    %get3A_74 = arith.constant 0 : index
    %get3A_75 = vector.load %arg14[%get3A_73, %get3A_74] : memref<768x64xf32, #tpu.memory_space<vmem>>, vector<64x64xf32>
    %dot_general3A_76 = arith.constant dense<0.000000e+00> : vector<192x64xf32>
    %dot_general3A_77 = tpu.matmul %slice3A_72, %get3A_75, %dot_general3A_76 {dimension_numbers = #tpu.dot_dimension_numbers<[0], [0], [1], [1], [0, 1, 1, 1], [], []>, transpose_lhs_hint = false} : vector<64x192xf32>, vector<64x64xf32>, vector<192x64xf32> -> vector<192x64xf32>
    %convert_element_type3A_78 = arith.truncf %dot_general3A_77 : vector<192x64xf32> to vector<192x64xbf16>
    %broadcast_in_dim3A_79 = arith.constant 0.000000e+00 : bf16
    %broadcast_in_dim3A_80 = vector.broadcast %broadcast_in_dim3A_79 : bf16 to vector<64x64xbf16>
    %concatenate3A_81 = tpu.concatenate %convert_element_type3A_71, %broadcast_in_dim3A_80 in 1 : vector<64x192xbf16>, vector<64x64xbf16> -> vector<64x256xbf16>
    %broadcast_in_dim3A_82 = arith.constant 0.000000e+00 : bf16
    %broadcast_in_dim3A_83 = vector.broadcast %broadcast_in_dim3A_82 : bf16 to vector<64x64xbf16>
    %concatenate3A_84 = tpu.concatenate %convert_element_type3A_78, %broadcast_in_dim3A_83 in 0 : vector<192x64xbf16>, vector<64x64xbf16> -> vector<256x64xbf16>
    %swap3A_85 = arith.constant 0 : index
    %swap3A_86 = arith.constant 0 : index
    %swap3A_87 = arith.constant 768 : index
    %swap3A_88 = vector.load %arg43[%swap3A_85, %swap3A_86, %swap3A_87] : memref<1x64x3072xbf16, #tpu.memory_space<vmem>>, vector<1x64x256xbf16>
    %swap3A_89 = vector.shape_cast %swap3A_88 : vector<1x64x256xbf16> to vector<64x256xbf16>
    %swap3A_90 = vector.shape_cast %concatenate3A_81 : vector<64x256xbf16> to vector<1x64x256xbf16>
    tpu.vector_store %arg43[%swap3A_85, %swap3A_86, %swap3A_87], %swap3A_90 {strides = array<i32>} : memref<1x64x3072xbf16, #tpu.memory_space<vmem>>, vector<1x64x256xbf16>,
    %swap3A_91 = arith.constant 0 : index
    %swap3A_92 = arith.constant 768 : index
    %swap3A_93 = arith.constant 0 : index
    %swap3A_94 = vector.load %arg44[%swap3A_91, %swap3A_92, %swap3A_93] : memref<1x3072x64xbf16, #tpu.memory_space<vmem>>, vector<1x256x64xbf16>
    %swap3A_95 = vector.shape_cast %swap3A_94 : vector<1x256x64xbf16> to vector<256x64xbf16>
    %swap3A_96 = vector.shape_cast %concatenate3A_84 : vector<256x64xbf16> to vector<1x256x64xbf16>
    tpu.vector_store %arg44[%swap3A_91, %swap3A_92, %swap3A_93], %swap3A_96 {strides = array<i32>} : memref<1x3072x64xbf16, #tpu.memory_space<vmem>>, vector<1x256x64xbf16>,
    %slice3A_97 = vector.extract_strided_slice %dot_general3A_36 {offsets = [128, 0], sizes = [64, 192], strides = [1, 1]} : vector<512x192xf32> to vector<64x192xf32>
    %get3A_98 = arith.constant 128 : index
    %get3A_99 = arith.constant 0 : index
    %get3A_100 = vector.load %arg13[%get3A_98, %get3A_99] : memref<256x64xf32, #tpu.memory_space<vmem>>, vector<64x64xf32>
    %dot_general3A_101 = arith.constant dense<0.000000e+00> : vector<64x192xf32>
    %dot_general3A_102 = tpu.matmul %get3A_100, %slice3A_97, %dot_general3A_101 {dimension_numbers = #tpu.dot_dimension_numbers<[0], [0], [1], [1], [0, 1, 1, 1], [], []>, transpose_lhs_hint = false} : vector<64x64xf32>, vector<64x192xf32>, vector<64x192xf32> -> vector<64x192xf32>
    %convert_element_type3A_103 = arith.truncf %dot_general3A_102 : vector<64x192xf32> to vector<64x192xbf16>
    %slice3A_104 = vector.extract_strided_slice %dot_general3A_36 {offsets = [384, 0], sizes = [64, 192], strides = [1, 1]} : vector<512x192xf32> to vector<64x192xf32>
    %get3A_105 = arith.constant 384 : index
    %get3A_106 = arith.constant 0 : index
    %get3A_107 = vector.load %arg14[%get3A_105, %get3A_106] : memref<768x64xf32, #tpu.memory_space<vmem>>, vector<64x64xf32>
    %dot_general3A_108 = arith.constant dense<0.000000e+00> : vector<192x64xf32>
    %dot_general3A_109 = tpu.matmul %slice3A_104, %get3A_107, %dot_general3A_108 {dimension_numbers = #tpu.dot_dimension_numbers<[0], [0], [1], [1], [0, 1, 1, 1], [], []>, transpose_lhs_hint = false} : vector<64x192xf32>, vector<64x64xf32>, vector<192x64xf32> -> vector<192x64xf32>
    %convert_element_type3A_110 = arith.truncf %dot_general3A_109 : vector<192x64xf32> to vector<192x64xbf16>
    %broadcast_in_dim3A_111 = arith.constant 0.000000e+00 : bf16
    %broadcast_in_dim3A_112 = vector.broadcast %broadcast_in_dim3A_111 : bf16 to vector<64x64xbf16>
    %concatenate3A_113 = tpu.concatenate %convert_element_type3A_103, %broadcast_in_dim3A_112 in 1 : vector<64x192xbf16>, vector<64x64xbf16> -> vector<64x256xbf16>
    %broadcast_in_dim3A_114 = arith.constant 0.000000e+00 : bf16
    %broadcast_in_dim3A_115 = vector.broadcast %broadcast_in_dim3A_114 : bf16 to vector<64x64xbf16>
    %concatenate3A_116 = tpu.concatenate %convert_element_type3A_110, %broadcast_in_dim3A_115 in 0 : vector<192x64xbf16>, vector<64x64xbf16> -> vector<256x64xbf16>
    %swap3A_117 = arith.constant 0 : index
    %swap3A_118 = arith.constant 0 : index
    %swap3A_119 = arith.constant 1536 : index
    %swap3A_120 = vector.load %arg43[%swap3A_117, %swap3A_118, %swap3A_119] : memref<1x64x3072xbf16, #tpu.memory_space<vmem>>, vector<1x64x256xbf16>
    %swap3A_121 = vector.shape_cast %swap3A_120 : vector<1x64x256xbf16> to vector<64x256xbf16>
    %swap3A_122 = vector.shape_cast %concatenate3A_113 : vector<64x256xbf16> to vector<1x64x256xbf16>
    tpu.vector_store %arg43[%swap3A_117, %swap3A_118, %swap3A_119], %swap3A_122 {strides = array<i32>} : memref<1x64x3072xbf16, #tpu.memory_space<vmem>>, vector<1x64x256xbf16>,
    %swap3A_123 = arith.constant 0 : index
    %swap3A_124 = arith.constant 1536 : index
    %swap3A_125 = arith.constant 0 : index
    %swap3A_126 = vector.load %arg44[%swap3A_123, %swap3A_124, %swap3A_125] : memref<1x3072x64xbf16, #tpu.memory_space<vmem>>, vector<1x256x64xbf16>
    %swap3A_127 = vector.shape_cast %swap3A_126 : vector<1x256x64xbf16> to vector<256x64xbf16>
    %swap3A_128 = vector.shape_cast %concatenate3A_116 : vector<256x64xbf16> to vector<1x256x64xbf16>
    tpu.vector_store %arg44[%swap3A_123, %swap3A_124, %swap3A_125], %swap3A_128 {strides = array<i32>} : memref<1x3072x64xbf16, #tpu.memory_space<vmem>>, vector<1x256x64xbf16>,
    %slice3A_129 = vector.extract_strided_slice %dot_general3A_36 {offsets = [192, 0], sizes = [64, 192], strides = [1, 1]} : vector<512x192xf32> to vector<64x192xf32>
    %get3A_130 = arith.constant 192 : index
    %get3A_131 = arith.constant 0 : index
    %get3A_132 = vector.load %arg13[%get3A_130, %get3A_131] : memref<256x64xf32, #tpu.memory_space<vmem>>, vector<64x64xf32>
    %dot_general3A_133 = arith.constant dense<0.000000e+00> : vector<64x192xf32>
    %dot_general3A_134 = tpu.matmul %get3A_132, %slice3A_129, %dot_general3A_133 {dimension_numbers = #tpu.dot_dimension_numbers<[0], [0], [1], [1], [0, 1, 1, 1], [], []>, transpose_lhs_hint = false} : vector<64x64xf32>, vector<64x192xf32>, vector<64x192xf32> -> vector<64x192xf32>
    %convert_element_type3A_135 = arith.truncf %dot_general3A_134 : vector<64x192xf32> to vector<64x192xbf16>
    %slice3A_136 = vector.extract_strided_slice %dot_general3A_36 {offsets = [448, 0], sizes = [64, 192], strides = [1, 1]} : vector<512x192xf32> to vector<64x192xf32>
    %get3A_137 = arith.constant 576 : index
    %get3A_138 = arith.constant 0 : index
    %get3A_139 = vector.load %arg14[%get3A_137, %get3A_138] : memref<768x64xf32, #tpu.memory_space<vmem>>, vector<64x64xf32>
    %dot_general3A_140 = arith.constant dense<0.000000e+00> : vector<192x64xf32>
    %dot_general3A_141 = tpu.matmul %slice3A_136, %get3A_139, %dot_general3A_140 {dimension_numbers = #tpu.dot_dimension_numbers<[0], [0], [1], [1], [0, 1, 1, 1], [], []>, transpose_lhs_hint = false} : vector<64x192xf32>, vector<64x64xf32>, vector<192x64xf32> -> vector<192x64xf32>
    %convert_element_type3A_142 = arith.truncf %dot_general3A_141 : vector<192x64xf32> to vector<192x64xbf16>
    %broadcast_in_dim3A_143 = arith.constant 0.000000e+00 : bf16
    %broadcast_in_dim3A_144 = vector.broadcast %broadcast_in_dim3A_143 : bf16 to vector<64x64xbf16>
    %concatenate3A_145 = tpu.concatenate %convert_element_type3A_135, %broadcast_in_dim3A_144 in 1 : vector<64x192xbf16>, vector<64x64xbf16> -> vector<64x256xbf16>
    %broadcast_in_dim3A_146 = arith.constant 0.000000e+00 : bf16
    %broadcast_in_dim3A_147 = vector.broadcast %broadcast_in_dim3A_146 : bf16 to vector<64x64xbf16>
    %concatenate3A_148 = tpu.concatenate %convert_element_type3A_142, %broadcast_in_dim3A_147 in 0 : vector<192x64xbf16>, vector<64x64xbf16> -> vector<256x64xbf16>
    %swap3A_149 = arith.constant 0 : index
    %swap3A_150 = arith.constant 0 : index
    %swap3A_151 = arith.constant 2304 : index
    %swap3A_152 = vector.load %arg43[%swap3A_149, %swap3A_150, %swap3A_151] : memref<1x64x3072xbf16, #tpu.memory_space<vmem>>, vector<1x64x256xbf16>
    %swap3A_153 = vector.shape_cast %swap3A_152 : vector<1x64x256xbf16> to vector<64x256xbf16>
    %swap3A_154 = vector.shape_cast %concatenate3A_145 : vector<64x256xbf16> to vector<1x64x256xbf16>
    tpu.vector_store %arg43[%swap3A_149, %swap3A_150, %swap3A_151], %swap3A_154 {strides = array<i32>} : memref<1x64x3072xbf16, #tpu.memory_space<vmem>>, vector<1x64x256xbf16>,
    %swap3A_155 = arith.constant 0 : index
    %swap3A_156 = arith.constant 2304 : index
    %swap3A_157 = arith.constant 0 : index
    %swap3A_158 = vector.load %arg44[%swap3A_155, %swap3A_156, %swap3A_157] : memref<1x3072x64xbf16, #tpu.memory_space<vmem>>, vector<1x256x64xbf16>
    %swap3A_159 = vector.shape_cast %swap3A_158 : vector<1x256x64xbf16> to vector<256x64xbf16>
    %swap3A_160 = vector.shape_cast %concatenate3A_148 : vector<256x64xbf16> to vector<1x256x64xbf16>
    tpu.vector_store %arg44[%swap3A_155, %swap3A_156, %swap3A_157], %swap3A_160 {strides = array<i32>} : memref<1x3072x64xbf16, #tpu.memory_space<vmem>>, vector<1x256x64xbf16>,
    %get3A_161 = arith.constant 0 : index
    %get3A_162 = arith.constant 0 : index
    %get3A_163 = arith.constant 0 : index
    %get3A_164 = vector.load %arg5[%get3A_161, %get3A_162, %get3A_163] : memref<1x192x256xf32, #tpu.memory_space<vmem>>, vector<1x192x256xf32>
    %get3A_165 = vector.shape_cast %get3A_164 : vector<1x192x256xf32> to vector<192x256xf32>
    %get3A_166 = arith.constant 0 : index
    %get3A_167 = arith.constant 0 : index
    %get3A_168 = vector.load %arg6[%get3A_166, %get3A_167] : memref<1x256xf32, #tpu.memory_space<vmem>>, vector<1x256xf32>
    %get3A_169 = vector.shape_cast %get3A_168 : vector<1x256xf32> to vector<256xf32>
    %get3A_170 = arith.constant 0 : index
    %get3A_171 = arith.constant 0 : index
    %get3A_172 = vector.load %arg7[%get3A_170, %get3A_171] : memref<1x256xf32, #tpu.memory_space<vmem>>, vector<1x256xf32>
    %get3A_173 = vector.shape_cast %get3A_172 : vector<1x256xf32> to vector<256xf32>
    %reduce_sum3A_174 = arith.constant dense<0.000000e+00> : vector<192xf32>
    %reduce_sum3A_175 = vector.multi_reduction <add>, %get3A_165, %reduce_sum3A_174 [1] : vector<192x256xf32> to vector<192xf32>
    %broadcast_in_dim3A_176 = vector.shape_cast %reduce_sum3A_175 : vector<192xf32> to vector<192x1xf32>
    %div3A_177 = arith.constant 2.560000e+02 : f32
    %div3A_178 = vector.broadcast %div3A_177 : f32 to vector<192x1xf32>
    %div3A_179 = arith.divf %broadcast_in_dim3A_176, %div3A_178 : vector<192x1xf32>
    %sub3A_180 = vector.broadcast %div3A_179 : vector<192x1xf32> to vector<192x256xf32>
    %sub3A_181 = arith.subf %get3A_165, %sub3A_180 : vector<192x256xf32>
    %integer_pow3A_182 = arith.mulf %sub3A_181, %sub3A_181 : vector<192x256xf32>
    %reduce_sum3A_183 = arith.constant dense<0.000000e+00> : vector<192xf32>
    %reduce_sum3A_184 = vector.multi_reduction <add>, %integer_pow3A_182, %reduce_sum3A_183 [1] : vector<192x256xf32> to vector<192xf32>
    %broadcast_in_dim3A_185 = vector.shape_cast %reduce_sum3A_184 : vector<192xf32> to vector<192x1xf32>
    %div3A_186 = arith.constant 2.560000e+02 : f32
    %div3A_187 = vector.broadcast %div3A_186 : f32 to vector<192x1xf32>
    %div3A_188 = arith.divf %broadcast_in_dim3A_185, %div3A_187 : vector<192x1xf32>
    %sub3A_189 = vector.broadcast %div3A_179 : vector<192x1xf32> to vector<192x256xf32>
    %sub3A_190 = arith.subf %get3A_165, %sub3A_189 : vector<192x256xf32>
    %add3A_191 = arith.constant 9.99999974E-6 : f32
    %add3A_192 = vector.broadcast %add3A_191 : f32 to vector<192x1xf32>
    %add3A_193 = arith.addf %div3A_188, %add3A_192 : vector<192x1xf32>
    %sqrt3A_194 = math.sqrt %add3A_193 : vector<192x1xf32>
    %div3A_195 = vector.broadcast %sqrt3A_194 : vector<192x1xf32> to vector<192x256xf32>
    %div3A_196 = arith.divf %sub3A_190, %div3A_195 : vector<192x256xf32>
    %broadcast_in_dim3A_197 = vector.shape_cast %get3A_169 : vector<256xf32> to vector<1x256xf32>
    %mul3A_198 = vector.broadcast %broadcast_in_dim3A_197 : vector<1x256xf32> to vector<192x256xf32>
    %mul3A_199 = arith.mulf %div3A_196, %mul3A_198 : vector<192x256xf32>
    %broadcast_in_dim3A_200 = vector.shape_cast %get3A_173 : vector<256xf32> to vector<1x256xf32>
    %add3A_201 = vector.broadcast %broadcast_in_dim3A_200 : vector<1x256xf32> to vector<192x256xf32>
    %add3A_202 = arith.addf %mul3A_199, %add3A_201 : vector<192x256xf32>
    %get3A_203 = arith.constant 0 : index
    %get3A_204 = arith.constant 0 : index
    %get3A_205 = vector.load %arg8[%get3A_203, %get3A_204] : memref<512x256xf32, #tpu.memory_space<vmem>>, vector<512x256xf32>
    %dot_general3A_206 = arith.constant dense<0.000000e+00> : vector<512x192xf32>
    %dot_general3A_207 = tpu.matmul %get3A_205, %add3A_202, %dot_general3A_206 {dimension_numbers = #tpu.dot_dimension_numbers<[1], [1], [0], [0], [0, 0, 1, 0], [], []>, transpose_lhs_hint = false} : vector<512x256xf32>, vector<192x256xf32>, vector<512x192xf32> -> vector<512x192xf32>
    %slice3A_208 = vector.extract_strided_slice %dot_general3A_207 {offsets = [0, 0], sizes = [64, 192], strides = [1, 1]} : vector<512x192xf32> to vector<64x192xf32>
    %get3A_209 = arith.constant 0 : index
    %get3A_210 = arith.constant 0 : index
    %get3A_211 = vector.load %arg13[%get3A_209, %get3A_210] : memref<256x64xf32, #tpu.memory_space<vmem>>, vector<64x64xf32>
    %dot_general3A_212 = arith.constant dense<0.000000e+00> : vector<64x192xf32>
    %dot_general3A_213 = tpu.matmul %get3A_211, %slice3A_208, %dot_general3A_212 {dimension_numbers = #tpu.dot_dimension_numbers<[0], [0], [1], [1], [0, 1, 1, 1], [], []>, transpose_lhs_hint = false} : vector<64x64xf32>, vector<64x192xf32>, vector<64x192xf32> -> vector<64x192xf32>
    %convert_element_type3A_214 = arith.truncf %dot_general3A_213 : vector<64x192xf32> to vector<64x192xbf16>
    %slice3A_215 = vector.extract_strided_slice %dot_general3A_207 {offsets = [256, 0], sizes = [64, 192], strides = [1, 1]} : vector<512x192xf32> to vector<64x192xf32>
    %get3A_216 = arith.constant 64 : index
    %get3A_217 = arith.constant 0 : index
    %get3A_218 = vector.load %arg14[%get3A_216, %get3A_217] : memref<768x64xf32, #tpu.memory_space<vmem>>, vector<64x64xf32>
    %dot_general3A_219 = arith.constant dense<0.000000e+00> : vector<192x64xf32>
    %dot_general3A_220 = tpu.matmul %slice3A_215, %get3A_218, %dot_general3A_219 {dimension_numbers = #tpu.dot_dimension_numbers<[0], [0], [1], [1], [0, 1, 1, 1], [], []>, transpose_lhs_hint = false} : vector<64x192xf32>, vector<64x64xf32>, vector<192x64xf32> -> vector<192x64xf32>
    %convert_element_type3A_221 = arith.truncf %dot_general3A_220 : vector<192x64xf32> to vector<192x64xbf16>
    %broadcast_in_dim3A_222 = arith.constant 0.000000e+00 : bf16
    %broadcast_in_dim3A_223 = vector.broadcast %broadcast_in_dim3A_222 : bf16 to vector<64x64xbf16>
    %concatenate3A_224 = tpu.concatenate %convert_element_type3A_214, %broadcast_in_dim3A_223 in 1 : vector<64x192xbf16>, vector<64x64xbf16> -> vector<64x256xbf16>
    %broadcast_in_dim3A_225 = arith.constant 0.000000e+00 : bf16
    %broadcast_in_dim3A_226 = vector.broadcast %broadcast_in_dim3A_225 : bf16 to vector<64x64xbf16>
    %concatenate3A_227 = tpu.concatenate %convert_element_type3A_221, %broadcast_in_dim3A_226 in 0 : vector<192x64xbf16>, vector<64x64xbf16> -> vector<256x64xbf16>
    %swap3A_228 = arith.constant 0 : index
    %swap3A_229 = arith.constant 0 : index
    %swap3A_230 = arith.constant 256 : index
    %swap3A_231 = vector.load %arg43[%swap3A_228, %swap3A_229, %swap3A_230] : memref<1x64x3072xbf16, #tpu.memory_space<vmem>>, vector<1x64x256xbf16>
    %swap3A_232 = vector.shape_cast %swap3A_231 : vector<1x64x256xbf16> to vector<64x256xbf16>
    %swap3A_233 = vector.shape_cast %concatenate3A_224 : vector<64x256xbf16> to vector<1x64x256xbf16>
    tpu.vector_store %arg43[%swap3A_228, %swap3A_229, %swap3A_230], %swap3A_233 {strides = array<i32>} : memref<1x64x3072xbf16, #tpu.memory_space<vmem>>, vector<1x64x256xbf16>,
    %swap3A_234 = arith.constant 0 : index
    %swap3A_235 = arith.constant 256 : index
    %swap3A_236 = arith.constant 0 : index
    %swap3A_237 = vector.load %arg44[%swap3A_234, %swap3A_235, %swap3A_236] : memref<1x3072x64xbf16, #tpu.memory_space<vmem>>, vector<1x256x64xbf16>
    %swap3A_238 = vector.shape_cast %swap3A_237 : vector<1x256x64xbf16> to vector<256x64xbf16>
    %swap3A_239 = vector.shape_cast %concatenate3A_227 : vector<256x64xbf16> to vector<1x256x64xbf16>
    tpu.vector_store %arg44[%swap3A_234, %swap3A_235, %swap3A_236], %swap3A_239 {strides = array<i32>} : memref<1x3072x64xbf16, #tpu.memory_space<vmem>>, vector<1x256x64xbf16>,
    %slice3A_240 = vector.extract_strided_slice %dot_general3A_207 {offsets = [64, 0], sizes = [64, 192], strides = [1, 1]} : vector<512x192xf32> to vector<64x192xf32>
    %get3A_241 = arith.constant 64 : index
    %get3A_242 = arith.constant 0 : index
    %get3A_243 = vector.load %arg13[%get3A_241, %get3A_242] : memref<256x64xf32, #tpu.memory_space<vmem>>, vector<64x64xf32>
    %dot_general3A_244 = arith.constant dense<0.000000e+00> : vector<64x192xf32>
    %dot_general3A_245 = tpu.matmul %get3A_243, %slice3A_240, %dot_general3A_244 {dimension_numbers = #tpu.dot_dimension_numbers<[0], [0], [1], [1], [0, 1, 1, 1], [], []>, transpose_lhs_hint = false} : vector<64x64xf32>, vector<64x192xf32>, vector<64x192xf32> -> vector<64x192xf32>
    %convert_element_type3A_246 = arith.truncf %dot_general3A_245 : vector<64x192xf32> to vector<64x192xbf16>
    %slice3A_247 = vector.extract_strided_slice %dot_general3A_207 {offsets = [320, 0], sizes = [64, 192], strides = [1, 1]} : vector<512x192xf32> to vector<64x192xf32>
    %get3A_248 = arith.constant 256 : index
    %get3A_249 = arith.constant 0 : index
    %get3A_250 = vector.load %arg14[%get3A_248, %get3A_249] : memref<768x64xf32, #tpu.memory_space<vmem>>, vector<64x64xf32>
    %dot_general3A_251 = arith.constant dense<0.000000e+00> : vector<192x64xf32>
    %dot_general3A_252 = tpu.matmul %slice3A_247, %get3A_250, %dot_general3A_251 {dimension_numbers = #tpu.dot_dimension_numbers<[0], [0], [1], [1], [0, 1, 1, 1], [], []>, transpose_lhs_hint = false} : vector<64x192xf32>, vector<64x64xf32>, vector<192x64xf32> -> vector<192x64xf32>
    %convert_element_type3A_253 = arith.truncf %dot_general3A_252 : vector<192x64xf32> to vector<192x64xbf16>
    %broadcast_in_dim3A_254 = arith.constant 0.000000e+00 : bf16
    %broadcast_in_dim3A_255 = vector.broadcast %broadcast_in_dim3A_254 : bf16 to vector<64x64xbf16>
    %concatenate3A_256 = tpu.concatenate %convert_element_type3A_246, %broadcast_in_dim3A_255 in 1 : vector<64x192xbf16>, vector<64x64xbf16> -> vector<64x256xbf16>
    %broadcast_in_dim3A_257 = arith.constant 0.000000e+00 : bf16
    %broadcast_in_dim3A_258 = vector.broadcast %broadcast_in_dim3A_257 : bf16 to vector<64x64xbf16>
    %concatenate3A_259 = tpu.concatenate %convert_element_type3A_253, %broadcast_in_dim3A_258 in 0 : vector<192x64xbf16>, vector<64x64xbf16> -> vector<256x64xbf16>
    %swap3A_260 = arith.constant 0 : index
    %swap3A_261 = arith.constant 0 : index
    %swap3A_262 = arith.constant 1024 : index
    %swap3A_263 = vector.load %arg43[%swap3A_260, %swap3A_261, %swap3A_262] : memref<1x64x3072xbf16, #tpu.memory_space<vmem>>, vector<1x64x256xbf16>
    %swap3A_264 = vector.shape_cast %swap3A_263 : vector<1x64x256xbf16> to vector<64x256xbf16>
    %swap3A_265 = vector.shape_cast %concatenate3A_256 : vector<64x256xbf16> to vector<1x64x256xbf16>
    tpu.vector_store %arg43[%swap3A_260, %swap3A_261, %swap3A_262], %swap3A_265 {strides = array<i32>} : memref<1x64x3072xbf16, #tpu.memory_space<vmem>>, vector<1x64x256xbf16>,
    %swap3A_266 = arith.constant 0 : index
    %swap3A_267 = arith.constant 1024 : index
    %swap3A_268 = arith.constant 0 : index
    %swap3A_269 = vector.load %arg44[%swap3A_266, %swap3A_267, %swap3A_268] : memref<1x3072x64xbf16, #tpu.memory_space<vmem>>, vector<1x256x64xbf16>
    %swap3A_270 = vector.shape_cast %swap3A_269 : vector<1x256x64xbf16> to vector<256x64xbf16>
    %swap3A_271 = vector.shape_cast %concatenate3A_259 : vector<256x64xbf16> to vector<1x256x64xbf16>
    tpu.vector_store %arg44[%swap3A_266, %swap3A_267, %swap3A_268], %swap3A_271 {strides = array<i32>} : memref<1x3072x64xbf16, #tpu.memory_space<vmem>>, vector<1x256x64xbf16>,
    %slice3A_272 = vector.extract_strided_slice %dot_general3A_207 {offsets = [128, 0], sizes = [64, 192], strides = [1, 1]} : vector<512x192xf32> to vector<64x192xf32>
    %get3A_273 = arith.constant 128 : index
    %get3A_274 = arith.constant 0 : index
    %get3A_275 = vector.load %arg13[%get3A_273, %get3A_274] : memref<256x64xf32, #tpu.memory_space<vmem>>, vector<64x64xf32>
    %dot_general3A_276 = arith.constant dense<0.000000e+00> : vector<64x192xf32>
    %dot_general3A_277 = tpu.matmul %get3A_275, %slice3A_272, %dot_general3A_276 {dimension_numbers = #tpu.dot_dimension_numbers<[0], [0], [1], [1], [0, 1, 1, 1], [], []>, transpose_lhs_hint = false} : vector<64x64xf32>, vector<64x192xf32>, vector<64x192xf32> -> vector<64x192xf32>
    %convert_element_type3A_278 = arith.truncf %dot_general3A_277 : vector<64x192xf32> to vector<64x192xbf16>
    %slice3A_279 = vector.extract_strided_slice %dot_general3A_207 {offsets = [384, 0], sizes = [64, 192], strides = [1, 1]} : vector<512x192xf32> to vector<64x192xf32>
    %get3A_280 = arith.constant 448 : index
    %get3A_281 = arith.constant 0 : index
    %get3A_282 = vector.load %arg14[%get3A_280, %get3A_281] : memref<768x64xf32, #tpu.memory_space<vmem>>, vector<64x64xf32>
    %dot_general3A_283 = arith.constant dense<0.000000e+00> : vector<192x64xf32>
    %dot_general3A_284 = tpu.matmul %slice3A_279, %get3A_282, %dot_general3A_283 {dimension_numbers = #tpu.dot_dimension_numbers<[0], [0], [1], [1], [0, 1, 1, 1], [], []>, transpose_lhs_hint = false} : vector<64x192xf32>, vector<64x64xf32>, vector<192x64xf32> -> vector<192x64xf32>
    %convert_element_type3A_285 = arith.truncf %dot_general3A_284 : vector<192x64xf32> to vector<192x64xbf16>
    %broadcast_in_dim3A_286 = arith.constant 0.000000e+00 : bf16
    %broadcast_in_dim3A_287 = vector.broadcast %broadcast_in_dim3A_286 : bf16 to vector<64x64xbf16>
    %concatenate3A_288 = tpu.concatenate %convert_element_type3A_278, %broadcast_in_dim3A_287 in 1 : vector<64x192xbf16>, vector<64x64xbf16> -> vector<64x256xbf16>
    %broadcast_in_dim3A_289 = arith.constant 0.000000e+00 : bf16
    %broadcast_in_dim3A_290 = vector.broadcast %broadcast_in_dim3A_289 : bf16 to vector<64x64xbf16>
    %concatenate3A_291 = tpu.concatenate %convert_element_type3A_285, %broadcast_in_dim3A_290 in 0 : vector<192x64xbf16>, vector<64x64xbf16> -> vector<256x64xbf16>
    %swap3A_292 = arith.constant 0 : index
    %swap3A_293 = arith.constant 0 : index
    %swap3A_294 = arith.constant 1792 : index
    %swap3A_295 = vector.load %arg43[%swap3A_292, %swap3A_293, %swap3A_294] : memref<1x64x3072xbf16, #tpu.memory_space<vmem>>, vector<1x64x256xbf16>
    %swap3A_296 = vector.shape_cast %swap3A_295 : vector<1x64x256xbf16> to vector<64x256xbf16>
    %swap3A_297 = vector.shape_cast %concatenate3A_288 : vector<64x256xbf16> to vector<1x64x256xbf16>
    tpu.vector_store %arg43[%swap3A_292, %swap3A_293, %swap3A_294], %swap3A_297 {strides = array<i32>} : memref<1x64x3072xbf16, #tpu.memory_space<vmem>>, vector<1x64x256xbf16>,
    %swap3A_298 = arith.constant 0 : index
    %swap3A_299 = arith.constant 1792 : index
    %swap3A_300 = arith.constant 0 : index
    %swap3A_301 = vector.load %arg44[%swap3A_298, %swap3A_299, %swap3A_300] : memref<1x3072x64xbf16, #tpu.memory_space<vmem>>, vector<1x256x64xbf16>
    %swap3A_302 = vector.shape_cast %swap3A_301 : vector<1x256x64xbf16> to vector<256x64xbf16>
    %swap3A_303 = vector.shape_cast %concatenate3A_291 : vector<256x64xbf16> to vector<1x256x64xbf16>
    tpu.vector_store %arg44[%swap3A_298, %swap3A_299, %swap3A_300], %swap3A_303 {strides = array<i32>} : memref<1x3072x64xbf16, #tpu.memory_space<vmem>>, vector<1x256x64xbf16>,
    %slice3A_304 = vector.extract_strided_slice %dot_general3A_207 {offsets = [192, 0], sizes = [64, 192], strides = [1, 1]} : vector<512x192xf32> to vector<64x192xf32>
    %get3A_305 = arith.constant 192 : index
    %get3A_306 = arith.constant 0 : index
    %get3A_307 = vector.load %arg13[%get3A_305, %get3A_306] : memref<256x64xf32, #tpu.memory_space<vmem>>, vector<64x64xf32>
    %dot_general3A_308 = arith.constant dense<0.000000e+00> : vector<64x192xf32>
    %dot_general3A_309 = tpu.matmul %get3A_307, %slice3A_304, %dot_general3A_308 {dimension_numbers = #tpu.dot_dimension_numbers<[0], [0], [1], [1], [0, 1, 1, 1], [], []>, transpose_lhs_hint = false} : vector<64x64xf32>, vector<64x192xf32>, vector<64x192xf32> -> vector<64x192xf32>
    %convert_element_type3A_310 = arith.truncf %dot_general3A_309 : vector<64x192xf32> to vector<64x192xbf16>
    %slice3A_311 = vector.extract_strided_slice %dot_general3A_207 {offsets = [448, 0], sizes = [64, 192], strides = [1, 1]} : vector<512x192xf32> to vector<64x192xf32>
    %get3A_312 = arith.constant 640 : index
    %get3A_313 = arith.constant 0 : index
    %get3A_314 = vector.load %arg14[%get3A_312, %get3A_313] : memref<768x64xf32, #tpu.memory_space<vmem>>, vector<64x64xf32>
    %dot_general3A_315 = arith.constant dense<0.000000e+00> : vector<192x64xf32>
    %dot_general3A_316 = tpu.matmul %slice3A_311, %get3A_314, %dot_general3A_315 {dimension_numbers = #tpu.dot_dimension_numbers<[0], [0], [1], [1], [0, 1, 1, 1], [], []>, transpose_lhs_hint = false} : vector<64x192xf32>, vector<64x64xf32>, vector<192x64xf32> -> vector<192x64xf32>
    %convert_element_type3A_317 = arith.truncf %dot_general3A_316 : vector<192x64xf32> to vector<192x64xbf16>
    %broadcast_in_dim3A_318 = arith.constant 0.000000e+00 : bf16
    %broadcast_in_dim3A_319 = vector.broadcast %broadcast_in_dim3A_318 : bf16 to vector<64x64xbf16>
    %concatenate3A_320 = tpu.concatenate %convert_element_type3A_310, %broadcast_in_dim3A_319 in 1 : vector<64x192xbf16>, vector<64x64xbf16> -> vector<64x256xbf16>
    %broadcast_in_dim3A_321 = arith.constant 0.000000e+00 : bf16
    %broadcast_in_dim3A_322 = vector.broadcast %broadcast_in_dim3A_321 : bf16 to vector<64x64xbf16>
    %concatenate3A_323 = tpu.concatenate %convert_element_type3A_317, %broadcast_in_dim3A_322 in 0 : vector<192x64xbf16>, vector<64x64xbf16> -> vector<256x64xbf16>
    %swap3A_324 = arith.constant 0 : index
    %swap3A_325 = arith.constant 0 : index
    %swap3A_326 = arith.constant 2560 : index
    %swap3A_327 = vector.load %arg43[%swap3A_324, %swap3A_325, %swap3A_326] : memref<1x64x3072xbf16, #tpu.memory_space<vmem>>, vector<1x64x256xbf16>
    %swap3A_328 = vector.shape_cast %swap3A_327 : vector<1x64x256xbf16> to vector<64x256xbf16>
    %swap3A_329 = vector.shape_cast %concatenate3A_320 : vector<64x256xbf16> to vector<1x64x256xbf16>
    tpu.vector_store %arg43[%swap3A_324, %swap3A_325, %swap3A_326], %swap3A_329 {strides = array<i32>} : memref<1x64x3072xbf16, #tpu.memory_space<vmem>>, vector<1x64x256xbf16>,
    %swap3A_330 = arith.constant 0 : index
    %swap3A_331 = arith.constant 2560 : index
    %swap3A_332 = arith.constant 0 : index
    %swap3A_333 = vector.load %arg44[%swap3A_330, %swap3A_331, %swap3A_332] : memref<1x3072x64xbf16, #tpu.memory_space<vmem>>, vector<1x256x64xbf16>
    %swap3A_334 = vector.shape_cast %swap3A_333 : vector<1x256x64xbf16> to vector<256x64xbf16>
    %swap3A_335 = vector.shape_cast %concatenate3A_323 : vector<256x64xbf16> to vector<1x256x64xbf16>
    tpu.vector_store %arg44[%swap3A_330, %swap3A_331, %swap3A_332], %swap3A_335 {strides = array<i32>} : memref<1x3072x64xbf16, #tpu.memory_space<vmem>>, vector<1x256x64xbf16>,
    %get3A_336 = arith.constant 0 : index
    %get3A_337 = arith.constant 0 : index
    %get3A_338 = arith.constant 0 : index
    %get3A_339 = vector.load %arg9[%get3A_336, %get3A_337, %get3A_338] : memref<1x144x512xf32, #tpu.memory_space<vmem>>, vector<1x144x512xf32>
    %get3A_340 = vector.shape_cast %get3A_339 : vector<1x144x512xf32> to vector<144x512xf32>
    %get3A_341 = arith.constant 0 : index
    %get3A_342 = arith.constant 0 : index
    %get3A_343 = vector.load %arg10[%get3A_341, %get3A_342] : memref<1x512xf32, #tpu.memory_space<vmem>>, vector<1x512xf32>
    %get3A_344 = vector.shape_cast %get3A_343 : vector<1x512xf32> to vector<512xf32>
    %get3A_345 = arith.constant 0 : index
    %get3A_346 = arith.constant 0 : index
    %get3A_347 = vector.load %arg11[%get3A_345, %get3A_346] : memref<1x512xf32, #tpu.memory_space<vmem>>, vector<1x512xf32>
    %get3A_348 = vector.shape_cast %get3A_347 : vector<1x512xf32> to vector<512xf32>
    %reduce_sum3A_349 = arith.constant dense<0.000000e+00> : vector<144xf32>
    %reduce_sum3A_350 = vector.multi_reduction <add>, %get3A_340, %reduce_sum3A_349 [1] : vector<144x512xf32> to vector<144xf32>
    %broadcast_in_dim3A_351 = vector.shape_cast %reduce_sum3A_350 : vector<144xf32> to vector<144x1xf32>
    %div3A_352 = arith.constant 5.120000e+02 : f32
    %div3A_353 = vector.broadcast %div3A_352 : f32 to vector<144x1xf32>
    %div3A_354 = arith.divf %broadcast_in_dim3A_351, %div3A_353 : vector<144x1xf32>
    %sub3A_355 = vector.broadcast %div3A_354 : vector<144x1xf32> to vector<144x512xf32>
    %sub3A_356 = arith.subf %get3A_340, %sub3A_355 : vector<144x512xf32>
    %integer_pow3A_357 = arith.mulf %sub3A_356, %sub3A_356 : vector<144x512xf32>
    %reduce_sum3A_358 = arith.constant dense<0.000000e+00> : vector<144xf32>
    %reduce_sum3A_359 = vector.multi_reduction <add>, %integer_pow3A_357, %reduce_sum3A_358 [1] : vector<144x512xf32> to vector<144xf32>
    %broadcast_in_dim3A_360 = vector.shape_cast %reduce_sum3A_359 : vector<144xf32> to vector<144x1xf32>
    %div3A_361 = arith.constant 5.120000e+02 : f32
    %div3A_362 = vector.broadcast %div3A_361 : f32 to vector<144x1xf32>
    %div3A_363 = arith.divf %broadcast_in_dim3A_360, %div3A_362 : vector<144x1xf32>
    %sub3A_364 = vector.broadcast %div3A_354 : vector<144x1xf32> to vector<144x512xf32>
    %sub3A_365 = arith.subf %get3A_340, %sub3A_364 : vector<144x512xf32>
    %add3A_366 = arith.constant 9.99999974E-6 : f32
    %add3A_367 = vector.broadcast %add3A_366 : f32 to vector<144x1xf32>
    %add3A_368 = arith.addf %div3A_363, %add3A_367 : vector<144x1xf32>
    %sqrt3A_369 = math.sqrt %add3A_368 : vector<144x1xf32>
    %div3A_370 = vector.broadcast %sqrt3A_369 : vector<144x1xf32> to vector<144x512xf32>
    %div3A_371 = arith.divf %sub3A_365, %div3A_370 : vector<144x512xf32>
    %broadcast_in_dim3A_372 = vector.shape_cast %get3A_344 : vector<512xf32> to vector<1x512xf32>
    %mul3A_373 = vector.broadcast %broadcast_in_dim3A_372 : vector<1x512xf32> to vector<144x512xf32>
    %mul3A_374 = arith.mulf %div3A_371, %mul3A_373 : vector<144x512xf32>
    %broadcast_in_dim3A_375 = vector.shape_cast %get3A_348 : vector<512xf32> to vector<1x512xf32>
    %add3A_376 = vector.broadcast %broadcast_in_dim3A_375 : vector<1x512xf32> to vector<144x512xf32>
    %add3A_377 = arith.addf %mul3A_374, %add3A_376 : vector<144x512xf32>
    %get3A_378 = arith.constant 0 : index
    %get3A_379 = arith.constant 0 : index
    %get3A_380 = vector.load %arg12[%get3A_378, %get3A_379] : memref<512x512xf32, #tpu.memory_space<vmem>>, vector<512x512xf32>
    %dot_general3A_381 = arith.constant dense<0.000000e+00> : vector<512x144xf32>
    %dot_general3A_382 = tpu.matmul %get3A_380, %add3A_377, %dot_general3A_381 {dimension_numbers = #tpu.dot_dimension_numbers<[1], [1], [0], [0], [0, 0, 1, 0], [], []>, transpose_lhs_hint = false} : vector<512x512xf32>, vector<144x512xf32>, vector<512x144xf32> -> vector<512x144xf32>
    %slice3A_383 = vector.extract_strided_slice %dot_general3A_382 {offsets = [0, 0], sizes = [64, 144], strides = [1, 1]} : vector<512x144xf32> to vector<64x144xf32>
    %get3A_384 = arith.constant 0 : index
    %get3A_385 = arith.constant 0 : index
    %get3A_386 = vector.load %arg13[%get3A_384, %get3A_385] : memref<256x64xf32, #tpu.memory_space<vmem>>, vector<64x64xf32>
    %dot_general3A_387 = arith.constant dense<0.000000e+00> : vector<64x144xf32>
    %dot_general3A_388 = tpu.matmul %get3A_386, %slice3A_383, %dot_general3A_387 {dimension_numbers = #tpu.dot_dimension_numbers<[0], [0], [1], [1], [0, 1, 1, 1], [], []>, transpose_lhs_hint = false} : vector<64x64xf32>, vector<64x144xf32>, vector<64x144xf32> -> vector<64x144xf32>
    %convert_element_type3A_389 = arith.truncf %dot_general3A_388 : vector<64x144xf32> to vector<64x144xbf16>
    %slice3A_390 = vector.extract_strided_slice %dot_general3A_382 {offsets = [256, 0], sizes = [64, 144], strides = [1, 1]} : vector<512x144xf32> to vector<64x144xf32>
    %get3A_391 = arith.constant 128 : index
    %get3A_392 = arith.constant 0 : index
    %get3A_393 = vector.load %arg14[%get3A_391, %get3A_392] : memref<768x64xf32, #tpu.memory_space<vmem>>, vector<64x64xf32>
    %dot_general3A_394 = arith.constant dense<0.000000e+00> : vector<144x64xf32>
    %dot_general3A_395 = tpu.matmul %slice3A_390, %get3A_393, %dot_general3A_394 {dimension_numbers = #tpu.dot_dimension_numbers<[0], [0], [1], [1], [0, 1, 1, 1], [], []>, transpose_lhs_hint = false} : vector<64x144xf32>, vector<64x64xf32>, vector<144x64xf32> -> vector<144x64xf32>
    %convert_element_type3A_396 = arith.truncf %dot_general3A_395 : vector<144x64xf32> to vector<144x64xbf16>
    %broadcast_in_dim3A_397 = arith.constant 0.000000e+00 : bf16
    %broadcast_in_dim3A_398 = vector.broadcast %broadcast_in_dim3A_397 : bf16 to vector<64x112xbf16>
    %concatenate3A_399 = tpu.concatenate %convert_element_type3A_389, %broadcast_in_dim3A_398 in 1 : vector<64x144xbf16>, vector<64x112xbf16> -> vector<64x256xbf16>
    %broadcast_in_dim3A_400 = arith.constant 0.000000e+00 : bf16
    %broadcast_in_dim3A_401 = vector.broadcast %broadcast_in_dim3A_400 : bf16 to vector<112x64xbf16>
    %concatenate3A_402 = tpu.concatenate %convert_element_type3A_396, %broadcast_in_dim3A_401 in 0 : vector<144x64xbf16>, vector<112x64xbf16> -> vector<256x64xbf16>
    %swap3A_403 = arith.constant 0 : index
    %swap3A_404 = arith.constant 0 : index
    %swap3A_405 = arith.constant 512 : index
    %swap3A_406 = vector.load %arg43[%swap3A_403, %swap3A_404, %swap3A_405] : memref<1x64x3072xbf16, #tpu.memory_space<vmem>>, vector<1x64x256xbf16>
    %swap3A_407 = vector.shape_cast %swap3A_406 : vector<1x64x256xbf16> to vector<64x256xbf16>
    %swap3A_408 = vector.shape_cast %concatenate3A_399 : vector<64x256xbf16> to vector<1x64x256xbf16>
    tpu.vector_store %arg43[%swap3A_403, %swap3A_404, %swap3A_405], %swap3A_408 {strides = array<i32>} : memref<1x64x3072xbf16, #tpu.memory_space<vmem>>, vector<1x64x256xbf16>,
    %swap3A_409 = arith.constant 0 : index
    %swap3A_410 = arith.constant 512 : index
    %swap3A_411 = arith.constant 0 : index
    %swap3A_412 = vector.load %arg44[%swap3A_409, %swap3A_410, %swap3A_411] : memref<1x3072x64xbf16, #tpu.memory_space<vmem>>, vector<1x256x64xbf16>
    %swap3A_413 = vector.shape_cast %swap3A_412 : vector<1x256x64xbf16> to vector<256x64xbf16>
    %swap3A_414 = vector.shape_cast %concatenate3A_402 : vector<256x64xbf16> to vector<1x256x64xbf16>
    tpu.vector_store %arg44[%swap3A_409, %swap3A_410, %swap3A_411], %swap3A_414 {strides = array<i32>} : memref<1x3072x64xbf16, #tpu.memory_space<vmem>>, vector<1x256x64xbf16>,
    %slice3A_415 = vector.extract_strided_slice %dot_general3A_382 {offsets = [64, 0], sizes = [64, 144], strides = [1, 1]} : vector<512x144xf32> to vector<64x144xf32>
    %get3A_416 = arith.constant 64 : index
    %get3A_417 = arith.constant 0 : index
    %get3A_418 = vector.load %arg13[%get3A_416, %get3A_417] : memref<256x64xf32, #tpu.memory_space<vmem>>, vector<64x64xf32>
    %dot_general3A_419 = arith.constant dense<0.000000e+00> : vector<64x144xf32>
    %dot_general3A_420 = tpu.matmul %get3A_418, %slice3A_415, %dot_general3A_419 {dimension_numbers = #tpu.dot_dimension_numbers<[0], [0], [1], [1], [0, 1, 1, 1], [], []>, transpose_lhs_hint = false} : vector<64x64xf32>, vector<64x144xf32>, vector<64x144xf32> -> vector<64x144xf32>
    %convert_element_type3A_421 = arith.truncf %dot_general3A_420 : vector<64x144xf32> to vector<64x144xbf16>
    %slice3A_422 = vector.extract_strided_slice %dot_general3A_382 {offsets = [320, 0], sizes = [64, 144], strides = [1, 1]} : vector<512x144xf32> to vector<64x144xf32>
    %get3A_423 = arith.constant 320 : index
    %get3A_424 = arith.constant 0 : index
    %get3A_425 = vector.load %arg14[%get3A_423, %get3A_424] : memref<768x64xf32, #tpu.memory_space<vmem>>, vector<64x64xf32>
    %dot_general3A_426 = arith.constant dense<0.000000e+00> : vector<144x64xf32>
    %dot_general3A_427 = tpu.matmul %slice3A_422, %get3A_425, %dot_general3A_426 {dimension_numbers = #tpu.dot_dimension_numbers<[0], [0], [1], [1], [0, 1, 1, 1], [], []>, transpose_lhs_hint = false} : vector<64x144xf32>, vector<64x64xf32>, vector<144x64xf32> -> vector<144x64xf32>
    %convert_element_type3A_428 = arith.truncf %dot_general3A_427 : vector<144x64xf32> to vector<144x64xbf16>
    %broadcast_in_dim3A_429 = arith.constant 0.000000e+00 : bf16
    %broadcast_in_dim3A_430 = vector.broadcast %broadcast_in_dim3A_429 : bf16 to vector<64x112xbf16>
    %concatenate3A_431 = tpu.concatenate %convert_element_type3A_421, %broadcast_in_dim3A_430 in 1 : vector<64x144xbf16>, vector<64x112xbf16> -> vector<64x256xbf16>
    %broadcast_in_dim3A_432 = arith.constant 0.000000e+00 : bf16
    %broadcast_in_dim3A_433 = vector.broadcast %broadcast_in_dim3A_432 : bf16 to vector<112x64xbf16>
    %concatenate3A_434 = tpu.concatenate %convert_element_type3A_428, %broadcast_in_dim3A_433 in 0 : vector<144x64xbf16>, vector<112x64xbf16> -> vector<256x64xbf16>
    %swap3A_435 = arith.constant 0 : index
    %swap3A_436 = arith.constant 0 : index
    %swap3A_437 = arith.constant 1280 : index
    %swap3A_438 = vector.load %arg43[%swap3A_435, %swap3A_436, %swap3A_437] : memref<1x64x3072xbf16, #tpu.memory_space<vmem>>, vector<1x64x256xbf16>
    %swap3A_439 = vector.shape_cast %swap3A_438 : vector<1x64x256xbf16> to vector<64x256xbf16>
    %swap3A_440 = vector.shape_cast %concatenate3A_431 : vector<64x256xbf16> to vector<1x64x256xbf16>
    tpu.vector_store %arg43[%swap3A_435, %swap3A_436, %swap3A_437], %swap3A_440 {strides = array<i32>} : memref<1x64x3072xbf16, #tpu.memory_space<vmem>>, vector<1x64x256xbf16>,
    %swap3A_441 = arith.constant 0 : index
    %swap3A_442 = arith.constant 1280 : index
    %swap3A_443 = arith.constant 0 : index
    %swap3A_444 = vector.load %arg44[%swap3A_441, %swap3A_442, %swap3A_443] : memref<1x3072x64xbf16, #tpu.memory_space<vmem>>, vector<1x256x64xbf16>
    %swap3A_445 = vector.shape_cast %swap3A_444 : vector<1x256x64xbf16> to vector<256x64xbf16>
    %swap3A_446 = vector.shape_cast %concatenate3A_434 : vector<256x64xbf16> to vector<1x256x64xbf16>
    tpu.vector_store %arg44[%swap3A_441, %swap3A_442, %swap3A_443], %swap3A_446 {strides = array<i32>} : memref<1x3072x64xbf16, #tpu.memory_space<vmem>>, vector<1x256x64xbf16>,
    %slice3A_447 = vector.extract_strided_slice %dot_general3A_382 {offsets = [128, 0], sizes = [64, 144], strides = [1, 1]} : vector<512x144xf32> to vector<64x144xf32>
    %get3A_448 = arith.constant 128 : index
    %get3A_449 = arith.constant 0 : index
    %get3A_450 = vector.load %arg13[%get3A_448, %get3A_449] : memref<256x64xf32, #tpu.memory_space<vmem>>, vector<64x64xf32>
    %dot_general3A_451 = arith.constant dense<0.000000e+00> : vector<64x144xf32>
    %dot_general3A_452 = tpu.matmul %get3A_450, %slice3A_447, %dot_general3A_451 {dimension_numbers = #tpu.dot_dimension_numbers<[0], [0], [1], [1], [0, 1, 1, 1], [], []>, transpose_lhs_hint = false} : vector<64x64xf32>, vector<64x144xf32>, vector<64x144xf32> -> vector<64x144xf32>
    %convert_element_type3A_453 = arith.truncf %dot_general3A_452 : vector<64x144xf32> to vector<64x144xbf16>
    %slice3A_454 = vector.extract_strided_slice %dot_general3A_382 {offsets = [384, 0], sizes = [64, 144], strides = [1, 1]} : vector<512x144xf32> to vector<64x144xf32>
    %get3A_455 = arith.constant 512 : index
    %get3A_456 = arith.constant 0 : index
    %get3A_457 = vector.load %arg14[%get3A_455, %get3A_456] : memref<768x64xf32, #tpu.memory_space<vmem>>, vector<64x64xf32>
    %dot_general3A_458 = arith.constant dense<0.000000e+00> : vector<144x64xf32>
    %dot_general3A_459 = tpu.matmul %slice3A_454, %get3A_457, %dot_general3A_458 {dimension_numbers = #tpu.dot_dimension_numbers<[0], [0], [1], [1], [0, 1, 1, 1], [], []>, transpose_lhs_hint = false} : vector<64x144xf32>, vector<64x64xf32>, vector<144x64xf32> -> vector<144x64xf32>
    %convert_element_type3A_460 = arith.truncf %dot_general3A_459 : vector<144x64xf32> to vector<144x64xbf16>
    %broadcast_in_dim3A_461 = arith.constant 0.000000e+00 : bf16
    %broadcast_in_dim3A_462 = vector.broadcast %broadcast_in_dim3A_461 : bf16 to vector<64x112xbf16>
    %concatenate3A_463 = tpu.concatenate %convert_element_type3A_453, %broadcast_in_dim3A_462 in 1 : vector<64x144xbf16>, vector<64x112xbf16> -> vector<64x256xbf16>
    %broadcast_in_dim3A_464 = arith.constant 0.000000e+00 : bf16
    %broadcast_in_dim3A_465 = vector.broadcast %broadcast_in_dim3A_464 : bf16 to vector<112x64xbf16>
    %concatenate3A_466 = tpu.concatenate %convert_element_type3A_460, %broadcast_in_dim3A_465 in 0 : vector<144x64xbf16>, vector<112x64xbf16> -> vector<256x64xbf16>
    %swap3A_467 = arith.constant 0 : index
    %swap3A_468 = arith.constant 0 : index
    %swap3A_469 = arith.constant 2048 : index
    %swap3A_470 = vector.load %arg43[%swap3A_467, %swap3A_468, %swap3A_469] : memref<1x64x3072xbf16, #tpu.memory_space<vmem>>, vector<1x64x256xbf16>
    %swap3A_471 = vector.shape_cast %swap3A_470 : vector<1x64x256xbf16> to vector<64x256xbf16>
    %swap3A_472 = vector.shape_cast %concatenate3A_463 : vector<64x256xbf16> to vector<1x64x256xbf16>
    tpu.vector_store %arg43[%swap3A_467, %swap3A_468, %swap3A_469], %swap3A_472 {strides = array<i32>} : memref<1x64x3072xbf16, #tpu.memory_space<vmem>>, vector<1x64x256xbf16>,
    %swap3A_473 = arith.constant 0 : index
    %swap3A_474 = arith.constant 2048 : index
    %swap3A_475 = arith.constant 0 : index
    %swap3A_476 = vector.load %arg44[%swap3A_473, %swap3A_474, %swap3A_475] : memref<1x3072x64xbf16, #tpu.memory_space<vmem>>, vector<1x256x64xbf16>
    %swap3A_477 = vector.shape_cast %swap3A_476 : vector<1x256x64xbf16> to vector<256x64xbf16>
    %swap3A_478 = vector.shape_cast %concatenate3A_466 : vector<256x64xbf16> to vector<1x256x64xbf16>
    tpu.vector_store %arg44[%swap3A_473, %swap3A_474, %swap3A_475], %swap3A_478 {strides = array<i32>} : memref<1x3072x64xbf16, #tpu.memory_space<vmem>>, vector<1x256x64xbf16>,
    %slice3A_479 = vector.extract_strided_slice %dot_general3A_382 {offsets = [192, 0], sizes = [64, 144], strides = [1, 1]} : vector<512x144xf32> to vector<64x144xf32>
    %get3A_480 = arith.constant 192 : index
    %get3A_481 = arith.constant 0 : index
    %get3A_482 = vector.load %arg13[%get3A_480, %get3A_481] : memref<256x64xf32, #tpu.memory_space<vmem>>, vector<64x64xf32>
    %dot_general3A_483 = arith.constant dense<0.000000e+00> : vector<64x144xf32>
    %dot_general3A_484 = tpu.matmul %get3A_482, %slice3A_479, %dot_general3A_483 {dimension_numbers = #tpu.dot_dimension_numbers<[0], [0], [1], [1], [0, 1, 1, 1], [], []>, transpose_lhs_hint = false} : vector<64x64xf32>, vector<64x144xf32>, vector<64x144xf32> -> vector<64x144xf32>
    %convert_element_type3A_485 = arith.truncf %dot_general3A_484 : vector<64x144xf32> to vector<64x144xbf16>
    %slice3A_486 = vector.extract_strided_slice %dot_general3A_382 {offsets = [448, 0], sizes = [64, 144], strides = [1, 1]} : vector<512x144xf32> to vector<64x144xf32>
    %get3A_487 = arith.constant 704 : index
    %get3A_488 = arith.constant 0 : index
    %get3A_489 = vector.load %arg14[%get3A_487, %get3A_488] : memref<768x64xf32, #tpu.memory_space<vmem>>, vector<64x64xf32>
    %dot_general3A_490 = arith.constant dense<0.000000e+00> : vector<144x64xf32>
    %dot_general3A_491 = tpu.matmul %slice3A_486, %get3A_489, %dot_general3A_490 {dimension_numbers = #tpu.dot_dimension_numbers<[0], [0], [1], [1], [0, 1, 1, 1], [], []>, transpose_lhs_hint = false} : vector<64x144xf32>, vector<64x64xf32>, vector<144x64xf32> -> vector<144x64xf32>
    %convert_element_type3A_492 = arith.truncf %dot_general3A_491 : vector<144x64xf32> to vector<144x64xbf16>
    %broadcast_in_dim3A_493 = arith.constant 0.000000e+00 : bf16
    %broadcast_in_dim3A_494 = vector.broadcast %broadcast_in_dim3A_493 : bf16 to vector<64x112xbf16>
    %concatenate3A_495 = tpu.concatenate %convert_element_type3A_485, %broadcast_in_dim3A_494 in 1 : vector<64x144xbf16>, vector<64x112xbf16> -> vector<64x256xbf16>
    %broadcast_in_dim3A_496 = arith.constant 0.000000e+00 : bf16
    %broadcast_in_dim3A_497 = vector.broadcast %broadcast_in_dim3A_496 : bf16 to vector<112x64xbf16>
    %concatenate3A_498 = tpu.concatenate %convert_element_type3A_492, %broadcast_in_dim3A_497 in 0 : vector<144x64xbf16>, vector<112x64xbf16> -> vector<256x64xbf16>
    %swap3A_499 = arith.constant 0 : index
    %swap3A_500 = arith.constant 0 : index
    %swap3A_501 = arith.constant 2816 : index
    %swap3A_502 = vector.load %arg43[%swap3A_499, %swap3A_500, %swap3A_501] : memref<1x64x3072xbf16, #tpu.memory_space<vmem>>, vector<1x64x256xbf16>
    %swap3A_503 = vector.shape_cast %swap3A_502 : vector<1x64x256xbf16> to vector<64x256xbf16>
    %swap3A_504 = vector.shape_cast %concatenate3A_495 : vector<64x256xbf16> to vector<1x64x256xbf16>
    tpu.vector_store %arg43[%swap3A_499, %swap3A_500, %swap3A_501], %swap3A_504 {strides = array<i32>} : memref<1x64x3072xbf16, #tpu.memory_space<vmem>>, vector<1x64x256xbf16>,
    %swap3A_505 = arith.constant 0 : index
    %swap3A_506 = arith.constant 2816 : index
    %swap3A_507 = arith.constant 0 : index
    %swap3A_508 = vector.load %arg44[%swap3A_505, %swap3A_506, %swap3A_507] : memref<1x3072x64xbf16, #tpu.memory_space<vmem>>, vector<1x256x64xbf16>
    %swap3A_509 = vector.shape_cast %swap3A_508 : vector<1x256x64xbf16> to vector<256x64xbf16>
    %swap3A_510 = vector.shape_cast %concatenate3A_498 : vector<256x64xbf16> to vector<1x256x64xbf16>
    tpu.vector_store %arg44[%swap3A_505, %swap3A_506, %swap3A_507], %swap3A_510 {strides = array<i32>} : memref<1x3072x64xbf16, #tpu.memory_space<vmem>>, vector<1x256x64xbf16>,
    %get3A_511 = arith.constant 0 : index
    %get3A_512 = arith.constant 0 : index
    %get3A_513 = arith.constant 0 : index
    %get3A_514 = vector.load %arg15[%get3A_511, %get3A_512, %get3A_513] : memref<1x400x64xf32, #tpu.memory_space<vmem>>, vector<1x400x64xf32>
    %get3A_515 = vector.shape_cast %get3A_514 : vector<1x400x64xf32> to vector<400x64xf32>
    %get3A_516 = arith.constant 0 : index
    %get3A_517 = arith.constant 0 : index
    %get3A_518 = vector.load %arg16[%get3A_516, %get3A_517] : memref<1x64xf32, #tpu.memory_space<vmem>>, vector<1x64xf32>
    %get3A_519 = vector.shape_cast %get3A_518 : vector<1x64xf32> to vector<64xf32>
    %get3A_520 = arith.constant 0 : index
    %get3A_521 = arith.constant 0 : index
    %get3A_522 = vector.load %arg17[%get3A_520, %get3A_521] : memref<1x64xf32, #tpu.memory_space<vmem>>, vector<1x64xf32>
    %get3A_523 = vector.shape_cast %get3A_522 : vector<1x64xf32> to vector<64xf32>
    %reduce_sum3A_524 = arith.constant dense<0.000000e+00> : vector<400xf32>
    %reduce_sum3A_525 = vector.multi_reduction <add>, %get3A_515, %reduce_sum3A_524 [1] : vector<400x64xf32> to vector<400xf32>
    %broadcast_in_dim3A_526 = vector.shape_cast %reduce_sum3A_525 : vector<400xf32> to vector<400x1xf32>
    %div3A_527 = arith.constant 6.400000e+01 : f32
    %div3A_528 = vector.broadcast %div3A_527 : f32 to vector<400x1xf32>
    %div3A_529 = arith.divf %broadcast_in_dim3A_526, %div3A_528 : vector<400x1xf32>
    %sub3A_530 = vector.broadcast %div3A_529 : vector<400x1xf32> to vector<400x64xf32>
    %sub3A_531 = arith.subf %get3A_515, %sub3A_530 : vector<400x64xf32>
    %integer_pow3A_532 = arith.mulf %sub3A_531, %sub3A_531 : vector<400x64xf32>
    %reduce_sum3A_533 = arith.constant dense<0.000000e+00> : vector<400xf32>
    %reduce_sum3A_534 = vector.multi_reduction <add>, %integer_pow3A_532, %reduce_sum3A_533 [1] : vector<400x64xf32> to vector<400xf32>
    %broadcast_in_dim3A_535 = vector.shape_cast %reduce_sum3A_534 : vector<400xf32> to vector<400x1xf32>
    %div3A_536 = arith.constant 6.400000e+01 : f32
    %div3A_537 = vector.broadcast %div3A_536 : f32 to vector<400x1xf32>
    %div3A_538 = arith.divf %broadcast_in_dim3A_535, %div3A_537 : vector<400x1xf32>
    %sub3A_539 = vector.broadcast %div3A_529 : vector<400x1xf32> to vector<400x64xf32>
    %sub3A_540 = arith.subf %get3A_515, %sub3A_539 : vector<400x64xf32>
    %add3A_541 = arith.constant 9.99999974E-6 : f32
    %add3A_542 = vector.broadcast %add3A_541 : f32 to vector<400x1xf32>
    %add3A_543 = arith.addf %div3A_538, %add3A_542 : vector<400x1xf32>
    %sqrt3A_544 = math.sqrt %add3A_543 : vector<400x1xf32>
    %div3A_545 = vector.broadcast %sqrt3A_544 : vector<400x1xf32> to vector<400x64xf32>
    %div3A_546 = arith.divf %sub3A_540, %div3A_545 : vector<400x64xf32>
    %broadcast_in_dim3A_547 = vector.shape_cast %get3A_519 : vector<64xf32> to vector<1x64xf32>
    %mul3A_548 = vector.broadcast %broadcast_in_dim3A_547 : vector<1x64xf32> to vector<400x64xf32>
    %mul3A_549 = arith.mulf %div3A_546, %mul3A_548 : vector<400x64xf32>
    %broadcast_in_dim3A_550 = vector.shape_cast %get3A_523 : vector<64xf32> to vector<1x64xf32>
    %add3A_551 = vector.broadcast %broadcast_in_dim3A_550 : vector<1x64xf32> to vector<400x64xf32>
    %add3A_552 = arith.addf %mul3A_549, %add3A_551 : vector<400x64xf32>
    %get3A_553 = arith.constant 0 : index
    %get3A_554 = arith.constant 0 : index
    %get3A_555 = vector.load %arg18[%get3A_553, %get3A_554] : memref<1024x64xf32, #tpu.memory_space<vmem>>, vector<1024x64xf32>
    %dot_general3A_556 = arith.constant dense<0.000000e+00> : vector<1024x400xf32>
    %dot_general3A_557 = tpu.matmul %get3A_555, %add3A_552, %dot_general3A_556 {dimension_numbers = #tpu.dot_dimension_numbers<[1], [1], [0], [0], [0, 0, 1, 0], [], []>, transpose_lhs_hint = false} : vector<1024x64xf32>, vector<400x64xf32>, vector<1024x400xf32> -> vector<1024x400xf32>
    %slice3A_558 = vector.extract_strided_slice %dot_general3A_557 {offsets = [0, 0], sizes = [128, 400], strides = [1, 1]} : vector<1024x400xf32> to vector<128x400xf32>
    %get3A_559 = arith.constant 0 : index
    %get3A_560 = arith.constant 0 : index
    %get3A_561 = vector.load %arg27[%get3A_559, %get3A_560] : memref<512x128xf32, #tpu.memory_space<vmem>>, vector<128x128xf32>
    %dot_general3A_562 = arith.constant dense<0.000000e+00> : vector<128x400xf32>
    %dot_general3A_563 = tpu.matmul %get3A_561, %slice3A_558, %dot_general3A_562 {dimension_numbers = #tpu.dot_dimension_numbers<[0], [0], [1], [1], [0, 1, 1, 1], [], []>, transpose_lhs_hint = false} : vector<128x128xf32>, vector<128x400xf32>, vector<128x400xf32> -> vector<128x400xf32>
    %convert_element_type3A_564 = arith.truncf %dot_general3A_563 : vector<128x400xf32> to vector<128x400xbf16>
    %slice3A_565 = vector.extract_strided_slice %dot_general3A_557 {offsets = [512, 0], sizes = [128, 400], strides = [1, 1]} : vector<1024x400xf32> to vector<128x400xf32>
    %get3A_566 = arith.constant 0 : index
    %get3A_567 = arith.constant 0 : index
    %get3A_568 = vector.load %arg28[%get3A_566, %get3A_567] : memref<1536x128xf32, #tpu.memory_space<vmem>>, vector<128x128xf32>
    %dot_general3A_569 = arith.constant dense<0.000000e+00> : vector<400x128xf32>
    %dot_general3A_570 = tpu.matmul %slice3A_565, %get3A_568, %dot_general3A_569 {dimension_numbers = #tpu.dot_dimension_numbers<[0], [0], [1], [1], [0, 1, 1, 1], [], []>, transpose_lhs_hint = false} : vector<128x400xf32>, vector<128x128xf32>, vector<400x128xf32> -> vector<400x128xf32>
    %convert_element_type3A_571 = arith.truncf %dot_general3A_570 : vector<400x128xf32> to vector<400x128xbf16>
    %broadcast_in_dim3A_572 = arith.constant 0.000000e+00 : bf16
    %broadcast_in_dim3A_573 = vector.broadcast %broadcast_in_dim3A_572 : bf16 to vector<128x112xbf16>
    %concatenate3A_574 = tpu.concatenate %convert_element_type3A_564, %broadcast_in_dim3A_573 in 1 : vector<128x400xbf16>, vector<128x112xbf16> -> vector<128x512xbf16>
    %broadcast_in_dim3A_575 = arith.constant 0.000000e+00 : bf16
    %broadcast_in_dim3A_576 = vector.broadcast %broadcast_in_dim3A_575 : bf16 to vector<112x128xbf16>
    %concatenate3A_577 = tpu.concatenate %convert_element_type3A_571, %broadcast_in_dim3A_576 in 0 : vector<400x128xbf16>, vector<112x128xbf16> -> vector<512x128xbf16>
    %swap3A_578 = arith.constant 0 : index
    %swap3A_579 = arith.constant 0 : index
    %swap3A_580 = arith.constant 0 : index
    %swap3A_581 = vector.load %arg45[%swap3A_578, %swap3A_579, %swap3A_580] : memref<1x128x4096xbf16, #tpu.memory_space<vmem>>, vector<1x128x512xbf16>
    %swap3A_582 = vector.shape_cast %swap3A_581 : vector<1x128x512xbf16> to vector<128x512xbf16>
    %swap3A_583 = vector.shape_cast %concatenate3A_574 : vector<128x512xbf16> to vector<1x128x512xbf16>
    tpu.vector_store %arg45[%swap3A_578, %swap3A_579, %swap3A_580], %swap3A_583 {strides = array<i32>} : memref<1x128x4096xbf16, #tpu.memory_space<vmem>>, vector<1x128x512xbf16>,
    %swap3A_584 = arith.constant 0 : index
    %swap3A_585 = arith.constant 0 : index
    %swap3A_586 = arith.constant 0 : index
    %swap3A_587 = vector.load %arg46[%swap3A_584, %swap3A_585, %swap3A_586] : memref<1x4096x128xbf16, #tpu.memory_space<vmem>>, vector<1x512x128xbf16>
    %swap3A_588 = vector.shape_cast %swap3A_587 : vector<1x512x128xbf16> to vector<512x128xbf16>
    %swap3A_589 = vector.shape_cast %concatenate3A_577 : vector<512x128xbf16> to vector<1x512x128xbf16>
    tpu.vector_store %arg46[%swap3A_584, %swap3A_585, %swap3A_586], %swap3A_589 {strides = array<i32>} : memref<1x4096x128xbf16, #tpu.memory_space<vmem>>, vector<1x512x128xbf16>,
    %slice3A_590 = vector.extract_strided_slice %dot_general3A_557 {offsets = [128, 0], sizes = [128, 400], strides = [1, 1]} : vector<1024x400xf32> to vector<128x400xf32>
    %get3A_591 = arith.constant 128 : index
    %get3A_592 = arith.constant 0 : index
    %get3A_593 = vector.load %arg27[%get3A_591, %get3A_592] : memref<512x128xf32, #tpu.memory_space<vmem>>, vector<128x128xf32>
    %dot_general3A_594 = arith.constant dense<0.000000e+00> : vector<128x400xf32>
    %dot_general3A_595 = tpu.matmul %get3A_593, %slice3A_590, %dot_general3A_594 {dimension_numbers = #tpu.dot_dimension_numbers<[0], [0], [1], [1], [0, 1, 1, 1], [], []>, transpose_lhs_hint = false} : vector<128x128xf32>, vector<128x400xf32>, vector<128x400xf32> -> vector<128x400xf32>
    %convert_element_type3A_596 = arith.truncf %dot_general3A_595 : vector<128x400xf32> to vector<128x400xbf16>
    %slice3A_597 = vector.extract_strided_slice %dot_general3A_557 {offsets = [640, 0], sizes = [128, 400], strides = [1, 1]} : vector<1024x400xf32> to vector<128x400xf32>
    %get3A_598 = arith.constant 384 : index
    %get3A_599 = arith.constant 0 : index
    %get3A_600 = vector.load %arg28[%get3A_598, %get3A_599] : memref<1536x128xf32, #tpu.memory_space<vmem>>, vector<128x128xf32>
    %dot_general3A_601 = arith.constant dense<0.000000e+00> : vector<400x128xf32>
    %dot_general3A_602 = tpu.matmul %slice3A_597, %get3A_600, %dot_general3A_601 {dimension_numbers = #tpu.dot_dimension_numbers<[0], [0], [1], [1], [0, 1, 1, 1], [], []>, transpose_lhs_hint = false} : vector<128x400xf32>, vector<128x128xf32>, vector<400x128xf32> -> vector<400x128xf32>
    %convert_element_type3A_603 = arith.truncf %dot_general3A_602 : vector<400x128xf32> to vector<400x128xbf16>
    %broadcast_in_dim3A_604 = arith.constant 0.000000e+00 : bf16
    %broadcast_in_dim3A_605 = vector.broadcast %broadcast_in_dim3A_604 : bf16 to vector<128x112xbf16>
    %concatenate3A_606 = tpu.concatenate %convert_element_type3A_596, %broadcast_in_dim3A_605 in 1 : vector<128x400xbf16>, vector<128x112xbf16> -> vector<128x512xbf16>
    %broadcast_in_dim3A_607 = arith.constant 0.000000e+00 : bf16
    %broadcast_in_dim3A_608 = vector.broadcast %broadcast_in_dim3A_607 : bf16 to vector<112x128xbf16>
    %concatenate3A_609 = tpu.concatenate %convert_element_type3A_603, %broadcast_in_dim3A_608 in 0 : vector<400x128xbf16>, vector<112x128xbf16> -> vector<512x128xbf16>
    %swap3A_610 = arith.constant 0 : index
    %swap3A_611 = arith.constant 0 : index
    %swap3A_612 = arith.constant 1024 : index
    %swap3A_613 = vector.load %arg45[%swap3A_610, %swap3A_611, %swap3A_612] : memref<1x128x4096xbf16, #tpu.memory_space<vmem>>, vector<1x128x512xbf16>
    %swap3A_614 = vector.shape_cast %swap3A_613 : vector<1x128x512xbf16> to vector<128x512xbf16>
    %swap3A_615 = vector.shape_cast %concatenate3A_606 : vector<128x512xbf16> to vector<1x128x512xbf16>
    tpu.vector_store %arg45[%swap3A_610, %swap3A_611, %swap3A_612], %swap3A_615 {strides = array<i32>} : memref<1x128x4096xbf16, #tpu.memory_space<vmem>>, vector<1x128x512xbf16>,
    %swap3A_616 = arith.constant 0 : index
    %swap3A_617 = arith.constant 1024 : index
    %swap3A_618 = arith.constant 0 : index
    %swap3A_619 = vector.load %arg46[%swap3A_616, %swap3A_617, %swap3A_618] : memref<1x4096x128xbf16, #tpu.memory_space<vmem>>, vector<1x512x128xbf16>
    %swap3A_620 = vector.shape_cast %swap3A_619 : vector<1x512x128xbf16> to vector<512x128xbf16>
    %swap3A_621 = vector.shape_cast %concatenate3A_609 : vector<512x128xbf16> to vector<1x512x128xbf16>
    tpu.vector_store %arg46[%swap3A_616, %swap3A_617, %swap3A_618], %swap3A_621 {strides = array<i32>} : memref<1x4096x128xbf16, #tpu.memory_space<vmem>>, vector<1x512x128xbf16>,
    %slice3A_622 = vector.extract_strided_slice %dot_general3A_557 {offsets = [256, 0], sizes = [128, 400], strides = [1, 1]} : vector<1024x400xf32> to vector<128x400xf32>
    %get3A_623 = arith.constant 256 : index
    %get3A_624 = arith.constant 0 : index
    %get3A_625 = vector.load %arg27[%get3A_623, %get3A_624] : memref<512x128xf32, #tpu.memory_space<vmem>>, vector<128x128xf32>
    %dot_general3A_626 = arith.constant dense<0.000000e+00> : vector<128x400xf32>
    %dot_general3A_627 = tpu.matmul %get3A_625, %slice3A_622, %dot_general3A_626 {dimension_numbers = #tpu.dot_dimension_numbers<[0], [0], [1], [1], [0, 1, 1, 1], [], []>, transpose_lhs_hint = false} : vector<128x128xf32>, vector<128x400xf32>, vector<128x400xf32> -> vector<128x400xf32>
    %convert_element_type3A_628 = arith.truncf %dot_general3A_627 : vector<128x400xf32> to vector<128x400xbf16>
    %slice3A_629 = vector.extract_strided_slice %dot_general3A_557 {offsets = [768, 0], sizes = [128, 400], strides = [1, 1]} : vector<1024x400xf32> to vector<128x400xf32>
    %get3A_630 = arith.constant 768 : index
    %get3A_631 = arith.constant 0 : index
    %get3A_632 = vector.load %arg28[%get3A_630, %get3A_631] : memref<1536x128xf32, #tpu.memory_space<vmem>>, vector<128x128xf32>
    %dot_general3A_633 = arith.constant dense<0.000000e+00> : vector<400x128xf32>
    %dot_general3A_634 = tpu.matmul %slice3A_629, %get3A_632, %dot_general3A_633 {dimension_numbers = #tpu.dot_dimension_numbers<[0], [0], [1], [1], [0, 1, 1, 1], [], []>, transpose_lhs_hint = false} : vector<128x400xf32>, vector<128x128xf32>, vector<400x128xf32> -> vector<400x128xf32>
    %convert_element_type3A_635 = arith.truncf %dot_general3A_634 : vector<400x128xf32> to vector<400x128xbf16>
    %broadcast_in_dim3A_636 = arith.constant 0.000000e+00 : bf16
    %broadcast_in_dim3A_637 = vector.broadcast %broadcast_in_dim3A_636 : bf16 to vector<128x112xbf16>
    %concatenate3A_638 = tpu.concatenate %convert_element_type3A_628, %broadcast_in_dim3A_637 in 1 : vector<128x400xbf16>, vector<128x112xbf16> -> vector<128x512xbf16>
    %broadcast_in_dim3A_639 = arith.constant 0.000000e+00 : bf16
    %broadcast_in_dim3A_640 = vector.broadcast %broadcast_in_dim3A_639 : bf16 to vector<112x128xbf16>
    %concatenate3A_641 = tpu.concatenate %convert_element_type3A_635, %broadcast_in_dim3A_640 in 0 : vector<400x128xbf16>, vector<112x128xbf16> -> vector<512x128xbf16>
    %swap3A_642 = arith.constant 0 : index
    %swap3A_643 = arith.constant 0 : index
    %swap3A_644 = arith.constant 2048 : index
    %swap3A_645 = vector.load %arg45[%swap3A_642, %swap3A_643, %swap3A_644] : memref<1x128x4096xbf16, #tpu.memory_space<vmem>>, vector<1x128x512xbf16>
    %swap3A_646 = vector.shape_cast %swap3A_645 : vector<1x128x512xbf16> to vector<128x512xbf16>
    %swap3A_647 = vector.shape_cast %concatenate3A_638 : vector<128x512xbf16> to vector<1x128x512xbf16>
    tpu.vector_store %arg45[%swap3A_642, %swap3A_643, %swap3A_644], %swap3A_647 {strides = array<i32>} : memref<1x128x4096xbf16, #tpu.memory_space<vmem>>, vector<1x128x512xbf16>,
    %swap3A_648 = arith.constant 0 : index
    %swap3A_649 = arith.constant 2048 : index
    %swap3A_650 = arith.constant 0 : index
    %swap3A_651 = vector.load %arg46[%swap3A_648, %swap3A_649, %swap3A_650] : memref<1x4096x128xbf16, #tpu.memory_space<vmem>>, vector<1x512x128xbf16>
    %swap3A_652 = vector.shape_cast %swap3A_651 : vector<1x512x128xbf16> to vector<512x128xbf16>
    %swap3A_653 = vector.shape_cast %concatenate3A_641 : vector<512x128xbf16> to vector<1x512x128xbf16>
    tpu.vector_store %arg46[%swap3A_648, %swap3A_649, %swap3A_650], %swap3A_653 {strides = array<i32>} : memref<1x4096x128xbf16, #tpu.memory_space<vmem>>, vector<1x512x128xbf16>,
    %slice3A_654 = vector.extract_strided_slice %dot_general3A_557 {offsets = [384, 0], sizes = [128, 400], strides = [1, 1]} : vector<1024x400xf32> to vector<128x400xf32>
    %get3A_655 = arith.constant 384 : index
    %get3A_656 = arith.constant 0 : index
    %get3A_657 = vector.load %arg27[%get3A_655, %get3A_656] : memref<512x128xf32, #tpu.memory_space<vmem>>, vector<128x128xf32>
    %dot_general3A_658 = arith.constant dense<0.000000e+00> : vector<128x400xf32>
    %dot_general3A_659 = tpu.matmul %get3A_657, %slice3A_654, %dot_general3A_658 {dimension_numbers = #tpu.dot_dimension_numbers<[0], [0], [1], [1], [0, 1, 1, 1], [], []>, transpose_lhs_hint = false} : vector<128x128xf32>, vector<128x400xf32>, vector<128x400xf32> -> vector<128x400xf32>
    %convert_element_type3A_660 = arith.truncf %dot_general3A_659 : vector<128x400xf32> to vector<128x400xbf16>
    %slice3A_661 = vector.extract_strided_slice %dot_general3A_557 {offsets = [896, 0], sizes = [128, 400], strides = [1, 1]} : vector<1024x400xf32> to vector<128x400xf32>
    %get3A_662 = arith.constant 1152 : index
    %get3A_663 = arith.constant 0 : index
    %get3A_664 = vector.load %arg28[%get3A_662, %get3A_663] : memref<1536x128xf32, #tpu.memory_space<vmem>>, vector<128x128xf32>
    %dot_general3A_665 = arith.constant dense<0.000000e+00> : vector<400x128xf32>
    %dot_general3A_666 = tpu.matmul %slice3A_661, %get3A_664, %dot_general3A_665 {dimension_numbers = #tpu.dot_dimension_numbers<[0], [0], [1], [1], [0, 1, 1, 1], [], []>, transpose_lhs_hint = false} : vector<128x400xf32>, vector<128x128xf32>, vector<400x128xf32> -> vector<400x128xf32>
    %convert_element_type3A_667 = arith.truncf %dot_general3A_666 : vector<400x128xf32> to vector<400x128xbf16>
    %broadcast_in_dim3A_668 = arith.constant 0.000000e+00 : bf16
    %broadcast_in_dim3A_669 = vector.broadcast %broadcast_in_dim3A_668 : bf16 to vector<128x112xbf16>
    %concatenate3A_670 = tpu.concatenate %convert_element_type3A_660, %broadcast_in_dim3A_669 in 1 : vector<128x400xbf16>, vector<128x112xbf16> -> vector<128x512xbf16>
    %broadcast_in_dim3A_671 = arith.constant 0.000000e+00 : bf16
    %broadcast_in_dim3A_672 = vector.broadcast %broadcast_in_dim3A_671 : bf16 to vector<112x128xbf16>
    %concatenate3A_673 = tpu.concatenate %convert_element_type3A_667, %broadcast_in_dim3A_672 in 0 : vector<400x128xbf16>, vector<112x128xbf16> -> vector<512x128xbf16>
    %swap3A_674 = arith.constant 0 : index
    %swap3A_675 = arith.constant 0 : index
    %swap3A_676 = arith.constant 3072 : index
    %swap3A_677 = vector.load %arg45[%swap3A_674, %swap3A_675, %swap3A_676] : memref<1x128x4096xbf16, #tpu.memory_space<vmem>>, vector<1x128x512xbf16>
    %swap3A_678 = vector.shape_cast %swap3A_677 : vector<1x128x512xbf16> to vector<128x512xbf16>
    %swap3A_679 = vector.shape_cast %concatenate3A_670 : vector<128x512xbf16> to vector<1x128x512xbf16>
    tpu.vector_store %arg45[%swap3A_674, %swap3A_675, %swap3A_676], %swap3A_679 {strides = array<i32>} : memref<1x128x4096xbf16, #tpu.memory_space<vmem>>, vector<1x128x512xbf16>,
    %swap3A_680 = arith.constant 0 : index
    %swap3A_681 = arith.constant 3072 : index
    %swap3A_682 = arith.constant 0 : index
    %swap3A_683 = vector.load %arg46[%swap3A_680, %swap3A_681, %swap3A_682] : memref<1x4096x128xbf16, #tpu.memory_space<vmem>>, vector<1x512x128xbf16>
    %swap3A_684 = vector.shape_cast %swap3A_683 : vector<1x512x128xbf16> to vector<512x128xbf16>
    %swap3A_685 = vector.shape_cast %concatenate3A_673 : vector<512x128xbf16> to vector<1x512x128xbf16>
    tpu.vector_store %arg46[%swap3A_680, %swap3A_681, %swap3A_682], %swap3A_685 {strides = array<i32>} : memref<1x4096x128xbf16, #tpu.memory_space<vmem>>, vector<1x512x128xbf16>,
    %get3A_686 = arith.constant 0 : index
    %get3A_687 = arith.constant 0 : index
    %get3A_688 = arith.constant 0 : index
    %get3A_689 = vector.load %arg19[%get3A_686, %get3A_687, %get3A_688] : memref<1x192x256xf32, #tpu.memory_space<vmem>>, vector<1x192x256xf32>
    %get3A_690 = vector.shape_cast %get3A_689 : vector<1x192x256xf32> to vector<192x256xf32>
    %get3A_691 = arith.constant 0 : index
    %get3A_692 = arith.constant 0 : index
    %get3A_693 = vector.load %arg20[%get3A_691, %get3A_692] : memref<1x256xf32, #tpu.memory_space<vmem>>, vector<1x256xf32>
    %get3A_694 = vector.shape_cast %get3A_693 : vector<1x256xf32> to vector<256xf32>
    %get3A_695 = arith.constant 0 : index
    %get3A_696 = arith.constant 0 : index
    %get3A_697 = vector.load %arg21[%get3A_695, %get3A_696] : memref<1x256xf32, #tpu.memory_space<vmem>>, vector<1x256xf32>
    %get3A_698 = vector.shape_cast %get3A_697 : vector<1x256xf32> to vector<256xf32>
    %reduce_sum3A_699 = arith.constant dense<0.000000e+00> : vector<192xf32>
    %reduce_sum3A_700 = vector.multi_reduction <add>, %get3A_690, %reduce_sum3A_699 [1] : vector<192x256xf32> to vector<192xf32>
    %broadcast_in_dim3A_701 = vector.shape_cast %reduce_sum3A_700 : vector<192xf32> to vector<192x1xf32>
    %div3A_702 = arith.constant 2.560000e+02 : f32
    %div3A_703 = vector.broadcast %div3A_702 : f32 to vector<192x1xf32>
    %div3A_704 = arith.divf %broadcast_in_dim3A_701, %div3A_703 : vector<192x1xf32>
    %sub3A_705 = vector.broadcast %div3A_704 : vector<192x1xf32> to vector<192x256xf32>
    %sub3A_706 = arith.subf %get3A_690, %sub3A_705 : vector<192x256xf32>
    %integer_pow3A_707 = arith.mulf %sub3A_706, %sub3A_706 : vector<192x256xf32>
    %reduce_sum3A_708 = arith.constant dense<0.000000e+00> : vector<192xf32>
    %reduce_sum3A_709 = vector.multi_reduction <add>, %integer_pow3A_707, %reduce_sum3A_708 [1] : vector<192x256xf32> to vector<192xf32>
    %broadcast_in_dim3A_710 = vector.shape_cast %reduce_sum3A_709 : vector<192xf32> to vector<192x1xf32>
    %div3A_711 = arith.constant 2.560000e+02 : f32
    %div3A_712 = vector.broadcast %div3A_711 : f32 to vector<192x1xf32>
    %div3A_713 = arith.divf %broadcast_in_dim3A_710, %div3A_712 : vector<192x1xf32>
    %sub3A_714 = vector.broadcast %div3A_704 : vector<192x1xf32> to vector<192x256xf32>
    %sub3A_715 = arith.subf %get3A_690, %sub3A_714 : vector<192x256xf32>
    %add3A_716 = arith.constant 9.99999974E-6 : f32
    %add3A_717 = vector.broadcast %add3A_716 : f32 to vector<192x1xf32>
    %add3A_718 = arith.addf %div3A_713, %add3A_717 : vector<192x1xf32>
    %sqrt3A_719 = math.sqrt %add3A_718 : vector<192x1xf32>
    %div3A_720 = vector.broadcast %sqrt3A_719 : vector<192x1xf32> to vector<192x256xf32>
    %div3A_721 = arith.divf %sub3A_715, %div3A_720 : vector<192x256xf32>
    %broadcast_in_dim3A_722 = vector.shape_cast %get3A_694 : vector<256xf32> to vector<1x256xf32>
    %mul3A_723 = vector.broadcast %broadcast_in_dim3A_722 : vector<1x256xf32> to vector<192x256xf32>
    %mul3A_724 = arith.mulf %div3A_721, %mul3A_723 : vector<192x256xf32>
    %broadcast_in_dim3A_725 = vector.shape_cast %get3A_698 : vector<256xf32> to vector<1x256xf32>
    %add3A_726 = vector.broadcast %broadcast_in_dim3A_725 : vector<1x256xf32> to vector<192x256xf32>
    %add3A_727 = arith.addf %mul3A_724, %add3A_726 : vector<192x256xf32>
    %get3A_728 = arith.constant 0 : index
    %get3A_729 = arith.constant 0 : index
    %get3A_730 = vector.load %arg22[%get3A_728, %get3A_729] : memref<1024x256xf32, #tpu.memory_space<vmem>>, vector<1024x256xf32>
    %dot_general3A_731 = arith.constant dense<0.000000e+00> : vector<1024x192xf32>
    %dot_general3A_732 = tpu.matmul %get3A_730, %add3A_727, %dot_general3A_731 {dimension_numbers = #tpu.dot_dimension_numbers<[1], [1], [0], [0], [0, 0, 1, 0], [], []>, transpose_lhs_hint = false} : vector<1024x256xf32>, vector<192x256xf32>, vector<1024x192xf32> -> vector<1024x192xf32>
    %slice3A_733 = vector.extract_strided_slice %dot_general3A_732 {offsets = [0, 0], sizes = [128, 192], strides = [1, 1]} : vector<1024x192xf32> to vector<128x192xf32>
    %get3A_734 = arith.constant 0 : index
    %get3A_735 = arith.constant 0 : index
    %get3A_736 = vector.load %arg27[%get3A_734, %get3A_735] : memref<512x128xf32, #tpu.memory_space<vmem>>, vector<128x128xf32>
    %dot_general3A_737 = arith.constant dense<0.000000e+00> : vector<128x192xf32>
    %dot_general3A_738 = tpu.matmul %get3A_736, %slice3A_733, %dot_general3A_737 {dimension_numbers = #tpu.dot_dimension_numbers<[0], [0], [1], [1], [0, 1, 1, 1], [], []>, transpose_lhs_hint = false} : vector<128x128xf32>, vector<128x192xf32>, vector<128x192xf32> -> vector<128x192xf32>
    %convert_element_type3A_739 = arith.truncf %dot_general3A_738 : vector<128x192xf32> to vector<128x192xbf16>
    %slice3A_740 = vector.extract_strided_slice %dot_general3A_732 {offsets = [512, 0], sizes = [128, 192], strides = [1, 1]} : vector<1024x192xf32> to vector<128x192xf32>
    %get3A_741 = arith.constant 128 : index
    %get3A_742 = arith.constant 0 : index
    %get3A_743 = vector.load %arg28[%get3A_741, %get3A_742] : memref<1536x128xf32, #tpu.memory_space<vmem>>, vector<128x128xf32>
    %dot_general3A_744 = arith.constant dense<0.000000e+00> : vector<192x128xf32>
    %dot_general3A_745 = tpu.matmul %slice3A_740, %get3A_743, %dot_general3A_744 {dimension_numbers = #tpu.dot_dimension_numbers<[0], [0], [1], [1], [0, 1, 1, 1], [], []>, transpose_lhs_hint = false} : vector<128x192xf32>, vector<128x128xf32>, vector<192x128xf32> -> vector<192x128xf32>
    %convert_element_type3A_746 = arith.truncf %dot_general3A_745 : vector<192x128xf32> to vector<192x128xbf16>
    %broadcast_in_dim3A_747 = arith.constant 0.000000e+00 : bf16
    %broadcast_in_dim3A_748 = vector.broadcast %broadcast_in_dim3A_747 : bf16 to vector<128x64xbf16>
    %concatenate3A_749 = tpu.concatenate %convert_element_type3A_739, %broadcast_in_dim3A_748 in 1 : vector<128x192xbf16>, vector<128x64xbf16> -> vector<128x256xbf16>
    %broadcast_in_dim3A_750 = arith.constant 0.000000e+00 : bf16
    %broadcast_in_dim3A_751 = vector.broadcast %broadcast_in_dim3A_750 : bf16 to vector<64x128xbf16>
    %concatenate3A_752 = tpu.concatenate %convert_element_type3A_746, %broadcast_in_dim3A_751 in 0 : vector<192x128xbf16>, vector<64x128xbf16> -> vector<256x128xbf16>
    %swap3A_753 = arith.constant 0 : index
    %swap3A_754 = arith.constant 0 : index
    %swap3A_755 = arith.constant 512 : index
    %swap3A_756 = vector.load %arg45[%swap3A_753, %swap3A_754, %swap3A_755] : memref<1x128x4096xbf16, #tpu.memory_space<vmem>>, vector<1x128x256xbf16>
    %swap3A_757 = vector.shape_cast %swap3A_756 : vector<1x128x256xbf16> to vector<128x256xbf16>
    %swap3A_758 = vector.shape_cast %concatenate3A_749 : vector<128x256xbf16> to vector<1x128x256xbf16>
    tpu.vector_store %arg45[%swap3A_753, %swap3A_754, %swap3A_755], %swap3A_758 {strides = array<i32>} : memref<1x128x4096xbf16, #tpu.memory_space<vmem>>, vector<1x128x256xbf16>,
    %swap3A_759 = arith.constant 0 : index
    %swap3A_760 = arith.constant 512 : index
    %swap3A_761 = arith.constant 0 : index
    %swap3A_762 = vector.load %arg46[%swap3A_759, %swap3A_760, %swap3A_761] : memref<1x4096x128xbf16, #tpu.memory_space<vmem>>, vector<1x256x128xbf16>
    %swap3A_763 = vector.shape_cast %swap3A_762 : vector<1x256x128xbf16> to vector<256x128xbf16>
    %swap3A_764 = vector.shape_cast %concatenate3A_752 : vector<256x128xbf16> to vector<1x256x128xbf16>
    tpu.vector_store %arg46[%swap3A_759, %swap3A_760, %swap3A_761], %swap3A_764 {strides = array<i32>} : memref<1x4096x128xbf16, #tpu.memory_space<vmem>>, vector<1x256x128xbf16>,
    %slice3A_765 = vector.extract_strided_slice %dot_general3A_732 {offsets = [128, 0], sizes = [128, 192], strides = [1, 1]} : vector<1024x192xf32> to vector<128x192xf32>
    %get3A_766 = arith.constant 128 : index
    %get3A_767 = arith.constant 0 : index
    %get3A_768 = vector.load %arg27[%get3A_766, %get3A_767] : memref<512x128xf32, #tpu.memory_space<vmem>>, vector<128x128xf32>
    %dot_general3A_769 = arith.constant dense<0.000000e+00> : vector<128x192xf32>
    %dot_general3A_770 = tpu.matmul %get3A_768, %slice3A_765, %dot_general3A_769 {dimension_numbers = #tpu.dot_dimension_numbers<[0], [0], [1], [1], [0, 1, 1, 1], [], []>, transpose_lhs_hint = false} : vector<128x128xf32>, vector<128x192xf32>, vector<128x192xf32> -> vector<128x192xf32>
    %convert_element_type3A_771 = arith.truncf %dot_general3A_770 : vector<128x192xf32> to vector<128x192xbf16>
    %slice3A_772 = vector.extract_strided_slice %dot_general3A_732 {offsets = [640, 0], sizes = [128, 192], strides = [1, 1]} : vector<1024x192xf32> to vector<128x192xf32>
    %get3A_773 = arith.constant 512 : index
    %get3A_774 = arith.constant 0 : index
    %get3A_775 = vector.load %arg28[%get3A_773, %get3A_774] : memref<1536x128xf32, #tpu.memory_space<vmem>>, vector<128x128xf32>
    %dot_general3A_776 = arith.constant dense<0.000000e+00> : vector<192x128xf32>
    %dot_general3A_777 = tpu.matmul %slice3A_772, %get3A_775, %dot_general3A_776 {dimension_numbers = #tpu.dot_dimension_numbers<[0], [0], [1], [1], [0, 1, 1, 1], [], []>, transpose_lhs_hint = false} : vector<128x192xf32>, vector<128x128xf32>, vector<192x128xf32> -> vector<192x128xf32>
    %convert_element_type3A_778 = arith.truncf %dot_general3A_777 : vector<192x128xf32> to vector<192x128xbf16>
    %broadcast_in_dim3A_779 = arith.constant 0.000000e+00 : bf16
    %broadcast_in_dim3A_780 = vector.broadcast %broadcast_in_dim3A_779 : bf16 to vector<128x64xbf16>
    %concatenate3A_781 = tpu.concatenate %convert_element_type3A_771, %broadcast_in_dim3A_780 in 1 : vector<128x192xbf16>, vector<128x64xbf16> -> vector<128x256xbf16>
    %broadcast_in_dim3A_782 = arith.constant 0.000000e+00 : bf16
    %broadcast_in_dim3A_783 = vector.broadcast %broadcast_in_dim3A_782 : bf16 to vector<64x128xbf16>
    %concatenate3A_784 = tpu.concatenate %convert_element_type3A_778, %broadcast_in_dim3A_783 in 0 : vector<192x128xbf16>, vector<64x128xbf16> -> vector<256x128xbf16>
    %swap3A_785 = arith.constant 0 : index
    %swap3A_786 = arith.constant 0 : index
    %swap3A_787 = arith.constant 1536 : index
    %swap3A_788 = vector.load %arg45[%swap3A_785, %swap3A_786, %swap3A_787] : memref<1x128x4096xbf16, #tpu.memory_space<vmem>>, vector<1x128x256xbf16>
    %swap3A_789 = vector.shape_cast %swap3A_788 : vector<1x128x256xbf16> to vector<128x256xbf16>
    %swap3A_790 = vector.shape_cast %concatenate3A_781 : vector<128x256xbf16> to vector<1x128x256xbf16>
    tpu.vector_store %arg45[%swap3A_785, %swap3A_786, %swap3A_787], %swap3A_790 {strides = array<i32>} : memref<1x128x4096xbf16, #tpu.memory_space<vmem>>, vector<1x128x256xbf16>,
    %swap3A_791 = arith.constant 0 : index
    %swap3A_792 = arith.constant 1536 : index
    %swap3A_793 = arith.constant 0 : index
    %swap3A_794 = vector.load %arg46[%swap3A_791, %swap3A_792, %swap3A_793] : memref<1x4096x128xbf16, #tpu.memory_space<vmem>>, vector<1x256x128xbf16>
    %swap3A_795 = vector.shape_cast %swap3A_794 : vector<1x256x128xbf16> to vector<256x128xbf16>
    %swap3A_796 = vector.shape_cast %concatenate3A_784 : vector<256x128xbf16> to vector<1x256x128xbf16>
    tpu.vector_store %arg46[%swap3A_791, %swap3A_792, %swap3A_793], %swap3A_796 {strides = array<i32>} : memref<1x4096x128xbf16, #tpu.memory_space<vmem>>, vector<1x256x128xbf16>,
    %slice3A_797 = vector.extract_strided_slice %dot_general3A_732 {offsets = [256, 0], sizes = [128, 192], strides = [1, 1]} : vector<1024x192xf32> to vector<128x192xf32>
    %get3A_798 = arith.constant 256 : index
    %get3A_799 = arith.constant 0 : index
    %get3A_800 = vector.load %arg27[%get3A_798, %get3A_799] : memref<512x128xf32, #tpu.memory_space<vmem>>, vector<128x128xf32>
    %dot_general3A_801 = arith.constant dense<0.000000e+00> : vector<128x192xf32>
    %dot_general3A_802 = tpu.matmul %get3A_800, %slice3A_797, %dot_general3A_801 {dimension_numbers = #tpu.dot_dimension_numbers<[0], [0], [1], [1], [0, 1, 1, 1], [], []>, transpose_lhs_hint = false} : vector<128x128xf32>, vector<128x192xf32>, vector<128x192xf32> -> vector<128x192xf32>
    %convert_element_type3A_803 = arith.truncf %dot_general3A_802 : vector<128x192xf32> to vector<128x192xbf16>
    %slice3A_804 = vector.extract_strided_slice %dot_general3A_732 {offsets = [768, 0], sizes = [128, 192], strides = [1, 1]} : vector<1024x192xf32> to vector<128x192xf32>
    %get3A_805 = arith.constant 896 : index
    %get3A_806 = arith.constant 0 : index
    %get3A_807 = vector.load %arg28[%get3A_805, %get3A_806] : memref<1536x128xf32, #tpu.memory_space<vmem>>, vector<128x128xf32>
    %dot_general3A_808 = arith.constant dense<0.000000e+00> : vector<192x128xf32>
    %dot_general3A_809 = tpu.matmul %slice3A_804, %get3A_807, %dot_general3A_808 {dimension_numbers = #tpu.dot_dimension_numbers<[0], [0], [1], [1], [0, 1, 1, 1], [], []>, transpose_lhs_hint = false} : vector<128x192xf32>, vector<128x128xf32>, vector<192x128xf32> -> vector<192x128xf32>
    %convert_element_type3A_810 = arith.truncf %dot_general3A_809 : vector<192x128xf32> to vector<192x128xbf16>
    %broadcast_in_dim3A_811 = arith.constant 0.000000e+00 : bf16
    %broadcast_in_dim3A_812 = vector.broadcast %broadcast_in_dim3A_811 : bf16 to vector<128x64xbf16>
    %concatenate3A_813 = tpu.concatenate %convert_element_type3A_803, %broadcast_in_dim3A_812 in 1 : vector<128x192xbf16>, vector<128x64xbf16> -> vector<128x256xbf16>
    %broadcast_in_dim3A_814 = arith.constant 0.000000e+00 : bf16
    %broadcast_in_dim3A_815 = vector.broadcast %broadcast_in_dim3A_814 : bf16 to vector<64x128xbf16>
    %concatenate3A_816 = tpu.concatenate %convert_element_type3A_810, %broadcast_in_dim3A_815 in 0 : vector<192x128xbf16>, vector<64x128xbf16> -> vector<256x128xbf16>
    %swap3A_817 = arith.constant 0 : index
    %swap3A_818 = arith.constant 0 : index
    %swap3A_819 = arith.constant 2560 : index
    %swap3A_820 = vector.load %arg45[%swap3A_817, %swap3A_818, %swap3A_819] : memref<1x128x4096xbf16, #tpu.memory_space<vmem>>, vector<1x128x256xbf16>
    %swap3A_821 = vector.shape_cast %swap3A_820 : vector<1x128x256xbf16> to vector<128x256xbf16>
    %swap3A_822 = vector.shape_cast %concatenate3A_813 : vector<128x256xbf16> to vector<1x128x256xbf16>
    tpu.vector_store %arg45[%swap3A_817, %swap3A_818, %swap3A_819], %swap3A_822 {strides = array<i32>} : memref<1x128x4096xbf16, #tpu.memory_space<vmem>>, vector<1x128x256xbf16>,
    %swap3A_823 = arith.constant 0 : index
    %swap3A_824 = arith.constant 2560 : index
    %swap3A_825 = arith.constant 0 : index
    %swap3A_826 = vector.load %arg46[%swap3A_823, %swap3A_824, %swap3A_825] : memref<1x4096x128xbf16, #tpu.memory_space<vmem>>, vector<1x256x128xbf16>
    %swap3A_827 = vector.shape_cast %swap3A_826 : vector<1x256x128xbf16> to vector<256x128xbf16>
    %swap3A_828 = vector.shape_cast %concatenate3A_816 : vector<256x128xbf16> to vector<1x256x128xbf16>
    tpu.vector_store %arg46[%swap3A_823, %swap3A_824, %swap3A_825], %swap3A_828 {strides = array<i32>} : memref<1x4096x128xbf16, #tpu.memory_space<vmem>>, vector<1x256x128xbf16>,
    %slice3A_829 = vector.extract_strided_slice %dot_general3A_732 {offsets = [384, 0], sizes = [128, 192], strides = [1, 1]} : vector<1024x192xf32> to vector<128x192xf32>
    %get3A_830 = arith.constant 384 : index
    %get3A_831 = arith.constant 0 : index
    %get3A_832 = vector.load %arg27[%get3A_830, %get3A_831] : memref<512x128xf32, #tpu.memory_space<vmem>>, vector<128x128xf32>
    %dot_general3A_833 = arith.constant dense<0.000000e+00> : vector<128x192xf32>
    %dot_general3A_834 = tpu.matmul %get3A_832, %slice3A_829, %dot_general3A_833 {dimension_numbers = #tpu.dot_dimension_numbers<[0], [0], [1], [1], [0, 1, 1, 1], [], []>, transpose_lhs_hint = false} : vector<128x128xf32>, vector<128x192xf32>, vector<128x192xf32> -> vector<128x192xf32>
    %convert_element_type3A_835 = arith.truncf %dot_general3A_834 : vector<128x192xf32> to vector<128x192xbf16>
    %slice3A_836 = vector.extract_strided_slice %dot_general3A_732 {offsets = [896, 0], sizes = [128, 192], strides = [1, 1]} : vector<1024x192xf32> to vector<128x192xf32>
    %get3A_837 = arith.constant 1280 : index
    %get3A_838 = arith.constant 0 : index
    %get3A_839 = vector.load %arg28[%get3A_837, %get3A_838] : memref<1536x128xf32, #tpu.memory_space<vmem>>, vector<128x128xf32>
    %dot_general3A_840 = arith.constant dense<0.000000e+00> : vector<192x128xf32>
    %dot_general3A_841 = tpu.matmul %slice3A_836, %get3A_839, %dot_general3A_840 {dimension_numbers = #tpu.dot_dimension_numbers<[0], [0], [1], [1], [0, 1, 1, 1], [], []>, transpose_lhs_hint = false} : vector<128x192xf32>, vector<128x128xf32>, vector<192x128xf32> -> vector<192x128xf32>
    %convert_element_type3A_842 = arith.truncf %dot_general3A_841 : vector<192x128xf32> to vector<192x128xbf16>
    %broadcast_in_dim3A_843 = arith.constant 0.000000e+00 : bf16
    %broadcast_in_dim3A_844 = vector.broadcast %broadcast_in_dim3A_843 : bf16 to vector<128x64xbf16>
    %concatenate3A_845 = tpu.concatenate %convert_element_type3A_835, %broadcast_in_dim3A_844 in 1 : vector<128x192xbf16>, vector<128x64xbf16> -> vector<128x256xbf16>
    %broadcast_in_dim3A_846 = arith.constant 0.000000e+00 : bf16
    %broadcast_in_dim3A_847 = vector.broadcast %broadcast_in_dim3A_846 : bf16 to vector<64x128xbf16>
    %concatenate3A_848 = tpu.concatenate %convert_element_type3A_842, %broadcast_in_dim3A_847 in 0 : vector<192x128xbf16>, vector<64x128xbf16> -> vector<256x128xbf16>
    %swap3A_849 = arith.constant 0 : index
    %swap3A_850 = arith.constant 0 : index
    %swap3A_851 = arith.constant 3584 : index
    %swap3A_852 = vector.load %arg45[%swap3A_849, %swap3A_850, %swap3A_851] : memref<1x128x4096xbf16, #tpu.memory_space<vmem>>, vector<1x128x256xbf16>
    %swap3A_853 = vector.shape_cast %swap3A_852 : vector<1x128x256xbf16> to vector<128x256xbf16>
    %swap3A_854 = vector.shape_cast %concatenate3A_845 : vector<128x256xbf16> to vector<1x128x256xbf16>
    tpu.vector_store %arg45[%swap3A_849, %swap3A_850, %swap3A_851], %swap3A_854 {strides = array<i32>} : memref<1x128x4096xbf16, #tpu.memory_space<vmem>>, vector<1x128x256xbf16>,
    %swap3A_855 = arith.constant 0 : index
    %swap3A_856 = arith.constant 3584 : index
    %swap3A_857 = arith.constant 0 : index
    %swap3A_858 = vector.load %arg46[%swap3A_855, %swap3A_856, %swap3A_857] : memref<1x4096x128xbf16, #tpu.memory_space<vmem>>, vector<1x256x128xbf16>
    %swap3A_859 = vector.shape_cast %swap3A_858 : vector<1x256x128xbf16> to vector<256x128xbf16>
    %swap3A_860 = vector.shape_cast %concatenate3A_848 : vector<256x128xbf16> to vector<1x256x128xbf16>
    tpu.vector_store %arg46[%swap3A_855, %swap3A_856, %swap3A_857], %swap3A_860 {strides = array<i32>} : memref<1x4096x128xbf16, #tpu.memory_space<vmem>>, vector<1x256x128xbf16>,
    %get3A_861 = arith.constant 0 : index
    %get3A_862 = arith.constant 0 : index
    %get3A_863 = arith.constant 0 : index
    %get3A_864 = vector.load %arg23[%get3A_861, %get3A_862, %get3A_863] : memref<1x144x512xf32, #tpu.memory_space<vmem>>, vector<1x144x512xf32>
    %get3A_865 = vector.shape_cast %get3A_864 : vector<1x144x512xf32> to vector<144x512xf32>
    %get3A_866 = arith.constant 0 : index
    %get3A_867 = arith.constant 0 : index
    %get3A_868 = vector.load %arg24[%get3A_866, %get3A_867] : memref<1x512xf32, #tpu.memory_space<vmem>>, vector<1x512xf32>
    %get3A_869 = vector.shape_cast %get3A_868 : vector<1x512xf32> to vector<512xf32>
    %get3A_870 = arith.constant 0 : index
    %get3A_871 = arith.constant 0 : index
    %get3A_872 = vector.load %arg25[%get3A_870, %get3A_871] : memref<1x512xf32, #tpu.memory_space<vmem>>, vector<1x512xf32>
    %get3A_873 = vector.shape_cast %get3A_872 : vector<1x512xf32> to vector<512xf32>
    %reduce_sum3A_874 = arith.constant dense<0.000000e+00> : vector<144xf32>
    %reduce_sum3A_875 = vector.multi_reduction <add>, %get3A_865, %reduce_sum3A_874 [1] : vector<144x512xf32> to vector<144xf32>
    %broadcast_in_dim3A_876 = vector.shape_cast %reduce_sum3A_875 : vector<144xf32> to vector<144x1xf32>
    %div3A_877 = arith.constant 5.120000e+02 : f32
    %div3A_878 = vector.broadcast %div3A_877 : f32 to vector<144x1xf32>
    %div3A_879 = arith.divf %broadcast_in_dim3A_876, %div3A_878 : vector<144x1xf32>
    %sub3A_880 = vector.broadcast %div3A_879 : vector<144x1xf32> to vector<144x512xf32>
    %sub3A_881 = arith.subf %get3A_865, %sub3A_880 : vector<144x512xf32>
    %integer_pow3A_882 = arith.mulf %sub3A_881, %sub3A_881 : vector<144x512xf32>
    %reduce_sum3A_883 = arith.constant dense<0.000000e+00> : vector<144xf32>
    %reduce_sum3A_884 = vector.multi_reduction <add>, %integer_pow3A_882, %reduce_sum3A_883 [1] : vector<144x512xf32> to vector<144xf32>
    %broadcast_in_dim3A_885 = vector.shape_cast %reduce_sum3A_884 : vector<144xf32> to vector<144x1xf32>
    %div3A_886 = arith.constant 5.120000e+02 : f32
    %div3A_887 = vector.broadcast %div3A_886 : f32 to vector<144x1xf32>
    %div3A_888 = arith.divf %broadcast_in_dim3A_885, %div3A_887 : vector<144x1xf32>
    %sub3A_889 = vector.broadcast %div3A_879 : vector<144x1xf32> to vector<144x512xf32>
    %sub3A_890 = arith.subf %get3A_865, %sub3A_889 : vector<144x512xf32>
    %add3A_891 = arith.constant 9.99999974E-6 : f32
    %add3A_892 = vector.broadcast %add3A_891 : f32 to vector<144x1xf32>
    %add3A_893 = arith.addf %div3A_888, %add3A_892 : vector<144x1xf32>
    %sqrt3A_894 = math.sqrt %add3A_893 : vector<144x1xf32>
    %div3A_895 = vector.broadcast %sqrt3A_894 : vector<144x1xf32> to vector<144x512xf32>
    %div3A_896 = arith.divf %sub3A_890, %div3A_895 : vector<144x512xf32>
    %broadcast_in_dim3A_897 = vector.shape_cast %get3A_869 : vector<512xf32> to vector<1x512xf32>
    %mul3A_898 = vector.broadcast %broadcast_in_dim3A_897 : vector<1x512xf32> to vector<144x512xf32>
    %mul3A_899 = arith.mulf %div3A_896, %mul3A_898 : vector<144x512xf32>
    %broadcast_in_dim3A_900 = vector.shape_cast %get3A_873 : vector<512xf32> to vector<1x512xf32>
    %add3A_901 = vector.broadcast %broadcast_in_dim3A_900 : vector<1x512xf32> to vector<144x512xf32>
    %add3A_902 = arith.addf %mul3A_899, %add3A_901 : vector<144x512xf32>
    %get3A_903 = arith.constant 0 : index
    %get3A_904 = arith.constant 0 : index
    %get3A_905 = vector.load %arg26[%get3A_903, %get3A_904] : memref<1024x512xf32, #tpu.memory_space<vmem>>, vector<1024x512xf32>
    %dot_general3A_906 = arith.constant dense<0.000000e+00> : vector<1024x144xf32>
    %dot_general3A_907 = tpu.matmul %get3A_905, %add3A_902, %dot_general3A_906 {dimension_numbers = #tpu.dot_dimension_numbers<[1], [1], [0], [0], [0, 0, 1, 0], [], []>, transpose_lhs_hint = false} : vector<1024x512xf32>, vector<144x512xf32>, vector<1024x144xf32> -> vector<1024x144xf32>
    %slice3A_908 = vector.extract_strided_slice %dot_general3A_907 {offsets = [0, 0], sizes = [128, 144], strides = [1, 1]} : vector<1024x144xf32> to vector<128x144xf32>
    %get3A_909 = arith.constant 0 : index
    %get3A_910 = arith.constant 0 : index
    %get3A_911 = vector.load %arg27[%get3A_909, %get3A_910] : memref<512x128xf32, #tpu.memory_space<vmem>>, vector<128x128xf32>
    %dot_general3A_912 = arith.constant dense<0.000000e+00> : vector<128x144xf32>
    %dot_general3A_913 = tpu.matmul %get3A_911, %slice3A_908, %dot_general3A_912 {dimension_numbers = #tpu.dot_dimension_numbers<[0], [0], [1], [1], [0, 1, 1, 1], [], []>, transpose_lhs_hint = false} : vector<128x128xf32>, vector<128x144xf32>, vector<128x144xf32> -> vector<128x144xf32>
    %convert_element_type3A_914 = arith.truncf %dot_general3A_913 : vector<128x144xf32> to vector<128x144xbf16>
    %slice3A_915 = vector.extract_strided_slice %dot_general3A_907 {offsets = [512, 0], sizes = [128, 144], strides = [1, 1]} : vector<1024x144xf32> to vector<128x144xf32>
    %get3A_916 = arith.constant 256 : index
    %get3A_917 = arith.constant 0 : index
    %get3A_918 = vector.load %arg28[%get3A_916, %get3A_917] : memref<1536x128xf32, #tpu.memory_space<vmem>>, vector<128x128xf32>
    %dot_general3A_919 = arith.constant dense<0.000000e+00> : vector<144x128xf32>
    %dot_general3A_920 = tpu.matmul %slice3A_915, %get3A_918, %dot_general3A_919 {dimension_numbers = #tpu.dot_dimension_numbers<[0], [0], [1], [1], [0, 1, 1, 1], [], []>, transpose_lhs_hint = false} : vector<128x144xf32>, vector<128x128xf32>, vector<144x128xf32> -> vector<144x128xf32>
    %convert_element_type3A_921 = arith.truncf %dot_general3A_920 : vector<144x128xf32> to vector<144x128xbf16>
    %broadcast_in_dim3A_922 = arith.constant 0.000000e+00 : bf16
    %broadcast_in_dim3A_923 = vector.broadcast %broadcast_in_dim3A_922 : bf16 to vector<128x112xbf16>
    %concatenate3A_924 = tpu.concatenate %convert_element_type3A_914, %broadcast_in_dim3A_923 in 1 : vector<128x144xbf16>, vector<128x112xbf16> -> vector<128x256xbf16>
    %broadcast_in_dim3A_925 = arith.constant 0.000000e+00 : bf16
    %broadcast_in_dim3A_926 = vector.broadcast %broadcast_in_dim3A_925 : bf16 to vector<112x128xbf16>
    %concatenate3A_927 = tpu.concatenate %convert_element_type3A_921, %broadcast_in_dim3A_926 in 0 : vector<144x128xbf16>, vector<112x128xbf16> -> vector<256x128xbf16>
    %swap3A_928 = arith.constant 0 : index
    %swap3A_929 = arith.constant 0 : index
    %swap3A_930 = arith.constant 768 : index
    %swap3A_931 = vector.load %arg45[%swap3A_928, %swap3A_929, %swap3A_930] : memref<1x128x4096xbf16, #tpu.memory_space<vmem>>, vector<1x128x256xbf16>
    %swap3A_932 = vector.shape_cast %swap3A_931 : vector<1x128x256xbf16> to vector<128x256xbf16>
    %swap3A_933 = vector.shape_cast %concatenate3A_924 : vector<128x256xbf16> to vector<1x128x256xbf16>
    tpu.vector_store %arg45[%swap3A_928, %swap3A_929, %swap3A_930], %swap3A_933 {strides = array<i32>} : memref<1x128x4096xbf16, #tpu.memory_space<vmem>>, vector<1x128x256xbf16>,
    %swap3A_934 = arith.constant 0 : index
    %swap3A_935 = arith.constant 768 : index
    %swap3A_936 = arith.constant 0 : index
    %swap3A_937 = vector.load %arg46[%swap3A_934, %swap3A_935, %swap3A_936] : memref<1x4096x128xbf16, #tpu.memory_space<vmem>>, vector<1x256x128xbf16>
    %swap3A_938 = vector.shape_cast %swap3A_937 : vector<1x256x128xbf16> to vector<256x128xbf16>
    %swap3A_939 = vector.shape_cast %concatenate3A_927 : vector<256x128xbf16> to vector<1x256x128xbf16>
    tpu.vector_store %arg46[%swap3A_934, %swap3A_935, %swap3A_936], %swap3A_939 {strides = array<i32>} : memref<1x4096x128xbf16, #tpu.memory_space<vmem>>, vector<1x256x128xbf16>,
    %slice3A_940 = vector.extract_strided_slice %dot_general3A_907 {offsets = [128, 0], sizes = [128, 144], strides = [1, 1]} : vector<1024x144xf32> to vector<128x144xf32>
    %get3A_941 = arith.constant 128 : index
    %get3A_942 = arith.constant 0 : index
    %get3A_943 = vector.load %arg27[%get3A_941, %get3A_942] : memref<512x128xf32, #tpu.memory_space<vmem>>, vector<128x128xf32>
    %dot_general3A_944 = arith.constant dense<0.000000e+00> : vector<128x144xf32>
    %dot_general3A_945 = tpu.matmul %get3A_943, %slice3A_940, %dot_general3A_944 {dimension_numbers = #tpu.dot_dimension_numbers<[0], [0], [1], [1], [0, 1, 1, 1], [], []>, transpose_lhs_hint = false} : vector<128x128xf32>, vector<128x144xf32>, vector<128x144xf32> -> vector<128x144xf32>
    %convert_element_type3A_946 = arith.truncf %dot_general3A_945 : vector<128x144xf32> to vector<128x144xbf16>
    %slice3A_947 = vector.extract_strided_slice %dot_general3A_907 {offsets = [640, 0], sizes = [128, 144], strides = [1, 1]} : vector<1024x144xf32> to vector<128x144xf32>
    %get3A_948 = arith.constant 640 : index
    %get3A_949 = arith.constant 0 : index
    %get3A_950 = vector.load %arg28[%get3A_948, %get3A_949] : memref<1536x128xf32, #tpu.memory_space<vmem>>, vector<128x128xf32>
    %dot_general3A_951 = arith.constant dense<0.000000e+00> : vector<144x128xf32>
    %dot_general3A_952 = tpu.matmul %slice3A_947, %get3A_950, %dot_general3A_951 {dimension_numbers = #tpu.dot_dimension_numbers<[0], [0], [1], [1], [0, 1, 1, 1], [], []>, transpose_lhs_hint = false} : vector<128x144xf32>, vector<128x128xf32>, vector<144x128xf32> -> vector<144x128xf32>
    %convert_element_type3A_953 = arith.truncf %dot_general3A_952 : vector<144x128xf32> to vector<144x128xbf16>
    %broadcast_in_dim3A_954 = arith.constant 0.000000e+00 : bf16
    %broadcast_in_dim3A_955 = vector.broadcast %broadcast_in_dim3A_954 : bf16 to vector<128x112xbf16>
    %concatenate3A_956 = tpu.concatenate %convert_element_type3A_946, %broadcast_in_dim3A_955 in 1 : vector<128x144xbf16>, vector<128x112xbf16> -> vector<128x256xbf16>
    %broadcast_in_dim3A_957 = arith.constant 0.000000e+00 : bf16
    %broadcast_in_dim3A_958 = vector.broadcast %broadcast_in_dim3A_957 : bf16 to vector<112x128xbf16>
    %concatenate3A_959 = tpu.concatenate %convert_element_type3A_953, %broadcast_in_dim3A_958 in 0 : vector<144x128xbf16>, vector<112x128xbf16> -> vector<256x128xbf16>
    %swap3A_960 = arith.constant 0 : index
    %swap3A_961 = arith.constant 0 : index
    %swap3A_962 = arith.constant 1792 : index
    %swap3A_963 = vector.load %arg45[%swap3A_960, %swap3A_961, %swap3A_962] : memref<1x128x4096xbf16, #tpu.memory_space<vmem>>, vector<1x128x256xbf16>
    %swap3A_964 = vector.shape_cast %swap3A_963 : vector<1x128x256xbf16> to vector<128x256xbf16>
    %swap3A_965 = vector.shape_cast %concatenate3A_956 : vector<128x256xbf16> to vector<1x128x256xbf16>
    tpu.vector_store %arg45[%swap3A_960, %swap3A_961, %swap3A_962], %swap3A_965 {strides = array<i32>} : memref<1x128x4096xbf16, #tpu.memory_space<vmem>>, vector<1x128x256xbf16>,
    %swap3A_966 = arith.constant 0 : index
    %swap3A_967 = arith.constant 1792 : index
    %swap3A_968 = arith.constant 0 : index
    %swap3A_969 = vector.load %arg46[%swap3A_966, %swap3A_967, %swap3A_968] : memref<1x4096x128xbf16, #tpu.memory_space<vmem>>, vector<1x256x128xbf16>
    %swap3A_970 = vector.shape_cast %swap3A_969 : vector<1x256x128xbf16> to vector<256x128xbf16>
    %swap3A_971 = vector.shape_cast %concatenate3A_959 : vector<256x128xbf16> to vector<1x256x128xbf16>
    tpu.vector_store %arg46[%swap3A_966, %swap3A_967, %swap3A_968], %swap3A_971 {strides = array<i32>} : memref<1x4096x128xbf16, #tpu.memory_space<vmem>>, vector<1x256x128xbf16>,
    %slice3A_972 = vector.extract_strided_slice %dot_general3A_907 {offsets = [256, 0], sizes = [128, 144], strides = [1, 1]} : vector<1024x144xf32> to vector<128x144xf32>
    %get3A_973 = arith.constant 256 : index
    %get3A_974 = arith.constant 0 : index
    %get3A_975 = vector.load %arg27[%get3A_973, %get3A_974] : memref<512x128xf32, #tpu.memory_space<vmem>>, vector<128x128xf32>
    %dot_general3A_976 = arith.constant dense<0.000000e+00> : vector<128x144xf32>
    %dot_general3A_977 = tpu.matmul %get3A_975, %slice3A_972, %dot_general3A_976 {dimension_numbers = #tpu.dot_dimension_numbers<[0], [0], [1], [1], [0, 1, 1, 1], [], []>, transpose_lhs_hint = false} : vector<128x128xf32>, vector<128x144xf32>, vector<128x144xf32> -> vector<128x144xf32>
    %convert_element_type3A_978 = arith.truncf %dot_general3A_977 : vector<128x144xf32> to vector<128x144xbf16>
    %slice3A_979 = vector.extract_strided_slice %dot_general3A_907 {offsets = [768, 0], sizes = [128, 144], strides = [1, 1]} : vector<1024x144xf32> to vector<128x144xf32>
    %get3A_980 = arith.constant 1024 : index
    %get3A_981 = arith.constant 0 : index
    %get3A_982 = vector.load %arg28[%get3A_980, %get3A_981] : memref<1536x128xf32, #tpu.memory_space<vmem>>, vector<128x128xf32>
    %dot_general3A_983 = arith.constant dense<0.000000e+00> : vector<144x128xf32>
    %dot_general3A_984 = tpu.matmul %slice3A_979, %get3A_982, %dot_general3A_983 {dimension_numbers = #tpu.dot_dimension_numbers<[0], [0], [1], [1], [0, 1, 1, 1], [], []>, transpose_lhs_hint = false} : vector<128x144xf32>, vector<128x128xf32>, vector<144x128xf32> -> vector<144x128xf32>
    %convert_element_type3A_985 = arith.truncf %dot_general3A_984 : vector<144x128xf32> to vector<144x128xbf16>
    %broadcast_in_dim3A_986 = arith.constant 0.000000e+00 : bf16
    %broadcast_in_dim3A_987 = vector.broadcast %broadcast_in_dim3A_986 : bf16 to vector<128x112xbf16>
    %concatenate3A_988 = tpu.concatenate %convert_element_type3A_978, %broadcast_in_dim3A_987 in 1 : vector<128x144xbf16>, vector<128x112xbf16> -> vector<128x256xbf16>
    %broadcast_in_dim3A_989 = arith.constant 0.000000e+00 : bf16
    %broadcast_in_dim3A_990 = vector.broadcast %broadcast_in_dim3A_989 : bf16 to vector<112x128xbf16>
    %concatenate3A_991 = tpu.concatenate %convert_element_type3A_985, %broadcast_in_dim3A_990 in 0 : vector<144x128xbf16>, vector<112x128xbf16> -> vector<256x128xbf16>
    %swap3A_992 = arith.constant 0 : index
    %swap3A_993 = arith.constant 0 : index
    %swap3A_994 = arith.constant 2816 : index
    %swap3A_995 = vector.load %arg45[%swap3A_992, %swap3A_993, %swap3A_994] : memref<1x128x4096xbf16, #tpu.memory_space<vmem>>, vector<1x128x256xbf16>
    %swap3A_996 = vector.shape_cast %swap3A_995 : vector<1x128x256xbf16> to vector<128x256xbf16>
    %swap3A_997 = vector.shape_cast %concatenate3A_988 : vector<128x256xbf16> to vector<1x128x256xbf16>
    tpu.vector_store %arg45[%swap3A_992, %swap3A_993, %swap3A_994], %swap3A_997 {strides = array<i32>} : memref<1x128x4096xbf16, #tpu.memory_space<vmem>>, vector<1x128x256xbf16>,
    %swap3A_998 = arith.constant 0 : index
    %swap3A_999 = arith.constant 2816 : index
    %swap3A_1000 = arith.constant 0 : index
    %swap3A_1001 = vector.load %arg46[%swap3A_998, %swap3A_999, %swap3A_1000] : memref<1x4096x128xbf16, #tpu.memory_space<vmem>>, vector<1x256x128xbf16>
    %swap3A_1002 = vector.shape_cast %swap3A_1001 : vector<1x256x128xbf16> to vector<256x128xbf16>
    %swap3A_1003 = vector.shape_cast %concatenate3A_991 : vector<256x128xbf16> to vector<1x256x128xbf16>
    tpu.vector_store %arg46[%swap3A_998, %swap3A_999, %swap3A_1000], %swap3A_1003 {strides = array<i32>} : memref<1x4096x128xbf16, #tpu.memory_space<vmem>>, vector<1x256x128xbf16>,
    %slice3A_1004 = vector.extract_strided_slice %dot_general3A_907 {offsets = [384, 0], sizes = [128, 144], strides = [1, 1]} : vector<1024x144xf32> to vector<128x144xf32>
    %get3A_1005 = arith.constant 384 : index
    %get3A_1006 = arith.constant 0 : index
    %get3A_1007 = vector.load %arg27[%get3A_1005, %get3A_1006] : memref<512x128xf32, #tpu.memory_space<vmem>>, vector<128x128xf32>
    %dot_general3A_1008 = arith.constant dense<0.000000e+00> : vector<128x144xf32>
    %dot_general3A_1009 = tpu.matmul %get3A_1007, %slice3A_1004, %dot_general3A_1008 {dimension_numbers = #tpu.dot_dimension_numbers<[0], [0], [1], [1], [0, 1, 1, 1], [], []>, transpose_lhs_hint = false} : vector<128x128xf32>, vector<128x144xf32>, vector<128x144xf32> -> vector<128x144xf32>
    %convert_element_type3A_1010 = arith.truncf %dot_general3A_1009 : vector<128x144xf32> to vector<128x144xbf16>
    %slice3A_1011 = vector.extract_strided_slice %dot_general3A_907 {offsets = [896, 0], sizes = [128, 144], strides = [1, 1]} : vector<1024x144xf32> to vector<128x144xf32>
    %get3A_1012 = arith.constant 1408 : index
    %get3A_1013 = arith.constant 0 : index
    %get3A_1014 = vector.load %arg28[%get3A_1012, %get3A_1013] : memref<1536x128xf32, #tpu.memory_space<vmem>>, vector<128x128xf32>
    %dot_general3A_1015 = arith.constant dense<0.000000e+00> : vector<144x128xf32>
    %dot_general3A_1016 = tpu.matmul %slice3A_1011, %get3A_1014, %dot_general3A_1015 {dimension_numbers = #tpu.dot_dimension_numbers<[0], [0], [1], [1], [0, 1, 1, 1], [], []>, transpose_lhs_hint = false} : vector<128x144xf32>, vector<128x128xf32>, vector<144x128xf32> -> vector<144x128xf32>
    %convert_element_type3A_1017 = arith.truncf %dot_general3A_1016 : vector<144x128xf32> to vector<144x128xbf16>
    %broadcast_in_dim3A_1018 = arith.constant 0.000000e+00 : bf16
    %broadcast_in_dim3A_1019 = vector.broadcast %broadcast_in_dim3A_1018 : bf16 to vector<128x112xbf16>
    %concatenate3A_1020 = tpu.concatenate %convert_element_type3A_1010, %broadcast_in_dim3A_1019 in 1 : vector<128x144xbf16>, vector<128x112xbf16> -> vector<128x256xbf16>
    %broadcast_in_dim3A_1021 = arith.constant 0.000000e+00 : bf16
    %broadcast_in_dim3A_1022 = vector.broadcast %broadcast_in_dim3A_1021 : bf16 to vector<112x128xbf16>
    %concatenate3A_1023 = tpu.concatenate %convert_element_type3A_1017, %broadcast_in_dim3A_1022 in 0 : vector<144x128xbf16>, vector<112x128xbf16> -> vector<256x128xbf16>
    %swap3A_1024 = arith.constant 0 : index
    %swap3A_1025 = arith.constant 0 : index
    %swap3A_1026 = arith.constant 3840 : index
    %swap3A_1027 = vector.load %arg45[%swap3A_1024, %swap3A_1025, %swap3A_1026] : memref<1x128x4096xbf16, #tpu.memory_space<vmem>>, vector<1x128x256xbf16>
    %swap3A_1028 = vector.shape_cast %swap3A_1027 : vector<1x128x256xbf16> to vector<128x256xbf16>
    %swap3A_1029 = vector.shape_cast %concatenate3A_1020 : vector<128x256xbf16> to vector<1x128x256xbf16>
    tpu.vector_store %arg45[%swap3A_1024, %swap3A_1025, %swap3A_1026], %swap3A_1029 {strides = array<i32>} : memref<1x128x4096xbf16, #tpu.memory_space<vmem>>, vector<1x128x256xbf16>,
    %swap3A_1030 = arith.constant 0 : index
    %swap3A_1031 = arith.constant 3840 : index
    %swap3A_1032 = arith.constant 0 : index
    %swap3A_1033 = vector.load %arg46[%swap3A_1030, %swap3A_1031, %swap3A_1032] : memref<1x4096x128xbf16, #tpu.memory_space<vmem>>, vector<1x256x128xbf16>
    %swap3A_1034 = vector.shape_cast %swap3A_1033 : vector<1x256x128xbf16> to vector<256x128xbf16>
    %swap3A_1035 = vector.shape_cast %concatenate3A_1023 : vector<256x128xbf16> to vector<1x256x128xbf16>
    tpu.vector_store %arg46[%swap3A_1030, %swap3A_1031, %swap3A_1032], %swap3A_1035 {strides = array<i32>} : memref<1x4096x128xbf16, #tpu.memory_space<vmem>>, vector<1x256x128xbf16>,
    %get3A_1036 = arith.constant 0 : index
    %get3A_1037 = arith.constant 0 : index
    %get3A_1038 = arith.constant 0 : index
    %get3A_1039 = vector.load %arg29[%get3A_1036, %get3A_1037, %get3A_1038] : memref<1x400x64xf32, #tpu.memory_space<vmem>>, vector<1x400x64xf32>
    %get3A_1040 = vector.shape_cast %get3A_1039 : vector<1x400x64xf32> to vector<400x64xf32>
    %get3A_1041 = arith.constant 0 : index
    %get3A_1042 = arith.constant 0 : index
    %get3A_1043 = vector.load %arg30[%get3A_1041, %get3A_1042] : memref<1x64xf32, #tpu.memory_space<vmem>>, vector<1x64xf32>
    %get3A_1044 = vector.shape_cast %get3A_1043 : vector<1x64xf32> to vector<64xf32>
    %get3A_1045 = arith.constant 0 : index
    %get3A_1046 = arith.constant 0 : index
    %get3A_1047 = vector.load %arg31[%get3A_1045, %get3A_1046] : memref<1x64xf32, #tpu.memory_space<vmem>>, vector<1x64xf32>
    %get3A_1048 = vector.shape_cast %get3A_1047 : vector<1x64xf32> to vector<64xf32>
    %reduce_sum3A_1049 = arith.constant dense<0.000000e+00> : vector<400xf32>
    %reduce_sum3A_1050 = vector.multi_reduction <add>, %get3A_1040, %reduce_sum3A_1049 [1] : vector<400x64xf32> to vector<400xf32>
    %broadcast_in_dim3A_1051 = vector.shape_cast %reduce_sum3A_1050 : vector<400xf32> to vector<400x1xf32>
    %div3A_1052 = arith.constant 6.400000e+01 : f32
    %div3A_1053 = vector.broadcast %div3A_1052 : f32 to vector<400x1xf32>
    %div3A_1054 = arith.divf %broadcast_in_dim3A_1051, %div3A_1053 : vector<400x1xf32>
    %sub3A_1055 = vector.broadcast %div3A_1054 : vector<400x1xf32> to vector<400x64xf32>
    %sub3A_1056 = arith.subf %get3A_1040, %sub3A_1055 : vector<400x64xf32>
    %integer_pow3A_1057 = arith.mulf %sub3A_1056, %sub3A_1056 : vector<400x64xf32>
    %reduce_sum3A_1058 = arith.constant dense<0.000000e+00> : vector<400xf32>
    %reduce_sum3A_1059 = vector.multi_reduction <add>, %integer_pow3A_1057, %reduce_sum3A_1058 [1] : vector<400x64xf32> to vector<400xf32>
    %broadcast_in_dim3A_1060 = vector.shape_cast %reduce_sum3A_1059 : vector<400xf32> to vector<400x1xf32>
    %div3A_1061 = arith.constant 6.400000e+01 : f32
    %div3A_1062 = vector.broadcast %div3A_1061 : f32 to vector<400x1xf32>
    %div3A_1063 = arith.divf %broadcast_in_dim3A_1060, %div3A_1062 : vector<400x1xf32>
    %sub3A_1064 = vector.broadcast %div3A_1054 : vector<400x1xf32> to vector<400x64xf32>
    %sub3A_1065 = arith.subf %get3A_1040, %sub3A_1064 : vector<400x64xf32>
    %add3A_1066 = arith.constant 9.99999974E-6 : f32
    %add3A_1067 = vector.broadcast %add3A_1066 : f32 to vector<400x1xf32>
    %add3A_1068 = arith.addf %div3A_1063, %add3A_1067 : vector<400x1xf32>
    %sqrt3A_1069 = math.sqrt %add3A_1068 : vector<400x1xf32>
    %div3A_1070 = vector.broadcast %sqrt3A_1069 : vector<400x1xf32> to vector<400x64xf32>
    %div3A_1071 = arith.divf %sub3A_1065, %div3A_1070 : vector<400x64xf32>
    %broadcast_in_dim3A_1072 = vector.shape_cast %get3A_1044 : vector<64xf32> to vector<1x64xf32>
    %mul3A_1073 = vector.broadcast %broadcast_in_dim3A_1072 : vector<1x64xf32> to vector<400x64xf32>
    %mul3A_1074 = arith.mulf %div3A_1071, %mul3A_1073 : vector<400x64xf32>
    %broadcast_in_dim3A_1075 = vector.shape_cast %get3A_1048 : vector<64xf32> to vector<1x64xf32>
    %add3A_1076 = vector.broadcast %broadcast_in_dim3A_1075 : vector<1x64xf32> to vector<400x64xf32>
    %add3A_1077 = arith.addf %mul3A_1074, %add3A_1076 : vector<400x64xf32>
    %get3A_1078 = arith.constant 0 : index
    %get3A_1079 = arith.constant 0 : index
    %get3A_1080 = vector.load %arg32[%get3A_1078, %get3A_1079] : memref<2048x64xf32, #tpu.memory_space<vmem>>, vector<2048x64xf32>
    %dot_general3A_1081 = arith.constant dense<0.000000e+00> : vector<2048x400xf32>
    %dot_general3A_1082 = tpu.matmul %get3A_1080, %add3A_1077, %dot_general3A_1081 {dimension_numbers = #tpu.dot_dimension_numbers<[1], [1], [0], [0], [0, 0, 1, 0], [], []>, transpose_lhs_hint = false} : vector<2048x64xf32>, vector<400x64xf32>, vector<2048x400xf32> -> vector<2048x400xf32>
    %slice3A_1083 = vector.extract_strided_slice %dot_general3A_1082 {offsets = [0, 0], sizes = [256, 400], strides = [1, 1]} : vector<2048x400xf32> to vector<256x400xf32>
    %get3A_1084 = arith.constant 0 : index
    %get3A_1085 = arith.constant 0 : index
    %get3A_1086 = vector.load %arg41[%get3A_1084, %get3A_1085] : memref<1024x256xf32, #tpu.memory_space<vmem>>, vector<256x256xf32>
    %dot_general3A_1087 = arith.constant dense<0.000000e+00> : vector<256x400xf32>
    %dot_general3A_1088 = tpu.matmul %get3A_1086, %slice3A_1083, %dot_general3A_1087 {dimension_numbers = #tpu.dot_dimension_numbers<[0], [0], [1], [1], [0, 1, 1, 1], [], []>, transpose_lhs_hint = false} : vector<256x256xf32>, vector<256x400xf32>, vector<256x400xf32> -> vector<256x400xf32>
    %convert_element_type3A_1089 = arith.truncf %dot_general3A_1088 : vector<256x400xf32> to vector<256x400xbf16>
    %slice3A_1090 = vector.extract_strided_slice %dot_general3A_1082 {offsets = [1024, 0], sizes = [256, 400], strides = [1, 1]} : vector<2048x400xf32> to vector<256x400xf32>
    %get3A_1091 = arith.constant 0 : index
    %get3A_1092 = arith.constant 0 : index
    %get3A_1093 = vector.load %arg42[%get3A_1091, %get3A_1092] : memref<3072x256xf32, #tpu.memory_space<vmem>>, vector<256x256xf32>
    %dot_general3A_1094 = arith.constant dense<0.000000e+00> : vector<400x256xf32>
    %dot_general3A_1095 = tpu.matmul %slice3A_1090, %get3A_1093, %dot_general3A_1094 {dimension_numbers = #tpu.dot_dimension_numbers<[0], [0], [1], [1], [0, 1, 1, 1], [], []>, transpose_lhs_hint = false} : vector<256x400xf32>, vector<256x256xf32>, vector<400x256xf32> -> vector<400x256xf32>
    %convert_element_type3A_1096 = arith.truncf %dot_general3A_1095 : vector<400x256xf32> to vector<400x256xbf16>
    %broadcast_in_dim3A_1097 = arith.constant 0.000000e+00 : bf16
    %broadcast_in_dim3A_1098 = vector.broadcast %broadcast_in_dim3A_1097 : bf16 to vector<256x112xbf16>
    %concatenate3A_1099 = tpu.concatenate %convert_element_type3A_1089, %broadcast_in_dim3A_1098 in 1 : vector<256x400xbf16>, vector<256x112xbf16> -> vector<256x512xbf16>
    %broadcast_in_dim3A_1100 = arith.constant 0.000000e+00 : bf16
    %broadcast_in_dim3A_1101 = vector.broadcast %broadcast_in_dim3A_1100 : bf16 to vector<112x256xbf16>
    %concatenate3A_1102 = tpu.concatenate %convert_element_type3A_1096, %broadcast_in_dim3A_1101 in 0 : vector<400x256xbf16>, vector<112x256xbf16> -> vector<512x256xbf16>
    %swap3A_1103 = arith.constant 0 : index
    %swap3A_1104 = arith.constant 0 : index
    %swap3A_1105 = arith.constant 0 : index
    %swap3A_1106 = vector.load %arg47[%swap3A_1103, %swap3A_1104, %swap3A_1105] : memref<1x256x4096xbf16, #tpu.memory_space<vmem>>, vector<1x256x512xbf16>
    %swap3A_1107 = vector.shape_cast %swap3A_1106 : vector<1x256x512xbf16> to vector<256x512xbf16>
    %swap3A_1108 = vector.shape_cast %concatenate3A_1099 : vector<256x512xbf16> to vector<1x256x512xbf16>
    tpu.vector_store %arg47[%swap3A_1103, %swap3A_1104, %swap3A_1105], %swap3A_1108 {strides = array<i32>} : memref<1x256x4096xbf16, #tpu.memory_space<vmem>>, vector<1x256x512xbf16>,
    %swap3A_1109 = arith.constant 0 : index
    %swap3A_1110 = arith.constant 0 : index
    %swap3A_1111 = arith.constant 0 : index
    %swap3A_1112 = vector.load %arg48[%swap3A_1109, %swap3A_1110, %swap3A_1111] : memref<1x4096x256xbf16, #tpu.memory_space<vmem>>, vector<1x512x256xbf16>
    %swap3A_1113 = vector.shape_cast %swap3A_1112 : vector<1x512x256xbf16> to vector<512x256xbf16>
    %swap3A_1114 = vector.shape_cast %concatenate3A_1102 : vector<512x256xbf16> to vector<1x512x256xbf16>
    tpu.vector_store %arg48[%swap3A_1109, %swap3A_1110, %swap3A_1111], %swap3A_1114 {strides = array<i32>} : memref<1x4096x256xbf16, #tpu.memory_space<vmem>>, vector<1x512x256xbf16>,
    %slice3A_1115 = vector.extract_strided_slice %dot_general3A_1082 {offsets = [256, 0], sizes = [256, 400], strides = [1, 1]} : vector<2048x400xf32> to vector<256x400xf32>
    %get3A_1116 = arith.constant 256 : index
    %get3A_1117 = arith.constant 0 : index
    %get3A_1118 = vector.load %arg41[%get3A_1116, %get3A_1117] : memref<1024x256xf32, #tpu.memory_space<vmem>>, vector<256x256xf32>
    %dot_general3A_1119 = arith.constant dense<0.000000e+00> : vector<256x400xf32>
    %dot_general3A_1120 = tpu.matmul %get3A_1118, %slice3A_1115, %dot_general3A_1119 {dimension_numbers = #tpu.dot_dimension_numbers<[0], [0], [1], [1], [0, 1, 1, 1], [], []>, transpose_lhs_hint = false} : vector<256x256xf32>, vector<256x400xf32>, vector<256x400xf32> -> vector<256x400xf32>
    %convert_element_type3A_1121 = arith.truncf %dot_general3A_1120 : vector<256x400xf32> to vector<256x400xbf16>
    %slice3A_1122 = vector.extract_strided_slice %dot_general3A_1082 {offsets = [1280, 0], sizes = [256, 400], strides = [1, 1]} : vector<2048x400xf32> to vector<256x400xf32>
    %get3A_1123 = arith.constant 768 : index
    %get3A_1124 = arith.constant 0 : index
    %get3A_1125 = vector.load %arg42[%get3A_1123, %get3A_1124] : memref<3072x256xf32, #tpu.memory_space<vmem>>, vector<256x256xf32>
    %dot_general3A_1126 = arith.constant dense<0.000000e+00> : vector<400x256xf32>
    %dot_general3A_1127 = tpu.matmul %slice3A_1122, %get3A_1125, %dot_general3A_1126 {dimension_numbers = #tpu.dot_dimension_numbers<[0], [0], [1], [1], [0, 1, 1, 1], [], []>, transpose_lhs_hint = false} : vector<256x400xf32>, vector<256x256xf32>, vector<400x256xf32> -> vector<400x256xf32>
    %convert_element_type3A_1128 = arith.truncf %dot_general3A_1127 : vector<400x256xf32> to vector<400x256xbf16>
    %broadcast_in_dim3A_1129 = arith.constant 0.000000e+00 : bf16
    %broadcast_in_dim3A_1130 = vector.broadcast %broadcast_in_dim3A_1129 : bf16 to vector<256x112xbf16>
    %concatenate3A_1131 = tpu.concatenate %convert_element_type3A_1121, %broadcast_in_dim3A_1130 in 1 : vector<256x400xbf16>, vector<256x112xbf16> -> vector<256x512xbf16>
    %broadcast_in_dim3A_1132 = arith.constant 0.000000e+00 : bf16
    %broadcast_in_dim3A_1133 = vector.broadcast %broadcast_in_dim3A_1132 : bf16 to vector<112x256xbf16>
    %concatenate3A_1134 = tpu.concatenate %convert_element_type3A_1128, %broadcast_in_dim3A_1133 in 0 : vector<400x256xbf16>, vector<112x256xbf16> -> vector<512x256xbf16>
    %swap3A_1135 = arith.constant 0 : index
    %swap3A_1136 = arith.constant 0 : index
    %swap3A_1137 = arith.constant 1024 : index
    %swap3A_1138 = vector.load %arg47[%swap3A_1135, %swap3A_1136, %swap3A_1137] : memref<1x256x4096xbf16, #tpu.memory_space<vmem>>, vector<1x256x512xbf16>
    %swap3A_1139 = vector.shape_cast %swap3A_1138 : vector<1x256x512xbf16> to vector<256x512xbf16>
    %swap3A_1140 = vector.shape_cast %concatenate3A_1131 : vector<256x512xbf16> to vector<1x256x512xbf16>
    tpu.vector_store %arg47[%swap3A_1135, %swap3A_1136, %swap3A_1137], %swap3A_1140 {strides = array<i32>} : memref<1x256x4096xbf16, #tpu.memory_space<vmem>>, vector<1x256x512xbf16>,
    %swap3A_1141 = arith.constant 0 : index
    %swap3A_1142 = arith.constant 1024 : index
    %swap3A_1143 = arith.constant 0 : index
    %swap3A_1144 = vector.load %arg48[%swap3A_1141, %swap3A_1142, %swap3A_1143] : memref<1x4096x256xbf16, #tpu.memory_space<vmem>>, vector<1x512x256xbf16>
    %swap3A_1145 = vector.shape_cast %swap3A_1144 : vector<1x512x256xbf16> to vector<512x256xbf16>
    %swap3A_1146 = vector.shape_cast %concatenate3A_1134 : vector<512x256xbf16> to vector<1x512x256xbf16>
    tpu.vector_store %arg48[%swap3A_1141, %swap3A_1142, %swap3A_1143], %swap3A_1146 {strides = array<i32>} : memref<1x4096x256xbf16, #tpu.memory_space<vmem>>, vector<1x512x256xbf16>,
    %slice3A_1147 = vector.extract_strided_slice %dot_general3A_1082 {offsets = [512, 0], sizes = [256, 400], strides = [1, 1]} : vector<2048x400xf32> to vector<256x400xf32>
    %get3A_1148 = arith.constant 512 : index
    %get3A_1149 = arith.constant 0 : index
    %get3A_1150 = vector.load %arg41[%get3A_1148, %get3A_1149] : memref<1024x256xf32, #tpu.memory_space<vmem>>, vector<256x256xf32>
    %dot_general3A_1151 = arith.constant dense<0.000000e+00> : vector<256x400xf32>
    %dot_general3A_1152 = tpu.matmul %get3A_1150, %slice3A_1147, %dot_general3A_1151 {dimension_numbers = #tpu.dot_dimension_numbers<[0], [0], [1], [1], [0, 1, 1, 1], [], []>, transpose_lhs_hint = false} : vector<256x256xf32>, vector<256x400xf32>, vector<256x400xf32> -> vector<256x400xf32>
    %convert_element_type3A_1153 = arith.truncf %dot_general3A_1152 : vector<256x400xf32> to vector<256x400xbf16>
    %slice3A_1154 = vector.extract_strided_slice %dot_general3A_1082 {offsets = [1536, 0], sizes = [256, 400], strides = [1, 1]} : vector<2048x400xf32> to vector<256x400xf32>
    %get3A_1155 = arith.constant 1536 : index
    %get3A_1156 = arith.constant 0 : index
    %get3A_1157 = vector.load %arg42[%get3A_1155, %get3A_1156] : memref<3072x256xf32, #tpu.memory_space<vmem>>, vector<256x256xf32>
    %dot_general3A_1158 = arith.constant dense<0.000000e+00> : vector<400x256xf32>
    %dot_general3A_1159 = tpu.matmul %slice3A_1154, %get3A_1157, %dot_general3A_1158 {dimension_numbers = #tpu.dot_dimension_numbers<[0], [0], [1], [1], [0, 1, 1, 1], [], []>, transpose_lhs_hint = false} : vector<256x400xf32>, vector<256x256xf32>, vector<400x256xf32> -> vector<400x256xf32>
    %convert_element_type3A_1160 = arith.truncf %dot_general3A_1159 : vector<400x256xf32> to vector<400x256xbf16>
    %broadcast_in_dim3A_1161 = arith.constant 0.000000e+00 : bf16
    %broadcast_in_dim3A_1162 = vector.broadcast %broadcast_in_dim3A_1161 : bf16 to vector<256x112xbf16>
    %concatenate3A_1163 = tpu.concatenate %convert_element_type3A_1153, %broadcast_in_dim3A_1162 in 1 : vector<256x400xbf16>, vector<256x112xbf16> -> vector<256x512xbf16>
    %broadcast_in_dim3A_1164 = arith.constant 0.000000e+00 : bf16
    %broadcast_in_dim3A_1165 = vector.broadcast %broadcast_in_dim3A_1164 : bf16 to vector<112x256xbf16>
    %concatenate3A_1166 = tpu.concatenate %convert_element_type3A_1160, %broadcast_in_dim3A_1165 in 0 : vector<400x256xbf16>, vector<112x256xbf16> -> vector<512x256xbf16>
    %swap3A_1167 = arith.constant 0 : index
    %swap3A_1168 = arith.constant 0 : index
    %swap3A_1169 = arith.constant 2048 : index
    %swap3A_1170 = vector.load %arg47[%swap3A_1167, %swap3A_1168, %swap3A_1169] : memref<1x256x4096xbf16, #tpu.memory_space<vmem>>, vector<1x256x512xbf16>
    %swap3A_1171 = vector.shape_cast %swap3A_1170 : vector<1x256x512xbf16> to vector<256x512xbf16>
    %swap3A_1172 = vector.shape_cast %concatenate3A_1163 : vector<256x512xbf16> to vector<1x256x512xbf16>
    tpu.vector_store %arg47[%swap3A_1167, %swap3A_1168, %swap3A_1169], %swap3A_1172 {strides = array<i32>} : memref<1x256x4096xbf16, #tpu.memory_space<vmem>>, vector<1x256x512xbf16>,
    %swap3A_1173 = arith.constant 0 : index
    %swap3A_1174 = arith.constant 2048 : index
    %swap3A_1175 = arith.constant 0 : index
    %swap3A_1176 = vector.load %arg48[%swap3A_1173, %swap3A_1174, %swap3A_1175] : memref<1x4096x256xbf16, #tpu.memory_space<vmem>>, vector<1x512x256xbf16>
    %swap3A_1177 = vector.shape_cast %swap3A_1176 : vector<1x512x256xbf16> to vector<512x256xbf16>
    %swap3A_1178 = vector.shape_cast %concatenate3A_1166 : vector<512x256xbf16> to vector<1x512x256xbf16>
    tpu.vector_store %arg48[%swap3A_1173, %swap3A_1174, %swap3A_1175], %swap3A_1178 {strides = array<i32>} : memref<1x4096x256xbf16, #tpu.memory_space<vmem>>, vector<1x512x256xbf16>,
    %slice3A_1179 = vector.extract_strided_slice %dot_general3A_1082 {offsets = [768, 0], sizes = [256, 400], strides = [1, 1]} : vector<2048x400xf32> to vector<256x400xf32>
    %get3A_1180 = arith.constant 768 : index
    %get3A_1181 = arith.constant 0 : index
    %get3A_1182 = vector.load %arg41[%get3A_1180, %get3A_1181] : memref<1024x256xf32, #tpu.memory_space<vmem>>, vector<256x256xf32>
    %dot_general3A_1183 = arith.constant dense<0.000000e+00> : vector<256x400xf32>
    %dot_general3A_1184 = tpu.matmul %get3A_1182, %slice3A_1179, %dot_general3A_1183 {dimension_numbers = #tpu.dot_dimension_numbers<[0], [0], [1], [1], [0, 1, 1, 1], [], []>, transpose_lhs_hint = false} : vector<256x256xf32>, vector<256x400xf32>, vector<256x400xf32> -> vector<256x400xf32>
    %convert_element_type3A_1185 = arith.truncf %dot_general3A_1184 : vector<256x400xf32> to vector<256x400xbf16>
    %slice3A_1186 = vector.extract_strided_slice %dot_general3A_1082 {offsets = [1792, 0], sizes = [256, 400], strides = [1, 1]} : vector<2048x400xf32> to vector<256x400xf32>
    %get3A_1187 = arith.constant 2304 : index
    %get3A_1188 = arith.constant 0 : index
    %get3A_1189 = vector.load %arg42[%get3A_1187, %get3A_1188] : memref<3072x256xf32, #tpu.memory_space<vmem>>, vector<256x256xf32>
    %dot_general3A_1190 = arith.constant dense<0.000000e+00> : vector<400x256xf32>
    %dot_general3A_1191 = tpu.matmul %slice3A_1186, %get3A_1189, %dot_general3A_1190 {dimension_numbers = #tpu.dot_dimension_numbers<[0], [0], [1], [1], [0, 1, 1, 1], [], []>, transpose_lhs_hint = false} : vector<256x400xf32>, vector<256x256xf32>, vector<400x256xf32> -> vector<400x256xf32>
    %convert_element_type3A_1192 = arith.truncf %dot_general3A_1191 : vector<400x256xf32> to vector<400x256xbf16>
    %broadcast_in_dim3A_1193 = arith.constant 0.000000e+00 : bf16
    %broadcast_in_dim3A_1194 = vector.broadcast %broadcast_in_dim3A_1193 : bf16 to vector<256x112xbf16>
    %concatenate3A_1195 = tpu.concatenate %convert_element_type3A_1185, %broadcast_in_dim3A_1194 in 1 : vector<256x400xbf16>, vector<256x112xbf16> -> vector<256x512xbf16>
    %broadcast_in_dim3A_1196 = arith.constant 0.000000e+00 : bf16
    %broadcast_in_dim3A_1197 = vector.broadcast %broadcast_in_dim3A_1196 : bf16 to vector<112x256xbf16>
    %concatenate3A_1198 = tpu.concatenate %convert_element_type3A_1192, %broadcast_in_dim3A_1197 in 0 : vector<400x256xbf16>, vector<112x256xbf16> -> vector<512x256xbf16>
    %swap3A_1199 = arith.constant 0 : index
    %swap3A_1200 = arith.constant 0 : index
    %swap3A_1201 = arith.constant 3072 : index
    %swap3A_1202 = vector.load %arg47[%swap3A_1199, %swap3A_1200, %swap3A_1201] : memref<1x256x4096xbf16, #tpu.memory_space<vmem>>, vector<1x256x512xbf16>
    %swap3A_1203 = vector.shape_cast %swap3A_1202 : vector<1x256x512xbf16> to vector<256x512xbf16>
    %swap3A_1204 = vector.shape_cast %concatenate3A_1195 : vector<256x512xbf16> to vector<1x256x512xbf16>
    tpu.vector_store %arg47[%swap3A_1199, %swap3A_1200, %swap3A_1201], %swap3A_1204 {strides = array<i32>} : memref<1x256x4096xbf16, #tpu.memory_space<vmem>>, vector<1x256x512xbf16>,
    %swap3A_1205 = arith.constant 0 : index
    %swap3A_1206 = arith.constant 3072 : index
    %swap3A_1207 = arith.constant 0 : index
    %swap3A_1208 = vector.load %arg48[%swap3A_1205, %swap3A_1206, %swap3A_1207] : memref<1x4096x256xbf16, #tpu.memory_space<vmem>>, vector<1x512x256xbf16>
    %swap3A_1209 = vector.shape_cast %swap3A_1208 : vector<1x512x256xbf16> to vector<512x256xbf16>
    %swap3A_1210 = vector.shape_cast %concatenate3A_1198 : vector<512x256xbf16> to vector<1x512x256xbf16>
    tpu.vector_store %arg48[%swap3A_1205, %swap3A_1206, %swap3A_1207], %swap3A_1210 {strides = array<i32>} : memref<1x4096x256xbf16, #tpu.memory_space<vmem>>, vector<1x512x256xbf16>,
    %get3A_1211 = arith.constant 0 : index
    %get3A_1212 = arith.constant 0 : index
    %get3A_1213 = arith.constant 0 : index
    %get3A_1214 = vector.load %arg33[%get3A_1211, %get3A_1212, %get3A_1213] : memref<1x192x128xf32, #tpu.memory_space<vmem>>, vector<1x192x128xf32>
    %get3A_1215 = vector.shape_cast %get3A_1214 : vector<1x192x128xf32> to vector<192x128xf32>
    %get3A_1216 = arith.constant 0 : index
    %get3A_1217 = arith.constant 0 : index
    %get3A_1218 = vector.load %arg34[%get3A_1216, %get3A_1217] : memref<1x128xf32, #tpu.memory_space<vmem>>, vector<1x128xf32>
    %get3A_1219 = vector.shape_cast %get3A_1218 : vector<1x128xf32> to vector<128xf32>
    %get3A_1220 = arith.constant 0 : index
    %get3A_1221 = arith.constant 0 : index
    %get3A_1222 = vector.load %arg35[%get3A_1220, %get3A_1221] : memref<1x128xf32, #tpu.memory_space<vmem>>, vector<1x128xf32>
    %get3A_1223 = vector.shape_cast %get3A_1222 : vector<1x128xf32> to vector<128xf32>
    %reduce_sum3A_1224 = arith.constant dense<0.000000e+00> : vector<192xf32>
    %reduce_sum3A_1225 = vector.multi_reduction <add>, %get3A_1215, %reduce_sum3A_1224 [1] : vector<192x128xf32> to vector<192xf32>
    %broadcast_in_dim3A_1226 = vector.shape_cast %reduce_sum3A_1225 : vector<192xf32> to vector<192x1xf32>
    %div3A_1227 = arith.constant 1.280000e+02 : f32
    %div3A_1228 = vector.broadcast %div3A_1227 : f32 to vector<192x1xf32>
    %div3A_1229 = arith.divf %broadcast_in_dim3A_1226, %div3A_1228 : vector<192x1xf32>
    %sub3A_1230 = vector.broadcast %div3A_1229 : vector<192x1xf32> to vector<192x128xf32>
    %sub3A_1231 = arith.subf %get3A_1215, %sub3A_1230 : vector<192x128xf32>
    %integer_pow3A_1232 = arith.mulf %sub3A_1231, %sub3A_1231 : vector<192x128xf32>
    %reduce_sum3A_1233 = arith.constant dense<0.000000e+00> : vector<192xf32>
    %reduce_sum3A_1234 = vector.multi_reduction <add>, %integer_pow3A_1232, %reduce_sum3A_1233 [1] : vector<192x128xf32> to vector<192xf32>
    %broadcast_in_dim3A_1235 = vector.shape_cast %reduce_sum3A_1234 : vector<192xf32> to vector<192x1xf32>
    %div3A_1236 = arith.constant 1.280000e+02 : f32
    %div3A_1237 = vector.broadcast %div3A_1236 : f32 to vector<192x1xf32>
    %div3A_1238 = arith.divf %broadcast_in_dim3A_1235, %div3A_1237 : vector<192x1xf32>
    %sub3A_1239 = vector.broadcast %div3A_1229 : vector<192x1xf32> to vector<192x128xf32>
    %sub3A_1240 = arith.subf %get3A_1215, %sub3A_1239 : vector<192x128xf32>
    %add3A_1241 = arith.constant 9.99999974E-6 : f32
    %add3A_1242 = vector.broadcast %add3A_1241 : f32 to vector<192x1xf32>
    %add3A_1243 = arith.addf %div3A_1238, %add3A_1242 : vector<192x1xf32>
    %sqrt3A_1244 = math.sqrt %add3A_1243 : vector<192x1xf32>
    %div3A_1245 = vector.broadcast %sqrt3A_1244 : vector<192x1xf32> to vector<192x128xf32>
    %div3A_1246 = arith.divf %sub3A_1240, %div3A_1245 : vector<192x128xf32>
    %broadcast_in_dim3A_1247 = vector.shape_cast %get3A_1219 : vector<128xf32> to vector<1x128xf32>
    %mul3A_1248 = vector.broadcast %broadcast_in_dim3A_1247 : vector<1x128xf32> to vector<192x128xf32>
    %mul3A_1249 = arith.mulf %div3A_1246, %mul3A_1248 : vector<192x128xf32>
    %broadcast_in_dim3A_1250 = vector.shape_cast %get3A_1223 : vector<128xf32> to vector<1x128xf32>
    %add3A_1251 = vector.broadcast %broadcast_in_dim3A_1250 : vector<1x128xf32> to vector<192x128xf32>
    %add3A_1252 = arith.addf %mul3A_1249, %add3A_1251 : vector<192x128xf32>
    %get3A_1253 = arith.constant 0 : index
    %get3A_1254 = arith.constant 0 : index
    %get3A_1255 = vector.load %arg36[%get3A_1253, %get3A_1254] : memref<2048x128xf32, #tpu.memory_space<vmem>>, vector<2048x128xf32>
    %dot_general3A_1256 = arith.constant dense<0.000000e+00> : vector<2048x192xf32>
    %dot_general3A_1257 = tpu.matmul %get3A_1255, %add3A_1252, %dot_general3A_1256 {dimension_numbers = #tpu.dot_dimension_numbers<[1], [1], [0], [0], [0, 0, 1, 0], [], []>, transpose_lhs_hint = false} : vector<2048x128xf32>, vector<192x128xf32>, vector<2048x192xf32> -> vector<2048x192xf32>
    %slice3A_1258 = vector.extract_strided_slice %dot_general3A_1257 {offsets = [0, 0], sizes = [256, 192], strides = [1, 1]} : vector<2048x192xf32> to vector<256x192xf32>
    %get3A_1259 = arith.constant 0 : index
    %get3A_1260 = arith.constant 0 : index
    %get3A_1261 = vector.load %arg41[%get3A_1259, %get3A_1260] : memref<1024x256xf32, #tpu.memory_space<vmem>>, vector<256x256xf32>
    %dot_general3A_1262 = arith.constant dense<0.000000e+00> : vector<256x192xf32>
    %dot_general3A_1263 = tpu.matmul %get3A_1261, %slice3A_1258, %dot_general3A_1262 {dimension_numbers = #tpu.dot_dimension_numbers<[0], [0], [1], [1], [0, 1, 1, 1], [], []>, transpose_lhs_hint = false} : vector<256x256xf32>, vector<256x192xf32>, vector<256x192xf32> -> vector<256x192xf32>
    %convert_element_type3A_1264 = arith.truncf %dot_general3A_1263 : vector<256x192xf32> to vector<256x192xbf16>
    %slice3A_1265 = vector.extract_strided_slice %dot_general3A_1257 {offsets = [1024, 0], sizes = [256, 192], strides = [1, 1]} : vector<2048x192xf32> to vector<256x192xf32>
    %get3A_1266 = arith.constant 256 : index
    %get3A_1267 = arith.constant 0 : index
    %get3A_1268 = vector.load %arg42[%get3A_1266, %get3A_1267] : memref<3072x256xf32, #tpu.memory_space<vmem>>, vector<256x256xf32>
    %dot_general3A_1269 = arith.constant dense<0.000000e+00> : vector<192x256xf32>
    %dot_general3A_1270 = tpu.matmul %slice3A_1265, %get3A_1268, %dot_general3A_1269 {dimension_numbers = #tpu.dot_dimension_numbers<[0], [0], [1], [1], [0, 1, 1, 1], [], []>, transpose_lhs_hint = false} : vector<256x192xf32>, vector<256x256xf32>, vector<192x256xf32> -> vector<192x256xf32>
    %convert_element_type3A_1271 = arith.truncf %dot_general3A_1270 : vector<192x256xf32> to vector<192x256xbf16>
    %broadcast_in_dim3A_1272 = arith.constant 0.000000e+00 : bf16
    %broadcast_in_dim3A_1273 = vector.broadcast %broadcast_in_dim3A_1272 : bf16 to vector<256x64xbf16>
    %concatenate3A_1274 = tpu.concatenate %convert_element_type3A_1264, %broadcast_in_dim3A_1273 in 1 : vector<256x192xbf16>, vector<256x64xbf16> -> vector<256x256xbf16>
    %broadcast_in_dim3A_1275 = arith.constant 0.000000e+00 : bf16
    %broadcast_in_dim3A_1276 = vector.broadcast %broadcast_in_dim3A_1275 : bf16 to vector<64x256xbf16>
    %concatenate3A_1277 = tpu.concatenate %convert_element_type3A_1271, %broadcast_in_dim3A_1276 in 0 : vector<192x256xbf16>, vector<64x256xbf16> -> vector<256x256xbf16>
    %swap3A_1278 = arith.constant 0 : index
    %swap3A_1279 = arith.constant 0 : index
    %swap3A_1280 = arith.constant 512 : index
    %swap3A_1281 = vector.load %arg47[%swap3A_1278, %swap3A_1279, %swap3A_1280] : memref<1x256x4096xbf16, #tpu.memory_space<vmem>>, vector<1x256x256xbf16>
    %swap3A_1282 = vector.shape_cast %swap3A_1281 : vector<1x256x256xbf16> to vector<256x256xbf16>
    %swap3A_1283 = vector.shape_cast %concatenate3A_1274 : vector<256x256xbf16> to vector<1x256x256xbf16>
    tpu.vector_store %arg47[%swap3A_1278, %swap3A_1279, %swap3A_1280], %swap3A_1283 {strides = array<i32>} : memref<1x256x4096xbf16, #tpu.memory_space<vmem>>, vector<1x256x256xbf16>,
    %swap3A_1284 = arith.constant 0 : index
    %swap3A_1285 = arith.constant 512 : index
    %swap3A_1286 = arith.constant 0 : index
    %swap3A_1287 = vector.load %arg48[%swap3A_1284, %swap3A_1285, %swap3A_1286] : memref<1x4096x256xbf16, #tpu.memory_space<vmem>>, vector<1x256x256xbf16>
    %swap3A_1288 = vector.shape_cast %swap3A_1287 : vector<1x256x256xbf16> to vector<256x256xbf16>
    %swap3A_1289 = vector.shape_cast %concatenate3A_1277 : vector<256x256xbf16> to vector<1x256x256xbf16>
    tpu.vector_store %arg48[%swap3A_1284, %swap3A_1285, %swap3A_1286], %swap3A_1289 {strides = array<i32>} : memref<1x4096x256xbf16, #tpu.memory_space<vmem>>, vector<1x256x256xbf16>,
    %slice3A_1290 = vector.extract_strided_slice %dot_general3A_1257 {offsets = [256, 0], sizes = [256, 192], strides = [1, 1]} : vector<2048x192xf32> to vector<256x192xf32>
    %get3A_1291 = arith.constant 256 : index
    %get3A_1292 = arith.constant 0 : index
    %get3A_1293 = vector.load %arg41[%get3A_1291, %get3A_1292] : memref<1024x256xf32, #tpu.memory_space<vmem>>, vector<256x256xf32>
    %dot_general3A_1294 = arith.constant dense<0.000000e+00> : vector<256x192xf32>
    %dot_general3A_1295 = tpu.matmul %get3A_1293, %slice3A_1290, %dot_general3A_1294 {dimension_numbers = #tpu.dot_dimension_numbers<[0], [0], [1], [1], [0, 1, 1, 1], [], []>, transpose_lhs_hint = false} : vector<256x256xf32>, vector<256x192xf32>, vector<256x192xf32> -> vector<256x192xf32>
    %convert_element_type3A_1296 = arith.truncf %dot_general3A_1295 : vector<256x192xf32> to vector<256x192xbf16>
    %slice3A_1297 = vector.extract_strided_slice %dot_general3A_1257 {offsets = [1280, 0], sizes = [256, 192], strides = [1, 1]} : vector<2048x192xf32> to vector<256x192xf32>
    %get3A_1298 = arith.constant 1024 : index
    %get3A_1299 = arith.constant 0 : index
    %get3A_1300 = vector.load %arg42[%get3A_1298, %get3A_1299] : memref<3072x256xf32, #tpu.memory_space<vmem>>, vector<256x256xf32>
    %dot_general3A_1301 = arith.constant dense<0.000000e+00> : vector<192x256xf32>
    %dot_general3A_1302 = tpu.matmul %slice3A_1297, %get3A_1300, %dot_general3A_1301 {dimension_numbers = #tpu.dot_dimension_numbers<[0], [0], [1], [1], [0, 1, 1, 1], [], []>, transpose_lhs_hint = false} : vector<256x192xf32>, vector<256x256xf32>, vector<192x256xf32> -> vector<192x256xf32>
    %convert_element_type3A_1303 = arith.truncf %dot_general3A_1302 : vector<192x256xf32> to vector<192x256xbf16>
    %broadcast_in_dim3A_1304 = arith.constant 0.000000e+00 : bf16
    %broadcast_in_dim3A_1305 = vector.broadcast %broadcast_in_dim3A_1304 : bf16 to vector<256x64xbf16>
    %concatenate3A_1306 = tpu.concatenate %convert_element_type3A_1296, %broadcast_in_dim3A_1305 in 1 : vector<256x192xbf16>, vector<256x64xbf16> -> vector<256x256xbf16>
    %broadcast_in_dim3A_1307 = arith.constant 0.000000e+00 : bf16
    %broadcast_in_dim3A_1308 = vector.broadcast %broadcast_in_dim3A_1307 : bf16 to vector<64x256xbf16>
    %concatenate3A_1309 = tpu.concatenate %convert_element_type3A_1303, %broadcast_in_dim3A_1308 in 0 : vector<192x256xbf16>, vector<64x256xbf16> -> vector<256x256xbf16>
    %swap3A_1310 = arith.constant 0 : index
    %swap3A_1311 = arith.constant 0 : index
    %swap3A_1312 = arith.constant 1536 : index
    %swap3A_1313 = vector.load %arg47[%swap3A_1310, %swap3A_1311, %swap3A_1312] : memref<1x256x4096xbf16, #tpu.memory_space<vmem>>, vector<1x256x256xbf16>
    %swap3A_1314 = vector.shape_cast %swap3A_1313 : vector<1x256x256xbf16> to vector<256x256xbf16>
    %swap3A_1315 = vector.shape_cast %concatenate3A_1306 : vector<256x256xbf16> to vector<1x256x256xbf16>
    tpu.vector_store %arg47[%swap3A_1310, %swap3A_1311, %swap3A_1312], %swap3A_1315 {strides = array<i32>} : memref<1x256x4096xbf16, #tpu.memory_space<vmem>>, vector<1x256x256xbf16>,
    %swap3A_1316 = arith.constant 0 : index
    %swap3A_1317 = arith.constant 1536 : index
    %swap3A_1318 = arith.constant 0 : index
    %swap3A_1319 = vector.load %arg48[%swap3A_1316, %swap3A_1317, %swap3A_1318] : memref<1x4096x256xbf16, #tpu.memory_space<vmem>>, vector<1x256x256xbf16>
    %swap3A_1320 = vector.shape_cast %swap3A_1319 : vector<1x256x256xbf16> to vector<256x256xbf16>
    %swap3A_1321 = vector.shape_cast %concatenate3A_1309 : vector<256x256xbf16> to vector<1x256x256xbf16>
    tpu.vector_store %arg48[%swap3A_1316, %swap3A_1317, %swap3A_1318], %swap3A_1321 {strides = array<i32>} : memref<1x4096x256xbf16, #tpu.memory_space<vmem>>, vector<1x256x256xbf16>,
    %slice3A_1322 = vector.extract_strided_slice %dot_general3A_1257 {offsets = [512, 0], sizes = [256, 192], strides = [1, 1]} : vector<2048x192xf32> to vector<256x192xf32>
    %get3A_1323 = arith.constant 512 : index
    %get3A_1324 = arith.constant 0 : index
    %get3A_1325 = vector.load %arg41[%get3A_1323, %get3A_1324] : memref<1024x256xf32, #tpu.memory_space<vmem>>, vector<256x256xf32>
    %dot_general3A_1326 = arith.constant dense<0.000000e+00> : vector<256x192xf32>
    %dot_general3A_1327 = tpu.matmul %get3A_1325, %slice3A_1322, %dot_general3A_1326 {dimension_numbers = #tpu.dot_dimension_numbers<[0], [0], [1], [1], [0, 1, 1, 1], [], []>, transpose_lhs_hint = false} : vector<256x256xf32>, vector<256x192xf32>, vector<256x192xf32> -> vector<256x192xf32>
    %convert_element_type3A_1328 = arith.truncf %dot_general3A_1327 : vector<256x192xf32> to vector<256x192xbf16>
    %slice3A_1329 = vector.extract_strided_slice %dot_general3A_1257 {offsets = [1536, 0], sizes = [256, 192], strides = [1, 1]} : vector<2048x192xf32> to vector<256x192xf32>
    %get3A_1330 = arith.constant 1792 : index
    %get3A_1331 = arith.constant 0 : index
    %get3A_1332 = vector.load %arg42[%get3A_1330, %get3A_1331] : memref<3072x256xf32, #tpu.memory_space<vmem>>, vector<256x256xf32>
    %dot_general3A_1333 = arith.constant dense<0.000000e+00> : vector<192x256xf32>
    %dot_general3A_1334 = tpu.matmul %slice3A_1329, %get3A_1332, %dot_general3A_1333 {dimension_numbers = #tpu.dot_dimension_numbers<[0], [0], [1], [1], [0, 1, 1, 1], [], []>, transpose_lhs_hint = false} : vector<256x192xf32>, vector<256x256xf32>, vector<192x256xf32> -> vector<192x256xf32>
    %convert_element_type3A_1335 = arith.truncf %dot_general3A_1334 : vector<192x256xf32> to vector<192x256xbf16>
    %broadcast_in_dim3A_1336 = arith.constant 0.000000e+00 : bf16
    %broadcast_in_dim3A_1337 = vector.broadcast %broadcast_in_dim3A_1336 : bf16 to vector<256x64xbf16>
    %concatenate3A_1338 = tpu.concatenate %convert_element_type3A_1328, %broadcast_in_dim3A_1337 in 1 : vector<256x192xbf16>, vector<256x64xbf16> -> vector<256x256xbf16>
    %broadcast_in_dim3A_1339 = arith.constant 0.000000e+00 : bf16
    %broadcast_in_dim3A_1340 = vector.broadcast %broadcast_in_dim3A_1339 : bf16 to vector<64x256xbf16>
    %concatenate3A_1341 = tpu.concatenate %convert_element_type3A_1335, %broadcast_in_dim3A_1340 in 0 : vector<192x256xbf16>, vector<64x256xbf16> -> vector<256x256xbf16>
    %swap3A_1342 = arith.constant 0 : index
    %swap3A_1343 = arith.constant 0 : index
    %swap3A_1344 = arith.constant 2560 : index
    %swap3A_1345 = vector.load %arg47[%swap3A_1342, %swap3A_1343, %swap3A_1344] : memref<1x256x4096xbf16, #tpu.memory_space<vmem>>, vector<1x256x256xbf16>
    %swap3A_1346 = vector.shape_cast %swap3A_1345 : vector<1x256x256xbf16> to vector<256x256xbf16>
    %swap3A_1347 = vector.shape_cast %concatenate3A_1338 : vector<256x256xbf16> to vector<1x256x256xbf16>
    tpu.vector_store %arg47[%swap3A_1342, %swap3A_1343, %swap3A_1344], %swap3A_1347 {strides = array<i32>} : memref<1x256x4096xbf16, #tpu.memory_space<vmem>>, vector<1x256x256xbf16>,
    %swap3A_1348 = arith.constant 0 : index
    %swap3A_1349 = arith.constant 2560 : index
    %swap3A_1350 = arith.constant 0 : index
    %swap3A_1351 = vector.load %arg48[%swap3A_1348, %swap3A_1349, %swap3A_1350] : memref<1x4096x256xbf16, #tpu.memory_space<vmem>>, vector<1x256x256xbf16>
    %swap3A_1352 = vector.shape_cast %swap3A_1351 : vector<1x256x256xbf16> to vector<256x256xbf16>
    %swap3A_1353 = vector.shape_cast %concatenate3A_1341 : vector<256x256xbf16> to vector<1x256x256xbf16>
    tpu.vector_store %arg48[%swap3A_1348, %swap3A_1349, %swap3A_1350], %swap3A_1353 {strides = array<i32>} : memref<1x4096x256xbf16, #tpu.memory_space<vmem>>, vector<1x256x256xbf16>,
    %slice3A_1354 = vector.extract_strided_slice %dot_general3A_1257 {offsets = [768, 0], sizes = [256, 192], strides = [1, 1]} : vector<2048x192xf32> to vector<256x192xf32>
    %get3A_1355 = arith.constant 768 : index
    %get3A_1356 = arith.constant 0 : index
    %get3A_1357 = vector.load %arg41[%get3A_1355, %get3A_1356] : memref<1024x256xf32, #tpu.memory_space<vmem>>, vector<256x256xf32>
    %dot_general3A_1358 = arith.constant dense<0.000000e+00> : vector<256x192xf32>
    %dot_general3A_1359 = tpu.matmul %get3A_1357, %slice3A_1354, %dot_general3A_1358 {dimension_numbers = #tpu.dot_dimension_numbers<[0], [0], [1], [1], [0, 1, 1, 1], [], []>, transpose_lhs_hint = false} : vector<256x256xf32>, vector<256x192xf32>, vector<256x192xf32> -> vector<256x192xf32>
    %convert_element_type3A_1360 = arith.truncf %dot_general3A_1359 : vector<256x192xf32> to vector<256x192xbf16>
    %slice3A_1361 = vector.extract_strided_slice %dot_general3A_1257 {offsets = [1792, 0], sizes = [256, 192], strides = [1, 1]} : vector<2048x192xf32> to vector<256x192xf32>
    %get3A_1362 = arith.constant 2560 : index
    %get3A_1363 = arith.constant 0 : index
    %get3A_1364 = vector.load %arg42[%get3A_1362, %get3A_1363] : memref<3072x256xf32, #tpu.memory_space<vmem>>, vector<256x256xf32>
    %dot_general3A_1365 = arith.constant dense<0.000000e+00> : vector<192x256xf32>
    %dot_general3A_1366 = tpu.matmul %slice3A_1361, %get3A_1364, %dot_general3A_1365 {dimension_numbers = #tpu.dot_dimension_numbers<[0], [0], [1], [1], [0, 1, 1, 1], [], []>, transpose_lhs_hint = false} : vector<256x192xf32>, vector<256x256xf32>, vector<192x256xf32> -> vector<192x256xf32>
    %convert_element_type3A_1367 = arith.truncf %dot_general3A_1366 : vector<192x256xf32> to vector<192x256xbf16>
    %broadcast_in_dim3A_1368 = arith.constant 0.000000e+00 : bf16
    %broadcast_in_dim3A_1369 = vector.broadcast %broadcast_in_dim3A_1368 : bf16 to vector<256x64xbf16>
    %concatenate3A_1370 = tpu.concatenate %convert_element_type3A_1360, %broadcast_in_dim3A_1369 in 1 : vector<256x192xbf16>, vector<256x64xbf16> -> vector<256x256xbf16>
    %broadcast_in_dim3A_1371 = arith.constant 0.000000e+00 : bf16
    %broadcast_in_dim3A_1372 = vector.broadcast %broadcast_in_dim3A_1371 : bf16 to vector<64x256xbf16>
    %concatenate3A_1373 = tpu.concatenate %convert_element_type3A_1367, %broadcast_in_dim3A_1372 in 0 : vector<192x256xbf16>, vector<64x256xbf16> -> vector<256x256xbf16>
    %swap3A_1374 = arith.constant 0 : index
    %swap3A_1375 = arith.constant 0 : index
    %swap3A_1376 = arith.constant 3584 : index
    %swap3A_1377 = vector.load %arg47[%swap3A_1374, %swap3A_1375, %swap3A_1376] : memref<1x256x4096xbf16, #tpu.memory_space<vmem>>, vector<1x256x256xbf16>
    %swap3A_1378 = vector.shape_cast %swap3A_1377 : vector<1x256x256xbf16> to vector<256x256xbf16>
    %swap3A_1379 = vector.shape_cast %concatenate3A_1370 : vector<256x256xbf16> to vector<1x256x256xbf16>
    tpu.vector_store %arg47[%swap3A_1374, %swap3A_1375, %swap3A_1376], %swap3A_1379 {strides = array<i32>} : memref<1x256x4096xbf16, #tpu.memory_space<vmem>>, vector<1x256x256xbf16>,
    %swap3A_1380 = arith.constant 0 : index
    %swap3A_1381 = arith.constant 3584 : index
    %swap3A_1382 = arith.constant 0 : index
    %swap3A_1383 = vector.load %arg48[%swap3A_1380, %swap3A_1381, %swap3A_1382] : memref<1x4096x256xbf16, #tpu.memory_space<vmem>>, vector<1x256x256xbf16>
    %swap3A_1384 = vector.shape_cast %swap3A_1383 : vector<1x256x256xbf16> to vector<256x256xbf16>
    %swap3A_1385 = vector.shape_cast %concatenate3A_1373 : vector<256x256xbf16> to vector<1x256x256xbf16>
    tpu.vector_store %arg48[%swap3A_1380, %swap3A_1381, %swap3A_1382], %swap3A_1385 {strides = array<i32>} : memref<1x4096x256xbf16, #tpu.memory_space<vmem>>, vector<1x256x256xbf16>,
    %get3A_1386 = arith.constant 0 : index
    %get3A_1387 = arith.constant 0 : index
    %get3A_1388 = arith.constant 0 : index
    %get3A_1389 = vector.load %arg37[%get3A_1386, %get3A_1387, %get3A_1388] : memref<1x144x512xf32, #tpu.memory_space<vmem>>, vector<1x144x512xf32>
    %get3A_1390 = vector.shape_cast %get3A_1389 : vector<1x144x512xf32> to vector<144x512xf32>
    %get3A_1391 = arith.constant 0 : index
    %get3A_1392 = arith.constant 0 : index
    %get3A_1393 = vector.load %arg38[%get3A_1391, %get3A_1392] : memref<1x512xf32, #tpu.memory_space<vmem>>, vector<1x512xf32>
    %get3A_1394 = vector.shape_cast %get3A_1393 : vector<1x512xf32> to vector<512xf32>
    %get3A_1395 = arith.constant 0 : index
    %get3A_1396 = arith.constant 0 : index
    %get3A_1397 = vector.load %arg39[%get3A_1395, %get3A_1396] : memref<1x512xf32, #tpu.memory_space<vmem>>, vector<1x512xf32>
    %get3A_1398 = vector.shape_cast %get3A_1397 : vector<1x512xf32> to vector<512xf32>
    %reduce_sum3A_1399 = arith.constant dense<0.000000e+00> : vector<144xf32>
    %reduce_sum3A_1400 = vector.multi_reduction <add>, %get3A_1390, %reduce_sum3A_1399 [1] : vector<144x512xf32> to vector<144xf32>
    %broadcast_in_dim3A_1401 = vector.shape_cast %reduce_sum3A_1400 : vector<144xf32> to vector<144x1xf32>
    %div3A_1402 = arith.constant 5.120000e+02 : f32
    %div3A_1403 = vector.broadcast %div3A_1402 : f32 to vector<144x1xf32>
    %div3A_1404 = arith.divf %broadcast_in_dim3A_1401, %div3A_1403 : vector<144x1xf32>
    %sub3A_1405 = vector.broadcast %div3A_1404 : vector<144x1xf32> to vector<144x512xf32>
    %sub3A_1406 = arith.subf %get3A_1390, %sub3A_1405 : vector<144x512xf32>
    %integer_pow3A_1407 = arith.mulf %sub3A_1406, %sub3A_1406 : vector<144x512xf32>
    %reduce_sum3A_1408 = arith.constant dense<0.000000e+00> : vector<144xf32>
    %reduce_sum3A_1409 = vector.multi_reduction <add>, %integer_pow3A_1407, %reduce_sum3A_1408 [1] : vector<144x512xf32> to vector<144xf32>
    %broadcast_in_dim3A_1410 = vector.shape_cast %reduce_sum3A_1409 : vector<144xf32> to vector<144x1xf32>
    %div3A_1411 = arith.constant 5.120000e+02 : f32
    %div3A_1412 = vector.broadcast %div3A_1411 : f32 to vector<144x1xf32>
    %div3A_1413 = arith.divf %broadcast_in_dim3A_1410, %div3A_1412 : vector<144x1xf32>
    %sub3A_1414 = vector.broadcast %div3A_1404 : vector<144x1xf32> to vector<144x512xf32>
    %sub3A_1415 = arith.subf %get3A_1390, %sub3A_1414 : vector<144x512xf32>
    %add3A_1416 = arith.constant 9.99999974E-6 : f32
    %add3A_1417 = vector.broadcast %add3A_1416 : f32 to vector<144x1xf32>
    %add3A_1418 = arith.addf %div3A_1413, %add3A_1417 : vector<144x1xf32>
    %sqrt3A_1419 = math.sqrt %add3A_1418 : vector<144x1xf32>
    %div3A_1420 = vector.broadcast %sqrt3A_1419 : vector<144x1xf32> to vector<144x512xf32>
    %div3A_1421 = arith.divf %sub3A_1415, %div3A_1420 : vector<144x512xf32>
    %broadcast_in_dim3A_1422 = vector.shape_cast %get3A_1394 : vector<512xf32> to vector<1x512xf32>
    %mul3A_1423 = vector.broadcast %broadcast_in_dim3A_1422 : vector<1x512xf32> to vector<144x512xf32>
    %mul3A_1424 = arith.mulf %div3A_1421, %mul3A_1423 : vector<144x512xf32>
    %broadcast_in_dim3A_1425 = vector.shape_cast %get3A_1398 : vector<512xf32> to vector<1x512xf32>
    %add3A_1426 = vector.broadcast %broadcast_in_dim3A_1425 : vector<1x512xf32> to vector<144x512xf32>
    %add3A_1427 = arith.addf %mul3A_1424, %add3A_1426 : vector<144x512xf32>
    %get3A_1428 = arith.constant 0 : index
    %get3A_1429 = arith.constant 0 : index
    %get3A_1430 = vector.load %arg40[%get3A_1428, %get3A_1429] : memref<2048x512xf32, #tpu.memory_space<vmem>>, vector<2048x512xf32>
    %dot_general3A_1431 = arith.constant dense<0.000000e+00> : vector<2048x144xf32>
    %dot_general3A_1432 = tpu.matmul %get3A_1430, %add3A_1427, %dot_general3A_1431 {dimension_numbers = #tpu.dot_dimension_numbers<[1], [1], [0], [0], [0, 0, 1, 0], [], []>, transpose_lhs_hint = false} : vector<2048x512xf32>, vector<144x512xf32>, vector<2048x144xf32> -> vector<2048x144xf32>
    %slice3A_1433 = vector.extract_strided_slice %dot_general3A_1432 {offsets = [0, 0], sizes = [256, 144], strides = [1, 1]} : vector<2048x144xf32> to vector<256x144xf32>
    %get3A_1434 = arith.constant 0 : index
    %get3A_1435 = arith.constant 0 : index
    %get3A_1436 = vector.load %arg41[%get3A_1434, %get3A_1435] : memref<1024x256xf32, #tpu.memory_space<vmem>>, vector<256x256xf32>
    %dot_general3A_1437 = arith.constant dense<0.000000e+00> : vector<256x144xf32>
    %dot_general3A_1438 = tpu.matmul %get3A_1436, %slice3A_1433, %dot_general3A_1437 {dimension_numbers = #tpu.dot_dimension_numbers<[0], [0], [1], [1], [0, 1, 1, 1], [], []>, transpose_lhs_hint = false} : vector<256x256xf32>, vector<256x144xf32>, vector<256x144xf32> -> vector<256x144xf32>
    %convert_element_type3A_1439 = arith.truncf %dot_general3A_1438 : vector<256x144xf32> to vector<256x144xbf16>
    %slice3A_1440 = vector.extract_strided_slice %dot_general3A_1432 {offsets = [1024, 0], sizes = [256, 144], strides = [1, 1]} : vector<2048x144xf32> to vector<256x144xf32>
    %get3A_1441 = arith.constant 512 : index
    %get3A_1442 = arith.constant 0 : index
    %get3A_1443 = vector.load %arg42[%get3A_1441, %get3A_1442] : memref<3072x256xf32, #tpu.memory_space<vmem>>, vector<256x256xf32>
    %dot_general3A_1444 = arith.constant dense<0.000000e+00> : vector<144x256xf32>
    %dot_general3A_1445 = tpu.matmul %slice3A_1440, %get3A_1443, %dot_general3A_1444 {dimension_numbers = #tpu.dot_dimension_numbers<[0], [0], [1], [1], [0, 1, 1, 1], [], []>, transpose_lhs_hint = false} : vector<256x144xf32>, vector<256x256xf32>, vector<144x256xf32> -> vector<144x256xf32>
    %convert_element_type3A_1446 = arith.truncf %dot_general3A_1445 : vector<144x256xf32> to vector<144x256xbf16>
    %broadcast_in_dim3A_1447 = arith.constant 0.000000e+00 : bf16
    %broadcast_in_dim3A_1448 = vector.broadcast %broadcast_in_dim3A_1447 : bf16 to vector<256x112xbf16>
    %concatenate3A_1449 = tpu.concatenate %convert_element_type3A_1439, %broadcast_in_dim3A_1448 in 1 : vector<256x144xbf16>, vector<256x112xbf16> -> vector<256x256xbf16>
    %broadcast_in_dim3A_1450 = arith.constant 0.000000e+00 : bf16
    %broadcast_in_dim3A_1451 = vector.broadcast %broadcast_in_dim3A_1450 : bf16 to vector<112x256xbf16>
    %concatenate3A_1452 = tpu.concatenate %convert_element_type3A_1446, %broadcast_in_dim3A_1451 in 0 : vector<144x256xbf16>, vector<112x256xbf16> -> vector<256x256xbf16>
    %swap3A_1453 = arith.constant 0 : index
    %swap3A_1454 = arith.constant 0 : index
    %swap3A_1455 = arith.constant 768 : index
    %swap3A_1456 = vector.load %arg47[%swap3A_1453, %swap3A_1454, %swap3A_1455] : memref<1x256x4096xbf16, #tpu.memory_space<vmem>>, vector<1x256x256xbf16>
    %swap3A_1457 = vector.shape_cast %swap3A_1456 : vector<1x256x256xbf16> to vector<256x256xbf16>
    %swap3A_1458 = vector.shape_cast %concatenate3A_1449 : vector<256x256xbf16> to vector<1x256x256xbf16>
    tpu.vector_store %arg47[%swap3A_1453, %swap3A_1454, %swap3A_1455], %swap3A_1458 {strides = array<i32>} : memref<1x256x4096xbf16, #tpu.memory_space<vmem>>, vector<1x256x256xbf16>,
    %swap3A_1459 = arith.constant 0 : index
    %swap3A_1460 = arith.constant 768 : index
    %swap3A_1461 = arith.constant 0 : index
    %swap3A_1462 = vector.load %arg48[%swap3A_1459, %swap3A_1460, %swap3A_1461] : memref<1x4096x256xbf16, #tpu.memory_space<vmem>>, vector<1x256x256xbf16>
    %swap3A_1463 = vector.shape_cast %swap3A_1462 : vector<1x256x256xbf16> to vector<256x256xbf16>
    %swap3A_1464 = vector.shape_cast %concatenate3A_1452 : vector<256x256xbf16> to vector<1x256x256xbf16>
    tpu.vector_store %arg48[%swap3A_1459, %swap3A_1460, %swap3A_1461], %swap3A_1464 {strides = array<i32>} : memref<1x4096x256xbf16, #tpu.memory_space<vmem>>, vector<1x256x256xbf16>,
    %slice3A_1465 = vector.extract_strided_slice %dot_general3A_1432 {offsets = [256, 0], sizes = [256, 144], strides = [1, 1]} : vector<2048x144xf32> to vector<256x144xf32>
    %get3A_1466 = arith.constant 256 : index
    %get3A_1467 = arith.constant 0 : index
    %get3A_1468 = vector.load %arg41[%get3A_1466, %get3A_1467] : memref<1024x256xf32, #tpu.memory_space<vmem>>, vector<256x256xf32>
    %dot_general3A_1469 = arith.constant dense<0.000000e+00> : vector<256x144xf32>
    %dot_general3A_1470 = tpu.matmul %get3A_1468, %slice3A_1465, %dot_general3A_1469 {dimension_numbers = #tpu.dot_dimension_numbers<[0], [0], [1], [1], [0, 1, 1, 1], [], []>, transpose_lhs_hint = false} : vector<256x256xf32>, vector<256x144xf32>, vector<256x144xf32> -> vector<256x144xf32>
    %convert_element_type3A_1471 = arith.truncf %dot_general3A_1470 : vector<256x144xf32> to vector<256x144xbf16>
    %slice3A_1472 = vector.extract_strided_slice %dot_general3A_1432 {offsets = [1280, 0], sizes = [256, 144], strides = [1, 1]} : vector<2048x144xf32> to vector<256x144xf32>
    %get3A_1473 = arith.constant 1280 : index
    %get3A_1474 = arith.constant 0 : index
    %get3A_1475 = vector.load %arg42[%get3A_1473, %get3A_1474] : memref<3072x256xf32, #tpu.memory_space<vmem>>, vector<256x256xf32>
    %dot_general3A_1476 = arith.constant dense<0.000000e+00> : vector<144x256xf32>
    %dot_general3A_1477 = tpu.matmul %slice3A_1472, %get3A_1475, %dot_general3A_1476 {dimension_numbers = #tpu.dot_dimension_numbers<[0], [0], [1], [1], [0, 1, 1, 1], [], []>, transpose_lhs_hint = false} : vector<256x144xf32>, vector<256x256xf32>, vector<144x256xf32> -> vector<144x256xf32>
    %convert_element_type3A_1478 = arith.truncf %dot_general3A_1477 : vector<144x256xf32> to vector<144x256xbf16>
    %broadcast_in_dim3A_1479 = arith.constant 0.000000e+00 : bf16
    %broadcast_in_dim3A_1480 = vector.broadcast %broadcast_in_dim3A_1479 : bf16 to vector<256x112xbf16>
    %concatenate3A_1481 = tpu.concatenate %convert_element_type3A_1471, %broadcast_in_dim3A_1480 in 1 : vector<256x144xbf16>, vector<256x112xbf16> -> vector<256x256xbf16>
    %broadcast_in_dim3A_1482 = arith.constant 0.000000e+00 : bf16
    %broadcast_in_dim3A_1483 = vector.broadcast %broadcast_in_dim3A_1482 : bf16 to vector<112x256xbf16>
    %concatenate3A_1484 = tpu.concatenate %convert_element_type3A_1478, %broadcast_in_dim3A_1483 in 0 : vector<144x256xbf16>, vector<112x256xbf16> -> vector<256x256xbf16>
    %swap3A_1485 = arith.constant 0 : index
    %swap3A_1486 = arith.constant 0 : index
    %swap3A_1487 = arith.constant 1792 : index
    %swap3A_1488 = vector.load %arg47[%swap3A_1485, %swap3A_1486, %swap3A_1487] : memref<1x256x4096xbf16, #tpu.memory_space<vmem>>, vector<1x256x256xbf16>
    %swap3A_1489 = vector.shape_cast %swap3A_1488 : vector<1x256x256xbf16> to vector<256x256xbf16>
    %swap3A_1490 = vector.shape_cast %concatenate3A_1481 : vector<256x256xbf16> to vector<1x256x256xbf16>
    tpu.vector_store %arg47[%swap3A_1485, %swap3A_1486, %swap3A_1487], %swap3A_1490 {strides = array<i32>} : memref<1x256x4096xbf16, #tpu.memory_space<vmem>>, vector<1x256x256xbf16>,
    %swap3A_1491 = arith.constant 0 : index
    %swap3A_1492 = arith.constant 1792 : index
    %swap3A_1493 = arith.constant 0 : index
    %swap3A_1494 = vector.load %arg48[%swap3A_1491, %swap3A_1492, %swap3A_1493] : memref<1x4096x256xbf16, #tpu.memory_space<vmem>>, vector<1x256x256xbf16>
    %swap3A_1495 = vector.shape_cast %swap3A_1494 : vector<1x256x256xbf16> to vector<256x256xbf16>
    %swap3A_1496 = vector.shape_cast %concatenate3A_1484 : vector<256x256xbf16> to vector<1x256x256xbf16>
    tpu.vector_store %arg48[%swap3A_1491, %swap3A_1492, %swap3A_1493], %swap3A_1496 {strides = array<i32>} : memref<1x4096x256xbf16, #tpu.memory_space<vmem>>, vector<1x256x256xbf16>,
    %slice3A_1497 = vector.extract_strided_slice %dot_general3A_1432 {offsets = [512, 0], sizes = [256, 144], strides = [1, 1]} : vector<2048x144xf32> to vector<256x144xf32>
    %get3A_1498 = arith.constant 512 : index
    %get3A_1499 = arith.constant 0 : index
    %get3A_1500 = vector.load %arg41[%get3A_1498, %get3A_1499] : memref<1024x256xf32, #tpu.memory_space<vmem>>, vector<256x256xf32>
    %dot_general3A_1501 = arith.constant dense<0.000000e+00> : vector<256x144xf32>
    %dot_general3A_1502 = tpu.matmul %get3A_1500, %slice3A_1497, %dot_general3A_1501 {dimension_numbers = #tpu.dot_dimension_numbers<[0], [0], [1], [1], [0, 1, 1, 1], [], []>, transpose_lhs_hint = false} : vector<256x256xf32>, vector<256x144xf32>, vector<256x144xf32> -> vector<256x144xf32>
    %convert_element_type3A_1503 = arith.truncf %dot_general3A_1502 : vector<256x144xf32> to vector<256x144xbf16>
    %slice3A_1504 = vector.extract_strided_slice %dot_general3A_1432 {offsets = [1536, 0], sizes = [256, 144], strides = [1, 1]} : vector<2048x144xf32> to vector<256x144xf32>
    %get3A_1505 = arith.constant 2048 : index
    %get3A_1506 = arith.constant 0 : index
    %get3A_1507 = vector.load %arg42[%get3A_1505, %get3A_1506] : memref<3072x256xf32, #tpu.memory_space<vmem>>, vector<256x256xf32>
    %dot_general3A_1508 = arith.constant dense<0.000000e+00> : vector<144x256xf32>
    %dot_general3A_1509 = tpu.matmul %slice3A_1504, %get3A_1507, %dot_general3A_1508 {dimension_numbers = #tpu.dot_dimension_numbers<[0], [0], [1], [1], [0, 1, 1, 1], [], []>, transpose_lhs_hint = false} : vector<256x144xf32>, vector<256x256xf32>, vector<144x256xf32> -> vector<144x256xf32>
    %convert_element_type3A_1510 = arith.truncf %dot_general3A_1509 : vector<144x256xf32> to vector<144x256xbf16>
    %broadcast_in_dim3A_1511 = arith.constant 0.000000e+00 : bf16
    %broadcast_in_dim3A_1512 = vector.broadcast %broadcast_in_dim3A_1511 : bf16 to vector<256x112xbf16>
    %concatenate3A_1513 = tpu.concatenate %convert_element_type3A_1503, %broadcast_in_dim3A_1512 in 1 : vector<256x144xbf16>, vector<256x112xbf16> -> vector<256x256xbf16>
    %broadcast_in_dim3A_1514 = arith.constant 0.000000e+00 : bf16
    %broadcast_in_dim3A_1515 = vector.broadcast %broadcast_in_dim3A_1514 : bf16 to vector<112x256xbf16>
    %concatenate3A_1516 = tpu.concatenate %convert_element_type3A_1510, %broadcast_in_dim3A_1515 in 0 : vector<144x256xbf16>, vector<112x256xbf16> -> vector<256x256xbf16>
    %swap3A_1517 = arith.constant 0 : index
    %swap3A_1518 = arith.constant 0 : index
    %swap3A_1519 = arith.constant 2816 : index
    %swap3A_1520 = vector.load %arg47[%swap3A_1517, %swap3A_1518, %swap3A_1519] : memref<1x256x4096xbf16, #tpu.memory_space<vmem>>, vector<1x256x256xbf16>
    %swap3A_1521 = vector.shape_cast %swap3A_1520 : vector<1x256x256xbf16> to vector<256x256xbf16>
    %swap3A_1522 = vector.shape_cast %concatenate3A_1513 : vector<256x256xbf16> to vector<1x256x256xbf16>
    tpu.vector_store %arg47[%swap3A_1517, %swap3A_1518, %swap3A_1519], %swap3A_1522 {strides = array<i32>} : memref<1x256x4096xbf16, #tpu.memory_space<vmem>>, vector<1x256x256xbf16>,
    %swap3A_1523 = arith.constant 0 : index
    %swap3A_1524 = arith.constant 2816 : index
    %swap3A_1525 = arith.constant 0 : index
    %swap3A_1526 = vector.load %arg48[%swap3A_1523, %swap3A_1524, %swap3A_1525] : memref<1x4096x256xbf16, #tpu.memory_space<vmem>>, vector<1x256x256xbf16>
    %swap3A_1527 = vector.shape_cast %swap3A_1526 : vector<1x256x256xbf16> to vector<256x256xbf16>
    %swap3A_1528 = vector.shape_cast %concatenate3A_1516 : vector<256x256xbf16> to vector<1x256x256xbf16>
    tpu.vector_store %arg48[%swap3A_1523, %swap3A_1524, %swap3A_1525], %swap3A_1528 {strides = array<i32>} : memref<1x4096x256xbf16, #tpu.memory_space<vmem>>, vector<1x256x256xbf16>,
    %slice3A_1529 = vector.extract_strided_slice %dot_general3A_1432 {offsets = [768, 0], sizes = [256, 144], strides = [1, 1]} : vector<2048x144xf32> to vector<256x144xf32>
    %get3A_1530 = arith.constant 768 : index
    %get3A_1531 = arith.constant 0 : index
    %get3A_1532 = vector.load %arg41[%get3A_1530, %get3A_1531] : memref<1024x256xf32, #tpu.memory_space<vmem>>, vector<256x256xf32>
    %dot_general3A_1533 = arith.constant dense<0.000000e+00> : vector<256x144xf32>
    %dot_general3A_1534 = tpu.matmul %get3A_1532, %slice3A_1529, %dot_general3A_1533 {dimension_numbers = #tpu.dot_dimension_numbers<[0], [0], [1], [1], [0, 1, 1, 1], [], []>, transpose_lhs_hint = false} : vector<256x256xf32>, vector<256x144xf32>, vector<256x144xf32> -> vector<256x144xf32>
    %convert_element_type3A_1535 = arith.truncf %dot_general3A_1534 : vector<256x144xf32> to vector<256x144xbf16>
    %slice3A_1536 = vector.extract_strided_slice %dot_general3A_1432 {offsets = [1792, 0], sizes = [256, 144], strides = [1, 1]} : vector<2048x144xf32> to vector<256x144xf32>
    %get3A_1537 = arith.constant 2816 : index
    %get3A_1538 = arith.constant 0 : index
    %get3A_1539 = vector.load %arg42[%get3A_1537, %get3A_1538] : memref<3072x256xf32, #tpu.memory_space<vmem>>, vector<256x256xf32>
    %dot_general3A_1540 = arith.constant dense<0.000000e+00> : vector<144x256xf32>
    %dot_general3A_1541 = tpu.matmul %slice3A_1536, %get3A_1539, %dot_general3A_1540 {dimension_numbers = #tpu.dot_dimension_numbers<[0], [0], [1], [1], [0, 1, 1, 1], [], []>, transpose_lhs_hint = false} : vector<256x144xf32>, vector<256x256xf32>, vector<144x256xf32> -> vector<144x256xf32>
    %convert_element_type3A_1542 = arith.truncf %dot_general3A_1541 : vector<144x256xf32> to vector<144x256xbf16>
    %broadcast_in_dim3A_1543 = arith.constant 0.000000e+00 : bf16
    %broadcast_in_dim3A_1544 = vector.broadcast %broadcast_in_dim3A_1543 : bf16 to vector<256x112xbf16>
    %concatenate3A_1545 = tpu.concatenate %convert_element_type3A_1535, %broadcast_in_dim3A_1544 in 1 : vector<256x144xbf16>, vector<256x112xbf16> -> vector<256x256xbf16>
    %broadcast_in_dim3A_1546 = arith.constant 0.000000e+00 : bf16
    %broadcast_in_dim3A_1547 = vector.broadcast %broadcast_in_dim3A_1546 : bf16 to vector<112x256xbf16>
    %concatenate3A_1548 = tpu.concatenate %convert_element_type3A_1542, %broadcast_in_dim3A_1547 in 0 : vector<144x256xbf16>, vector<112x256xbf16> -> vector<256x256xbf16>
    %swap3A_1549 = arith.constant 0 : index
    %swap3A_1550 = arith.constant 0 : index
    %swap3A_1551 = arith.constant 3840 : index
    %swap3A_1552 = vector.load %arg47[%swap3A_1549, %swap3A_1550, %swap3A_1551] : memref<1x256x4096xbf16, #tpu.memory_space<vmem>>, vector<1x256x256xbf16>
    %swap3A_1553 = vector.shape_cast %swap3A_1552 : vector<1x256x256xbf16> to vector<256x256xbf16>
    %swap3A_1554 = vector.shape_cast %concatenate3A_1545 : vector<256x256xbf16> to vector<1x256x256xbf16>
    tpu.vector_store %arg47[%swap3A_1549, %swap3A_1550, %swap3A_1551], %swap3A_1554 {strides = array<i32>} : memref<1x256x4096xbf16, #tpu.memory_space<vmem>>, vector<1x256x256xbf16>,
    %swap3A_1555 = arith.constant 0 : index
    %swap3A_1556 = arith.constant 3840 : index
    %swap3A_1557 = arith.constant 0 : index
    %swap3A_1558 = vector.load %arg48[%swap3A_1555, %swap3A_1556, %swap3A_1557] : memref<1x4096x256xbf16, #tpu.memory_space<vmem>>, vector<1x256x256xbf16>
    %swap3A_1559 = vector.shape_cast %swap3A_1558 : vector<1x256x256xbf16> to vector<256x256xbf16>
    %swap3A_1560 = vector.shape_cast %concatenate3A_1548 : vector<256x256xbf16> to vector<1x256x256xbf16>
    tpu.vector_store %arg48[%swap3A_1555, %swap3A_1556, %swap3A_1557], %swap3A_1560 {strides = array<i32>} : memref<1x4096x256xbf16, #tpu.memory_space<vmem>>, vector<1x256x256xbf16>,
    return
  }
  func.func @transform_0(%arg0: i32) -> (i32, i32, i32) {
    %c0_i32 = arith.constant 0 : i32
    %c0_i32_0 = arith.constant 0 : i32
    %c0_i32_1 = arith.constant 0 : i32
    return %arg0, %c0_i32, %c0_i32_0 : i32, i32, i32
  }
  func.func @transform_1(%arg0: i32) -> (i32, i32) {
    %c0_i32 = arith.constant 0 : i32
    %c0_i32_0 = arith.constant 0 : i32
    %c0_i32_1 = arith.constant 0 : i32
    return %c0_i32, %c0_i32_0 : i32, i32
  }
  func.func @transform_2(%arg0: i32) -> (i32, i32) {
    %c0_i32 = arith.constant 0 : i32
    %c0_i32_0 = arith.constant 0 : i32
    %c0_i32_1 = arith.constant 0 : i32
    return %c0_i32, %c0_i32_0 : i32, i32
  }
  func.func @transform_3(%arg0: i32) -> (i32, i32) {
    %c0_i32 = arith.constant 0 : i32
    %c0_i32_0 = arith.constant 0 : i32
    %c0_i32_1 = arith.constant 0 : i32
    return %c0_i32, %c0_i32_0 : i32, i32
  }
  func.func @transform_4(%arg0: i32) -> (i32, i32, i32) {
    %c0_i32 = arith.constant 0 : i32
    %c0_i32_0 = arith.constant 0 : i32
    %c0_i32_1 = arith.constant 0 : i32
    return %arg0, %c0_i32, %c0_i32_0 : i32, i32, i32
  }
  func.func @transform_5(%arg0: i32) -> (i32, i32) {
    %c0_i32 = arith.constant 0 : i32
    %c0_i32_0 = arith.constant 0 : i32
    %c0_i32_1 = arith.constant 0 : i32
    return %c0_i32, %c0_i32_0 : i32, i32
  }
  func.func @transform_6(%arg0: i32) -> (i32, i32) {
    %c0_i32 = arith.constant 0 : i32
    %c0_i32_0 = arith.constant 0 : i32
    %c0_i32_1 = arith.constant 0 : i32
    return %c0_i32, %c0_i32_0 : i32, i32
  }
  func.func @transform_7(%arg0: i32) -> (i32, i32) {
    %c0_i32 = arith.constant 0 : i32
    %c0_i32_0 = arith.constant 0 : i32
    %c0_i32_1 = arith.constant 0 : i32
    return %c0_i32, %c0_i32_0 : i32, i32
  }
  func.func @transform_8(%arg0: i32) -> (i32, i32, i32) {
    %c0_i32 = arith.constant 0 : i32
    %c0_i32_0 = arith.constant 0 : i32
    %c0_i32_1 = arith.constant 0 : i32
    return %arg0, %c0_i32, %c0_i32_0 : i32, i32, i32
  }
  func.func @transform_9(%arg0: i32) -> (i32, i32) {
    %c0_i32 = arith.constant 0 : i32
    %c0_i32_0 = arith.constant 0 : i32
    %c0_i32_1 = arith.constant 0 : i32
    return %c0_i32, %c0_i32_0 : i32, i32
  }
  func.func @transform_10(%arg0: i32) -> (i32, i32) {
    %c0_i32 = arith.constant 0 : i32
    %c0_i32_0 = arith.constant 0 : i32
    %c0_i32_1 = arith.constant 0 : i32
    return %c0_i32, %c0_i32_0 : i32, i32
  }
  func.func @transform_11(%arg0: i32) -> (i32, i32) {
    %c0_i32 = arith.constant 0 : i32
    %c0_i32_0 = arith.constant 0 : i32
    %c0_i32_1 = arith.constant 0 : i32
    return %c0_i32, %c0_i32_0 : i32, i32
  }
  func.func @transform_12(%arg0: i32) -> (i32, i32) {
    %c0_i32 = arith.constant 0 : i32
    %c0_i32_0 = arith.constant 0 : i32
    %c0_i32_1 = arith.constant 0 : i32
    return %c0_i32, %c0_i32_0 : i32, i32
  }
  func.func @transform_13(%arg0: i32) -> (i32, i32) {
    %c0_i32 = arith.constant 0 : i32
    %c0_i32_0 = arith.constant 0 : i32
    %c0_i32_1 = arith.constant 0 : i32
    return %c0_i32, %c0_i32_0 : i32, i32
  }
  func.func @transform_14(%arg0: i32) -> (i32, i32, i32) {
    %c0_i32 = arith.constant 0 : i32
    %c0_i32_0 = arith.constant 0 : i32
    %c0_i32_1 = arith.constant 0 : i32
    return %arg0, %c0_i32, %c0_i32_0 : i32, i32, i32
  }
  func.func @transform_15(%arg0: i32) -> (i32, i32) {
    %c0_i32 = arith.constant 0 : i32
    %c0_i32_0 = arith.constant 0 : i32
    %c0_i32_1 = arith.constant 0 : i32
    return %c0_i32, %c0_i32_0 : i32, i32
  }
  func.func @transform_16(%arg0: i32) -> (i32, i32) {
    %c0_i32 = arith.constant 0 : i32
    %c0_i32_0 = arith.constant 0 : i32
    %c0_i32_1 = arith.constant 0 : i32
    return %c0_i32, %c0_i32_0 : i32, i32
  }
  func.func @transform_17(%arg0: i32) -> (i32, i32) {
    %c0_i32 = arith.constant 0 : i32
    %c0_i32_0 = arith.constant 0 : i32
    %c0_i32_1 = arith.constant 0 : i32
    return %c0_i32, %c0_i32_0 : i32, i32
  }
  func.func @transform_18(%arg0: i32) -> (i32, i32, i32) {
    %c0_i32 = arith.constant 0 : i32
    %c0_i32_0 = arith.constant 0 : i32
    %c0_i32_1 = arith.constant 0 : i32
    return %arg0, %c0_i32, %c0_i32_0 : i32, i32, i32
  }
  func.func @transform_19(%arg0: i32) -> (i32, i32) {
    %c0_i32 = arith.constant 0 : i32
    %c0_i32_0 = arith.constant 0 : i32
    %c0_i32_1 = arith.constant 0 : i32
    return %c0_i32, %c0_i32_0 : i32, i32
  }
  func.func @transform_20(%arg0: i32) -> (i32, i32) {
    %c0_i32 = arith.constant 0 : i32
    %c0_i32_0 = arith.constant 0 : i32
    %c0_i32_1 = arith.constant 0 : i32
    return %c0_i32, %c0_i32_0 : i32, i32
  }
  func.func @transform_21(%arg0: i32) -> (i32, i32) {
    %c0_i32 = arith.constant 0 : i32
    %c0_i32_0 = arith.constant 0 : i32
    %c0_i32_1 = arith.constant 0 : i32
    return %c0_i32, %c0_i32_0 : i32, i32
  }
  func.func @transform_22(%arg0: i32) -> (i32, i32, i32) {
    %c0_i32 = arith.constant 0 : i32
    %c0_i32_0 = arith.constant 0 : i32
    %c0_i32_1 = arith.constant 0 : i32
    return %arg0, %c0_i32, %c0_i32_0 : i32, i32, i32
  }
  func.func @transform_23(%arg0: i32) -> (i32, i32) {
    %c0_i32 = arith.constant 0 : i32
    %c0_i32_0 = arith.constant 0 : i32
    %c0_i32_1 = arith.constant 0 : i32
    return %c0_i32, %c0_i32_0 : i32, i32
  }
  func.func @transform_24(%arg0: i32) -> (i32, i32) {
    %c0_i32 = arith.constant 0 : i32
    %c0_i32_0 = arith.constant 0 : i32
    %c0_i32_1 = arith.constant 0 : i32
    return %c0_i32, %c0_i32_0 : i32, i32
  }
  func.func @transform_25(%arg0: i32) -> (i32, i32) {
    %c0_i32 = arith.constant 0 : i32
    %c0_i32_0 = arith.constant 0 : i32
    %c0_i32_1 = arith.constant 0 : i32
    return %c0_i32, %c0_i32_0 : i32, i32
  }
  func.func @transform_26(%arg0: i32) -> (i32, i32) {
    %c0_i32 = arith.constant 0 : i32
    %c0_i32_0 = arith.constant 0 : i32
    %c0_i32_1 = arith.constant 0 : i32
    return %c0_i32, %c0_i32_0 : i32, i32
  }
  func.func @transform_27(%arg0: i32) -> (i32, i32) {
    %c0_i32 = arith.constant 0 : i32
    %c0_i32_0 = arith.constant 0 : i32
    %c0_i32_1 = arith.constant 0 : i32
    return %c0_i32, %c0_i32_0 : i32, i32
  }
  func.func @transform_28(%arg0: i32) -> (i32, i32, i32) {
    %c0_i32 = arith.constant 0 : i32
    %c0_i32_0 = arith.constant 0 : i32
    %c0_i32_1 = arith.constant 0 : i32
    return %arg0, %c0_i32, %c0_i32_0 : i32, i32, i32
  }
  func.func @transform_29(%arg0: i32) -> (i32, i32) {
    %c0_i32 = arith.constant 0 : i32
    %c0_i32_0 = arith.constant 0 : i32
    %c0_i32_1 = arith.constant 0 : i32
    return %c0_i32, %c0_i32_0 : i32, i32
  }
  func.func @transform_30(%arg0: i32) -> (i32, i32) {
    %c0_i32 = arith.constant 0 : i32
    %c0_i32_0 = arith.constant 0 : i32
    %c0_i32_1 = arith.constant 0 : i32
    return %c0_i32, %c0_i32_0 : i32, i32
  }
  func.func @transform_31(%arg0: i32) -> (i32, i32) {
    %c0_i32 = arith.constant 0 : i32
    %c0_i32_0 = arith.constant 0 : i32
    %c0_i32_1 = arith.constant 0 : i32
    return %c0_i32, %c0_i32_0 : i32, i32
  }
  func.func @transform_32(%arg0: i32) -> (i32, i32, i32) {
    %c0_i32 = arith.constant 0 : i32
    %c0_i32_0 = arith.constant 0 : i32
    %c0_i32_1 = arith.constant 0 : i32
    return %arg0, %c0_i32, %c0_i32_0 : i32, i32, i32
  }
  func.func @transform_33(%arg0: i32) -> (i32, i32) {
    %c0_i32 = arith.constant 0 : i32
    %c0_i32_0 = arith.constant 0 : i32
    %c0_i32_1 = arith.constant 0 : i32
    return %c0_i32, %c0_i32_0 : i32, i32
  }
  func.func @transform_34(%arg0: i32) -> (i32, i32) {
    %c0_i32 = arith.constant 0 : i32
    %c0_i32_0 = arith.constant 0 : i32
    %c0_i32_1 = arith.constant 0 : i32
    return %c0_i32, %c0_i32_0 : i32, i32
  }
  func.func @transform_35(%arg0: i32) -> (i32, i32) {
    %c0_i32 = arith.constant 0 : i32
    %c0_i32_0 = arith.constant 0 : i32
    %c0_i32_1 = arith.constant 0 : i32
    return %c0_i32, %c0_i32_0 : i32, i32
  }
  func.func @transform_36(%arg0: i32) -> (i32, i32, i32) {
    %c0_i32 = arith.constant 0 : i32
    %c0_i32_0 = arith.constant 0 : i32
    %c0_i32_1 = arith.constant 0 : i32
    return %arg0, %c0_i32, %c0_i32_0 : i32, i32, i32
  }
  func.func @transform_37(%arg0: i32) -> (i32, i32) {
    %c0_i32 = arith.constant 0 : i32
    %c0_i32_0 = arith.constant 0 : i32
    %c0_i32_1 = arith.constant 0 : i32
    return %c0_i32, %c0_i32_0 : i32, i32
  }
  func.func @transform_38(%arg0: i32) -> (i32, i32) {
    %c0_i32 = arith.constant 0 : i32
    %c0_i32_0 = arith.constant 0 : i32
    %c0_i32_1 = arith.constant 0 : i32
    return %c0_i32, %c0_i32_0 : i32, i32
  }
  func.func @transform_39(%arg0: i32) -> (i32, i32) {
    %c0_i32 = arith.constant 0 : i32
    %c0_i32_0 = arith.constant 0 : i32
    %c0_i32_1 = arith.constant 0 : i32
    return %c0_i32, %c0_i32_0 : i32, i32
  }
  func.func @transform_40(%arg0: i32) -> (i32, i32) {
    %c0_i32 = arith.constant 0 : i32
    %c0_i32_0 = arith.constant 0 : i32
    %c0_i32_1 = arith.constant 0 : i32
    return %c0_i32, %c0_i32_0 : i32, i32
  }
  func.func @transform_41(%arg0: i32) -> (i32, i32) {
    %c0_i32 = arith.constant 0 : i32
    %c0_i32_0 = arith.constant 0 : i32
    %c0_i32_1 = arith.constant 0 : i32
    return %c0_i32, %c0_i32_0 : i32, i32
  }
  func.func @transform_42(%arg0: i32) -> (i32, i32, i32) {
    %c0_i32 = arith.constant 0 : i32
    %c0_i32_0 = arith.constant 0 : i32
    %c0_i32_1 = arith.constant 0 : i32
    return %arg0, %c0_i32, %c0_i32_0 : i32, i32, i32
  }
  func.func @transform_43(%arg0: i32) -> (i32, i32, i32) {
    %c0_i32 = arith.constant 0 : i32
    %c0_i32_0 = arith.constant 0 : i32
    %c0_i32_1 = arith.constant 0 : i32
    return %arg0, %c0_i32, %c0_i32_0 : i32, i32, i32
  }
  func.func @transform_44(%arg0: i32) -> (i32, i32, i32) {
    %c0_i32 = arith.constant 0 : i32
    %c0_i32_0 = arith.constant 0 : i32
    %c0_i32_1 = arith.constant 0 : i32
    return %arg0, %c0_i32, %c0_i32_0 : i32, i32, i32
  }
  func.func @transform_45(%arg0: i32) -> (i32, i32, i32) {
    %c0_i32 = arith.constant 0 : i32
    %c0_i32_0 = arith.constant 0 : i32
    %c0_i32_1 = arith.constant 0 : i32
    return %arg0, %c0_i32, %c0_i32_0 : i32, i32, i32
  }
  func.func @transform_46(%arg0: i32) -> (i32, i32, i32) {
    %c0_i32 = arith.constant 0 : i32
    %c0_i32_0 = arith.constant 0 : i32
    %c0_i32_1 = arith.constant 0 : i32
    return %arg0, %c0_i32, %c0_i32_0 : i32, i32, i32
  }
  func.func @transform_47(%arg0: i32) -> (i32, i32, i32) {
    %c0_i32 = arith.constant 0 : i32
    %c0_i32_0 = arith.constant 0 : i32
    %c0_i32_1 = arith.constant 0 : i32
    return %arg0, %c0_i32, %c0_i32_0 : i32, i32, i32
  }
}

module attributes {stable_mosaic.version = 14 : i64} {
  func.func @_attn_fold_body(%arg0: i32, %arg1: i32, %arg2: memref<1x1024x64xf32, #tpu.memory_space<vmem>>, %arg3: memref<1x64xf32, #tpu.memory_space<vmem>>, %arg4: memref<1x64xf32, #tpu.memory_space<vmem>>, %arg5: memref<1x64x3072xbf16, #tpu.memory_space<vmem>>, %arg6: memref<1x3072x64xbf16, #tpu.memory_space<vmem>>, %arg7: memref<1x3072xf32, #tpu.memory_space<vmem>>, %arg8: memref<1x1024x64xf32, #tpu.memory_space<vmem>>) attributes {dimension_semantics = [#tpu.dimension_semantics<arbitrary>, #tpu.dimension_semantics<arbitrary>], iteration_bounds = array<i64: 2, 5>, scalar_prefetch = 0 : i64, scratch_operands = 0 : i64, tpu.core_type = #tpu.core_type<tc>, window_params = [{transform_indices = @transform_0, window_bounds = array<i64: 1, 1024, 64>}, {pipeline_mode = #tpu.pipeline_mode<synchronous>, transform_indices = @transform_1, window_bounds = array<i64: 1, 64>}, {pipeline_mode = #tpu.pipeline_mode<synchronous>, transform_indices = @transform_2, window_bounds = array<i64: 1, 64>}, {transform_indices = @transform_3, window_bounds = array<i64: 1, 64, 3072>}, {transform_indices = @transform_4, window_bounds = array<i64: 1, 3072, 64>}, {pipeline_mode = #tpu.pipeline_mode<synchronous>, transform_indices = @transform_5, window_bounds = array<i64: 1, 3072>}, {transform_indices = @transform_6, window_bounds = array<i64: 1, 1024, 64>}]} {
    %get3A = arith.constant 0 : index
    %get3A_0 = arith.constant 0 : index
    %get3A_1 = arith.constant 0 : index
    %get3A_2 = vector.load %arg2[%get3A, %get3A_0, %get3A_1] : memref<1x1024x64xf32, #tpu.memory_space<vmem>>, vector<1x1024x64xf32>
    %get3A_3 = vector.shape_cast %get3A_2 : vector<1x1024x64xf32> to vector<1024x64xf32>
    %broadcast_in_dim3A = arith.constant 1.000000e+00 : f32
    %broadcast_in_dim3A_4 = vector.broadcast %broadcast_in_dim3A : f32 to vector<64x1xf32>
    %dot_general3A = arith.constant dense<0.000000e+00> : vector<1024x1xf32>
    %dot_general3A_5 = tpu.matmul %get3A_3, %broadcast_in_dim3A_4, %dot_general3A {dimension_numbers = #tpu.dot_dimension_numbers<[1], [0], [0], [1], [0, 0, 1, 1], [], []>, transpose_lhs_hint = false} : vector<1024x64xf32>, vector<64x1xf32>, vector<1024x1xf32> -> vector<1024x1xf32>
    %mul3A = arith.mulf %get3A_3, %get3A_3 : vector<1024x64xf32>
    %dot_general3A_6 = arith.constant dense<0.000000e+00> : vector<1024x1xf32>
    %dot_general3A_7 = tpu.matmul %mul3A, %broadcast_in_dim3A_4, %dot_general3A_6 {dimension_numbers = #tpu.dot_dimension_numbers<[1], [0], [0], [1], [0, 0, 1, 1], [], []>, transpose_lhs_hint = false} : vector<1024x64xf32>, vector<64x1xf32>, vector<1024x1xf32> -> vector<1024x1xf32>
    %div3A = arith.constant 6.400000e+01 : f32
    %div3A_8 = vector.broadcast %div3A : f32 to vector<1024x1xf32>
    %div3A_9 = arith.divf %dot_general3A_5, %div3A_8 : vector<1024x1xf32>
    %div3A_10 = arith.constant 6.400000e+01 : f32
    %div3A_11 = vector.broadcast %div3A_10 : f32 to vector<1024x1xf32>
    %div3A_12 = arith.divf %dot_general3A_7, %div3A_11 : vector<1024x1xf32>
    %mul3A_13 = arith.mulf %div3A_9, %div3A_9 : vector<1024x1xf32>
    %sub3A = arith.subf %div3A_12, %mul3A_13 : vector<1024x1xf32>
    %sub3A_14 = vector.broadcast %div3A_9 : vector<1024x1xf32> to vector<1024x64xf32>
    %sub3A_15 = arith.subf %get3A_3, %sub3A_14 : vector<1024x64xf32>
    %add3A = arith.constant 9.99999974E-6 : f32
    %add3A_16 = vector.broadcast %add3A : f32 to vector<1024x1xf32>
    %add3A_17 = arith.addf %sub3A, %add3A_16 : vector<1024x1xf32>
    %rsqrt3A = math.rsqrt %add3A_17 : vector<1024x1xf32>
    %mul3A_18 = vector.broadcast %rsqrt3A : vector<1024x1xf32> to vector<1024x64xf32>
    %mul3A_19 = arith.mulf %sub3A_15, %mul3A_18 : vector<1024x64xf32>
    %get3A_20 = arith.constant 0 : index
    %get3A_21 = arith.constant 0 : index
    %get3A_22 = vector.load %arg3[%get3A_20, %get3A_21] : memref<1x64xf32, #tpu.memory_space<vmem>>, vector<1x64xf32>
    %mul3A_23 = vector.broadcast %get3A_22 : vector<1x64xf32> to vector<1024x64xf32>
    %mul3A_24 = arith.mulf %mul3A_19, %mul3A_23 : vector<1024x64xf32>
    %get3A_25 = arith.constant 0 : index
    %get3A_26 = arith.constant 0 : index
    %get3A_27 = vector.load %arg4[%get3A_25, %get3A_26] : memref<1x64xf32, #tpu.memory_space<vmem>>, vector<1x64xf32>
    %add3A_28 = vector.broadcast %get3A_27 : vector<1x64xf32> to vector<1024x64xf32>
    %add3A_29 = arith.addf %mul3A_24, %add3A_28 : vector<1024x64xf32>
    %convert_element_type3A = arith.truncf %add3A_29 : vector<1024x64xf32> to vector<1024x64xbf16>
    %get3A_30 = arith.constant 0 : index
    %get3A_31 = arith.constant 0 : index
    %get3A_32 = arith.constant 0 : index
    %get3A_33 = vector.load %arg5[%get3A_30, %get3A_31, %get3A_32] : memref<1x64x3072xbf16, #tpu.memory_space<vmem>>, vector<1x64x3072xbf16>
    %get3A_34 = vector.shape_cast %get3A_33 : vector<1x64x3072xbf16> to vector<64x3072xbf16>
    %dot_general3A_35 = arith.constant dense<0.000000e+00> : vector<1024x3072xf32>
    %dot_general3A_36 = tpu.matmul %convert_element_type3A, %get3A_34, %dot_general3A_35 {dimension_numbers = #tpu.dot_dimension_numbers<[1], [0], [0], [1], [0, 0, 1, 1], [], []>, transpose_lhs_hint = false} : vector<1024x64xbf16>, vector<64x3072xbf16>, vector<1024x3072xf32> -> vector<1024x3072xf32>
    %mul3A_37 = arith.constant 1.250000e-01 : f32
    %mul3A_38 = vector.broadcast %mul3A_37 : f32 to vector<1024x3072xf32>
    %mul3A_39 = arith.mulf %dot_general3A_36, %mul3A_38 : vector<1024x3072xf32>
    %get3A_40 = arith.constant 0 : index
    %get3A_41 = arith.constant 0 : index
    %get3A_42 = vector.load %arg7[%get3A_40, %get3A_41] : memref<1x3072xf32, #tpu.memory_space<vmem>>, vector<1x3072xf32>
    %add3A_43 = vector.broadcast %get3A_42 : vector<1x3072xf32> to vector<1024x3072xf32>
    %add3A_44 = arith.addf %mul3A_39, %add3A_43 : vector<1024x3072xf32>
    %exp3A = math.exp %add3A_44 : vector<1024x3072xf32>
    %slice3A = vector.extract_strided_slice %exp3A {offsets = [0, 0], sizes = [1024, 256], strides = [1, 1]} : vector<1024x3072xf32> to vector<1024x256xf32>
    %reduce_sum3A = arith.constant dense<0.000000e+00> : vector<1024xf32>
    %reduce_sum3A_45 = vector.multi_reduction <add>, %slice3A, %reduce_sum3A [1] : vector<1024x256xf32> to vector<1024xf32>
    %broadcast_in_dim3A_46 = vector.shape_cast %reduce_sum3A_45 : vector<1024xf32> to vector<1024x1xf32>
    %div3A_47 = vector.broadcast %broadcast_in_dim3A_46 : vector<1024x1xf32> to vector<1024x256xf32>
    %div3A_48 = arith.divf %slice3A, %div3A_47 : vector<1024x256xf32>
    %slice3A_49 = vector.extract_strided_slice %exp3A {offsets = [0, 256], sizes = [1024, 256], strides = [1, 1]} : vector<1024x3072xf32> to vector<1024x256xf32>
    %reduce_sum3A_50 = arith.constant dense<0.000000e+00> : vector<1024xf32>
    %reduce_sum3A_51 = vector.multi_reduction <add>, %slice3A_49, %reduce_sum3A_50 [1] : vector<1024x256xf32> to vector<1024xf32>
    %broadcast_in_dim3A_52 = vector.shape_cast %reduce_sum3A_51 : vector<1024xf32> to vector<1024x1xf32>
    %div3A_53 = vector.broadcast %broadcast_in_dim3A_52 : vector<1024x1xf32> to vector<1024x256xf32>
    %div3A_54 = arith.divf %slice3A_49, %div3A_53 : vector<1024x256xf32>
    %slice3A_55 = vector.extract_strided_slice %exp3A {offsets = [0, 512], sizes = [1024, 256], strides = [1, 1]} : vector<1024x3072xf32> to vector<1024x256xf32>
    %reduce_sum3A_56 = arith.constant dense<0.000000e+00> : vector<1024xf32>
    %reduce_sum3A_57 = vector.multi_reduction <add>, %slice3A_55, %reduce_sum3A_56 [1] : vector<1024x256xf32> to vector<1024xf32>
    %broadcast_in_dim3A_58 = vector.shape_cast %reduce_sum3A_57 : vector<1024xf32> to vector<1024x1xf32>
    %div3A_59 = vector.broadcast %broadcast_in_dim3A_58 : vector<1024x1xf32> to vector<1024x256xf32>
    %div3A_60 = arith.divf %slice3A_55, %div3A_59 : vector<1024x256xf32>
    %slice3A_61 = vector.extract_strided_slice %exp3A {offsets = [0, 768], sizes = [1024, 256], strides = [1, 1]} : vector<1024x3072xf32> to vector<1024x256xf32>
    %reduce_sum3A_62 = arith.constant dense<0.000000e+00> : vector<1024xf32>
    %reduce_sum3A_63 = vector.multi_reduction <add>, %slice3A_61, %reduce_sum3A_62 [1] : vector<1024x256xf32> to vector<1024xf32>
    %broadcast_in_dim3A_64 = vector.shape_cast %reduce_sum3A_63 : vector<1024xf32> to vector<1024x1xf32>
    %div3A_65 = vector.broadcast %broadcast_in_dim3A_64 : vector<1024x1xf32> to vector<1024x256xf32>
    %div3A_66 = arith.divf %slice3A_61, %div3A_65 : vector<1024x256xf32>
    %slice3A_67 = vector.extract_strided_slice %exp3A {offsets = [0, 1024], sizes = [1024, 256], strides = [1, 1]} : vector<1024x3072xf32> to vector<1024x256xf32>
    %reduce_sum3A_68 = arith.constant dense<0.000000e+00> : vector<1024xf32>
    %reduce_sum3A_69 = vector.multi_reduction <add>, %slice3A_67, %reduce_sum3A_68 [1] : vector<1024x256xf32> to vector<1024xf32>
    %broadcast_in_dim3A_70 = vector.shape_cast %reduce_sum3A_69 : vector<1024xf32> to vector<1024x1xf32>
    %div3A_71 = vector.broadcast %broadcast_in_dim3A_70 : vector<1024x1xf32> to vector<1024x256xf32>
    %div3A_72 = arith.divf %slice3A_67, %div3A_71 : vector<1024x256xf32>
    %slice3A_73 = vector.extract_strided_slice %exp3A {offsets = [0, 1280], sizes = [1024, 256], strides = [1, 1]} : vector<1024x3072xf32> to vector<1024x256xf32>
    %reduce_sum3A_74 = arith.constant dense<0.000000e+00> : vector<1024xf32>
    %reduce_sum3A_75 = vector.multi_reduction <add>, %slice3A_73, %reduce_sum3A_74 [1] : vector<1024x256xf32> to vector<1024xf32>
    %broadcast_in_dim3A_76 = vector.shape_cast %reduce_sum3A_75 : vector<1024xf32> to vector<1024x1xf32>
    %div3A_77 = vector.broadcast %broadcast_in_dim3A_76 : vector<1024x1xf32> to vector<1024x256xf32>
    %div3A_78 = arith.divf %slice3A_73, %div3A_77 : vector<1024x256xf32>
    %slice3A_79 = vector.extract_strided_slice %exp3A {offsets = [0, 1536], sizes = [1024, 256], strides = [1, 1]} : vector<1024x3072xf32> to vector<1024x256xf32>
    %reduce_sum3A_80 = arith.constant dense<0.000000e+00> : vector<1024xf32>
    %reduce_sum3A_81 = vector.multi_reduction <add>, %slice3A_79, %reduce_sum3A_80 [1] : vector<1024x256xf32> to vector<1024xf32>
    %broadcast_in_dim3A_82 = vector.shape_cast %reduce_sum3A_81 : vector<1024xf32> to vector<1024x1xf32>
    %div3A_83 = vector.broadcast %broadcast_in_dim3A_82 : vector<1024x1xf32> to vector<1024x256xf32>
    %div3A_84 = arith.divf %slice3A_79, %div3A_83 : vector<1024x256xf32>
    %slice3A_85 = vector.extract_strided_slice %exp3A {offsets = [0, 1792], sizes = [1024, 256], strides = [1, 1]} : vector<1024x3072xf32> to vector<1024x256xf32>
    %reduce_sum3A_86 = arith.constant dense<0.000000e+00> : vector<1024xf32>
    %reduce_sum3A_87 = vector.multi_reduction <add>, %slice3A_85, %reduce_sum3A_86 [1] : vector<1024x256xf32> to vector<1024xf32>
    %broadcast_in_dim3A_88 = vector.shape_cast %reduce_sum3A_87 : vector<1024xf32> to vector<1024x1xf32>
    %div3A_89 = vector.broadcast %broadcast_in_dim3A_88 : vector<1024x1xf32> to vector<1024x256xf32>
    %div3A_90 = arith.divf %slice3A_85, %div3A_89 : vector<1024x256xf32>
    %slice3A_91 = vector.extract_strided_slice %exp3A {offsets = [0, 2048], sizes = [1024, 256], strides = [1, 1]} : vector<1024x3072xf32> to vector<1024x256xf32>
    %reduce_sum3A_92 = arith.constant dense<0.000000e+00> : vector<1024xf32>
    %reduce_sum3A_93 = vector.multi_reduction <add>, %slice3A_91, %reduce_sum3A_92 [1] : vector<1024x256xf32> to vector<1024xf32>
    %broadcast_in_dim3A_94 = vector.shape_cast %reduce_sum3A_93 : vector<1024xf32> to vector<1024x1xf32>
    %div3A_95 = vector.broadcast %broadcast_in_dim3A_94 : vector<1024x1xf32> to vector<1024x256xf32>
    %div3A_96 = arith.divf %slice3A_91, %div3A_95 : vector<1024x256xf32>
    %slice3A_97 = vector.extract_strided_slice %exp3A {offsets = [0, 2304], sizes = [1024, 256], strides = [1, 1]} : vector<1024x3072xf32> to vector<1024x256xf32>
    %reduce_sum3A_98 = arith.constant dense<0.000000e+00> : vector<1024xf32>
    %reduce_sum3A_99 = vector.multi_reduction <add>, %slice3A_97, %reduce_sum3A_98 [1] : vector<1024x256xf32> to vector<1024xf32>
    %broadcast_in_dim3A_100 = vector.shape_cast %reduce_sum3A_99 : vector<1024xf32> to vector<1024x1xf32>
    %div3A_101 = vector.broadcast %broadcast_in_dim3A_100 : vector<1024x1xf32> to vector<1024x256xf32>
    %div3A_102 = arith.divf %slice3A_97, %div3A_101 : vector<1024x256xf32>
    %slice3A_103 = vector.extract_strided_slice %exp3A {offsets = [0, 2560], sizes = [1024, 256], strides = [1, 1]} : vector<1024x3072xf32> to vector<1024x256xf32>
    %reduce_sum3A_104 = arith.constant dense<0.000000e+00> : vector<1024xf32>
    %reduce_sum3A_105 = vector.multi_reduction <add>, %slice3A_103, %reduce_sum3A_104 [1] : vector<1024x256xf32> to vector<1024xf32>
    %broadcast_in_dim3A_106 = vector.shape_cast %reduce_sum3A_105 : vector<1024xf32> to vector<1024x1xf32>
    %div3A_107 = vector.broadcast %broadcast_in_dim3A_106 : vector<1024x1xf32> to vector<1024x256xf32>
    %div3A_108 = arith.divf %slice3A_103, %div3A_107 : vector<1024x256xf32>
    %slice3A_109 = vector.extract_strided_slice %exp3A {offsets = [0, 2816], sizes = [1024, 256], strides = [1, 1]} : vector<1024x3072xf32> to vector<1024x256xf32>
    %reduce_sum3A_110 = arith.constant dense<0.000000e+00> : vector<1024xf32>
    %reduce_sum3A_111 = vector.multi_reduction <add>, %slice3A_109, %reduce_sum3A_110 [1] : vector<1024x256xf32> to vector<1024xf32>
    %broadcast_in_dim3A_112 = vector.shape_cast %reduce_sum3A_111 : vector<1024xf32> to vector<1024x1xf32>
    %div3A_113 = vector.broadcast %broadcast_in_dim3A_112 : vector<1024x1xf32> to vector<1024x256xf32>
    %div3A_114 = arith.divf %slice3A_109, %div3A_113 : vector<1024x256xf32>
    %concatenate3A = tpu.concatenate %div3A_48, %div3A_54, %div3A_60, %div3A_66, %div3A_72, %div3A_78, %div3A_84, %div3A_90, %div3A_96, %div3A_102, %div3A_108, %div3A_114 in 1 : vector<1024x256xf32>, vector<1024x256xf32>, vector<1024x256xf32>, vector<1024x256xf32>, vector<1024x256xf32>, vector<1024x256xf32>, vector<1024x256xf32>, vector<1024x256xf32>, vector<1024x256xf32>, vector<1024x256xf32>, vector<1024x256xf32>, vector<1024x256xf32> -> vector<1024x3072xf32>
    %convert_element_type3A_115 = arith.truncf %concatenate3A : vector<1024x3072xf32> to vector<1024x3072xbf16>
    %get3A_116 = arith.constant 0 : index
    %get3A_117 = arith.constant 0 : index
    %get3A_118 = arith.constant 0 : index
    %get3A_119 = vector.load %arg6[%get3A_116, %get3A_117, %get3A_118] : memref<1x3072x64xbf16, #tpu.memory_space<vmem>>, vector<1x3072x64xbf16>
    %get3A_120 = vector.shape_cast %get3A_119 : vector<1x3072x64xbf16> to vector<3072x64xbf16>
    %dot_general3A_121 = arith.constant dense<0.000000e+00> : vector<1024x64xf32>
    %dot_general3A_122 = tpu.matmul %convert_element_type3A_115, %get3A_120, %dot_general3A_121 {dimension_numbers = #tpu.dot_dimension_numbers<[1], [0], [0], [1], [0, 0, 1, 1], [], []>, transpose_lhs_hint = false} : vector<1024x3072xbf16>, vector<3072x64xbf16>, vector<1024x64xf32> -> vector<1024x64xf32>
    %swap3A = arith.constant 0 : index
    %swap3A_123 = arith.constant 0 : index
    %swap3A_124 = arith.constant 0 : index
    %swap3A_125 = vector.load %arg8[%swap3A, %swap3A_123, %swap3A_124] : memref<1x1024x64xf32, #tpu.memory_space<vmem>>, vector<1x1024x64xf32>
    %swap3A_126 = vector.shape_cast %swap3A_125 : vector<1x1024x64xf32> to vector<1024x64xf32>
    %swap3A_127 = vector.shape_cast %dot_general3A_122 : vector<1024x64xf32> to vector<1x1024x64xf32>
    tpu.vector_store %arg8[%swap3A, %swap3A_123, %swap3A_124], %swap3A_127 {strides = array<i32>} : memref<1x1024x64xf32, #tpu.memory_space<vmem>>, vector<1x1024x64xf32>,
    return
  }
  func.func @transform_0(%arg0: i32, %arg1: i32) -> (i32, i32, i32) {
    %c0_i32 = arith.constant 0 : i32
    %c0_i32_0 = arith.constant 0 : i32
    return %arg0, %arg1, %c0_i32 : i32, i32, i32
  }
  func.func @transform_1(%arg0: i32, %arg1: i32) -> (i32, i32) {
    %c0_i32 = arith.constant 0 : i32
    %c0_i32_0 = arith.constant 0 : i32
    %c0_i32_1 = arith.constant 0 : i32
    return %c0_i32, %c0_i32_0 : i32, i32
  }
  func.func @transform_2(%arg0: i32, %arg1: i32) -> (i32, i32) {
    %c0_i32 = arith.constant 0 : i32
    %c0_i32_0 = arith.constant 0 : i32
    %c0_i32_1 = arith.constant 0 : i32
    return %c0_i32, %c0_i32_0 : i32, i32
  }
  func.func @transform_3(%arg0: i32, %arg1: i32) -> (i32, i32, i32) {
    %c0_i32 = arith.constant 0 : i32
    %c0_i32_0 = arith.constant 0 : i32
    %c0_i32_1 = arith.constant 0 : i32
    return %arg0, %c0_i32, %c0_i32_0 : i32, i32, i32
  }
  func.func @transform_4(%arg0: i32, %arg1: i32) -> (i32, i32, i32) {
    %c0_i32 = arith.constant 0 : i32
    %c0_i32_0 = arith.constant 0 : i32
    %c0_i32_1 = arith.constant 0 : i32
    return %arg0, %c0_i32, %c0_i32_0 : i32, i32, i32
  }
  func.func @transform_5(%arg0: i32, %arg1: i32) -> (i32, i32) {
    %c0_i32 = arith.constant 0 : i32
    %c0_i32_0 = arith.constant 0 : i32
    %c0_i32_1 = arith.constant 0 : i32
    return %c0_i32, %c0_i32_0 : i32, i32
  }
  func.func @transform_6(%arg0: i32, %arg1: i32) -> (i32, i32, i32) {
    %c0_i32 = arith.constant 0 : i32
    %c0_i32_0 = arith.constant 0 : i32
    return %arg0, %arg1, %c0_i32 : i32, i32, i32
  }
}

module attributes {stable_mosaic.version = 14 : i64} {
  func.func @_attn_fold_body(%arg0: i32, %arg1: i32, %arg2: memref<1x800x128xf32, #tpu.memory_space<vmem>>, %arg3: memref<1x128xf32, #tpu.memory_space<vmem>>, %arg4: memref<1x128xf32, #tpu.memory_space<vmem>>, %arg5: memref<1x128x4096xbf16, #tpu.memory_space<vmem>>, %arg6: memref<1x4096x128xbf16, #tpu.memory_space<vmem>>, %arg7: memref<1x4096xf32, #tpu.memory_space<vmem>>, %arg8: memref<1x800x128xf32, #tpu.memory_space<vmem>>) attributes {dimension_semantics = [#tpu.dimension_semantics<arbitrary>, #tpu.dimension_semantics<arbitrary>], iteration_bounds = array<i64: 2, 2>, scalar_prefetch = 0 : i64, scratch_operands = 0 : i64, tpu.core_type = #tpu.core_type<tc>, window_params = [{transform_indices = @transform_0, window_bounds = array<i64: 1, 800, 128>}, {pipeline_mode = #tpu.pipeline_mode<synchronous>, transform_indices = @transform_1, window_bounds = array<i64: 1, 128>}, {pipeline_mode = #tpu.pipeline_mode<synchronous>, transform_indices = @transform_2, window_bounds = array<i64: 1, 128>}, {transform_indices = @transform_3, window_bounds = array<i64: 1, 128, 4096>}, {transform_indices = @transform_4, window_bounds = array<i64: 1, 4096, 128>}, {pipeline_mode = #tpu.pipeline_mode<synchronous>, transform_indices = @transform_5, window_bounds = array<i64: 1, 4096>}, {transform_indices = @transform_6, window_bounds = array<i64: 1, 800, 128>}]} {
    %get3A = arith.constant 0 : index
    %get3A_0 = arith.constant 0 : index
    %get3A_1 = arith.constant 0 : index
    %get3A_2 = vector.load %arg2[%get3A, %get3A_0, %get3A_1] : memref<1x800x128xf32, #tpu.memory_space<vmem>>, vector<1x800x128xf32>
    %get3A_3 = vector.shape_cast %get3A_2 : vector<1x800x128xf32> to vector<800x128xf32>
    %broadcast_in_dim3A = arith.constant 1.000000e+00 : f32
    %broadcast_in_dim3A_4 = vector.broadcast %broadcast_in_dim3A : f32 to vector<128x1xf32>
    %dot_general3A = arith.constant dense<0.000000e+00> : vector<800x1xf32>
    %dot_general3A_5 = tpu.matmul %get3A_3, %broadcast_in_dim3A_4, %dot_general3A {dimension_numbers = #tpu.dot_dimension_numbers<[1], [0], [0], [1], [0, 0, 1, 1], [], []>, transpose_lhs_hint = false} : vector<800x128xf32>, vector<128x1xf32>, vector<800x1xf32> -> vector<800x1xf32>
    %mul3A = arith.mulf %get3A_3, %get3A_3 : vector<800x128xf32>
    %dot_general3A_6 = arith.constant dense<0.000000e+00> : vector<800x1xf32>
    %dot_general3A_7 = tpu.matmul %mul3A, %broadcast_in_dim3A_4, %dot_general3A_6 {dimension_numbers = #tpu.dot_dimension_numbers<[1], [0], [0], [1], [0, 0, 1, 1], [], []>, transpose_lhs_hint = false} : vector<800x128xf32>, vector<128x1xf32>, vector<800x1xf32> -> vector<800x1xf32>
    %div3A = arith.constant 1.280000e+02 : f32
    %div3A_8 = vector.broadcast %div3A : f32 to vector<800x1xf32>
    %div3A_9 = arith.divf %dot_general3A_5, %div3A_8 : vector<800x1xf32>
    %div3A_10 = arith.constant 1.280000e+02 : f32
    %div3A_11 = vector.broadcast %div3A_10 : f32 to vector<800x1xf32>
    %div3A_12 = arith.divf %dot_general3A_7, %div3A_11 : vector<800x1xf32>
    %mul3A_13 = arith.mulf %div3A_9, %div3A_9 : vector<800x1xf32>
    %sub3A = arith.subf %div3A_12, %mul3A_13 : vector<800x1xf32>
    %sub3A_14 = vector.broadcast %div3A_9 : vector<800x1xf32> to vector<800x128xf32>
    %sub3A_15 = arith.subf %get3A_3, %sub3A_14 : vector<800x128xf32>
    %add3A = arith.constant 9.99999974E-6 : f32
    %add3A_16 = vector.broadcast %add3A : f32 to vector<800x1xf32>
    %add3A_17 = arith.addf %sub3A, %add3A_16 : vector<800x1xf32>
    %rsqrt3A = math.rsqrt %add3A_17 : vector<800x1xf32>
    %mul3A_18 = vector.broadcast %rsqrt3A : vector<800x1xf32> to vector<800x128xf32>
    %mul3A_19 = arith.mulf %sub3A_15, %mul3A_18 : vector<800x128xf32>
    %get3A_20 = arith.constant 0 : index
    %get3A_21 = arith.constant 0 : index
    %get3A_22 = vector.load %arg3[%get3A_20, %get3A_21] : memref<1x128xf32, #tpu.memory_space<vmem>>, vector<1x128xf32>
    %mul3A_23 = vector.broadcast %get3A_22 : vector<1x128xf32> to vector<800x128xf32>
    %mul3A_24 = arith.mulf %mul3A_19, %mul3A_23 : vector<800x128xf32>
    %get3A_25 = arith.constant 0 : index
    %get3A_26 = arith.constant 0 : index
    %get3A_27 = vector.load %arg4[%get3A_25, %get3A_26] : memref<1x128xf32, #tpu.memory_space<vmem>>, vector<1x128xf32>
    %add3A_28 = vector.broadcast %get3A_27 : vector<1x128xf32> to vector<800x128xf32>
    %add3A_29 = arith.addf %mul3A_24, %add3A_28 : vector<800x128xf32>
    %convert_element_type3A = arith.truncf %add3A_29 : vector<800x128xf32> to vector<800x128xbf16>
    %get3A_30 = arith.constant 0 : index
    %get3A_31 = arith.constant 0 : index
    %get3A_32 = arith.constant 0 : index
    %get3A_33 = vector.load %arg5[%get3A_30, %get3A_31, %get3A_32] : memref<1x128x4096xbf16, #tpu.memory_space<vmem>>, vector<1x128x4096xbf16>
    %get3A_34 = vector.shape_cast %get3A_33 : vector<1x128x4096xbf16> to vector<128x4096xbf16>
    %dot_general3A_35 = arith.constant dense<0.000000e+00> : vector<800x4096xf32>
    %dot_general3A_36 = tpu.matmul %convert_element_type3A, %get3A_34, %dot_general3A_35 {dimension_numbers = #tpu.dot_dimension_numbers<[1], [0], [0], [1], [0, 0, 1, 1], [], []>, transpose_lhs_hint = false} : vector<800x128xbf16>, vector<128x4096xbf16>, vector<800x4096xf32> -> vector<800x4096xf32>
    %mul3A_37 = arith.constant 0.0883883461 : f32
    %mul3A_38 = vector.broadcast %mul3A_37 : f32 to vector<800x4096xf32>
    %mul3A_39 = arith.mulf %dot_general3A_36, %mul3A_38 : vector<800x4096xf32>
    %get3A_40 = arith.constant 0 : index
    %get3A_41 = arith.constant 0 : index
    %get3A_42 = vector.load %arg7[%get3A_40, %get3A_41] : memref<1x4096xf32, #tpu.memory_space<vmem>>, vector<1x4096xf32>
    %add3A_43 = vector.broadcast %get3A_42 : vector<1x4096xf32> to vector<800x4096xf32>
    %add3A_44 = arith.addf %mul3A_39, %add3A_43 : vector<800x4096xf32>
    %exp3A = math.exp %add3A_44 : vector<800x4096xf32>
    %slice3A = vector.extract_strided_slice %exp3A {offsets = [0, 0], sizes = [800, 512], strides = [1, 1]} : vector<800x4096xf32> to vector<800x512xf32>
    %reduce_sum3A = arith.constant dense<0.000000e+00> : vector<800xf32>
    %reduce_sum3A_45 = vector.multi_reduction <add>, %slice3A, %reduce_sum3A [1] : vector<800x512xf32> to vector<800xf32>
    %broadcast_in_dim3A_46 = vector.shape_cast %reduce_sum3A_45 : vector<800xf32> to vector<800x1xf32>
    %div3A_47 = vector.broadcast %broadcast_in_dim3A_46 : vector<800x1xf32> to vector<800x512xf32>
    %div3A_48 = arith.divf %slice3A, %div3A_47 : vector<800x512xf32>
    %slice3A_49 = vector.extract_strided_slice %exp3A {offsets = [0, 512], sizes = [800, 256], strides = [1, 1]} : vector<800x4096xf32> to vector<800x256xf32>
    %reduce_sum3A_50 = arith.constant dense<0.000000e+00> : vector<800xf32>
    %reduce_sum3A_51 = vector.multi_reduction <add>, %slice3A_49, %reduce_sum3A_50 [1] : vector<800x256xf32> to vector<800xf32>
    %broadcast_in_dim3A_52 = vector.shape_cast %reduce_sum3A_51 : vector<800xf32> to vector<800x1xf32>
    %div3A_53 = vector.broadcast %broadcast_in_dim3A_52 : vector<800x1xf32> to vector<800x256xf32>
    %div3A_54 = arith.divf %slice3A_49, %div3A_53 : vector<800x256xf32>
    %slice3A_55 = vector.extract_strided_slice %exp3A {offsets = [0, 768], sizes = [800, 256], strides = [1, 1]} : vector<800x4096xf32> to vector<800x256xf32>
    %reduce_sum3A_56 = arith.constant dense<0.000000e+00> : vector<800xf32>
    %reduce_sum3A_57 = vector.multi_reduction <add>, %slice3A_55, %reduce_sum3A_56 [1] : vector<800x256xf32> to vector<800xf32>
    %broadcast_in_dim3A_58 = vector.shape_cast %reduce_sum3A_57 : vector<800xf32> to vector<800x1xf32>
    %div3A_59 = vector.broadcast %broadcast_in_dim3A_58 : vector<800x1xf32> to vector<800x256xf32>
    %div3A_60 = arith.divf %slice3A_55, %div3A_59 : vector<800x256xf32>
    %slice3A_61 = vector.extract_strided_slice %exp3A {offsets = [0, 1024], sizes = [800, 512], strides = [1, 1]} : vector<800x4096xf32> to vector<800x512xf32>
    %reduce_sum3A_62 = arith.constant dense<0.000000e+00> : vector<800xf32>
    %reduce_sum3A_63 = vector.multi_reduction <add>, %slice3A_61, %reduce_sum3A_62 [1] : vector<800x512xf32> to vector<800xf32>
    %broadcast_in_dim3A_64 = vector.shape_cast %reduce_sum3A_63 : vector<800xf32> to vector<800x1xf32>
    %div3A_65 = vector.broadcast %broadcast_in_dim3A_64 : vector<800x1xf32> to vector<800x512xf32>
    %div3A_66 = arith.divf %slice3A_61, %div3A_65 : vector<800x512xf32>
    %slice3A_67 = vector.extract_strided_slice %exp3A {offsets = [0, 1536], sizes = [800, 256], strides = [1, 1]} : vector<800x4096xf32> to vector<800x256xf32>
    %reduce_sum3A_68 = arith.constant dense<0.000000e+00> : vector<800xf32>
    %reduce_sum3A_69 = vector.multi_reduction <add>, %slice3A_67, %reduce_sum3A_68 [1] : vector<800x256xf32> to vector<800xf32>
    %broadcast_in_dim3A_70 = vector.shape_cast %reduce_sum3A_69 : vector<800xf32> to vector<800x1xf32>
    %div3A_71 = vector.broadcast %broadcast_in_dim3A_70 : vector<800x1xf32> to vector<800x256xf32>
    %div3A_72 = arith.divf %slice3A_67, %div3A_71 : vector<800x256xf32>
    %slice3A_73 = vector.extract_strided_slice %exp3A {offsets = [0, 1792], sizes = [800, 256], strides = [1, 1]} : vector<800x4096xf32> to vector<800x256xf32>
    %reduce_sum3A_74 = arith.constant dense<0.000000e+00> : vector<800xf32>
    %reduce_sum3A_75 = vector.multi_reduction <add>, %slice3A_73, %reduce_sum3A_74 [1] : vector<800x256xf32> to vector<800xf32>
    %broadcast_in_dim3A_76 = vector.shape_cast %reduce_sum3A_75 : vector<800xf32> to vector<800x1xf32>
    %div3A_77 = vector.broadcast %broadcast_in_dim3A_76 : vector<800x1xf32> to vector<800x256xf32>
    %div3A_78 = arith.divf %slice3A_73, %div3A_77 : vector<800x256xf32>
    %slice3A_79 = vector.extract_strided_slice %exp3A {offsets = [0, 2048], sizes = [800, 512], strides = [1, 1]} : vector<800x4096xf32> to vector<800x512xf32>
    %reduce_sum3A_80 = arith.constant dense<0.000000e+00> : vector<800xf32>
    %reduce_sum3A_81 = vector.multi_reduction <add>, %slice3A_79, %reduce_sum3A_80 [1] : vector<800x512xf32> to vector<800xf32>
    %broadcast_in_dim3A_82 = vector.shape_cast %reduce_sum3A_81 : vector<800xf32> to vector<800x1xf32>
    %div3A_83 = vector.broadcast %broadcast_in_dim3A_82 : vector<800x1xf32> to vector<800x512xf32>
    %div3A_84 = arith.divf %slice3A_79, %div3A_83 : vector<800x512xf32>
    %slice3A_85 = vector.extract_strided_slice %exp3A {offsets = [0, 2560], sizes = [800, 256], strides = [1, 1]} : vector<800x4096xf32> to vector<800x256xf32>
    %reduce_sum3A_86 = arith.constant dense<0.000000e+00> : vector<800xf32>
    %reduce_sum3A_87 = vector.multi_reduction <add>, %slice3A_85, %reduce_sum3A_86 [1] : vector<800x256xf32> to vector<800xf32>
    %broadcast_in_dim3A_88 = vector.shape_cast %reduce_sum3A_87 : vector<800xf32> to vector<800x1xf32>
    %div3A_89 = vector.broadcast %broadcast_in_dim3A_88 : vector<800x1xf32> to vector<800x256xf32>
    %div3A_90 = arith.divf %slice3A_85, %div3A_89 : vector<800x256xf32>
    %slice3A_91 = vector.extract_strided_slice %exp3A {offsets = [0, 2816], sizes = [800, 256], strides = [1, 1]} : vector<800x4096xf32> to vector<800x256xf32>
    %reduce_sum3A_92 = arith.constant dense<0.000000e+00> : vector<800xf32>
    %reduce_sum3A_93 = vector.multi_reduction <add>, %slice3A_91, %reduce_sum3A_92 [1] : vector<800x256xf32> to vector<800xf32>
    %broadcast_in_dim3A_94 = vector.shape_cast %reduce_sum3A_93 : vector<800xf32> to vector<800x1xf32>
    %div3A_95 = vector.broadcast %broadcast_in_dim3A_94 : vector<800x1xf32> to vector<800x256xf32>
    %div3A_96 = arith.divf %slice3A_91, %div3A_95 : vector<800x256xf32>
    %slice3A_97 = vector.extract_strided_slice %exp3A {offsets = [0, 3072], sizes = [800, 512], strides = [1, 1]} : vector<800x4096xf32> to vector<800x512xf32>
    %reduce_sum3A_98 = arith.constant dense<0.000000e+00> : vector<800xf32>
    %reduce_sum3A_99 = vector.multi_reduction <add>, %slice3A_97, %reduce_sum3A_98 [1] : vector<800x512xf32> to vector<800xf32>
    %broadcast_in_dim3A_100 = vector.shape_cast %reduce_sum3A_99 : vector<800xf32> to vector<800x1xf32>
    %div3A_101 = vector.broadcast %broadcast_in_dim3A_100 : vector<800x1xf32> to vector<800x512xf32>
    %div3A_102 = arith.divf %slice3A_97, %div3A_101 : vector<800x512xf32>
    %slice3A_103 = vector.extract_strided_slice %exp3A {offsets = [0, 3584], sizes = [800, 256], strides = [1, 1]} : vector<800x4096xf32> to vector<800x256xf32>
    %reduce_sum3A_104 = arith.constant dense<0.000000e+00> : vector<800xf32>
    %reduce_sum3A_105 = vector.multi_reduction <add>, %slice3A_103, %reduce_sum3A_104 [1] : vector<800x256xf32> to vector<800xf32>
    %broadcast_in_dim3A_106 = vector.shape_cast %reduce_sum3A_105 : vector<800xf32> to vector<800x1xf32>
    %div3A_107 = vector.broadcast %broadcast_in_dim3A_106 : vector<800x1xf32> to vector<800x256xf32>
    %div3A_108 = arith.divf %slice3A_103, %div3A_107 : vector<800x256xf32>
    %slice3A_109 = vector.extract_strided_slice %exp3A {offsets = [0, 3840], sizes = [800, 256], strides = [1, 1]} : vector<800x4096xf32> to vector<800x256xf32>
    %reduce_sum3A_110 = arith.constant dense<0.000000e+00> : vector<800xf32>
    %reduce_sum3A_111 = vector.multi_reduction <add>, %slice3A_109, %reduce_sum3A_110 [1] : vector<800x256xf32> to vector<800xf32>
    %broadcast_in_dim3A_112 = vector.shape_cast %reduce_sum3A_111 : vector<800xf32> to vector<800x1xf32>
    %div3A_113 = vector.broadcast %broadcast_in_dim3A_112 : vector<800x1xf32> to vector<800x256xf32>
    %div3A_114 = arith.divf %slice3A_109, %div3A_113 : vector<800x256xf32>
    %concatenate3A = tpu.concatenate %div3A_48, %div3A_54, %div3A_60, %div3A_66, %div3A_72, %div3A_78, %div3A_84, %div3A_90, %div3A_96, %div3A_102, %div3A_108, %div3A_114 in 1 : vector<800x512xf32>, vector<800x256xf32>, vector<800x256xf32>, vector<800x512xf32>, vector<800x256xf32>, vector<800x256xf32>, vector<800x512xf32>, vector<800x256xf32>, vector<800x256xf32>, vector<800x512xf32>, vector<800x256xf32>, vector<800x256xf32> -> vector<800x4096xf32>
    %convert_element_type3A_115 = arith.truncf %concatenate3A : vector<800x4096xf32> to vector<800x4096xbf16>
    %get3A_116 = arith.constant 0 : index
    %get3A_117 = arith.constant 0 : index
    %get3A_118 = arith.constant 0 : index
    %get3A_119 = vector.load %arg6[%get3A_116, %get3A_117, %get3A_118] : memref<1x4096x128xbf16, #tpu.memory_space<vmem>>, vector<1x4096x128xbf16>
    %get3A_120 = vector.shape_cast %get3A_119 : vector<1x4096x128xbf16> to vector<4096x128xbf16>
    %dot_general3A_121 = arith.constant dense<0.000000e+00> : vector<800x128xf32>
    %dot_general3A_122 = tpu.matmul %convert_element_type3A_115, %get3A_120, %dot_general3A_121 {dimension_numbers = #tpu.dot_dimension_numbers<[1], [0], [0], [1], [0, 0, 1, 1], [], []>, transpose_lhs_hint = false} : vector<800x4096xbf16>, vector<4096x128xbf16>, vector<800x128xf32> -> vector<800x128xf32>
    %swap3A = arith.constant 0 : index
    %swap3A_123 = arith.constant 0 : index
    %swap3A_124 = arith.constant 0 : index
    %swap3A_125 = vector.load %arg8[%swap3A, %swap3A_123, %swap3A_124] : memref<1x800x128xf32, #tpu.memory_space<vmem>>, vector<1x800x128xf32>
    %swap3A_126 = vector.shape_cast %swap3A_125 : vector<1x800x128xf32> to vector<800x128xf32>
    %swap3A_127 = vector.shape_cast %dot_general3A_122 : vector<800x128xf32> to vector<1x800x128xf32>
    tpu.vector_store %arg8[%swap3A, %swap3A_123, %swap3A_124], %swap3A_127 {strides = array<i32>} : memref<1x800x128xf32, #tpu.memory_space<vmem>>, vector<1x800x128xf32>,
    return
  }
  func.func @transform_0(%arg0: i32, %arg1: i32) -> (i32, i32, i32) {
    %c0_i32 = arith.constant 0 : i32
    %c0_i32_0 = arith.constant 0 : i32
    return %arg0, %arg1, %c0_i32 : i32, i32, i32
  }
  func.func @transform_1(%arg0: i32, %arg1: i32) -> (i32, i32) {
    %c0_i32 = arith.constant 0 : i32
    %c0_i32_0 = arith.constant 0 : i32
    %c0_i32_1 = arith.constant 0 : i32
    return %c0_i32, %c0_i32_0 : i32, i32
  }
  func.func @transform_2(%arg0: i32, %arg1: i32) -> (i32, i32) {
    %c0_i32 = arith.constant 0 : i32
    %c0_i32_0 = arith.constant 0 : i32
    %c0_i32_1 = arith.constant 0 : i32
    return %c0_i32, %c0_i32_0 : i32, i32
  }
  func.func @transform_3(%arg0: i32, %arg1: i32) -> (i32, i32, i32) {
    %c0_i32 = arith.constant 0 : i32
    %c0_i32_0 = arith.constant 0 : i32
    %c0_i32_1 = arith.constant 0 : i32
    return %arg0, %c0_i32, %c0_i32_0 : i32, i32, i32
  }
  func.func @transform_4(%arg0: i32, %arg1: i32) -> (i32, i32, i32) {
    %c0_i32 = arith.constant 0 : i32
    %c0_i32_0 = arith.constant 0 : i32
    %c0_i32_1 = arith.constant 0 : i32
    return %arg0, %c0_i32, %c0_i32_0 : i32, i32, i32
  }
  func.func @transform_5(%arg0: i32, %arg1: i32) -> (i32, i32) {
    %c0_i32 = arith.constant 0 : i32
    %c0_i32_0 = arith.constant 0 : i32
    %c0_i32_1 = arith.constant 0 : i32
    return %c0_i32, %c0_i32_0 : i32, i32
  }
  func.func @transform_6(%arg0: i32, %arg1: i32) -> (i32, i32, i32) {
    %c0_i32 = arith.constant 0 : i32
    %c0_i32_0 = arith.constant 0 : i32
    return %arg0, %arg1, %c0_i32 : i32, i32, i32
  }
}

module attributes {stable_mosaic.version = 14 : i64} {
  func.func @_attn_fold_body(%arg0: i32, %arg1: i32, %arg2: memref<1x576x256xf32, #tpu.memory_space<vmem>>, %arg3: memref<1x256xf32, #tpu.memory_space<vmem>>, %arg4: memref<1x256xf32, #tpu.memory_space<vmem>>, %arg5: memref<1x256x4096xbf16, #tpu.memory_space<vmem>>, %arg6: memref<1x4096x256xbf16, #tpu.memory_space<vmem>>, %arg7: memref<1x4096xf32, #tpu.memory_space<vmem>>, %arg8: memref<1x576x256xf32, #tpu.memory_space<vmem>>) attributes {dimension_semantics = [#tpu.dimension_semantics<arbitrary>, #tpu.dimension_semantics<arbitrary>], iteration_bounds = array<i64: 2, 1>, scalar_prefetch = 0 : i64, scratch_operands = 0 : i64, tpu.core_type = #tpu.core_type<tc>, window_params = [{transform_indices = @transform_0, window_bounds = array<i64: 1, 576, 256>}, {pipeline_mode = #tpu.pipeline_mode<synchronous>, transform_indices = @transform_1, window_bounds = array<i64: 1, 256>}, {pipeline_mode = #tpu.pipeline_mode<synchronous>, transform_indices = @transform_2, window_bounds = array<i64: 1, 256>}, {transform_indices = @transform_3, window_bounds = array<i64: 1, 256, 4096>}, {transform_indices = @transform_4, window_bounds = array<i64: 1, 4096, 256>}, {pipeline_mode = #tpu.pipeline_mode<synchronous>, transform_indices = @transform_5, window_bounds = array<i64: 1, 4096>}, {transform_indices = @transform_6, window_bounds = array<i64: 1, 576, 256>}]} {
    %get3A = arith.constant 0 : index
    %get3A_0 = arith.constant 0 : index
    %get3A_1 = arith.constant 0 : index
    %get3A_2 = vector.load %arg2[%get3A, %get3A_0, %get3A_1] : memref<1x576x256xf32, #tpu.memory_space<vmem>>, vector<1x576x256xf32>
    %get3A_3 = vector.shape_cast %get3A_2 : vector<1x576x256xf32> to vector<576x256xf32>
    %broadcast_in_dim3A = arith.constant 1.000000e+00 : f32
    %broadcast_in_dim3A_4 = vector.broadcast %broadcast_in_dim3A : f32 to vector<256x1xf32>
    %dot_general3A = arith.constant dense<0.000000e+00> : vector<576x1xf32>
    %dot_general3A_5 = tpu.matmul %get3A_3, %broadcast_in_dim3A_4, %dot_general3A {dimension_numbers = #tpu.dot_dimension_numbers<[1], [0], [0], [1], [0, 0, 1, 1], [], []>, transpose_lhs_hint = false} : vector<576x256xf32>, vector<256x1xf32>, vector<576x1xf32> -> vector<576x1xf32>
    %mul3A = arith.mulf %get3A_3, %get3A_3 : vector<576x256xf32>
    %dot_general3A_6 = arith.constant dense<0.000000e+00> : vector<576x1xf32>
    %dot_general3A_7 = tpu.matmul %mul3A, %broadcast_in_dim3A_4, %dot_general3A_6 {dimension_numbers = #tpu.dot_dimension_numbers<[1], [0], [0], [1], [0, 0, 1, 1], [], []>, transpose_lhs_hint = false} : vector<576x256xf32>, vector<256x1xf32>, vector<576x1xf32> -> vector<576x1xf32>
    %div3A = arith.constant 2.560000e+02 : f32
    %div3A_8 = vector.broadcast %div3A : f32 to vector<576x1xf32>
    %div3A_9 = arith.divf %dot_general3A_5, %div3A_8 : vector<576x1xf32>
    %div3A_10 = arith.constant 2.560000e+02 : f32
    %div3A_11 = vector.broadcast %div3A_10 : f32 to vector<576x1xf32>
    %div3A_12 = arith.divf %dot_general3A_7, %div3A_11 : vector<576x1xf32>
    %mul3A_13 = arith.mulf %div3A_9, %div3A_9 : vector<576x1xf32>
    %sub3A = arith.subf %div3A_12, %mul3A_13 : vector<576x1xf32>
    %sub3A_14 = vector.broadcast %div3A_9 : vector<576x1xf32> to vector<576x256xf32>
    %sub3A_15 = arith.subf %get3A_3, %sub3A_14 : vector<576x256xf32>
    %add3A = arith.constant 9.99999974E-6 : f32
    %add3A_16 = vector.broadcast %add3A : f32 to vector<576x1xf32>
    %add3A_17 = arith.addf %sub3A, %add3A_16 : vector<576x1xf32>
    %rsqrt3A = math.rsqrt %add3A_17 : vector<576x1xf32>
    %mul3A_18 = vector.broadcast %rsqrt3A : vector<576x1xf32> to vector<576x256xf32>
    %mul3A_19 = arith.mulf %sub3A_15, %mul3A_18 : vector<576x256xf32>
    %get3A_20 = arith.constant 0 : index
    %get3A_21 = arith.constant 0 : index
    %get3A_22 = vector.load %arg3[%get3A_20, %get3A_21] : memref<1x256xf32, #tpu.memory_space<vmem>>, vector<1x256xf32>
    %mul3A_23 = vector.broadcast %get3A_22 : vector<1x256xf32> to vector<576x256xf32>
    %mul3A_24 = arith.mulf %mul3A_19, %mul3A_23 : vector<576x256xf32>
    %get3A_25 = arith.constant 0 : index
    %get3A_26 = arith.constant 0 : index
    %get3A_27 = vector.load %arg4[%get3A_25, %get3A_26] : memref<1x256xf32, #tpu.memory_space<vmem>>, vector<1x256xf32>
    %add3A_28 = vector.broadcast %get3A_27 : vector<1x256xf32> to vector<576x256xf32>
    %add3A_29 = arith.addf %mul3A_24, %add3A_28 : vector<576x256xf32>
    %convert_element_type3A = arith.truncf %add3A_29 : vector<576x256xf32> to vector<576x256xbf16>
    %get3A_30 = arith.constant 0 : index
    %get3A_31 = arith.constant 0 : index
    %get3A_32 = arith.constant 0 : index
    %get3A_33 = vector.load %arg5[%get3A_30, %get3A_31, %get3A_32] : memref<1x256x4096xbf16, #tpu.memory_space<vmem>>, vector<1x256x4096xbf16>
    %get3A_34 = vector.shape_cast %get3A_33 : vector<1x256x4096xbf16> to vector<256x4096xbf16>
    %dot_general3A_35 = arith.constant dense<0.000000e+00> : vector<576x4096xf32>
    %dot_general3A_36 = tpu.matmul %convert_element_type3A, %get3A_34, %dot_general3A_35 {dimension_numbers = #tpu.dot_dimension_numbers<[1], [0], [0], [1], [0, 0, 1, 1], [], []>, transpose_lhs_hint = false} : vector<576x256xbf16>, vector<256x4096xbf16>, vector<576x4096xf32> -> vector<576x4096xf32>
    %mul3A_37 = arith.constant 6.250000e-02 : f32
    %mul3A_38 = vector.broadcast %mul3A_37 : f32 to vector<576x4096xf32>
    %mul3A_39 = arith.mulf %dot_general3A_36, %mul3A_38 : vector<576x4096xf32>
    %get3A_40 = arith.constant 0 : index
    %get3A_41 = arith.constant 0 : index
    %get3A_42 = vector.load %arg7[%get3A_40, %get3A_41] : memref<1x4096xf32, #tpu.memory_space<vmem>>, vector<1x4096xf32>
    %add3A_43 = vector.broadcast %get3A_42 : vector<1x4096xf32> to vector<576x4096xf32>
    %add3A_44 = arith.addf %mul3A_39, %add3A_43 : vector<576x4096xf32>
    %exp3A = math.exp %add3A_44 : vector<576x4096xf32>
    %slice3A = vector.extract_strided_slice %exp3A {offsets = [0, 0], sizes = [576, 512], strides = [1, 1]} : vector<576x4096xf32> to vector<576x512xf32>
    %reduce_sum3A = arith.constant dense<0.000000e+00> : vector<576xf32>
    %reduce_sum3A_45 = vector.multi_reduction <add>, %slice3A, %reduce_sum3A [1] : vector<576x512xf32> to vector<576xf32>
    %broadcast_in_dim3A_46 = vector.shape_cast %reduce_sum3A_45 : vector<576xf32> to vector<576x1xf32>
    %div3A_47 = vector.broadcast %broadcast_in_dim3A_46 : vector<576x1xf32> to vector<576x512xf32>
    %div3A_48 = arith.divf %slice3A, %div3A_47 : vector<576x512xf32>
    %slice3A_49 = vector.extract_strided_slice %exp3A {offsets = [0, 512], sizes = [576, 256], strides = [1, 1]} : vector<576x4096xf32> to vector<576x256xf32>
    %reduce_sum3A_50 = arith.constant dense<0.000000e+00> : vector<576xf32>
    %reduce_sum3A_51 = vector.multi_reduction <add>, %slice3A_49, %reduce_sum3A_50 [1] : vector<576x256xf32> to vector<576xf32>
    %broadcast_in_dim3A_52 = vector.shape_cast %reduce_sum3A_51 : vector<576xf32> to vector<576x1xf32>
    %div3A_53 = vector.broadcast %broadcast_in_dim3A_52 : vector<576x1xf32> to vector<576x256xf32>
    %div3A_54 = arith.divf %slice3A_49, %div3A_53 : vector<576x256xf32>
    %slice3A_55 = vector.extract_strided_slice %exp3A {offsets = [0, 768], sizes = [576, 256], strides = [1, 1]} : vector<576x4096xf32> to vector<576x256xf32>
    %reduce_sum3A_56 = arith.constant dense<0.000000e+00> : vector<576xf32>
    %reduce_sum3A_57 = vector.multi_reduction <add>, %slice3A_55, %reduce_sum3A_56 [1] : vector<576x256xf32> to vector<576xf32>
    %broadcast_in_dim3A_58 = vector.shape_cast %reduce_sum3A_57 : vector<576xf32> to vector<576x1xf32>
    %div3A_59 = vector.broadcast %broadcast_in_dim3A_58 : vector<576x1xf32> to vector<576x256xf32>
    %div3A_60 = arith.divf %slice3A_55, %div3A_59 : vector<576x256xf32>
    %slice3A_61 = vector.extract_strided_slice %exp3A {offsets = [0, 1024], sizes = [576, 512], strides = [1, 1]} : vector<576x4096xf32> to vector<576x512xf32>
    %reduce_sum3A_62 = arith.constant dense<0.000000e+00> : vector<576xf32>
    %reduce_sum3A_63 = vector.multi_reduction <add>, %slice3A_61, %reduce_sum3A_62 [1] : vector<576x512xf32> to vector<576xf32>
    %broadcast_in_dim3A_64 = vector.shape_cast %reduce_sum3A_63 : vector<576xf32> to vector<576x1xf32>
    %div3A_65 = vector.broadcast %broadcast_in_dim3A_64 : vector<576x1xf32> to vector<576x512xf32>
    %div3A_66 = arith.divf %slice3A_61, %div3A_65 : vector<576x512xf32>
    %slice3A_67 = vector.extract_strided_slice %exp3A {offsets = [0, 1536], sizes = [576, 256], strides = [1, 1]} : vector<576x4096xf32> to vector<576x256xf32>
    %reduce_sum3A_68 = arith.constant dense<0.000000e+00> : vector<576xf32>
    %reduce_sum3A_69 = vector.multi_reduction <add>, %slice3A_67, %reduce_sum3A_68 [1] : vector<576x256xf32> to vector<576xf32>
    %broadcast_in_dim3A_70 = vector.shape_cast %reduce_sum3A_69 : vector<576xf32> to vector<576x1xf32>
    %div3A_71 = vector.broadcast %broadcast_in_dim3A_70 : vector<576x1xf32> to vector<576x256xf32>
    %div3A_72 = arith.divf %slice3A_67, %div3A_71 : vector<576x256xf32>
    %slice3A_73 = vector.extract_strided_slice %exp3A {offsets = [0, 1792], sizes = [576, 256], strides = [1, 1]} : vector<576x4096xf32> to vector<576x256xf32>
    %reduce_sum3A_74 = arith.constant dense<0.000000e+00> : vector<576xf32>
    %reduce_sum3A_75 = vector.multi_reduction <add>, %slice3A_73, %reduce_sum3A_74 [1] : vector<576x256xf32> to vector<576xf32>
    %broadcast_in_dim3A_76 = vector.shape_cast %reduce_sum3A_75 : vector<576xf32> to vector<576x1xf32>
    %div3A_77 = vector.broadcast %broadcast_in_dim3A_76 : vector<576x1xf32> to vector<576x256xf32>
    %div3A_78 = arith.divf %slice3A_73, %div3A_77 : vector<576x256xf32>
    %slice3A_79 = vector.extract_strided_slice %exp3A {offsets = [0, 2048], sizes = [576, 512], strides = [1, 1]} : vector<576x4096xf32> to vector<576x512xf32>
    %reduce_sum3A_80 = arith.constant dense<0.000000e+00> : vector<576xf32>
    %reduce_sum3A_81 = vector.multi_reduction <add>, %slice3A_79, %reduce_sum3A_80 [1] : vector<576x512xf32> to vector<576xf32>
    %broadcast_in_dim3A_82 = vector.shape_cast %reduce_sum3A_81 : vector<576xf32> to vector<576x1xf32>
    %div3A_83 = vector.broadcast %broadcast_in_dim3A_82 : vector<576x1xf32> to vector<576x512xf32>
    %div3A_84 = arith.divf %slice3A_79, %div3A_83 : vector<576x512xf32>
    %slice3A_85 = vector.extract_strided_slice %exp3A {offsets = [0, 2560], sizes = [576, 256], strides = [1, 1]} : vector<576x4096xf32> to vector<576x256xf32>
    %reduce_sum3A_86 = arith.constant dense<0.000000e+00> : vector<576xf32>
    %reduce_sum3A_87 = vector.multi_reduction <add>, %slice3A_85, %reduce_sum3A_86 [1] : vector<576x256xf32> to vector<576xf32>
    %broadcast_in_dim3A_88 = vector.shape_cast %reduce_sum3A_87 : vector<576xf32> to vector<576x1xf32>
    %div3A_89 = vector.broadcast %broadcast_in_dim3A_88 : vector<576x1xf32> to vector<576x256xf32>
    %div3A_90 = arith.divf %slice3A_85, %div3A_89 : vector<576x256xf32>
    %slice3A_91 = vector.extract_strided_slice %exp3A {offsets = [0, 2816], sizes = [576, 256], strides = [1, 1]} : vector<576x4096xf32> to vector<576x256xf32>
    %reduce_sum3A_92 = arith.constant dense<0.000000e+00> : vector<576xf32>
    %reduce_sum3A_93 = vector.multi_reduction <add>, %slice3A_91, %reduce_sum3A_92 [1] : vector<576x256xf32> to vector<576xf32>
    %broadcast_in_dim3A_94 = vector.shape_cast %reduce_sum3A_93 : vector<576xf32> to vector<576x1xf32>
    %div3A_95 = vector.broadcast %broadcast_in_dim3A_94 : vector<576x1xf32> to vector<576x256xf32>
    %div3A_96 = arith.divf %slice3A_91, %div3A_95 : vector<576x256xf32>
    %slice3A_97 = vector.extract_strided_slice %exp3A {offsets = [0, 3072], sizes = [576, 512], strides = [1, 1]} : vector<576x4096xf32> to vector<576x512xf32>
    %reduce_sum3A_98 = arith.constant dense<0.000000e+00> : vector<576xf32>
    %reduce_sum3A_99 = vector.multi_reduction <add>, %slice3A_97, %reduce_sum3A_98 [1] : vector<576x512xf32> to vector<576xf32>
    %broadcast_in_dim3A_100 = vector.shape_cast %reduce_sum3A_99 : vector<576xf32> to vector<576x1xf32>
    %div3A_101 = vector.broadcast %broadcast_in_dim3A_100 : vector<576x1xf32> to vector<576x512xf32>
    %div3A_102 = arith.divf %slice3A_97, %div3A_101 : vector<576x512xf32>
    %slice3A_103 = vector.extract_strided_slice %exp3A {offsets = [0, 3584], sizes = [576, 256], strides = [1, 1]} : vector<576x4096xf32> to vector<576x256xf32>
    %reduce_sum3A_104 = arith.constant dense<0.000000e+00> : vector<576xf32>
    %reduce_sum3A_105 = vector.multi_reduction <add>, %slice3A_103, %reduce_sum3A_104 [1] : vector<576x256xf32> to vector<576xf32>
    %broadcast_in_dim3A_106 = vector.shape_cast %reduce_sum3A_105 : vector<576xf32> to vector<576x1xf32>
    %div3A_107 = vector.broadcast %broadcast_in_dim3A_106 : vector<576x1xf32> to vector<576x256xf32>
    %div3A_108 = arith.divf %slice3A_103, %div3A_107 : vector<576x256xf32>
    %slice3A_109 = vector.extract_strided_slice %exp3A {offsets = [0, 3840], sizes = [576, 256], strides = [1, 1]} : vector<576x4096xf32> to vector<576x256xf32>
    %reduce_sum3A_110 = arith.constant dense<0.000000e+00> : vector<576xf32>
    %reduce_sum3A_111 = vector.multi_reduction <add>, %slice3A_109, %reduce_sum3A_110 [1] : vector<576x256xf32> to vector<576xf32>
    %broadcast_in_dim3A_112 = vector.shape_cast %reduce_sum3A_111 : vector<576xf32> to vector<576x1xf32>
    %div3A_113 = vector.broadcast %broadcast_in_dim3A_112 : vector<576x1xf32> to vector<576x256xf32>
    %div3A_114 = arith.divf %slice3A_109, %div3A_113 : vector<576x256xf32>
    %concatenate3A = tpu.concatenate %div3A_48, %div3A_54, %div3A_60, %div3A_66, %div3A_72, %div3A_78, %div3A_84, %div3A_90, %div3A_96, %div3A_102, %div3A_108, %div3A_114 in 1 : vector<576x512xf32>, vector<576x256xf32>, vector<576x256xf32>, vector<576x512xf32>, vector<576x256xf32>, vector<576x256xf32>, vector<576x512xf32>, vector<576x256xf32>, vector<576x256xf32>, vector<576x512xf32>, vector<576x256xf32>, vector<576x256xf32> -> vector<576x4096xf32>
    %convert_element_type3A_115 = arith.truncf %concatenate3A : vector<576x4096xf32> to vector<576x4096xbf16>
    %get3A_116 = arith.constant 0 : index
    %get3A_117 = arith.constant 0 : index
    %get3A_118 = arith.constant 0 : index
    %get3A_119 = vector.load %arg6[%get3A_116, %get3A_117, %get3A_118] : memref<1x4096x256xbf16, #tpu.memory_space<vmem>>, vector<1x4096x256xbf16>
    %get3A_120 = vector.shape_cast %get3A_119 : vector<1x4096x256xbf16> to vector<4096x256xbf16>
    %dot_general3A_121 = arith.constant dense<0.000000e+00> : vector<576x256xf32>
    %dot_general3A_122 = tpu.matmul %convert_element_type3A_115, %get3A_120, %dot_general3A_121 {dimension_numbers = #tpu.dot_dimension_numbers<[1], [0], [0], [1], [0, 0, 1, 1], [], []>, transpose_lhs_hint = false} : vector<576x4096xbf16>, vector<4096x256xbf16>, vector<576x256xf32> -> vector<576x256xf32>
    %swap3A = arith.constant 0 : index
    %swap3A_123 = arith.constant 0 : index
    %swap3A_124 = arith.constant 0 : index
    %swap3A_125 = vector.load %arg8[%swap3A, %swap3A_123, %swap3A_124] : memref<1x576x256xf32, #tpu.memory_space<vmem>>, vector<1x576x256xf32>
    %swap3A_126 = vector.shape_cast %swap3A_125 : vector<1x576x256xf32> to vector<576x256xf32>
    %swap3A_127 = vector.shape_cast %dot_general3A_122 : vector<576x256xf32> to vector<1x576x256xf32>
    tpu.vector_store %arg8[%swap3A, %swap3A_123, %swap3A_124], %swap3A_127 {strides = array<i32>} : memref<1x576x256xf32, #tpu.memory_space<vmem>>, vector<1x576x256xf32>,
    return
  }
  func.func @transform_0(%arg0: i32, %arg1: i32) -> (i32, i32, i32) {
    %c0_i32 = arith.constant 0 : i32
    %c0_i32_0 = arith.constant 0 : i32
    return %arg0, %arg1, %c0_i32 : i32, i32, i32
  }
  func.func @transform_1(%arg0: i32, %arg1: i32) -> (i32, i32) {
    %c0_i32 = arith.constant 0 : i32
    %c0_i32_0 = arith.constant 0 : i32
    %c0_i32_1 = arith.constant 0 : i32
    return %c0_i32, %c0_i32_0 : i32, i32
  }
  func.func @transform_2(%arg0: i32, %arg1: i32) -> (i32, i32) {
    %c0_i32 = arith.constant 0 : i32
    %c0_i32_0 = arith.constant 0 : i32
    %c0_i32_1 = arith.constant 0 : i32
    return %c0_i32, %c0_i32_0 : i32, i32
  }
  func.func @transform_3(%arg0: i32, %arg1: i32) -> (i32, i32, i32) {
    %c0_i32 = arith.constant 0 : i32
    %c0_i32_0 = arith.constant 0 : i32
    %c0_i32_1 = arith.constant 0 : i32
    return %arg0, %c0_i32, %c0_i32_0 : i32, i32, i32
  }
  func.func @transform_4(%arg0: i32, %arg1: i32) -> (i32, i32, i32) {
    %c0_i32 = arith.constant 0 : i32
    %c0_i32_0 = arith.constant 0 : i32
    %c0_i32_1 = arith.constant 0 : i32
    return %arg0, %c0_i32, %c0_i32_0 : i32, i32, i32
  }
  func.func @transform_5(%arg0: i32, %arg1: i32) -> (i32, i32) {
    %c0_i32 = arith.constant 0 : i32
    %c0_i32_0 = arith.constant 0 : i32
    %c0_i32_1 = arith.constant 0 : i32
    return %c0_i32, %c0_i32_0 : i32, i32
  }
  func.func @transform_6(%arg0: i32, %arg1: i32) -> (i32, i32, i32) {
    %c0_i32 = arith.constant 0 : i32
    %c0_i32_0 = arith.constant 0 : i32
    return %arg0, %arg1, %c0_i32 : i32, i32, i32
  }
}

module attributes {stable_mosaic.version = 14 : i64} {
  func.func @body(%arg0: i32, %arg1: memref<1x400x64xf32, #tpu.memory_space<vmem>>, %arg2: memref<1x64xf32, #tpu.memory_space<vmem>>, %arg3: memref<1x64xf32, #tpu.memory_space<vmem>>, %arg4: memref<4096x64xf32, #tpu.memory_space<vmem>>, %arg5: memref<1x192x128xf32, #tpu.memory_space<vmem>>, %arg6: memref<1x128xf32, #tpu.memory_space<vmem>>, %arg7: memref<1x128xf32, #tpu.memory_space<vmem>>, %arg8: memref<4096x128xf32, #tpu.memory_space<vmem>>, %arg9: memref<1x192x256xf32, #tpu.memory_space<vmem>>, %arg10: memref<1x256xf32, #tpu.memory_space<vmem>>, %arg11: memref<1x256xf32, #tpu.memory_space<vmem>>, %arg12: memref<4096x256xf32, #tpu.memory_space<vmem>>, %arg13: memref<1x2048x400xbf16, #tpu.memory_space<vmem>>, %arg14: memref<1x2048x400xbf16, #tpu.memory_space<vmem>>, %arg15: memref<1x2048x192xbf16, #tpu.memory_space<vmem>>, %arg16: memref<1x2048x192xbf16, #tpu.memory_space<vmem>>, %arg17: memref<1x2048x192xbf16, #tpu.memory_space<vmem>>, %arg18: memref<1x2048x192xbf16, #tpu.memory_space<vmem>>) attributes {dimension_semantics = [#tpu.dimension_semantics<arbitrary>], iteration_bounds = array<i64: 2>, scalar_prefetch = 0 : i64, scratch_operands = 0 : i64, tpu.core_type = #tpu.core_type<tc>, window_params = [{transform_indices = @transform_0, window_bounds = array<i64: 1, 400, 64>}, {pipeline_mode = #tpu.pipeline_mode<synchronous>, transform_indices = @transform_1, window_bounds = array<i64: 1, 64>}, {pipeline_mode = #tpu.pipeline_mode<synchronous>, transform_indices = @transform_2, window_bounds = array<i64: 1, 64>}, {pipeline_mode = #tpu.pipeline_mode<synchronous>, transform_indices = @transform_3, window_bounds = array<i64: 4096, 64>}, {transform_indices = @transform_4, window_bounds = array<i64: 1, 192, 128>}, {pipeline_mode = #tpu.pipeline_mode<synchronous>, transform_indices = @transform_5, window_bounds = array<i64: 1, 128>}, {pipeline_mode = #tpu.pipeline_mode<synchronous>, transform_indices = @transform_6, window_bounds = array<i64: 1, 128>}, {pipeline_mode = #tpu.pipeline_mode<synchronous>, transform_indices = @transform_7, window_bounds = array<i64: 4096, 128>}, {transform_indices = @transform_8, window_bounds = array<i64: 1, 192, 256>}, {pipeline_mode = #tpu.pipeline_mode<synchronous>, transform_indices = @transform_9, window_bounds = array<i64: 1, 256>}, {pipeline_mode = #tpu.pipeline_mode<synchronous>, transform_indices = @transform_10, window_bounds = array<i64: 1, 256>}, {pipeline_mode = #tpu.pipeline_mode<synchronous>, transform_indices = @transform_11, window_bounds = array<i64: 4096, 256>}, {transform_indices = @transform_12, window_bounds = array<i64: 1, 2048, 400>}, {transform_indices = @transform_13, window_bounds = array<i64: 1, 2048, 400>}, {transform_indices = @transform_14, window_bounds = array<i64: 1, 2048, 192>}, {transform_indices = @transform_15, window_bounds = array<i64: 1, 2048, 192>}, {transform_indices = @transform_16, window_bounds = array<i64: 1, 2048, 192>}, {transform_indices = @transform_17, window_bounds = array<i64: 1, 2048, 192>}]} {
    %get3A = arith.constant 0 : index
    %get3A_0 = arith.constant 0 : index
    %get3A_1 = arith.constant 0 : index
    %get3A_2 = vector.load %arg1[%get3A, %get3A_0, %get3A_1] : memref<1x400x64xf32, #tpu.memory_space<vmem>>, vector<1x400x64xf32>
    %get3A_3 = vector.shape_cast %get3A_2 : vector<1x400x64xf32> to vector<400x64xf32>
    %get3A_4 = arith.constant 0 : index
    %get3A_5 = arith.constant 0 : index
    %get3A_6 = vector.load %arg2[%get3A_4, %get3A_5] : memref<1x64xf32, #tpu.memory_space<vmem>>, vector<1x64xf32>
    %get3A_7 = vector.shape_cast %get3A_6 : vector<1x64xf32> to vector<64xf32>
    %get3A_8 = arith.constant 0 : index
    %get3A_9 = arith.constant 0 : index
    %get3A_10 = vector.load %arg3[%get3A_8, %get3A_9] : memref<1x64xf32, #tpu.memory_space<vmem>>, vector<1x64xf32>
    %get3A_11 = vector.shape_cast %get3A_10 : vector<1x64xf32> to vector<64xf32>
    %reduce_sum3A = arith.constant dense<0.000000e+00> : vector<400xf32>
    %reduce_sum3A_12 = vector.multi_reduction <add>, %get3A_3, %reduce_sum3A [1] : vector<400x64xf32> to vector<400xf32>
    %broadcast_in_dim3A = vector.shape_cast %reduce_sum3A_12 : vector<400xf32> to vector<400x1xf32>
    %div3A = arith.constant 6.400000e+01 : f32
    %div3A_13 = vector.broadcast %div3A : f32 to vector<400x1xf32>
    %div3A_14 = arith.divf %broadcast_in_dim3A, %div3A_13 : vector<400x1xf32>
    %sub3A = vector.broadcast %div3A_14 : vector<400x1xf32> to vector<400x64xf32>
    %sub3A_15 = arith.subf %get3A_3, %sub3A : vector<400x64xf32>
    %integer_pow3A = arith.mulf %sub3A_15, %sub3A_15 : vector<400x64xf32>
    %reduce_sum3A_16 = arith.constant dense<0.000000e+00> : vector<400xf32>
    %reduce_sum3A_17 = vector.multi_reduction <add>, %integer_pow3A, %reduce_sum3A_16 [1] : vector<400x64xf32> to vector<400xf32>
    %broadcast_in_dim3A_18 = vector.shape_cast %reduce_sum3A_17 : vector<400xf32> to vector<400x1xf32>
    %div3A_19 = arith.constant 6.400000e+01 : f32
    %div3A_20 = vector.broadcast %div3A_19 : f32 to vector<400x1xf32>
    %div3A_21 = arith.divf %broadcast_in_dim3A_18, %div3A_20 : vector<400x1xf32>
    %sub3A_22 = vector.broadcast %div3A_14 : vector<400x1xf32> to vector<400x64xf32>
    %sub3A_23 = arith.subf %get3A_3, %sub3A_22 : vector<400x64xf32>
    %add3A = arith.constant 9.99999974E-6 : f32
    %add3A_24 = vector.broadcast %add3A : f32 to vector<400x1xf32>
    %add3A_25 = arith.addf %div3A_21, %add3A_24 : vector<400x1xf32>
    %sqrt3A = math.sqrt %add3A_25 : vector<400x1xf32>
    %div3A_26 = vector.broadcast %sqrt3A : vector<400x1xf32> to vector<400x64xf32>
    %div3A_27 = arith.divf %sub3A_23, %div3A_26 : vector<400x64xf32>
    %broadcast_in_dim3A_28 = vector.shape_cast %get3A_7 : vector<64xf32> to vector<1x64xf32>
    %mul3A = vector.broadcast %broadcast_in_dim3A_28 : vector<1x64xf32> to vector<400x64xf32>
    %mul3A_29 = arith.mulf %div3A_27, %mul3A : vector<400x64xf32>
    %broadcast_in_dim3A_30 = vector.shape_cast %get3A_11 : vector<64xf32> to vector<1x64xf32>
    %add3A_31 = vector.broadcast %broadcast_in_dim3A_30 : vector<1x64xf32> to vector<400x64xf32>
    %add3A_32 = arith.addf %mul3A_29, %add3A_31 : vector<400x64xf32>
    %get3A_33 = arith.constant 0 : index
    %get3A_34 = arith.constant 0 : index
    %get3A_35 = vector.load %arg4[%get3A_33, %get3A_34] : memref<4096x64xf32, #tpu.memory_space<vmem>>, vector<4096x64xf32>
    %dot_general3A = arith.constant dense<0.000000e+00> : vector<4096x400xf32>
    %dot_general3A_36 = tpu.matmul %get3A_35, %add3A_32, %dot_general3A {dimension_numbers = #tpu.dot_dimension_numbers<[1], [1], [0], [0], [0, 0, 1, 0], [], []>, transpose_lhs_hint = false} : vector<4096x64xf32>, vector<400x64xf32>, vector<4096x400xf32> -> vector<4096x400xf32>
    %slice3A = vector.extract_strided_slice %dot_general3A_36 {offsets = [0, 0], sizes = [2048, 400], strides = [1, 1]} : vector<4096x400xf32> to vector<2048x400xf32>
    %convert_element_type3A = arith.truncf %slice3A : vector<2048x400xf32> to vector<2048x400xbf16>
    %swap3A = arith.constant 0 : index
    %swap3A_37 = arith.constant 0 : index
    %swap3A_38 = arith.constant 0 : index
    %swap3A_39 = vector.load %arg13[%swap3A, %swap3A_37, %swap3A_38] : memref<1x2048x400xbf16, #tpu.memory_space<vmem>>, vector<1x2048x400xbf16>
    %swap3A_40 = vector.shape_cast %swap3A_39 : vector<1x2048x400xbf16> to vector<2048x400xbf16>
    %swap3A_41 = vector.shape_cast %convert_element_type3A : vector<2048x400xbf16> to vector<1x2048x400xbf16>
    tpu.vector_store %arg13[%swap3A, %swap3A_37, %swap3A_38], %swap3A_41 {strides = array<i32>} : memref<1x2048x400xbf16, #tpu.memory_space<vmem>>, vector<1x2048x400xbf16>,
    %slice3A_42 = vector.extract_strided_slice %dot_general3A_36 {offsets = [2048, 0], sizes = [2048, 400], strides = [1, 1]} : vector<4096x400xf32> to vector<2048x400xf32>
    %convert_element_type3A_43 = arith.truncf %slice3A_42 : vector<2048x400xf32> to vector<2048x400xbf16>
    %swap3A_44 = arith.constant 0 : index
    %swap3A_45 = arith.constant 0 : index
    %swap3A_46 = arith.constant 0 : index
    %swap3A_47 = vector.load %arg14[%swap3A_44, %swap3A_45, %swap3A_46] : memref<1x2048x400xbf16, #tpu.memory_space<vmem>>, vector<1x2048x400xbf16>
    %swap3A_48 = vector.shape_cast %swap3A_47 : vector<1x2048x400xbf16> to vector<2048x400xbf16>
    %swap3A_49 = vector.shape_cast %convert_element_type3A_43 : vector<2048x400xbf16> to vector<1x2048x400xbf16>
    tpu.vector_store %arg14[%swap3A_44, %swap3A_45, %swap3A_46], %swap3A_49 {strides = array<i32>} : memref<1x2048x400xbf16, #tpu.memory_space<vmem>>, vector<1x2048x400xbf16>,
    %get3A_50 = arith.constant 0 : index
    %get3A_51 = arith.constant 0 : index
    %get3A_52 = arith.constant 0 : index
    %get3A_53 = vector.load %arg5[%get3A_50, %get3A_51, %get3A_52] : memref<1x192x128xf32, #tpu.memory_space<vmem>>, vector<1x192x128xf32>
    %get3A_54 = vector.shape_cast %get3A_53 : vector<1x192x128xf32> to vector<192x128xf32>
    %get3A_55 = arith.constant 0 : index
    %get3A_56 = arith.constant 0 : index
    %get3A_57 = vector.load %arg6[%get3A_55, %get3A_56] : memref<1x128xf32, #tpu.memory_space<vmem>>, vector<1x128xf32>
    %get3A_58 = vector.shape_cast %get3A_57 : vector<1x128xf32> to vector<128xf32>
    %get3A_59 = arith.constant 0 : index
    %get3A_60 = arith.constant 0 : index
    %get3A_61 = vector.load %arg7[%get3A_59, %get3A_60] : memref<1x128xf32, #tpu.memory_space<vmem>>, vector<1x128xf32>
    %get3A_62 = vector.shape_cast %get3A_61 : vector<1x128xf32> to vector<128xf32>
    %reduce_sum3A_63 = arith.constant dense<0.000000e+00> : vector<192xf32>
    %reduce_sum3A_64 = vector.multi_reduction <add>, %get3A_54, %reduce_sum3A_63 [1] : vector<192x128xf32> to vector<192xf32>
    %broadcast_in_dim3A_65 = vector.shape_cast %reduce_sum3A_64 : vector<192xf32> to vector<192x1xf32>
    %div3A_66 = arith.constant 1.280000e+02 : f32
    %div3A_67 = vector.broadcast %div3A_66 : f32 to vector<192x1xf32>
    %div3A_68 = arith.divf %broadcast_in_dim3A_65, %div3A_67 : vector<192x1xf32>
    %sub3A_69 = vector.broadcast %div3A_68 : vector<192x1xf32> to vector<192x128xf32>
    %sub3A_70 = arith.subf %get3A_54, %sub3A_69 : vector<192x128xf32>
    %integer_pow3A_71 = arith.mulf %sub3A_70, %sub3A_70 : vector<192x128xf32>
    %reduce_sum3A_72 = arith.constant dense<0.000000e+00> : vector<192xf32>
    %reduce_sum3A_73 = vector.multi_reduction <add>, %integer_pow3A_71, %reduce_sum3A_72 [1] : vector<192x128xf32> to vector<192xf32>
    %broadcast_in_dim3A_74 = vector.shape_cast %reduce_sum3A_73 : vector<192xf32> to vector<192x1xf32>
    %div3A_75 = arith.constant 1.280000e+02 : f32
    %div3A_76 = vector.broadcast %div3A_75 : f32 to vector<192x1xf32>
    %div3A_77 = arith.divf %broadcast_in_dim3A_74, %div3A_76 : vector<192x1xf32>
    %sub3A_78 = vector.broadcast %div3A_68 : vector<192x1xf32> to vector<192x128xf32>
    %sub3A_79 = arith.subf %get3A_54, %sub3A_78 : vector<192x128xf32>
    %add3A_80 = arith.constant 9.99999974E-6 : f32
    %add3A_81 = vector.broadcast %add3A_80 : f32 to vector<192x1xf32>
    %add3A_82 = arith.addf %div3A_77, %add3A_81 : vector<192x1xf32>
    %sqrt3A_83 = math.sqrt %add3A_82 : vector<192x1xf32>
    %div3A_84 = vector.broadcast %sqrt3A_83 : vector<192x1xf32> to vector<192x128xf32>
    %div3A_85 = arith.divf %sub3A_79, %div3A_84 : vector<192x128xf32>
    %broadcast_in_dim3A_86 = vector.shape_cast %get3A_58 : vector<128xf32> to vector<1x128xf32>
    %mul3A_87 = vector.broadcast %broadcast_in_dim3A_86 : vector<1x128xf32> to vector<192x128xf32>
    %mul3A_88 = arith.mulf %div3A_85, %mul3A_87 : vector<192x128xf32>
    %broadcast_in_dim3A_89 = vector.shape_cast %get3A_62 : vector<128xf32> to vector<1x128xf32>
    %add3A_90 = vector.broadcast %broadcast_in_dim3A_89 : vector<1x128xf32> to vector<192x128xf32>
    %add3A_91 = arith.addf %mul3A_88, %add3A_90 : vector<192x128xf32>
    %get3A_92 = arith.constant 0 : index
    %get3A_93 = arith.constant 0 : index
    %get3A_94 = vector.load %arg8[%get3A_92, %get3A_93] : memref<4096x128xf32, #tpu.memory_space<vmem>>, vector<4096x128xf32>
    %dot_general3A_95 = arith.constant dense<0.000000e+00> : vector<4096x192xf32>
    %dot_general3A_96 = tpu.matmul %get3A_94, %add3A_91, %dot_general3A_95 {dimension_numbers = #tpu.dot_dimension_numbers<[1], [1], [0], [0], [0, 0, 1, 0], [], []>, transpose_lhs_hint = false} : vector<4096x128xf32>, vector<192x128xf32>, vector<4096x192xf32> -> vector<4096x192xf32>
    %slice3A_97 = vector.extract_strided_slice %dot_general3A_96 {offsets = [0, 0], sizes = [2048, 192], strides = [1, 1]} : vector<4096x192xf32> to vector<2048x192xf32>
    %convert_element_type3A_98 = arith.truncf %slice3A_97 : vector<2048x192xf32> to vector<2048x192xbf16>
    %swap3A_99 = arith.constant 0 : index
    %swap3A_100 = arith.constant 0 : index
    %swap3A_101 = arith.constant 0 : index
    %swap3A_102 = vector.load %arg15[%swap3A_99, %swap3A_100, %swap3A_101] : memref<1x2048x192xbf16, #tpu.memory_space<vmem>>, vector<1x2048x192xbf16>
    %swap3A_103 = vector.shape_cast %swap3A_102 : vector<1x2048x192xbf16> to vector<2048x192xbf16>
    %swap3A_104 = vector.shape_cast %convert_element_type3A_98 : vector<2048x192xbf16> to vector<1x2048x192xbf16>
    tpu.vector_store %arg15[%swap3A_99, %swap3A_100, %swap3A_101], %swap3A_104 {strides = array<i32>} : memref<1x2048x192xbf16, #tpu.memory_space<vmem>>, vector<1x2048x192xbf16>,
    %slice3A_105 = vector.extract_strided_slice %dot_general3A_96 {offsets = [2048, 0], sizes = [2048, 192], strides = [1, 1]} : vector<4096x192xf32> to vector<2048x192xf32>
    %convert_element_type3A_106 = arith.truncf %slice3A_105 : vector<2048x192xf32> to vector<2048x192xbf16>
    %swap3A_107 = arith.constant 0 : index
    %swap3A_108 = arith.constant 0 : index
    %swap3A_109 = arith.constant 0 : index
    %swap3A_110 = vector.load %arg16[%swap3A_107, %swap3A_108, %swap3A_109] : memref<1x2048x192xbf16, #tpu.memory_space<vmem>>, vector<1x2048x192xbf16>
    %swap3A_111 = vector.shape_cast %swap3A_110 : vector<1x2048x192xbf16> to vector<2048x192xbf16>
    %swap3A_112 = vector.shape_cast %convert_element_type3A_106 : vector<2048x192xbf16> to vector<1x2048x192xbf16>
    tpu.vector_store %arg16[%swap3A_107, %swap3A_108, %swap3A_109], %swap3A_112 {strides = array<i32>} : memref<1x2048x192xbf16, #tpu.memory_space<vmem>>, vector<1x2048x192xbf16>,
    %get3A_113 = arith.constant 0 : index
    %get3A_114 = arith.constant 0 : index
    %get3A_115 = arith.constant 0 : index
    %get3A_116 = vector.load %arg9[%get3A_113, %get3A_114, %get3A_115] : memref<1x192x256xf32, #tpu.memory_space<vmem>>, vector<1x192x256xf32>
    %get3A_117 = vector.shape_cast %get3A_116 : vector<1x192x256xf32> to vector<192x256xf32>
    %get3A_118 = arith.constant 0 : index
    %get3A_119 = arith.constant 0 : index
    %get3A_120 = vector.load %arg10[%get3A_118, %get3A_119] : memref<1x256xf32, #tpu.memory_space<vmem>>, vector<1x256xf32>
    %get3A_121 = vector.shape_cast %get3A_120 : vector<1x256xf32> to vector<256xf32>
    %get3A_122 = arith.constant 0 : index
    %get3A_123 = arith.constant 0 : index
    %get3A_124 = vector.load %arg11[%get3A_122, %get3A_123] : memref<1x256xf32, #tpu.memory_space<vmem>>, vector<1x256xf32>
    %get3A_125 = vector.shape_cast %get3A_124 : vector<1x256xf32> to vector<256xf32>
    %reduce_sum3A_126 = arith.constant dense<0.000000e+00> : vector<192xf32>
    %reduce_sum3A_127 = vector.multi_reduction <add>, %get3A_117, %reduce_sum3A_126 [1] : vector<192x256xf32> to vector<192xf32>
    %broadcast_in_dim3A_128 = vector.shape_cast %reduce_sum3A_127 : vector<192xf32> to vector<192x1xf32>
    %div3A_129 = arith.constant 2.560000e+02 : f32
    %div3A_130 = vector.broadcast %div3A_129 : f32 to vector<192x1xf32>
    %div3A_131 = arith.divf %broadcast_in_dim3A_128, %div3A_130 : vector<192x1xf32>
    %sub3A_132 = vector.broadcast %div3A_131 : vector<192x1xf32> to vector<192x256xf32>
    %sub3A_133 = arith.subf %get3A_117, %sub3A_132 : vector<192x256xf32>
    %integer_pow3A_134 = arith.mulf %sub3A_133, %sub3A_133 : vector<192x256xf32>
    %reduce_sum3A_135 = arith.constant dense<0.000000e+00> : vector<192xf32>
    %reduce_sum3A_136 = vector.multi_reduction <add>, %integer_pow3A_134, %reduce_sum3A_135 [1] : vector<192x256xf32> to vector<192xf32>
    %broadcast_in_dim3A_137 = vector.shape_cast %reduce_sum3A_136 : vector<192xf32> to vector<192x1xf32>
    %div3A_138 = arith.constant 2.560000e+02 : f32
    %div3A_139 = vector.broadcast %div3A_138 : f32 to vector<192x1xf32>
    %div3A_140 = arith.divf %broadcast_in_dim3A_137, %div3A_139 : vector<192x1xf32>
    %sub3A_141 = vector.broadcast %div3A_131 : vector<192x1xf32> to vector<192x256xf32>
    %sub3A_142 = arith.subf %get3A_117, %sub3A_141 : vector<192x256xf32>
    %add3A_143 = arith.constant 9.99999974E-6 : f32
    %add3A_144 = vector.broadcast %add3A_143 : f32 to vector<192x1xf32>
    %add3A_145 = arith.addf %div3A_140, %add3A_144 : vector<192x1xf32>
    %sqrt3A_146 = math.sqrt %add3A_145 : vector<192x1xf32>
    %div3A_147 = vector.broadcast %sqrt3A_146 : vector<192x1xf32> to vector<192x256xf32>
    %div3A_148 = arith.divf %sub3A_142, %div3A_147 : vector<192x256xf32>
    %broadcast_in_dim3A_149 = vector.shape_cast %get3A_121 : vector<256xf32> to vector<1x256xf32>
    %mul3A_150 = vector.broadcast %broadcast_in_dim3A_149 : vector<1x256xf32> to vector<192x256xf32>
    %mul3A_151 = arith.mulf %div3A_148, %mul3A_150 : vector<192x256xf32>
    %broadcast_in_dim3A_152 = vector.shape_cast %get3A_125 : vector<256xf32> to vector<1x256xf32>
    %add3A_153 = vector.broadcast %broadcast_in_dim3A_152 : vector<1x256xf32> to vector<192x256xf32>
    %add3A_154 = arith.addf %mul3A_151, %add3A_153 : vector<192x256xf32>
    %get3A_155 = arith.constant 0 : index
    %get3A_156 = arith.constant 0 : index
    %get3A_157 = vector.load %arg12[%get3A_155, %get3A_156] : memref<4096x256xf32, #tpu.memory_space<vmem>>, vector<4096x256xf32>
    %dot_general3A_158 = arith.constant dense<0.000000e+00> : vector<4096x192xf32>
    %dot_general3A_159 = tpu.matmul %get3A_157, %add3A_154, %dot_general3A_158 {dimension_numbers = #tpu.dot_dimension_numbers<[1], [1], [0], [0], [0, 0, 1, 0], [], []>, transpose_lhs_hint = false} : vector<4096x256xf32>, vector<192x256xf32>, vector<4096x192xf32> -> vector<4096x192xf32>
    %slice3A_160 = vector.extract_strided_slice %dot_general3A_159 {offsets = [0, 0], sizes = [2048, 192], strides = [1, 1]} : vector<4096x192xf32> to vector<2048x192xf32>
    %convert_element_type3A_161 = arith.truncf %slice3A_160 : vector<2048x192xf32> to vector<2048x192xbf16>
    %swap3A_162 = arith.constant 0 : index
    %swap3A_163 = arith.constant 0 : index
    %swap3A_164 = arith.constant 0 : index
    %swap3A_165 = vector.load %arg17[%swap3A_162, %swap3A_163, %swap3A_164] : memref<1x2048x192xbf16, #tpu.memory_space<vmem>>, vector<1x2048x192xbf16>
    %swap3A_166 = vector.shape_cast %swap3A_165 : vector<1x2048x192xbf16> to vector<2048x192xbf16>
    %swap3A_167 = vector.shape_cast %convert_element_type3A_161 : vector<2048x192xbf16> to vector<1x2048x192xbf16>
    tpu.vector_store %arg17[%swap3A_162, %swap3A_163, %swap3A_164], %swap3A_167 {strides = array<i32>} : memref<1x2048x192xbf16, #tpu.memory_space<vmem>>, vector<1x2048x192xbf16>,
    %slice3A_168 = vector.extract_strided_slice %dot_general3A_159 {offsets = [2048, 0], sizes = [2048, 192], strides = [1, 1]} : vector<4096x192xf32> to vector<2048x192xf32>
    %convert_element_type3A_169 = arith.truncf %slice3A_168 : vector<2048x192xf32> to vector<2048x192xbf16>
    %swap3A_170 = arith.constant 0 : index
    %swap3A_171 = arith.constant 0 : index
    %swap3A_172 = arith.constant 0 : index
    %swap3A_173 = vector.load %arg18[%swap3A_170, %swap3A_171, %swap3A_172] : memref<1x2048x192xbf16, #tpu.memory_space<vmem>>, vector<1x2048x192xbf16>
    %swap3A_174 = vector.shape_cast %swap3A_173 : vector<1x2048x192xbf16> to vector<2048x192xbf16>
    %swap3A_175 = vector.shape_cast %convert_element_type3A_169 : vector<2048x192xbf16> to vector<1x2048x192xbf16>
    tpu.vector_store %arg18[%swap3A_170, %swap3A_171, %swap3A_172], %swap3A_175 {strides = array<i32>} : memref<1x2048x192xbf16, #tpu.memory_space<vmem>>, vector<1x2048x192xbf16>,
    return
  }
  func.func @transform_0(%arg0: i32) -> (i32, i32, i32) {
    %c0_i32 = arith.constant 0 : i32
    %c0_i32_0 = arith.constant 0 : i32
    %c0_i32_1 = arith.constant 0 : i32
    return %arg0, %c0_i32, %c0_i32_0 : i32, i32, i32
  }
  func.func @transform_1(%arg0: i32) -> (i32, i32) {
    %c0_i32 = arith.constant 0 : i32
    %c0_i32_0 = arith.constant 0 : i32
    %c0_i32_1 = arith.constant 0 : i32
    return %c0_i32, %c0_i32_0 : i32, i32
  }
  func.func @transform_2(%arg0: i32) -> (i32, i32) {
    %c0_i32 = arith.constant 0 : i32
    %c0_i32_0 = arith.constant 0 : i32
    %c0_i32_1 = arith.constant 0 : i32
    return %c0_i32, %c0_i32_0 : i32, i32
  }
  func.func @transform_3(%arg0: i32) -> (i32, i32) {
    %c0_i32 = arith.constant 0 : i32
    %c0_i32_0 = arith.constant 0 : i32
    %c0_i32_1 = arith.constant 0 : i32
    return %c0_i32, %c0_i32_0 : i32, i32
  }
  func.func @transform_4(%arg0: i32) -> (i32, i32, i32) {
    %c0_i32 = arith.constant 0 : i32
    %c0_i32_0 = arith.constant 0 : i32
    %c0_i32_1 = arith.constant 0 : i32
    return %arg0, %c0_i32, %c0_i32_0 : i32, i32, i32
  }
  func.func @transform_5(%arg0: i32) -> (i32, i32) {
    %c0_i32 = arith.constant 0 : i32
    %c0_i32_0 = arith.constant 0 : i32
    %c0_i32_1 = arith.constant 0 : i32
    return %c0_i32, %c0_i32_0 : i32, i32
  }
  func.func @transform_6(%arg0: i32) -> (i32, i32) {
    %c0_i32 = arith.constant 0 : i32
    %c0_i32_0 = arith.constant 0 : i32
    %c0_i32_1 = arith.constant 0 : i32
    return %c0_i32, %c0_i32_0 : i32, i32
  }
  func.func @transform_7(%arg0: i32) -> (i32, i32) {
    %c0_i32 = arith.constant 0 : i32
    %c0_i32_0 = arith.constant 0 : i32
    %c0_i32_1 = arith.constant 0 : i32
    return %c0_i32, %c0_i32_0 : i32, i32
  }
  func.func @transform_8(%arg0: i32) -> (i32, i32, i32) {
    %c0_i32 = arith.constant 0 : i32
    %c0_i32_0 = arith.constant 0 : i32
    %c0_i32_1 = arith.constant 0 : i32
    return %arg0, %c0_i32, %c0_i32_0 : i32, i32, i32
  }
  func.func @transform_9(%arg0: i32) -> (i32, i32) {
    %c0_i32 = arith.constant 0 : i32
    %c0_i32_0 = arith.constant 0 : i32
    %c0_i32_1 = arith.constant 0 : i32
    return %c0_i32, %c0_i32_0 : i32, i32
  }
  func.func @transform_10(%arg0: i32) -> (i32, i32) {
    %c0_i32 = arith.constant 0 : i32
    %c0_i32_0 = arith.constant 0 : i32
    %c0_i32_1 = arith.constant 0 : i32
    return %c0_i32, %c0_i32_0 : i32, i32
  }
  func.func @transform_11(%arg0: i32) -> (i32, i32) {
    %c0_i32 = arith.constant 0 : i32
    %c0_i32_0 = arith.constant 0 : i32
    %c0_i32_1 = arith.constant 0 : i32
    return %c0_i32, %c0_i32_0 : i32, i32
  }
  func.func @transform_12(%arg0: i32) -> (i32, i32, i32) {
    %c0_i32 = arith.constant 0 : i32
    %c0_i32_0 = arith.constant 0 : i32
    %c0_i32_1 = arith.constant 0 : i32
    return %arg0, %c0_i32, %c0_i32_0 : i32, i32, i32
  }
  func.func @transform_13(%arg0: i32) -> (i32, i32, i32) {
    %c0_i32 = arith.constant 0 : i32
    %c0_i32_0 = arith.constant 0 : i32
    %c0_i32_1 = arith.constant 0 : i32
    return %arg0, %c0_i32, %c0_i32_0 : i32, i32, i32
  }
  func.func @transform_14(%arg0: i32) -> (i32, i32, i32) {
    %c0_i32 = arith.constant 0 : i32
    %c0_i32_0 = arith.constant 0 : i32
    %c0_i32_1 = arith.constant 0 : i32
    return %arg0, %c0_i32, %c0_i32_0 : i32, i32, i32
  }
  func.func @transform_15(%arg0: i32) -> (i32, i32, i32) {
    %c0_i32 = arith.constant 0 : i32
    %c0_i32_0 = arith.constant 0 : i32
    %c0_i32_1 = arith.constant 0 : i32
    return %arg0, %c0_i32, %c0_i32_0 : i32, i32, i32
  }
  func.func @transform_16(%arg0: i32) -> (i32, i32, i32) {
    %c0_i32 = arith.constant 0 : i32
    %c0_i32_0 = arith.constant 0 : i32
    %c0_i32_1 = arith.constant 0 : i32
    return %arg0, %c0_i32, %c0_i32_0 : i32, i32, i32
  }
  func.func @transform_17(%arg0: i32) -> (i32, i32, i32) {
    %c0_i32 = arith.constant 0 : i32
    %c0_i32_0 = arith.constant 0 : i32
    %c0_i32_1 = arith.constant 0 : i32
    return %arg0, %c0_i32, %c0_i32_0 : i32, i32, i32
  }
}

module attributes {stable_mosaic.version = 14 : i64} {
  func.func @_attn_body(%arg0: i32, %arg1: i32, %arg2: memref<1x144x512xf32, #tpu.memory_space<vmem>>, %arg3: memref<1x2048x400xbf16, #tpu.memory_space<vmem>>, %arg4: memref<1x2048x400xbf16, #tpu.memory_space<vmem>>, %arg5: memref<1x2048x192xbf16, #tpu.memory_space<vmem>>, %arg6: memref<1x2048x192xbf16, #tpu.memory_space<vmem>>, %arg7: memref<1x2048x192xbf16, #tpu.memory_space<vmem>>, %arg8: memref<1x2048x192xbf16, #tpu.memory_space<vmem>>, %arg9: memref<1x512xf32, #tpu.memory_space<vmem>>, %arg10: memref<1x512xf32, #tpu.memory_space<vmem>>, %arg11: memref<2048x512xf32, #tpu.memory_space<vmem>>, %arg12: memref<6144x512xf32, #tpu.memory_space<vmem>>, %arg13: memref<1x144x512xf32, #tpu.memory_space<vmem>>) attributes {dimension_semantics = [#tpu.dimension_semantics<arbitrary>, #tpu.dimension_semantics<arbitrary>], iteration_bounds = array<i64: 2, 1>, scalar_prefetch = 0 : i64, scratch_operands = 0 : i64, tpu.core_type = #tpu.core_type<tc>, window_params = [{transform_indices = @transform_0, window_bounds = array<i64: 1, 144, 512>}, {transform_indices = @transform_1, window_bounds = array<i64: 1, 2048, 400>}, {transform_indices = @transform_2, window_bounds = array<i64: 1, 2048, 400>}, {transform_indices = @transform_3, window_bounds = array<i64: 1, 2048, 192>}, {transform_indices = @transform_4, window_bounds = array<i64: 1, 2048, 192>}, {transform_indices = @transform_5, window_bounds = array<i64: 1, 2048, 192>}, {transform_indices = @transform_6, window_bounds = array<i64: 1, 2048, 192>}, {pipeline_mode = #tpu.pipeline_mode<synchronous>, transform_indices = @transform_7, window_bounds = array<i64: 1, 512>}, {pipeline_mode = #tpu.pipeline_mode<synchronous>, transform_indices = @transform_8, window_bounds = array<i64: 1, 512>}, {pipeline_mode = #tpu.pipeline_mode<synchronous>, transform_indices = @transform_9, window_bounds = array<i64: 2048, 512>}, {pipeline_mode = #tpu.pipeline_mode<synchronous>, transform_indices = @transform_10, window_bounds = array<i64: 6144, 512>}, {transform_indices = @transform_11, window_bounds = array<i64: 1, 144, 512>}]} {
    %get3A = arith.constant 0 : index
    %get3A_0 = arith.constant 0 : index
    %get3A_1 = arith.constant 0 : index
    %get3A_2 = vector.load %arg2[%get3A, %get3A_0, %get3A_1] : memref<1x144x512xf32, #tpu.memory_space<vmem>>, vector<1x144x512xf32>
    %get3A_3 = vector.shape_cast %get3A_2 : vector<1x144x512xf32> to vector<144x512xf32>
    %get3A_4 = arith.constant 0 : index
    %get3A_5 = arith.constant 0 : index
    %get3A_6 = vector.load %arg9[%get3A_4, %get3A_5] : memref<1x512xf32, #tpu.memory_space<vmem>>, vector<1x512xf32>
    %get3A_7 = vector.shape_cast %get3A_6 : vector<1x512xf32> to vector<512xf32>
    %get3A_8 = arith.constant 0 : index
    %get3A_9 = arith.constant 0 : index
    %get3A_10 = vector.load %arg10[%get3A_8, %get3A_9] : memref<1x512xf32, #tpu.memory_space<vmem>>, vector<1x512xf32>
    %get3A_11 = vector.shape_cast %get3A_10 : vector<1x512xf32> to vector<512xf32>
    %reduce_sum3A = arith.constant dense<0.000000e+00> : vector<144xf32>
    %reduce_sum3A_12 = vector.multi_reduction <add>, %get3A_3, %reduce_sum3A [1] : vector<144x512xf32> to vector<144xf32>
    %broadcast_in_dim3A = vector.shape_cast %reduce_sum3A_12 : vector<144xf32> to vector<144x1xf32>
    %div3A = arith.constant 5.120000e+02 : f32
    %div3A_13 = vector.broadcast %div3A : f32 to vector<144x1xf32>
    %div3A_14 = arith.divf %broadcast_in_dim3A, %div3A_13 : vector<144x1xf32>
    %sub3A = vector.broadcast %div3A_14 : vector<144x1xf32> to vector<144x512xf32>
    %sub3A_15 = arith.subf %get3A_3, %sub3A : vector<144x512xf32>
    %integer_pow3A = arith.mulf %sub3A_15, %sub3A_15 : vector<144x512xf32>
    %reduce_sum3A_16 = arith.constant dense<0.000000e+00> : vector<144xf32>
    %reduce_sum3A_17 = vector.multi_reduction <add>, %integer_pow3A, %reduce_sum3A_16 [1] : vector<144x512xf32> to vector<144xf32>
    %broadcast_in_dim3A_18 = vector.shape_cast %reduce_sum3A_17 : vector<144xf32> to vector<144x1xf32>
    %div3A_19 = arith.constant 5.120000e+02 : f32
    %div3A_20 = vector.broadcast %div3A_19 : f32 to vector<144x1xf32>
    %div3A_21 = arith.divf %broadcast_in_dim3A_18, %div3A_20 : vector<144x1xf32>
    %sub3A_22 = vector.broadcast %div3A_14 : vector<144x1xf32> to vector<144x512xf32>
    %sub3A_23 = arith.subf %get3A_3, %sub3A_22 : vector<144x512xf32>
    %add3A = arith.constant 9.99999974E-6 : f32
    %add3A_24 = vector.broadcast %add3A : f32 to vector<144x1xf32>
    %add3A_25 = arith.addf %div3A_21, %add3A_24 : vector<144x1xf32>
    %sqrt3A = math.sqrt %add3A_25 : vector<144x1xf32>
    %div3A_26 = vector.broadcast %sqrt3A : vector<144x1xf32> to vector<144x512xf32>
    %div3A_27 = arith.divf %sub3A_23, %div3A_26 : vector<144x512xf32>
    %broadcast_in_dim3A_28 = vector.shape_cast %get3A_7 : vector<512xf32> to vector<1x512xf32>
    %mul3A = vector.broadcast %broadcast_in_dim3A_28 : vector<1x512xf32> to vector<144x512xf32>
    %mul3A_29 = arith.mulf %div3A_27, %mul3A : vector<144x512xf32>
    %broadcast_in_dim3A_30 = vector.shape_cast %get3A_11 : vector<512xf32> to vector<1x512xf32>
    %add3A_31 = vector.broadcast %broadcast_in_dim3A_30 : vector<1x512xf32> to vector<144x512xf32>
    %add3A_32 = arith.addf %mul3A_29, %add3A_31 : vector<144x512xf32>
    %broadcast_in_dim3A_33 = arith.constant 0.000000e+00 : f32
    %broadcast_in_dim3A_34 = vector.broadcast %broadcast_in_dim3A_33 : f32 to vector<144x512xf32>
    %get3A_35 = arith.constant 0 : index
    %get3A_36 = arith.constant 0 : index
    %get3A_37 = vector.load %arg11[%get3A_35, %get3A_36] : memref<2048x512xf32, #tpu.memory_space<vmem>>, vector<512x512xf32>
    %dot_general3A = arith.constant dense<0.000000e+00> : vector<144x512xf32>
    %dot_general3A_38 = tpu.matmul %add3A_32, %get3A_37, %dot_general3A {dimension_numbers = #tpu.dot_dimension_numbers<[1], [1], [0], [0], [0, 0, 1, 0], [], []>, transpose_lhs_hint = false} : vector<144x512xf32>, vector<512x512xf32>, vector<144x512xf32> -> vector<144x512xf32>
    %get3A_39 = arith.constant 0 : index
    %get3A_40 = arith.constant 0 : index
    %get3A_41 = arith.constant 0 : index
    %get3A_42 = vector.load %arg3[%get3A_39, %get3A_40, %get3A_41] : memref<1x2048x400xbf16, #tpu.memory_space<vmem>>, vector<1x2048x400xbf16>
    %get3A_43 = vector.shape_cast %get3A_42 : vector<1x2048x400xbf16> to vector<2048x400xbf16>
    %slice3A = vector.extract_strided_slice %get3A_43 {offsets = [0, 0], sizes = [512, 400], strides = [1, 1]} : vector<2048x400xbf16> to vector<512x400xbf16>
    %convert_element_type3A = arith.truncf %dot_general3A_38 : vector<144x512xf32> to vector<144x512xbf16>
    %dot_general3A_44 = arith.constant dense<0.000000e+00> : vector<144x400xf32>
    %dot_general3A_45 = tpu.matmul %convert_element_type3A, %slice3A, %dot_general3A_44 {dimension_numbers = #tpu.dot_dimension_numbers<[1], [0], [0], [1], [0, 0, 1, 1], [], []>, transpose_lhs_hint = false} : vector<144x512xbf16>, vector<512x400xbf16>, vector<144x400xf32> -> vector<144x400xf32>
    %mul3A_46 = arith.constant 0.0441941731 : f32
    %mul3A_47 = vector.broadcast %mul3A_46 : f32 to vector<144x400xf32>
    %mul3A_48 = arith.mulf %dot_general3A_45, %mul3A_47 : vector<144x400xf32>
    %reduce_max3A = arith.constant dense<0xFF800000> : vector<144xf32>
    %reduce_max3A_49 = vector.multi_reduction <maximumf>, %mul3A_48, %reduce_max3A [1] : vector<144x400xf32> to vector<144xf32>
    %broadcast_in_dim3A_50 = vector.shape_cast %reduce_max3A_49 : vector<144xf32> to vector<144x1xf32>
    %sub3A_51 = vector.broadcast %broadcast_in_dim3A_50 : vector<144x1xf32> to vector<144x400xf32>
    %sub3A_52 = arith.subf %mul3A_48, %sub3A_51 : vector<144x400xf32>
    %exp3A = math.exp %sub3A_52 : vector<144x400xf32>
    %reduce_sum3A_53 = arith.constant dense<0.000000e+00> : vector<144xf32>
    %reduce_sum3A_54 = vector.multi_reduction <add>, %exp3A, %reduce_sum3A_53 [1] : vector<144x400xf32> to vector<144xf32>
    %broadcast_in_dim3A_55 = vector.shape_cast %reduce_sum3A_54 : vector<144xf32> to vector<144x1xf32>
    %div3A_56 = vector.broadcast %broadcast_in_dim3A_55 : vector<144x1xf32> to vector<144x400xf32>
    %div3A_57 = arith.divf %exp3A, %div3A_56 : vector<144x400xf32>
    %get3A_58 = arith.constant 0 : index
    %get3A_59 = arith.constant 0 : index
    %get3A_60 = arith.constant 0 : index
    %get3A_61 = vector.load %arg4[%get3A_58, %get3A_59, %get3A_60] : memref<1x2048x400xbf16, #tpu.memory_space<vmem>>, vector<1x2048x400xbf16>
    %get3A_62 = vector.shape_cast %get3A_61 : vector<1x2048x400xbf16> to vector<2048x400xbf16>
    %slice3A_63 = vector.extract_strided_slice %get3A_62 {offsets = [0, 0], sizes = [512, 400], strides = [1, 1]} : vector<2048x400xbf16> to vector<512x400xbf16>
    %convert_element_type3A_64 = arith.truncf %div3A_57 : vector<144x400xf32> to vector<144x400xbf16>
    %dot_general3A_65 = arith.constant dense<0.000000e+00> : vector<144x512xf32>
    %dot_general3A_66 = tpu.matmul %convert_element_type3A_64, %slice3A_63, %dot_general3A_65 {dimension_numbers = #tpu.dot_dimension_numbers<[1], [1], [0], [0], [0, 0, 1, 0], [], []>, transpose_lhs_hint = false} : vector<144x400xbf16>, vector<512x400xbf16>, vector<144x512xf32> -> vector<144x512xf32>
    %get3A_67 = arith.constant 0 : index
    %get3A_68 = arith.constant 0 : index
    %get3A_69 = vector.load %arg12[%get3A_67, %get3A_68] : memref<6144x512xf32, #tpu.memory_space<vmem>>, vector<512x512xf32>
    %dot_general3A_70 = arith.constant dense<0.000000e+00> : vector<144x512xf32>
    %dot_general3A_71 = tpu.matmul %dot_general3A_66, %get3A_69, %dot_general3A_70 {dimension_numbers = #tpu.dot_dimension_numbers<[1], [0], [0], [1], [0, 0, 1, 1], [], []>, transpose_lhs_hint = false} : vector<144x512xf32>, vector<512x512xf32>, vector<144x512xf32> -> vector<144x512xf32>
    %add3A_72 = arith.addf %broadcast_in_dim3A_34, %dot_general3A_71 : vector<144x512xf32>
    %get3A_73 = arith.constant 0 : index
    %get3A_74 = arith.constant 0 : index
    %get3A_75 = arith.constant 0 : index
    %get3A_76 = vector.load %arg5[%get3A_73, %get3A_74, %get3A_75] : memref<1x2048x192xbf16, #tpu.memory_space<vmem>>, vector<1x2048x192xbf16>
    %get3A_77 = vector.shape_cast %get3A_76 : vector<1x2048x192xbf16> to vector<2048x192xbf16>
    %slice3A_78 = vector.extract_strided_slice %get3A_77 {offsets = [0, 0], sizes = [512, 192], strides = [1, 1]} : vector<2048x192xbf16> to vector<512x192xbf16>
    %convert_element_type3A_79 = arith.truncf %dot_general3A_38 : vector<144x512xf32> to vector<144x512xbf16>
    %dot_general3A_80 = arith.constant dense<0.000000e+00> : vector<144x192xf32>
    %dot_general3A_81 = tpu.matmul %convert_element_type3A_79, %slice3A_78, %dot_general3A_80 {dimension_numbers = #tpu.dot_dimension_numbers<[1], [0], [0], [1], [0, 0, 1, 1], [], []>, transpose_lhs_hint = false} : vector<144x512xbf16>, vector<512x192xbf16>, vector<144x192xf32> -> vector<144x192xf32>
    %mul3A_82 = arith.constant 0.0441941731 : f32
    %mul3A_83 = vector.broadcast %mul3A_82 : f32 to vector<144x192xf32>
    %mul3A_84 = arith.mulf %dot_general3A_81, %mul3A_83 : vector<144x192xf32>
    %reduce_max3A_85 = arith.constant dense<0xFF800000> : vector<144xf32>
    %reduce_max3A_86 = vector.multi_reduction <maximumf>, %mul3A_84, %reduce_max3A_85 [1] : vector<144x192xf32> to vector<144xf32>
    %broadcast_in_dim3A_87 = vector.shape_cast %reduce_max3A_86 : vector<144xf32> to vector<144x1xf32>
    %sub3A_88 = vector.broadcast %broadcast_in_dim3A_87 : vector<144x1xf32> to vector<144x192xf32>
    %sub3A_89 = arith.subf %mul3A_84, %sub3A_88 : vector<144x192xf32>
    %exp3A_90 = math.exp %sub3A_89 : vector<144x192xf32>
    %reduce_sum3A_91 = arith.constant dense<0.000000e+00> : vector<144xf32>
    %reduce_sum3A_92 = vector.multi_reduction <add>, %exp3A_90, %reduce_sum3A_91 [1] : vector<144x192xf32> to vector<144xf32>
    %broadcast_in_dim3A_93 = vector.shape_cast %reduce_sum3A_92 : vector<144xf32> to vector<144x1xf32>
    %div3A_94 = vector.broadcast %broadcast_in_dim3A_93 : vector<144x1xf32> to vector<144x192xf32>
    %div3A_95 = arith.divf %exp3A_90, %div3A_94 : vector<144x192xf32>
    %get3A_96 = arith.constant 0 : index
    %get3A_97 = arith.constant 0 : index
    %get3A_98 = arith.constant 0 : index
    %get3A_99 = vector.load %arg6[%get3A_96, %get3A_97, %get3A_98] : memref<1x2048x192xbf16, #tpu.memory_space<vmem>>, vector<1x2048x192xbf16>
    %get3A_100 = vector.shape_cast %get3A_99 : vector<1x2048x192xbf16> to vector<2048x192xbf16>
    %slice3A_101 = vector.extract_strided_slice %get3A_100 {offsets = [0, 0], sizes = [512, 192], strides = [1, 1]} : vector<2048x192xbf16> to vector<512x192xbf16>
    %convert_element_type3A_102 = arith.truncf %div3A_95 : vector<144x192xf32> to vector<144x192xbf16>
    %dot_general3A_103 = arith.constant dense<0.000000e+00> : vector<144x512xf32>
    %dot_general3A_104 = tpu.matmul %convert_element_type3A_102, %slice3A_101, %dot_general3A_103 {dimension_numbers = #tpu.dot_dimension_numbers<[1], [1], [0], [0], [0, 0, 1, 0], [], []>, transpose_lhs_hint = false} : vector<144x192xbf16>, vector<512x192xbf16>, vector<144x512xf32> -> vector<144x512xf32>
    %get3A_105 = arith.constant 512 : index
    %get3A_106 = arith.constant 0 : index
    %get3A_107 = vector.load %arg12[%get3A_105, %get3A_106] : memref<6144x512xf32, #tpu.memory_space<vmem>>, vector<512x512xf32>
    %dot_general3A_108 = arith.constant dense<0.000000e+00> : vector<144x512xf32>
    %dot_general3A_109 = tpu.matmul %dot_general3A_104, %get3A_107, %dot_general3A_108 {dimension_numbers = #tpu.dot_dimension_numbers<[1], [0], [0], [1], [0, 0, 1, 1], [], []>, transpose_lhs_hint = false} : vector<144x512xf32>, vector<512x512xf32>, vector<144x512xf32> -> vector<144x512xf32>
    %add3A_110 = arith.addf %add3A_72, %dot_general3A_109 : vector<144x512xf32>
    %get3A_111 = arith.constant 0 : index
    %get3A_112 = arith.constant 0 : index
    %get3A_113 = arith.constant 0 : index
    %get3A_114 = vector.load %arg7[%get3A_111, %get3A_112, %get3A_113] : memref<1x2048x192xbf16, #tpu.memory_space<vmem>>, vector<1x2048x192xbf16>
    %get3A_115 = vector.shape_cast %get3A_114 : vector<1x2048x192xbf16> to vector<2048x192xbf16>
    %slice3A_116 = vector.extract_strided_slice %get3A_115 {offsets = [0, 0], sizes = [512, 192], strides = [1, 1]} : vector<2048x192xbf16> to vector<512x192xbf16>
    %convert_element_type3A_117 = arith.truncf %dot_general3A_38 : vector<144x512xf32> to vector<144x512xbf16>
    %dot_general3A_118 = arith.constant dense<0.000000e+00> : vector<144x192xf32>
    %dot_general3A_119 = tpu.matmul %convert_element_type3A_117, %slice3A_116, %dot_general3A_118 {dimension_numbers = #tpu.dot_dimension_numbers<[1], [0], [0], [1], [0, 0, 1, 1], [], []>, transpose_lhs_hint = false} : vector<144x512xbf16>, vector<512x192xbf16>, vector<144x192xf32> -> vector<144x192xf32>
    %mul3A_120 = arith.constant 0.0441941731 : f32
    %mul3A_121 = vector.broadcast %mul3A_120 : f32 to vector<144x192xf32>
    %mul3A_122 = arith.mulf %dot_general3A_119, %mul3A_121 : vector<144x192xf32>
    %reduce_max3A_123 = arith.constant dense<0xFF800000> : vector<144xf32>
    %reduce_max3A_124 = vector.multi_reduction <maximumf>, %mul3A_122, %reduce_max3A_123 [1] : vector<144x192xf32> to vector<144xf32>
    %broadcast_in_dim3A_125 = vector.shape_cast %reduce_max3A_124 : vector<144xf32> to vector<144x1xf32>
    %sub3A_126 = vector.broadcast %broadcast_in_dim3A_125 : vector<144x1xf32> to vector<144x192xf32>
    %sub3A_127 = arith.subf %mul3A_122, %sub3A_126 : vector<144x192xf32>
    %exp3A_128 = math.exp %sub3A_127 : vector<144x192xf32>
    %reduce_sum3A_129 = arith.constant dense<0.000000e+00> : vector<144xf32>
    %reduce_sum3A_130 = vector.multi_reduction <add>, %exp3A_128, %reduce_sum3A_129 [1] : vector<144x192xf32> to vector<144xf32>
    %broadcast_in_dim3A_131 = vector.shape_cast %reduce_sum3A_130 : vector<144xf32> to vector<144x1xf32>
    %div3A_132 = vector.broadcast %broadcast_in_dim3A_131 : vector<144x1xf32> to vector<144x192xf32>
    %div3A_133 = arith.divf %exp3A_128, %div3A_132 : vector<144x192xf32>
    %get3A_134 = arith.constant 0 : index
    %get3A_135 = arith.constant 0 : index
    %get3A_136 = arith.constant 0 : index
    %get3A_137 = vector.load %arg8[%get3A_134, %get3A_135, %get3A_136] : memref<1x2048x192xbf16, #tpu.memory_space<vmem>>, vector<1x2048x192xbf16>
    %get3A_138 = vector.shape_cast %get3A_137 : vector<1x2048x192xbf16> to vector<2048x192xbf16>
    %slice3A_139 = vector.extract_strided_slice %get3A_138 {offsets = [0, 0], sizes = [512, 192], strides = [1, 1]} : vector<2048x192xbf16> to vector<512x192xbf16>
    %convert_element_type3A_140 = arith.truncf %div3A_133 : vector<144x192xf32> to vector<144x192xbf16>
    %dot_general3A_141 = arith.constant dense<0.000000e+00> : vector<144x512xf32>
    %dot_general3A_142 = tpu.matmul %convert_element_type3A_140, %slice3A_139, %dot_general3A_141 {dimension_numbers = #tpu.dot_dimension_numbers<[1], [1], [0], [0], [0, 0, 1, 0], [], []>, transpose_lhs_hint = false} : vector<144x192xbf16>, vector<512x192xbf16>, vector<144x512xf32> -> vector<144x512xf32>
    %get3A_143 = arith.constant 1024 : index
    %get3A_144 = arith.constant 0 : index
    %get3A_145 = vector.load %arg12[%get3A_143, %get3A_144] : memref<6144x512xf32, #tpu.memory_space<vmem>>, vector<512x512xf32>
    %dot_general3A_146 = arith.constant dense<0.000000e+00> : vector<144x512xf32>
    %dot_general3A_147 = tpu.matmul %dot_general3A_142, %get3A_145, %dot_general3A_146 {dimension_numbers = #tpu.dot_dimension_numbers<[1], [0], [0], [1], [0, 0, 1, 1], [], []>, transpose_lhs_hint = false} : vector<144x512xf32>, vector<512x512xf32>, vector<144x512xf32> -> vector<144x512xf32>
    %add3A_148 = arith.addf %add3A_110, %dot_general3A_147 : vector<144x512xf32>
    %get3A_149 = arith.constant 512 : index
    %get3A_150 = arith.constant 0 : index
    %get3A_151 = vector.load %arg11[%get3A_149, %get3A_150] : memref<2048x512xf32, #tpu.memory_space<vmem>>, vector<512x512xf32>
    %dot_general3A_152 = arith.constant dense<0.000000e+00> : vector<144x512xf32>
    %dot_general3A_153 = tpu.matmul %add3A_32, %get3A_151, %dot_general3A_152 {dimension_numbers = #tpu.dot_dimension_numbers<[1], [1], [0], [0], [0, 0, 1, 0], [], []>, transpose_lhs_hint = false} : vector<144x512xf32>, vector<512x512xf32>, vector<144x512xf32> -> vector<144x512xf32>
    %get3A_154 = arith.constant 0 : index
    %get3A_155 = arith.constant 0 : index
    %get3A_156 = arith.constant 0 : index
    %get3A_157 = vector.load %arg3[%get3A_154, %get3A_155, %get3A_156] : memref<1x2048x400xbf16, #tpu.memory_space<vmem>>, vector<1x2048x400xbf16>
    %get3A_158 = vector.shape_cast %get3A_157 : vector<1x2048x400xbf16> to vector<2048x400xbf16>
    %slice3A_159 = vector.extract_strided_slice %get3A_158 {offsets = [512, 0], sizes = [512, 400], strides = [1, 1]} : vector<2048x400xbf16> to vector<512x400xbf16>
    %convert_element_type3A_160 = arith.truncf %dot_general3A_153 : vector<144x512xf32> to vector<144x512xbf16>
    %dot_general3A_161 = arith.constant dense<0.000000e+00> : vector<144x400xf32>
    %dot_general3A_162 = tpu.matmul %convert_element_type3A_160, %slice3A_159, %dot_general3A_161 {dimension_numbers = #tpu.dot_dimension_numbers<[1], [0], [0], [1], [0, 0, 1, 1], [], []>, transpose_lhs_hint = false} : vector<144x512xbf16>, vector<512x400xbf16>, vector<144x400xf32> -> vector<144x400xf32>
    %mul3A_163 = arith.constant 0.0441941731 : f32
    %mul3A_164 = vector.broadcast %mul3A_163 : f32 to vector<144x400xf32>
    %mul3A_165 = arith.mulf %dot_general3A_162, %mul3A_164 : vector<144x400xf32>
    %reduce_max3A_166 = arith.constant dense<0xFF800000> : vector<144xf32>
    %reduce_max3A_167 = vector.multi_reduction <maximumf>, %mul3A_165, %reduce_max3A_166 [1] : vector<144x400xf32> to vector<144xf32>
    %broadcast_in_dim3A_168 = vector.shape_cast %reduce_max3A_167 : vector<144xf32> to vector<144x1xf32>
    %sub3A_169 = vector.broadcast %broadcast_in_dim3A_168 : vector<144x1xf32> to vector<144x400xf32>
    %sub3A_170 = arith.subf %mul3A_165, %sub3A_169 : vector<144x400xf32>
    %exp3A_171 = math.exp %sub3A_170 : vector<144x400xf32>
    %reduce_sum3A_172 = arith.constant dense<0.000000e+00> : vector<144xf32>
    %reduce_sum3A_173 = vector.multi_reduction <add>, %exp3A_171, %reduce_sum3A_172 [1] : vector<144x400xf32> to vector<144xf32>
    %broadcast_in_dim3A_174 = vector.shape_cast %reduce_sum3A_173 : vector<144xf32> to vector<144x1xf32>
    %div3A_175 = vector.broadcast %broadcast_in_dim3A_174 : vector<144x1xf32> to vector<144x400xf32>
    %div3A_176 = arith.divf %exp3A_171, %div3A_175 : vector<144x400xf32>
    %get3A_177 = arith.constant 0 : index
    %get3A_178 = arith.constant 0 : index
    %get3A_179 = arith.constant 0 : index
    %get3A_180 = vector.load %arg4[%get3A_177, %get3A_178, %get3A_179] : memref<1x2048x400xbf16, #tpu.memory_space<vmem>>, vector<1x2048x400xbf16>
    %get3A_181 = vector.shape_cast %get3A_180 : vector<1x2048x400xbf16> to vector<2048x400xbf16>
    %slice3A_182 = vector.extract_strided_slice %get3A_181 {offsets = [512, 0], sizes = [512, 400], strides = [1, 1]} : vector<2048x400xbf16> to vector<512x400xbf16>
    %convert_element_type3A_183 = arith.truncf %div3A_176 : vector<144x400xf32> to vector<144x400xbf16>
    %dot_general3A_184 = arith.constant dense<0.000000e+00> : vector<144x512xf32>
    %dot_general3A_185 = tpu.matmul %convert_element_type3A_183, %slice3A_182, %dot_general3A_184 {dimension_numbers = #tpu.dot_dimension_numbers<[1], [1], [0], [0], [0, 0, 1, 0], [], []>, transpose_lhs_hint = false} : vector<144x400xbf16>, vector<512x400xbf16>, vector<144x512xf32> -> vector<144x512xf32>
    %get3A_186 = arith.constant 1536 : index
    %get3A_187 = arith.constant 0 : index
    %get3A_188 = vector.load %arg12[%get3A_186, %get3A_187] : memref<6144x512xf32, #tpu.memory_space<vmem>>, vector<512x512xf32>
    %dot_general3A_189 = arith.constant dense<0.000000e+00> : vector<144x512xf32>
    %dot_general3A_190 = tpu.matmul %dot_general3A_185, %get3A_188, %dot_general3A_189 {dimension_numbers = #tpu.dot_dimension_numbers<[1], [0], [0], [1], [0, 0, 1, 1], [], []>, transpose_lhs_hint = false} : vector<144x512xf32>, vector<512x512xf32>, vector<144x512xf32> -> vector<144x512xf32>
    %add3A_191 = arith.addf %add3A_148, %dot_general3A_190 : vector<144x512xf32>
    %get3A_192 = arith.constant 0 : index
    %get3A_193 = arith.constant 0 : index
    %get3A_194 = arith.constant 0 : index
    %get3A_195 = vector.load %arg5[%get3A_192, %get3A_193, %get3A_194] : memref<1x2048x192xbf16, #tpu.memory_space<vmem>>, vector<1x2048x192xbf16>
    %get3A_196 = vector.shape_cast %get3A_195 : vector<1x2048x192xbf16> to vector<2048x192xbf16>
    %slice3A_197 = vector.extract_strided_slice %get3A_196 {offsets = [512, 0], sizes = [512, 192], strides = [1, 1]} : vector<2048x192xbf16> to vector<512x192xbf16>
    %convert_element_type3A_198 = arith.truncf %dot_general3A_153 : vector<144x512xf32> to vector<144x512xbf16>
    %dot_general3A_199 = arith.constant dense<0.000000e+00> : vector<144x192xf32>
    %dot_general3A_200 = tpu.matmul %convert_element_type3A_198, %slice3A_197, %dot_general3A_199 {dimension_numbers = #tpu.dot_dimension_numbers<[1], [0], [0], [1], [0, 0, 1, 1], [], []>, transpose_lhs_hint = false} : vector<144x512xbf16>, vector<512x192xbf16>, vector<144x192xf32> -> vector<144x192xf32>
    %mul3A_201 = arith.constant 0.0441941731 : f32
    %mul3A_202 = vector.broadcast %mul3A_201 : f32 to vector<144x192xf32>
    %mul3A_203 = arith.mulf %dot_general3A_200, %mul3A_202 : vector<144x192xf32>
    %reduce_max3A_204 = arith.constant dense<0xFF800000> : vector<144xf32>
    %reduce_max3A_205 = vector.multi_reduction <maximumf>, %mul3A_203, %reduce_max3A_204 [1] : vector<144x192xf32> to vector<144xf32>
    %broadcast_in_dim3A_206 = vector.shape_cast %reduce_max3A_205 : vector<144xf32> to vector<144x1xf32>
    %sub3A_207 = vector.broadcast %broadcast_in_dim3A_206 : vector<144x1xf32> to vector<144x192xf32>
    %sub3A_208 = arith.subf %mul3A_203, %sub3A_207 : vector<144x192xf32>
    %exp3A_209 = math.exp %sub3A_208 : vector<144x192xf32>
    %reduce_sum3A_210 = arith.constant dense<0.000000e+00> : vector<144xf32>
    %reduce_sum3A_211 = vector.multi_reduction <add>, %exp3A_209, %reduce_sum3A_210 [1] : vector<144x192xf32> to vector<144xf32>
    %broadcast_in_dim3A_212 = vector.shape_cast %reduce_sum3A_211 : vector<144xf32> to vector<144x1xf32>
    %div3A_213 = vector.broadcast %broadcast_in_dim3A_212 : vector<144x1xf32> to vector<144x192xf32>
    %div3A_214 = arith.divf %exp3A_209, %div3A_213 : vector<144x192xf32>
    %get3A_215 = arith.constant 0 : index
    %get3A_216 = arith.constant 0 : index
    %get3A_217 = arith.constant 0 : index
    %get3A_218 = vector.load %arg6[%get3A_215, %get3A_216, %get3A_217] : memref<1x2048x192xbf16, #tpu.memory_space<vmem>>, vector<1x2048x192xbf16>
    %get3A_219 = vector.shape_cast %get3A_218 : vector<1x2048x192xbf16> to vector<2048x192xbf16>
    %slice3A_220 = vector.extract_strided_slice %get3A_219 {offsets = [512, 0], sizes = [512, 192], strides = [1, 1]} : vector<2048x192xbf16> to vector<512x192xbf16>
    %convert_element_type3A_221 = arith.truncf %div3A_214 : vector<144x192xf32> to vector<144x192xbf16>
    %dot_general3A_222 = arith.constant dense<0.000000e+00> : vector<144x512xf32>
    %dot_general3A_223 = tpu.matmul %convert_element_type3A_221, %slice3A_220, %dot_general3A_222 {dimension_numbers = #tpu.dot_dimension_numbers<[1], [1], [0], [0], [0, 0, 1, 0], [], []>, transpose_lhs_hint = false} : vector<144x192xbf16>, vector<512x192xbf16>, vector<144x512xf32> -> vector<144x512xf32>
    %get3A_224 = arith.constant 2048 : index
    %get3A_225 = arith.constant 0 : index
    %get3A_226 = vector.load %arg12[%get3A_224, %get3A_225] : memref<6144x512xf32, #tpu.memory_space<vmem>>, vector<512x512xf32>
    %dot_general3A_227 = arith.constant dense<0.000000e+00> : vector<144x512xf32>
    %dot_general3A_228 = tpu.matmul %dot_general3A_223, %get3A_226, %dot_general3A_227 {dimension_numbers = #tpu.dot_dimension_numbers<[1], [0], [0], [1], [0, 0, 1, 1], [], []>, transpose_lhs_hint = false} : vector<144x512xf32>, vector<512x512xf32>, vector<144x512xf32> -> vector<144x512xf32>
    %add3A_229 = arith.addf %add3A_191, %dot_general3A_228 : vector<144x512xf32>
    %get3A_230 = arith.constant 0 : index
    %get3A_231 = arith.constant 0 : index
    %get3A_232 = arith.constant 0 : index
    %get3A_233 = vector.load %arg7[%get3A_230, %get3A_231, %get3A_232] : memref<1x2048x192xbf16, #tpu.memory_space<vmem>>, vector<1x2048x192xbf16>
    %get3A_234 = vector.shape_cast %get3A_233 : vector<1x2048x192xbf16> to vector<2048x192xbf16>
    %slice3A_235 = vector.extract_strided_slice %get3A_234 {offsets = [512, 0], sizes = [512, 192], strides = [1, 1]} : vector<2048x192xbf16> to vector<512x192xbf16>
    %convert_element_type3A_236 = arith.truncf %dot_general3A_153 : vector<144x512xf32> to vector<144x512xbf16>
    %dot_general3A_237 = arith.constant dense<0.000000e+00> : vector<144x192xf32>
    %dot_general3A_238 = tpu.matmul %convert_element_type3A_236, %slice3A_235, %dot_general3A_237 {dimension_numbers = #tpu.dot_dimension_numbers<[1], [0], [0], [1], [0, 0, 1, 1], [], []>, transpose_lhs_hint = false} : vector<144x512xbf16>, vector<512x192xbf16>, vector<144x192xf32> -> vector<144x192xf32>
    %mul3A_239 = arith.constant 0.0441941731 : f32
    %mul3A_240 = vector.broadcast %mul3A_239 : f32 to vector<144x192xf32>
    %mul3A_241 = arith.mulf %dot_general3A_238, %mul3A_240 : vector<144x192xf32>
    %reduce_max3A_242 = arith.constant dense<0xFF800000> : vector<144xf32>
    %reduce_max3A_243 = vector.multi_reduction <maximumf>, %mul3A_241, %reduce_max3A_242 [1] : vector<144x192xf32> to vector<144xf32>
    %broadcast_in_dim3A_244 = vector.shape_cast %reduce_max3A_243 : vector<144xf32> to vector<144x1xf32>
    %sub3A_245 = vector.broadcast %broadcast_in_dim3A_244 : vector<144x1xf32> to vector<144x192xf32>
    %sub3A_246 = arith.subf %mul3A_241, %sub3A_245 : vector<144x192xf32>
    %exp3A_247 = math.exp %sub3A_246 : vector<144x192xf32>
    %reduce_sum3A_248 = arith.constant dense<0.000000e+00> : vector<144xf32>
    %reduce_sum3A_249 = vector.multi_reduction <add>, %exp3A_247, %reduce_sum3A_248 [1] : vector<144x192xf32> to vector<144xf32>
    %broadcast_in_dim3A_250 = vector.shape_cast %reduce_sum3A_249 : vector<144xf32> to vector<144x1xf32>
    %div3A_251 = vector.broadcast %broadcast_in_dim3A_250 : vector<144x1xf32> to vector<144x192xf32>
    %div3A_252 = arith.divf %exp3A_247, %div3A_251 : vector<144x192xf32>
    %get3A_253 = arith.constant 0 : index
    %get3A_254 = arith.constant 0 : index
    %get3A_255 = arith.constant 0 : index
    %get3A_256 = vector.load %arg8[%get3A_253, %get3A_254, %get3A_255] : memref<1x2048x192xbf16, #tpu.memory_space<vmem>>, vector<1x2048x192xbf16>
    %get3A_257 = vector.shape_cast %get3A_256 : vector<1x2048x192xbf16> to vector<2048x192xbf16>
    %slice3A_258 = vector.extract_strided_slice %get3A_257 {offsets = [512, 0], sizes = [512, 192], strides = [1, 1]} : vector<2048x192xbf16> to vector<512x192xbf16>
    %convert_element_type3A_259 = arith.truncf %div3A_252 : vector<144x192xf32> to vector<144x192xbf16>
    %dot_general3A_260 = arith.constant dense<0.000000e+00> : vector<144x512xf32>
    %dot_general3A_261 = tpu.matmul %convert_element_type3A_259, %slice3A_258, %dot_general3A_260 {dimension_numbers = #tpu.dot_dimension_numbers<[1], [1], [0], [0], [0, 0, 1, 0], [], []>, transpose_lhs_hint = false} : vector<144x192xbf16>, vector<512x192xbf16>, vector<144x512xf32> -> vector<144x512xf32>
    %get3A_262 = arith.constant 2560 : index
    %get3A_263 = arith.constant 0 : index
    %get3A_264 = vector.load %arg12[%get3A_262, %get3A_263] : memref<6144x512xf32, #tpu.memory_space<vmem>>, vector<512x512xf32>
    %dot_general3A_265 = arith.constant dense<0.000000e+00> : vector<144x512xf32>
    %dot_general3A_266 = tpu.matmul %dot_general3A_261, %get3A_264, %dot_general3A_265 {dimension_numbers = #tpu.dot_dimension_numbers<[1], [0], [0], [1], [0, 0, 1, 1], [], []>, transpose_lhs_hint = false} : vector<144x512xf32>, vector<512x512xf32>, vector<144x512xf32> -> vector<144x512xf32>
    %add3A_267 = arith.addf %add3A_229, %dot_general3A_266 : vector<144x512xf32>
    %get3A_268 = arith.constant 1024 : index
    %get3A_269 = arith.constant 0 : index
    %get3A_270 = vector.load %arg11[%get3A_268, %get3A_269] : memref<2048x512xf32, #tpu.memory_space<vmem>>, vector<512x512xf32>
    %dot_general3A_271 = arith.constant dense<0.000000e+00> : vector<144x512xf32>
    %dot_general3A_272 = tpu.matmul %add3A_32, %get3A_270, %dot_general3A_271 {dimension_numbers = #tpu.dot_dimension_numbers<[1], [1], [0], [0], [0, 0, 1, 0], [], []>, transpose_lhs_hint = false} : vector<144x512xf32>, vector<512x512xf32>, vector<144x512xf32> -> vector<144x512xf32>
    %get3A_273 = arith.constant 0 : index
    %get3A_274 = arith.constant 0 : index
    %get3A_275 = arith.constant 0 : index
    %get3A_276 = vector.load %arg3[%get3A_273, %get3A_274, %get3A_275] : memref<1x2048x400xbf16, #tpu.memory_space<vmem>>, vector<1x2048x400xbf16>
    %get3A_277 = vector.shape_cast %get3A_276 : vector<1x2048x400xbf16> to vector<2048x400xbf16>
    %slice3A_278 = vector.extract_strided_slice %get3A_277 {offsets = [1024, 0], sizes = [512, 400], strides = [1, 1]} : vector<2048x400xbf16> to vector<512x400xbf16>
    %convert_element_type3A_279 = arith.truncf %dot_general3A_272 : vector<144x512xf32> to vector<144x512xbf16>
    %dot_general3A_280 = arith.constant dense<0.000000e+00> : vector<144x400xf32>
    %dot_general3A_281 = tpu.matmul %convert_element_type3A_279, %slice3A_278, %dot_general3A_280 {dimension_numbers = #tpu.dot_dimension_numbers<[1], [0], [0], [1], [0, 0, 1, 1], [], []>, transpose_lhs_hint = false} : vector<144x512xbf16>, vector<512x400xbf16>, vector<144x400xf32> -> vector<144x400xf32>
    %mul3A_282 = arith.constant 0.0441941731 : f32
    %mul3A_283 = vector.broadcast %mul3A_282 : f32 to vector<144x400xf32>
    %mul3A_284 = arith.mulf %dot_general3A_281, %mul3A_283 : vector<144x400xf32>
    %reduce_max3A_285 = arith.constant dense<0xFF800000> : vector<144xf32>
    %reduce_max3A_286 = vector.multi_reduction <maximumf>, %mul3A_284, %reduce_max3A_285 [1] : vector<144x400xf32> to vector<144xf32>
    %broadcast_in_dim3A_287 = vector.shape_cast %reduce_max3A_286 : vector<144xf32> to vector<144x1xf32>
    %sub3A_288 = vector.broadcast %broadcast_in_dim3A_287 : vector<144x1xf32> to vector<144x400xf32>
    %sub3A_289 = arith.subf %mul3A_284, %sub3A_288 : vector<144x400xf32>
    %exp3A_290 = math.exp %sub3A_289 : vector<144x400xf32>
    %reduce_sum3A_291 = arith.constant dense<0.000000e+00> : vector<144xf32>
    %reduce_sum3A_292 = vector.multi_reduction <add>, %exp3A_290, %reduce_sum3A_291 [1] : vector<144x400xf32> to vector<144xf32>
    %broadcast_in_dim3A_293 = vector.shape_cast %reduce_sum3A_292 : vector<144xf32> to vector<144x1xf32>
    %div3A_294 = vector.broadcast %broadcast_in_dim3A_293 : vector<144x1xf32> to vector<144x400xf32>
    %div3A_295 = arith.divf %exp3A_290, %div3A_294 : vector<144x400xf32>
    %get3A_296 = arith.constant 0 : index
    %get3A_297 = arith.constant 0 : index
    %get3A_298 = arith.constant 0 : index
    %get3A_299 = vector.load %arg4[%get3A_296, %get3A_297, %get3A_298] : memref<1x2048x400xbf16, #tpu.memory_space<vmem>>, vector<1x2048x400xbf16>
    %get3A_300 = vector.shape_cast %get3A_299 : vector<1x2048x400xbf16> to vector<2048x400xbf16>
    %slice3A_301 = vector.extract_strided_slice %get3A_300 {offsets = [1024, 0], sizes = [512, 400], strides = [1, 1]} : vector<2048x400xbf16> to vector<512x400xbf16>
    %convert_element_type3A_302 = arith.truncf %div3A_295 : vector<144x400xf32> to vector<144x400xbf16>
    %dot_general3A_303 = arith.constant dense<0.000000e+00> : vector<144x512xf32>
    %dot_general3A_304 = tpu.matmul %convert_element_type3A_302, %slice3A_301, %dot_general3A_303 {dimension_numbers = #tpu.dot_dimension_numbers<[1], [1], [0], [0], [0, 0, 1, 0], [], []>, transpose_lhs_hint = false} : vector<144x400xbf16>, vector<512x400xbf16>, vector<144x512xf32> -> vector<144x512xf32>
    %get3A_305 = arith.constant 3072 : index
    %get3A_306 = arith.constant 0 : index
    %get3A_307 = vector.load %arg12[%get3A_305, %get3A_306] : memref<6144x512xf32, #tpu.memory_space<vmem>>, vector<512x512xf32>
    %dot_general3A_308 = arith.constant dense<0.000000e+00> : vector<144x512xf32>
    %dot_general3A_309 = tpu.matmul %dot_general3A_304, %get3A_307, %dot_general3A_308 {dimension_numbers = #tpu.dot_dimension_numbers<[1], [0], [0], [1], [0, 0, 1, 1], [], []>, transpose_lhs_hint = false} : vector<144x512xf32>, vector<512x512xf32>, vector<144x512xf32> -> vector<144x512xf32>
    %add3A_310 = arith.addf %add3A_267, %dot_general3A_309 : vector<144x512xf32>
    %get3A_311 = arith.constant 0 : index
    %get3A_312 = arith.constant 0 : index
    %get3A_313 = arith.constant 0 : index
    %get3A_314 = vector.load %arg5[%get3A_311, %get3A_312, %get3A_313] : memref<1x2048x192xbf16, #tpu.memory_space<vmem>>, vector<1x2048x192xbf16>
    %get3A_315 = vector.shape_cast %get3A_314 : vector<1x2048x192xbf16> to vector<2048x192xbf16>
    %slice3A_316 = vector.extract_strided_slice %get3A_315 {offsets = [1024, 0], sizes = [512, 192], strides = [1, 1]} : vector<2048x192xbf16> to vector<512x192xbf16>
    %convert_element_type3A_317 = arith.truncf %dot_general3A_272 : vector<144x512xf32> to vector<144x512xbf16>
    %dot_general3A_318 = arith.constant dense<0.000000e+00> : vector<144x192xf32>
    %dot_general3A_319 = tpu.matmul %convert_element_type3A_317, %slice3A_316, %dot_general3A_318 {dimension_numbers = #tpu.dot_dimension_numbers<[1], [0], [0], [1], [0, 0, 1, 1], [], []>, transpose_lhs_hint = false} : vector<144x512xbf16>, vector<512x192xbf16>, vector<144x192xf32> -> vector<144x192xf32>
    %mul3A_320 = arith.constant 0.0441941731 : f32
    %mul3A_321 = vector.broadcast %mul3A_320 : f32 to vector<144x192xf32>
    %mul3A_322 = arith.mulf %dot_general3A_319, %mul3A_321 : vector<144x192xf32>
    %reduce_max3A_323 = arith.constant dense<0xFF800000> : vector<144xf32>
    %reduce_max3A_324 = vector.multi_reduction <maximumf>, %mul3A_322, %reduce_max3A_323 [1] : vector<144x192xf32> to vector<144xf32>
    %broadcast_in_dim3A_325 = vector.shape_cast %reduce_max3A_324 : vector<144xf32> to vector<144x1xf32>
    %sub3A_326 = vector.broadcast %broadcast_in_dim3A_325 : vector<144x1xf32> to vector<144x192xf32>
    %sub3A_327 = arith.subf %mul3A_322, %sub3A_326 : vector<144x192xf32>
    %exp3A_328 = math.exp %sub3A_327 : vector<144x192xf32>
    %reduce_sum3A_329 = arith.constant dense<0.000000e+00> : vector<144xf32>
    %reduce_sum3A_330 = vector.multi_reduction <add>, %exp3A_328, %reduce_sum3A_329 [1] : vector<144x192xf32> to vector<144xf32>
    %broadcast_in_dim3A_331 = vector.shape_cast %reduce_sum3A_330 : vector<144xf32> to vector<144x1xf32>
    %div3A_332 = vector.broadcast %broadcast_in_dim3A_331 : vector<144x1xf32> to vector<144x192xf32>
    %div3A_333 = arith.divf %exp3A_328, %div3A_332 : vector<144x192xf32>
    %get3A_334 = arith.constant 0 : index
    %get3A_335 = arith.constant 0 : index
    %get3A_336 = arith.constant 0 : index
    %get3A_337 = vector.load %arg6[%get3A_334, %get3A_335, %get3A_336] : memref<1x2048x192xbf16, #tpu.memory_space<vmem>>, vector<1x2048x192xbf16>
    %get3A_338 = vector.shape_cast %get3A_337 : vector<1x2048x192xbf16> to vector<2048x192xbf16>
    %slice3A_339 = vector.extract_strided_slice %get3A_338 {offsets = [1024, 0], sizes = [512, 192], strides = [1, 1]} : vector<2048x192xbf16> to vector<512x192xbf16>
    %convert_element_type3A_340 = arith.truncf %div3A_333 : vector<144x192xf32> to vector<144x192xbf16>
    %dot_general3A_341 = arith.constant dense<0.000000e+00> : vector<144x512xf32>
    %dot_general3A_342 = tpu.matmul %convert_element_type3A_340, %slice3A_339, %dot_general3A_341 {dimension_numbers = #tpu.dot_dimension_numbers<[1], [1], [0], [0], [0, 0, 1, 0], [], []>, transpose_lhs_hint = false} : vector<144x192xbf16>, vector<512x192xbf16>, vector<144x512xf32> -> vector<144x512xf32>
    %get3A_343 = arith.constant 3584 : index
    %get3A_344 = arith.constant 0 : index
    %get3A_345 = vector.load %arg12[%get3A_343, %get3A_344] : memref<6144x512xf32, #tpu.memory_space<vmem>>, vector<512x512xf32>
    %dot_general3A_346 = arith.constant dense<0.000000e+00> : vector<144x512xf32>
    %dot_general3A_347 = tpu.matmul %dot_general3A_342, %get3A_345, %dot_general3A_346 {dimension_numbers = #tpu.dot_dimension_numbers<[1], [0], [0], [1], [0, 0, 1, 1], [], []>, transpose_lhs_hint = false} : vector<144x512xf32>, vector<512x512xf32>, vector<144x512xf32> -> vector<144x512xf32>
    %add3A_348 = arith.addf %add3A_310, %dot_general3A_347 : vector<144x512xf32>
    %get3A_349 = arith.constant 0 : index
    %get3A_350 = arith.constant 0 : index
    %get3A_351 = arith.constant 0 : index
    %get3A_352 = vector.load %arg7[%get3A_349, %get3A_350, %get3A_351] : memref<1x2048x192xbf16, #tpu.memory_space<vmem>>, vector<1x2048x192xbf16>
    %get3A_353 = vector.shape_cast %get3A_352 : vector<1x2048x192xbf16> to vector<2048x192xbf16>
    %slice3A_354 = vector.extract_strided_slice %get3A_353 {offsets = [1024, 0], sizes = [512, 192], strides = [1, 1]} : vector<2048x192xbf16> to vector<512x192xbf16>
    %convert_element_type3A_355 = arith.truncf %dot_general3A_272 : vector<144x512xf32> to vector<144x512xbf16>
    %dot_general3A_356 = arith.constant dense<0.000000e+00> : vector<144x192xf32>
    %dot_general3A_357 = tpu.matmul %convert_element_type3A_355, %slice3A_354, %dot_general3A_356 {dimension_numbers = #tpu.dot_dimension_numbers<[1], [0], [0], [1], [0, 0, 1, 1], [], []>, transpose_lhs_hint = false} : vector<144x512xbf16>, vector<512x192xbf16>, vector<144x192xf32> -> vector<144x192xf32>
    %mul3A_358 = arith.constant 0.0441941731 : f32
    %mul3A_359 = vector.broadcast %mul3A_358 : f32 to vector<144x192xf32>
    %mul3A_360 = arith.mulf %dot_general3A_357, %mul3A_359 : vector<144x192xf32>
    %reduce_max3A_361 = arith.constant dense<0xFF800000> : vector<144xf32>
    %reduce_max3A_362 = vector.multi_reduction <maximumf>, %mul3A_360, %reduce_max3A_361 [1] : vector<144x192xf32> to vector<144xf32>
    %broadcast_in_dim3A_363 = vector.shape_cast %reduce_max3A_362 : vector<144xf32> to vector<144x1xf32>
    %sub3A_364 = vector.broadcast %broadcast_in_dim3A_363 : vector<144x1xf32> to vector<144x192xf32>
    %sub3A_365 = arith.subf %mul3A_360, %sub3A_364 : vector<144x192xf32>
    %exp3A_366 = math.exp %sub3A_365 : vector<144x192xf32>
    %reduce_sum3A_367 = arith.constant dense<0.000000e+00> : vector<144xf32>
    %reduce_sum3A_368 = vector.multi_reduction <add>, %exp3A_366, %reduce_sum3A_367 [1] : vector<144x192xf32> to vector<144xf32>
    %broadcast_in_dim3A_369 = vector.shape_cast %reduce_sum3A_368 : vector<144xf32> to vector<144x1xf32>
    %div3A_370 = vector.broadcast %broadcast_in_dim3A_369 : vector<144x1xf32> to vector<144x192xf32>
    %div3A_371 = arith.divf %exp3A_366, %div3A_370 : vector<144x192xf32>
    %get3A_372 = arith.constant 0 : index
    %get3A_373 = arith.constant 0 : index
    %get3A_374 = arith.constant 0 : index
    %get3A_375 = vector.load %arg8[%get3A_372, %get3A_373, %get3A_374] : memref<1x2048x192xbf16, #tpu.memory_space<vmem>>, vector<1x2048x192xbf16>
    %get3A_376 = vector.shape_cast %get3A_375 : vector<1x2048x192xbf16> to vector<2048x192xbf16>
    %slice3A_377 = vector.extract_strided_slice %get3A_376 {offsets = [1024, 0], sizes = [512, 192], strides = [1, 1]} : vector<2048x192xbf16> to vector<512x192xbf16>
    %convert_element_type3A_378 = arith.truncf %div3A_371 : vector<144x192xf32> to vector<144x192xbf16>
    %dot_general3A_379 = arith.constant dense<0.000000e+00> : vector<144x512xf32>
    %dot_general3A_380 = tpu.matmul %convert_element_type3A_378, %slice3A_377, %dot_general3A_379 {dimension_numbers = #tpu.dot_dimension_numbers<[1], [1], [0], [0], [0, 0, 1, 0], [], []>, transpose_lhs_hint = false} : vector<144x192xbf16>, vector<512x192xbf16>, vector<144x512xf32> -> vector<144x512xf32>
    %get3A_381 = arith.constant 4096 : index
    %get3A_382 = arith.constant 0 : index
    %get3A_383 = vector.load %arg12[%get3A_381, %get3A_382] : memref<6144x512xf32, #tpu.memory_space<vmem>>, vector<512x512xf32>
    %dot_general3A_384 = arith.constant dense<0.000000e+00> : vector<144x512xf32>
    %dot_general3A_385 = tpu.matmul %dot_general3A_380, %get3A_383, %dot_general3A_384 {dimension_numbers = #tpu.dot_dimension_numbers<[1], [0], [0], [1], [0, 0, 1, 1], [], []>, transpose_lhs_hint = false} : vector<144x512xf32>, vector<512x512xf32>, vector<144x512xf32> -> vector<144x512xf32>
    %add3A_386 = arith.addf %add3A_348, %dot_general3A_385 : vector<144x512xf32>
    %get3A_387 = arith.constant 1536 : index
    %get3A_388 = arith.constant 0 : index
    %get3A_389 = vector.load %arg11[%get3A_387, %get3A_388] : memref<2048x512xf32, #tpu.memory_space<vmem>>, vector<512x512xf32>
    %dot_general3A_390 = arith.constant dense<0.000000e+00> : vector<144x512xf32>
    %dot_general3A_391 = tpu.matmul %add3A_32, %get3A_389, %dot_general3A_390 {dimension_numbers = #tpu.dot_dimension_numbers<[1], [1], [0], [0], [0, 0, 1, 0], [], []>, transpose_lhs_hint = false} : vector<144x512xf32>, vector<512x512xf32>, vector<144x512xf32> -> vector<144x512xf32>
    %get3A_392 = arith.constant 0 : index
    %get3A_393 = arith.constant 0 : index
    %get3A_394 = arith.constant 0 : index
    %get3A_395 = vector.load %arg3[%get3A_392, %get3A_393, %get3A_394] : memref<1x2048x400xbf16, #tpu.memory_space<vmem>>, vector<1x2048x400xbf16>
    %get3A_396 = vector.shape_cast %get3A_395 : vector<1x2048x400xbf16> to vector<2048x400xbf16>
    %slice3A_397 = vector.extract_strided_slice %get3A_396 {offsets = [1536, 0], sizes = [512, 400], strides = [1, 1]} : vector<2048x400xbf16> to vector<512x400xbf16>
    %convert_element_type3A_398 = arith.truncf %dot_general3A_391 : vector<144x512xf32> to vector<144x512xbf16>
    %dot_general3A_399 = arith.constant dense<0.000000e+00> : vector<144x400xf32>
    %dot_general3A_400 = tpu.matmul %convert_element_type3A_398, %slice3A_397, %dot_general3A_399 {dimension_numbers = #tpu.dot_dimension_numbers<[1], [0], [0], [1], [0, 0, 1, 1], [], []>, transpose_lhs_hint = false} : vector<144x512xbf16>, vector<512x400xbf16>, vector<144x400xf32> -> vector<144x400xf32>
    %mul3A_401 = arith.constant 0.0441941731 : f32
    %mul3A_402 = vector.broadcast %mul3A_401 : f32 to vector<144x400xf32>
    %mul3A_403 = arith.mulf %dot_general3A_400, %mul3A_402 : vector<144x400xf32>
    %reduce_max3A_404 = arith.constant dense<0xFF800000> : vector<144xf32>
    %reduce_max3A_405 = vector.multi_reduction <maximumf>, %mul3A_403, %reduce_max3A_404 [1] : vector<144x400xf32> to vector<144xf32>
    %broadcast_in_dim3A_406 = vector.shape_cast %reduce_max3A_405 : vector<144xf32> to vector<144x1xf32>
    %sub3A_407 = vector.broadcast %broadcast_in_dim3A_406 : vector<144x1xf32> to vector<144x400xf32>
    %sub3A_408 = arith.subf %mul3A_403, %sub3A_407 : vector<144x400xf32>
    %exp3A_409 = math.exp %sub3A_408 : vector<144x400xf32>
    %reduce_sum3A_410 = arith.constant dense<0.000000e+00> : vector<144xf32>
    %reduce_sum3A_411 = vector.multi_reduction <add>, %exp3A_409, %reduce_sum3A_410 [1] : vector<144x400xf32> to vector<144xf32>
    %broadcast_in_dim3A_412 = vector.shape_cast %reduce_sum3A_411 : vector<144xf32> to vector<144x1xf32>
    %div3A_413 = vector.broadcast %broadcast_in_dim3A_412 : vector<144x1xf32> to vector<144x400xf32>
    %div3A_414 = arith.divf %exp3A_409, %div3A_413 : vector<144x400xf32>
    %get3A_415 = arith.constant 0 : index
    %get3A_416 = arith.constant 0 : index
    %get3A_417 = arith.constant 0 : index
    %get3A_418 = vector.load %arg4[%get3A_415, %get3A_416, %get3A_417] : memref<1x2048x400xbf16, #tpu.memory_space<vmem>>, vector<1x2048x400xbf16>
    %get3A_419 = vector.shape_cast %get3A_418 : vector<1x2048x400xbf16> to vector<2048x400xbf16>
    %slice3A_420 = vector.extract_strided_slice %get3A_419 {offsets = [1536, 0], sizes = [512, 400], strides = [1, 1]} : vector<2048x400xbf16> to vector<512x400xbf16>
    %convert_element_type3A_421 = arith.truncf %div3A_414 : vector<144x400xf32> to vector<144x400xbf16>
    %dot_general3A_422 = arith.constant dense<0.000000e+00> : vector<144x512xf32>
    %dot_general3A_423 = tpu.matmul %convert_element_type3A_421, %slice3A_420, %dot_general3A_422 {dimension_numbers = #tpu.dot_dimension_numbers<[1], [1], [0], [0], [0, 0, 1, 0], [], []>, transpose_lhs_hint = false} : vector<144x400xbf16>, vector<512x400xbf16>, vector<144x512xf32> -> vector<144x512xf32>
    %get3A_424 = arith.constant 4608 : index
    %get3A_425 = arith.constant 0 : index
    %get3A_426 = vector.load %arg12[%get3A_424, %get3A_425] : memref<6144x512xf32, #tpu.memory_space<vmem>>, vector<512x512xf32>
    %dot_general3A_427 = arith.constant dense<0.000000e+00> : vector<144x512xf32>
    %dot_general3A_428 = tpu.matmul %dot_general3A_423, %get3A_426, %dot_general3A_427 {dimension_numbers = #tpu.dot_dimension_numbers<[1], [0], [0], [1], [0, 0, 1, 1], [], []>, transpose_lhs_hint = false} : vector<144x512xf32>, vector<512x512xf32>, vector<144x512xf32> -> vector<144x512xf32>
    %add3A_429 = arith.addf %add3A_386, %dot_general3A_428 : vector<144x512xf32>
    %get3A_430 = arith.constant 0 : index
    %get3A_431 = arith.constant 0 : index
    %get3A_432 = arith.constant 0 : index
    %get3A_433 = vector.load %arg5[%get3A_430, %get3A_431, %get3A_432] : memref<1x2048x192xbf16, #tpu.memory_space<vmem>>, vector<1x2048x192xbf16>
    %get3A_434 = vector.shape_cast %get3A_433 : vector<1x2048x192xbf16> to vector<2048x192xbf16>
    %slice3A_435 = vector.extract_strided_slice %get3A_434 {offsets = [1536, 0], sizes = [512, 192], strides = [1, 1]} : vector<2048x192xbf16> to vector<512x192xbf16>
    %convert_element_type3A_436 = arith.truncf %dot_general3A_391 : vector<144x512xf32> to vector<144x512xbf16>
    %dot_general3A_437 = arith.constant dense<0.000000e+00> : vector<144x192xf32>
    %dot_general3A_438 = tpu.matmul %convert_element_type3A_436, %slice3A_435, %dot_general3A_437 {dimension_numbers = #tpu.dot_dimension_numbers<[1], [0], [0], [1], [0, 0, 1, 1], [], []>, transpose_lhs_hint = false} : vector<144x512xbf16>, vector<512x192xbf16>, vector<144x192xf32> -> vector<144x192xf32>
    %mul3A_439 = arith.constant 0.0441941731 : f32
    %mul3A_440 = vector.broadcast %mul3A_439 : f32 to vector<144x192xf32>
    %mul3A_441 = arith.mulf %dot_general3A_438, %mul3A_440 : vector<144x192xf32>
    %reduce_max3A_442 = arith.constant dense<0xFF800000> : vector<144xf32>
    %reduce_max3A_443 = vector.multi_reduction <maximumf>, %mul3A_441, %reduce_max3A_442 [1] : vector<144x192xf32> to vector<144xf32>
    %broadcast_in_dim3A_444 = vector.shape_cast %reduce_max3A_443 : vector<144xf32> to vector<144x1xf32>
    %sub3A_445 = vector.broadcast %broadcast_in_dim3A_444 : vector<144x1xf32> to vector<144x192xf32>
    %sub3A_446 = arith.subf %mul3A_441, %sub3A_445 : vector<144x192xf32>
    %exp3A_447 = math.exp %sub3A_446 : vector<144x192xf32>
    %reduce_sum3A_448 = arith.constant dense<0.000000e+00> : vector<144xf32>
    %reduce_sum3A_449 = vector.multi_reduction <add>, %exp3A_447, %reduce_sum3A_448 [1] : vector<144x192xf32> to vector<144xf32>
    %broadcast_in_dim3A_450 = vector.shape_cast %reduce_sum3A_449 : vector<144xf32> to vector<144x1xf32>
    %div3A_451 = vector.broadcast %broadcast_in_dim3A_450 : vector<144x1xf32> to vector<144x192xf32>
    %div3A_452 = arith.divf %exp3A_447, %div3A_451 : vector<144x192xf32>
    %get3A_453 = arith.constant 0 : index
    %get3A_454 = arith.constant 0 : index
    %get3A_455 = arith.constant 0 : index
    %get3A_456 = vector.load %arg6[%get3A_453, %get3A_454, %get3A_455] : memref<1x2048x192xbf16, #tpu.memory_space<vmem>>, vector<1x2048x192xbf16>
    %get3A_457 = vector.shape_cast %get3A_456 : vector<1x2048x192xbf16> to vector<2048x192xbf16>
    %slice3A_458 = vector.extract_strided_slice %get3A_457 {offsets = [1536, 0], sizes = [512, 192], strides = [1, 1]} : vector<2048x192xbf16> to vector<512x192xbf16>
    %convert_element_type3A_459 = arith.truncf %div3A_452 : vector<144x192xf32> to vector<144x192xbf16>
    %dot_general3A_460 = arith.constant dense<0.000000e+00> : vector<144x512xf32>
    %dot_general3A_461 = tpu.matmul %convert_element_type3A_459, %slice3A_458, %dot_general3A_460 {dimension_numbers = #tpu.dot_dimension_numbers<[1], [1], [0], [0], [0, 0, 1, 0], [], []>, transpose_lhs_hint = false} : vector<144x192xbf16>, vector<512x192xbf16>, vector<144x512xf32> -> vector<144x512xf32>
    %get3A_462 = arith.constant 5120 : index
    %get3A_463 = arith.constant 0 : index
    %get3A_464 = vector.load %arg12[%get3A_462, %get3A_463] : memref<6144x512xf32, #tpu.memory_space<vmem>>, vector<512x512xf32>
    %dot_general3A_465 = arith.constant dense<0.000000e+00> : vector<144x512xf32>
    %dot_general3A_466 = tpu.matmul %dot_general3A_461, %get3A_464, %dot_general3A_465 {dimension_numbers = #tpu.dot_dimension_numbers<[1], [0], [0], [1], [0, 0, 1, 1], [], []>, transpose_lhs_hint = false} : vector<144x512xf32>, vector<512x512xf32>, vector<144x512xf32> -> vector<144x512xf32>
    %add3A_467 = arith.addf %add3A_429, %dot_general3A_466 : vector<144x512xf32>
    %get3A_468 = arith.constant 0 : index
    %get3A_469 = arith.constant 0 : index
    %get3A_470 = arith.constant 0 : index
    %get3A_471 = vector.load %arg7[%get3A_468, %get3A_469, %get3A_470] : memref<1x2048x192xbf16, #tpu.memory_space<vmem>>, vector<1x2048x192xbf16>
    %get3A_472 = vector.shape_cast %get3A_471 : vector<1x2048x192xbf16> to vector<2048x192xbf16>
    %slice3A_473 = vector.extract_strided_slice %get3A_472 {offsets = [1536, 0], sizes = [512, 192], strides = [1, 1]} : vector<2048x192xbf16> to vector<512x192xbf16>
    %convert_element_type3A_474 = arith.truncf %dot_general3A_391 : vector<144x512xf32> to vector<144x512xbf16>
    %dot_general3A_475 = arith.constant dense<0.000000e+00> : vector<144x192xf32>
    %dot_general3A_476 = tpu.matmul %convert_element_type3A_474, %slice3A_473, %dot_general3A_475 {dimension_numbers = #tpu.dot_dimension_numbers<[1], [0], [0], [1], [0, 0, 1, 1], [], []>, transpose_lhs_hint = false} : vector<144x512xbf16>, vector<512x192xbf16>, vector<144x192xf32> -> vector<144x192xf32>
    %mul3A_477 = arith.constant 0.0441941731 : f32
    %mul3A_478 = vector.broadcast %mul3A_477 : f32 to vector<144x192xf32>
    %mul3A_479 = arith.mulf %dot_general3A_476, %mul3A_478 : vector<144x192xf32>
    %reduce_max3A_480 = arith.constant dense<0xFF800000> : vector<144xf32>
    %reduce_max3A_481 = vector.multi_reduction <maximumf>, %mul3A_479, %reduce_max3A_480 [1] : vector<144x192xf32> to vector<144xf32>
    %broadcast_in_dim3A_482 = vector.shape_cast %reduce_max3A_481 : vector<144xf32> to vector<144x1xf32>
    %sub3A_483 = vector.broadcast %broadcast_in_dim3A_482 : vector<144x1xf32> to vector<144x192xf32>
    %sub3A_484 = arith.subf %mul3A_479, %sub3A_483 : vector<144x192xf32>
    %exp3A_485 = math.exp %sub3A_484 : vector<144x192xf32>
    %reduce_sum3A_486 = arith.constant dense<0.000000e+00> : vector<144xf32>
    %reduce_sum3A_487 = vector.multi_reduction <add>, %exp3A_485, %reduce_sum3A_486 [1] : vector<144x192xf32> to vector<144xf32>
    %broadcast_in_dim3A_488 = vector.shape_cast %reduce_sum3A_487 : vector<144xf32> to vector<144x1xf32>
    %div3A_489 = vector.broadcast %broadcast_in_dim3A_488 : vector<144x1xf32> to vector<144x192xf32>
    %div3A_490 = arith.divf %exp3A_485, %div3A_489 : vector<144x192xf32>
    %get3A_491 = arith.constant 0 : index
    %get3A_492 = arith.constant 0 : index
    %get3A_493 = arith.constant 0 : index
    %get3A_494 = vector.load %arg8[%get3A_491, %get3A_492, %get3A_493] : memref<1x2048x192xbf16, #tpu.memory_space<vmem>>, vector<1x2048x192xbf16>
    %get3A_495 = vector.shape_cast %get3A_494 : vector<1x2048x192xbf16> to vector<2048x192xbf16>
    %slice3A_496 = vector.extract_strided_slice %get3A_495 {offsets = [1536, 0], sizes = [512, 192], strides = [1, 1]} : vector<2048x192xbf16> to vector<512x192xbf16>
    %convert_element_type3A_497 = arith.truncf %div3A_490 : vector<144x192xf32> to vector<144x192xbf16>
    %dot_general3A_498 = arith.constant dense<0.000000e+00> : vector<144x512xf32>
    %dot_general3A_499 = tpu.matmul %convert_element_type3A_497, %slice3A_496, %dot_general3A_498 {dimension_numbers = #tpu.dot_dimension_numbers<[1], [1], [0], [0], [0, 0, 1, 0], [], []>, transpose_lhs_hint = false} : vector<144x192xbf16>, vector<512x192xbf16>, vector<144x512xf32> -> vector<144x512xf32>
    %get3A_500 = arith.constant 5632 : index
    %get3A_501 = arith.constant 0 : index
    %get3A_502 = vector.load %arg12[%get3A_500, %get3A_501] : memref<6144x512xf32, #tpu.memory_space<vmem>>, vector<512x512xf32>
    %dot_general3A_503 = arith.constant dense<0.000000e+00> : vector<144x512xf32>
    %dot_general3A_504 = tpu.matmul %dot_general3A_499, %get3A_502, %dot_general3A_503 {dimension_numbers = #tpu.dot_dimension_numbers<[1], [0], [0], [1], [0, 0, 1, 1], [], []>, transpose_lhs_hint = false} : vector<144x512xf32>, vector<512x512xf32>, vector<144x512xf32> -> vector<144x512xf32>
    %add3A_505 = arith.addf %add3A_467, %dot_general3A_504 : vector<144x512xf32>
    %swap3A = arith.constant 0 : index
    %swap3A_506 = arith.constant 0 : index
    %swap3A_507 = arith.constant 0 : index
    %swap3A_508 = vector.load %arg13[%swap3A, %swap3A_506, %swap3A_507] : memref<1x144x512xf32, #tpu.memory_space<vmem>>, vector<1x144x512xf32>
    %swap3A_509 = vector.shape_cast %swap3A_508 : vector<1x144x512xf32> to vector<144x512xf32>
    %swap3A_510 = vector.shape_cast %add3A_505 : vector<144x512xf32> to vector<1x144x512xf32>
    tpu.vector_store %arg13[%swap3A, %swap3A_506, %swap3A_507], %swap3A_510 {strides = array<i32>} : memref<1x144x512xf32, #tpu.memory_space<vmem>>, vector<1x144x512xf32>,
    return
  }
  func.func @transform_0(%arg0: i32, %arg1: i32) -> (i32, i32, i32) {
    %c0_i32 = arith.constant 0 : i32
    %c0_i32_0 = arith.constant 0 : i32
    return %arg0, %arg1, %c0_i32 : i32, i32, i32
  }
  func.func @transform_1(%arg0: i32, %arg1: i32) -> (i32, i32, i32) {
    %c0_i32 = arith.constant 0 : i32
    %c0_i32_0 = arith.constant 0 : i32
    %c0_i32_1 = arith.constant 0 : i32
    return %arg0, %c0_i32, %c0_i32_0 : i32, i32, i32
  }
  func.func @transform_2(%arg0: i32, %arg1: i32) -> (i32, i32, i32) {
    %c0_i32 = arith.constant 0 : i32
    %c0_i32_0 = arith.constant 0 : i32
    %c0_i32_1 = arith.constant 0 : i32
    return %arg0, %c0_i32, %c0_i32_0 : i32, i32, i32
  }
  func.func @transform_3(%arg0: i32, %arg1: i32) -> (i32, i32, i32) {
    %c0_i32 = arith.constant 0 : i32
    %c0_i32_0 = arith.constant 0 : i32
    %c0_i32_1 = arith.constant 0 : i32
    return %arg0, %c0_i32, %c0_i32_0 : i32, i32, i32
  }
  func.func @transform_4(%arg0: i32, %arg1: i32) -> (i32, i32, i32) {
    %c0_i32 = arith.constant 0 : i32
    %c0_i32_0 = arith.constant 0 : i32
    %c0_i32_1 = arith.constant 0 : i32
    return %arg0, %c0_i32, %c0_i32_0 : i32, i32, i32
  }
  func.func @transform_5(%arg0: i32, %arg1: i32) -> (i32, i32, i32) {
    %c0_i32 = arith.constant 0 : i32
    %c0_i32_0 = arith.constant 0 : i32
    %c0_i32_1 = arith.constant 0 : i32
    return %arg0, %c0_i32, %c0_i32_0 : i32, i32, i32
  }
  func.func @transform_6(%arg0: i32, %arg1: i32) -> (i32, i32, i32) {
    %c0_i32 = arith.constant 0 : i32
    %c0_i32_0 = arith.constant 0 : i32
    %c0_i32_1 = arith.constant 0 : i32
    return %arg0, %c0_i32, %c0_i32_0 : i32, i32, i32
  }
  func.func @transform_7(%arg0: i32, %arg1: i32) -> (i32, i32) {
    %c0_i32 = arith.constant 0 : i32
    %c0_i32_0 = arith.constant 0 : i32
    %c0_i32_1 = arith.constant 0 : i32
    return %c0_i32, %c0_i32_0 : i32, i32
  }
  func.func @transform_8(%arg0: i32, %arg1: i32) -> (i32, i32) {
    %c0_i32 = arith.constant 0 : i32
    %c0_i32_0 = arith.constant 0 : i32
    %c0_i32_1 = arith.constant 0 : i32
    return %c0_i32, %c0_i32_0 : i32, i32
  }
  func.func @transform_9(%arg0: i32, %arg1: i32) -> (i32, i32) {
    %c0_i32 = arith.constant 0 : i32
    %c0_i32_0 = arith.constant 0 : i32
    %c0_i32_1 = arith.constant 0 : i32
    return %c0_i32, %c0_i32_0 : i32, i32
  }
  func.func @transform_10(%arg0: i32, %arg1: i32) -> (i32, i32) {
    %c0_i32 = arith.constant 0 : i32
    %c0_i32_0 = arith.constant 0 : i32
    %c0_i32_1 = arith.constant 0 : i32
    return %c0_i32, %c0_i32_0 : i32, i32
  }
  func.func @transform_11(%arg0: i32, %arg1: i32) -> (i32, i32, i32) {
    %c0_i32 = arith.constant 0 : i32
    %c0_i32_0 = arith.constant 0 : i32
    return %arg0, %arg1, %c0_i32 : i32, i32, i32
  }
}

module attributes {stable_mosaic.version = 14 : i64} {
  func.func @_attn_fold_body(%arg0: i32, %arg1: i32, %arg2: memref<1x800x128xf32, #tpu.memory_space<vmem>>, %arg3: memref<1x128xf32, #tpu.memory_space<vmem>>, %arg4: memref<1x128xf32, #tpu.memory_space<vmem>>, %arg5: memref<1x128x4096xbf16, #tpu.memory_space<vmem>>, %arg6: memref<1x4096x128xbf16, #tpu.memory_space<vmem>>, %arg7: memref<1x4096xf32, #tpu.memory_space<vmem>>, %arg8: memref<1x800x128xf32, #tpu.memory_space<vmem>>) attributes {dimension_semantics = [#tpu.dimension_semantics<arbitrary>, #tpu.dimension_semantics<arbitrary>], iteration_bounds = array<i64: 2, 2>, scalar_prefetch = 0 : i64, scratch_operands = 0 : i64, tpu.core_type = #tpu.core_type<tc>, window_params = [{transform_indices = @transform_0, window_bounds = array<i64: 1, 800, 128>}, {pipeline_mode = #tpu.pipeline_mode<synchronous>, transform_indices = @transform_1, window_bounds = array<i64: 1, 128>}, {pipeline_mode = #tpu.pipeline_mode<synchronous>, transform_indices = @transform_2, window_bounds = array<i64: 1, 128>}, {transform_indices = @transform_3, window_bounds = array<i64: 1, 128, 4096>}, {transform_indices = @transform_4, window_bounds = array<i64: 1, 4096, 128>}, {pipeline_mode = #tpu.pipeline_mode<synchronous>, transform_indices = @transform_5, window_bounds = array<i64: 1, 4096>}, {transform_indices = @transform_6, window_bounds = array<i64: 1, 800, 128>}]} {
    %get3A = arith.constant 0 : index
    %get3A_0 = arith.constant 0 : index
    %get3A_1 = arith.constant 0 : index
    %get3A_2 = vector.load %arg2[%get3A, %get3A_0, %get3A_1] : memref<1x800x128xf32, #tpu.memory_space<vmem>>, vector<1x800x128xf32>
    %get3A_3 = vector.shape_cast %get3A_2 : vector<1x800x128xf32> to vector<800x128xf32>
    %broadcast_in_dim3A = arith.constant 1.000000e+00 : f32
    %broadcast_in_dim3A_4 = vector.broadcast %broadcast_in_dim3A : f32 to vector<128x1xf32>
    %dot_general3A = arith.constant dense<0.000000e+00> : vector<800x1xf32>
    %dot_general3A_5 = tpu.matmul %get3A_3, %broadcast_in_dim3A_4, %dot_general3A {dimension_numbers = #tpu.dot_dimension_numbers<[1], [0], [0], [1], [0, 0, 1, 1], [], []>, transpose_lhs_hint = false} : vector<800x128xf32>, vector<128x1xf32>, vector<800x1xf32> -> vector<800x1xf32>
    %mul3A = arith.mulf %get3A_3, %get3A_3 : vector<800x128xf32>
    %dot_general3A_6 = arith.constant dense<0.000000e+00> : vector<800x1xf32>
    %dot_general3A_7 = tpu.matmul %mul3A, %broadcast_in_dim3A_4, %dot_general3A_6 {dimension_numbers = #tpu.dot_dimension_numbers<[1], [0], [0], [1], [0, 0, 1, 1], [], []>, transpose_lhs_hint = false} : vector<800x128xf32>, vector<128x1xf32>, vector<800x1xf32> -> vector<800x1xf32>
    %div3A = arith.constant 1.280000e+02 : f32
    %div3A_8 = vector.broadcast %div3A : f32 to vector<800x1xf32>
    %div3A_9 = arith.divf %dot_general3A_5, %div3A_8 : vector<800x1xf32>
    %div3A_10 = arith.constant 1.280000e+02 : f32
    %div3A_11 = vector.broadcast %div3A_10 : f32 to vector<800x1xf32>
    %div3A_12 = arith.divf %dot_general3A_7, %div3A_11 : vector<800x1xf32>
    %mul3A_13 = arith.mulf %div3A_9, %div3A_9 : vector<800x1xf32>
    %sub3A = arith.subf %div3A_12, %mul3A_13 : vector<800x1xf32>
    %sub3A_14 = vector.broadcast %div3A_9 : vector<800x1xf32> to vector<800x128xf32>
    %sub3A_15 = arith.subf %get3A_3, %sub3A_14 : vector<800x128xf32>
    %add3A = arith.constant 9.99999974E-6 : f32
    %add3A_16 = vector.broadcast %add3A : f32 to vector<800x1xf32>
    %add3A_17 = arith.addf %sub3A, %add3A_16 : vector<800x1xf32>
    %rsqrt3A = math.rsqrt %add3A_17 : vector<800x1xf32>
    %mul3A_18 = vector.broadcast %rsqrt3A : vector<800x1xf32> to vector<800x128xf32>
    %mul3A_19 = arith.mulf %sub3A_15, %mul3A_18 : vector<800x128xf32>
    %get3A_20 = arith.constant 0 : index
    %get3A_21 = arith.constant 0 : index
    %get3A_22 = vector.load %arg3[%get3A_20, %get3A_21] : memref<1x128xf32, #tpu.memory_space<vmem>>, vector<1x128xf32>
    %mul3A_23 = vector.broadcast %get3A_22 : vector<1x128xf32> to vector<800x128xf32>
    %mul3A_24 = arith.mulf %mul3A_19, %mul3A_23 : vector<800x128xf32>
    %get3A_25 = arith.constant 0 : index
    %get3A_26 = arith.constant 0 : index
    %get3A_27 = vector.load %arg4[%get3A_25, %get3A_26] : memref<1x128xf32, #tpu.memory_space<vmem>>, vector<1x128xf32>
    %add3A_28 = vector.broadcast %get3A_27 : vector<1x128xf32> to vector<800x128xf32>
    %add3A_29 = arith.addf %mul3A_24, %add3A_28 : vector<800x128xf32>
    %convert_element_type3A = arith.truncf %add3A_29 : vector<800x128xf32> to vector<800x128xbf16>
    %get3A_30 = arith.constant 0 : index
    %get3A_31 = arith.constant 0 : index
    %get3A_32 = arith.constant 0 : index
    %get3A_33 = vector.load %arg5[%get3A_30, %get3A_31, %get3A_32] : memref<1x128x4096xbf16, #tpu.memory_space<vmem>>, vector<1x128x4096xbf16>
    %get3A_34 = vector.shape_cast %get3A_33 : vector<1x128x4096xbf16> to vector<128x4096xbf16>
    %dot_general3A_35 = arith.constant dense<0.000000e+00> : vector<800x4096xf32>
    %dot_general3A_36 = tpu.matmul %convert_element_type3A, %get3A_34, %dot_general3A_35 {dimension_numbers = #tpu.dot_dimension_numbers<[1], [0], [0], [1], [0, 0, 1, 1], [], []>, transpose_lhs_hint = false} : vector<800x128xbf16>, vector<128x4096xbf16>, vector<800x4096xf32> -> vector<800x4096xf32>
    %mul3A_37 = arith.constant 0.0883883461 : f32
    %mul3A_38 = vector.broadcast %mul3A_37 : f32 to vector<800x4096xf32>
    %mul3A_39 = arith.mulf %dot_general3A_36, %mul3A_38 : vector<800x4096xf32>
    %get3A_40 = arith.constant 0 : index
    %get3A_41 = arith.constant 0 : index
    %get3A_42 = vector.load %arg7[%get3A_40, %get3A_41] : memref<1x4096xf32, #tpu.memory_space<vmem>>, vector<1x4096xf32>
    %add3A_43 = vector.broadcast %get3A_42 : vector<1x4096xf32> to vector<800x4096xf32>
    %add3A_44 = arith.addf %mul3A_39, %add3A_43 : vector<800x4096xf32>
    %exp3A = math.exp %add3A_44 : vector<800x4096xf32>
    %slice3A = vector.extract_strided_slice %exp3A {offsets = [0, 0], sizes = [800, 512], strides = [1, 1]} : vector<800x4096xf32> to vector<800x512xf32>
    %reduce_sum3A = arith.constant dense<0.000000e+00> : vector<800xf32>
    %reduce_sum3A_45 = vector.multi_reduction <add>, %slice3A, %reduce_sum3A [1] : vector<800x512xf32> to vector<800xf32>
    %broadcast_in_dim3A_46 = vector.shape_cast %reduce_sum3A_45 : vector<800xf32> to vector<800x1xf32>
    %div3A_47 = vector.broadcast %broadcast_in_dim3A_46 : vector<800x1xf32> to vector<800x512xf32>
    %div3A_48 = arith.divf %slice3A, %div3A_47 : vector<800x512xf32>
    %slice3A_49 = vector.extract_strided_slice %exp3A {offsets = [0, 512], sizes = [800, 256], strides = [1, 1]} : vector<800x4096xf32> to vector<800x256xf32>
    %reduce_sum3A_50 = arith.constant dense<0.000000e+00> : vector<800xf32>
    %reduce_sum3A_51 = vector.multi_reduction <add>, %slice3A_49, %reduce_sum3A_50 [1] : vector<800x256xf32> to vector<800xf32>
    %broadcast_in_dim3A_52 = vector.shape_cast %reduce_sum3A_51 : vector<800xf32> to vector<800x1xf32>
    %div3A_53 = vector.broadcast %broadcast_in_dim3A_52 : vector<800x1xf32> to vector<800x256xf32>
    %div3A_54 = arith.divf %slice3A_49, %div3A_53 : vector<800x256xf32>
    %slice3A_55 = vector.extract_strided_slice %exp3A {offsets = [0, 768], sizes = [800, 256], strides = [1, 1]} : vector<800x4096xf32> to vector<800x256xf32>
    %reduce_sum3A_56 = arith.constant dense<0.000000e+00> : vector<800xf32>
    %reduce_sum3A_57 = vector.multi_reduction <add>, %slice3A_55, %reduce_sum3A_56 [1] : vector<800x256xf32> to vector<800xf32>
    %broadcast_in_dim3A_58 = vector.shape_cast %reduce_sum3A_57 : vector<800xf32> to vector<800x1xf32>
    %div3A_59 = vector.broadcast %broadcast_in_dim3A_58 : vector<800x1xf32> to vector<800x256xf32>
    %div3A_60 = arith.divf %slice3A_55, %div3A_59 : vector<800x256xf32>
    %slice3A_61 = vector.extract_strided_slice %exp3A {offsets = [0, 1024], sizes = [800, 512], strides = [1, 1]} : vector<800x4096xf32> to vector<800x512xf32>
    %reduce_sum3A_62 = arith.constant dense<0.000000e+00> : vector<800xf32>
    %reduce_sum3A_63 = vector.multi_reduction <add>, %slice3A_61, %reduce_sum3A_62 [1] : vector<800x512xf32> to vector<800xf32>
    %broadcast_in_dim3A_64 = vector.shape_cast %reduce_sum3A_63 : vector<800xf32> to vector<800x1xf32>
    %div3A_65 = vector.broadcast %broadcast_in_dim3A_64 : vector<800x1xf32> to vector<800x512xf32>
    %div3A_66 = arith.divf %slice3A_61, %div3A_65 : vector<800x512xf32>
    %slice3A_67 = vector.extract_strided_slice %exp3A {offsets = [0, 1536], sizes = [800, 256], strides = [1, 1]} : vector<800x4096xf32> to vector<800x256xf32>
    %reduce_sum3A_68 = arith.constant dense<0.000000e+00> : vector<800xf32>
    %reduce_sum3A_69 = vector.multi_reduction <add>, %slice3A_67, %reduce_sum3A_68 [1] : vector<800x256xf32> to vector<800xf32>
    %broadcast_in_dim3A_70 = vector.shape_cast %reduce_sum3A_69 : vector<800xf32> to vector<800x1xf32>
    %div3A_71 = vector.broadcast %broadcast_in_dim3A_70 : vector<800x1xf32> to vector<800x256xf32>
    %div3A_72 = arith.divf %slice3A_67, %div3A_71 : vector<800x256xf32>
    %slice3A_73 = vector.extract_strided_slice %exp3A {offsets = [0, 1792], sizes = [800, 256], strides = [1, 1]} : vector<800x4096xf32> to vector<800x256xf32>
    %reduce_sum3A_74 = arith.constant dense<0.000000e+00> : vector<800xf32>
    %reduce_sum3A_75 = vector.multi_reduction <add>, %slice3A_73, %reduce_sum3A_74 [1] : vector<800x256xf32> to vector<800xf32>
    %broadcast_in_dim3A_76 = vector.shape_cast %reduce_sum3A_75 : vector<800xf32> to vector<800x1xf32>
    %div3A_77 = vector.broadcast %broadcast_in_dim3A_76 : vector<800x1xf32> to vector<800x256xf32>
    %div3A_78 = arith.divf %slice3A_73, %div3A_77 : vector<800x256xf32>
    %slice3A_79 = vector.extract_strided_slice %exp3A {offsets = [0, 2048], sizes = [800, 512], strides = [1, 1]} : vector<800x4096xf32> to vector<800x512xf32>
    %reduce_sum3A_80 = arith.constant dense<0.000000e+00> : vector<800xf32>
    %reduce_sum3A_81 = vector.multi_reduction <add>, %slice3A_79, %reduce_sum3A_80 [1] : vector<800x512xf32> to vector<800xf32>
    %broadcast_in_dim3A_82 = vector.shape_cast %reduce_sum3A_81 : vector<800xf32> to vector<800x1xf32>
    %div3A_83 = vector.broadcast %broadcast_in_dim3A_82 : vector<800x1xf32> to vector<800x512xf32>
    %div3A_84 = arith.divf %slice3A_79, %div3A_83 : vector<800x512xf32>
    %slice3A_85 = vector.extract_strided_slice %exp3A {offsets = [0, 2560], sizes = [800, 256], strides = [1, 1]} : vector<800x4096xf32> to vector<800x256xf32>
    %reduce_sum3A_86 = arith.constant dense<0.000000e+00> : vector<800xf32>
    %reduce_sum3A_87 = vector.multi_reduction <add>, %slice3A_85, %reduce_sum3A_86 [1] : vector<800x256xf32> to vector<800xf32>
    %broadcast_in_dim3A_88 = vector.shape_cast %reduce_sum3A_87 : vector<800xf32> to vector<800x1xf32>
    %div3A_89 = vector.broadcast %broadcast_in_dim3A_88 : vector<800x1xf32> to vector<800x256xf32>
    %div3A_90 = arith.divf %slice3A_85, %div3A_89 : vector<800x256xf32>
    %slice3A_91 = vector.extract_strided_slice %exp3A {offsets = [0, 2816], sizes = [800, 256], strides = [1, 1]} : vector<800x4096xf32> to vector<800x256xf32>
    %reduce_sum3A_92 = arith.constant dense<0.000000e+00> : vector<800xf32>
    %reduce_sum3A_93 = vector.multi_reduction <add>, %slice3A_91, %reduce_sum3A_92 [1] : vector<800x256xf32> to vector<800xf32>
    %broadcast_in_dim3A_94 = vector.shape_cast %reduce_sum3A_93 : vector<800xf32> to vector<800x1xf32>
    %div3A_95 = vector.broadcast %broadcast_in_dim3A_94 : vector<800x1xf32> to vector<800x256xf32>
    %div3A_96 = arith.divf %slice3A_91, %div3A_95 : vector<800x256xf32>
    %slice3A_97 = vector.extract_strided_slice %exp3A {offsets = [0, 3072], sizes = [800, 512], strides = [1, 1]} : vector<800x4096xf32> to vector<800x512xf32>
    %reduce_sum3A_98 = arith.constant dense<0.000000e+00> : vector<800xf32>
    %reduce_sum3A_99 = vector.multi_reduction <add>, %slice3A_97, %reduce_sum3A_98 [1] : vector<800x512xf32> to vector<800xf32>
    %broadcast_in_dim3A_100 = vector.shape_cast %reduce_sum3A_99 : vector<800xf32> to vector<800x1xf32>
    %div3A_101 = vector.broadcast %broadcast_in_dim3A_100 : vector<800x1xf32> to vector<800x512xf32>
    %div3A_102 = arith.divf %slice3A_97, %div3A_101 : vector<800x512xf32>
    %slice3A_103 = vector.extract_strided_slice %exp3A {offsets = [0, 3584], sizes = [800, 256], strides = [1, 1]} : vector<800x4096xf32> to vector<800x256xf32>
    %reduce_sum3A_104 = arith.constant dense<0.000000e+00> : vector<800xf32>
    %reduce_sum3A_105 = vector.multi_reduction <add>, %slice3A_103, %reduce_sum3A_104 [1] : vector<800x256xf32> to vector<800xf32>
    %broadcast_in_dim3A_106 = vector.shape_cast %reduce_sum3A_105 : vector<800xf32> to vector<800x1xf32>
    %div3A_107 = vector.broadcast %broadcast_in_dim3A_106 : vector<800x1xf32> to vector<800x256xf32>
    %div3A_108 = arith.divf %slice3A_103, %div3A_107 : vector<800x256xf32>
    %slice3A_109 = vector.extract_strided_slice %exp3A {offsets = [0, 3840], sizes = [800, 256], strides = [1, 1]} : vector<800x4096xf32> to vector<800x256xf32>
    %reduce_sum3A_110 = arith.constant dense<0.000000e+00> : vector<800xf32>
    %reduce_sum3A_111 = vector.multi_reduction <add>, %slice3A_109, %reduce_sum3A_110 [1] : vector<800x256xf32> to vector<800xf32>
    %broadcast_in_dim3A_112 = vector.shape_cast %reduce_sum3A_111 : vector<800xf32> to vector<800x1xf32>
    %div3A_113 = vector.broadcast %broadcast_in_dim3A_112 : vector<800x1xf32> to vector<800x256xf32>
    %div3A_114 = arith.divf %slice3A_109, %div3A_113 : vector<800x256xf32>
    %concatenate3A = tpu.concatenate %div3A_48, %div3A_54, %div3A_60, %div3A_66, %div3A_72, %div3A_78, %div3A_84, %div3A_90, %div3A_96, %div3A_102, %div3A_108, %div3A_114 in 1 : vector<800x512xf32>, vector<800x256xf32>, vector<800x256xf32>, vector<800x512xf32>, vector<800x256xf32>, vector<800x256xf32>, vector<800x512xf32>, vector<800x256xf32>, vector<800x256xf32>, vector<800x512xf32>, vector<800x256xf32>, vector<800x256xf32> -> vector<800x4096xf32>
    %convert_element_type3A_115 = arith.truncf %concatenate3A : vector<800x4096xf32> to vector<800x4096xbf16>
    %get3A_116 = arith.constant 0 : index
    %get3A_117 = arith.constant 0 : index
    %get3A_118 = arith.constant 0 : index
    %get3A_119 = vector.load %arg6[%get3A_116, %get3A_117, %get3A_118] : memref<1x4096x128xbf16, #tpu.memory_space<vmem>>, vector<1x4096x128xbf16>
    %get3A_120 = vector.shape_cast %get3A_119 : vector<1x4096x128xbf16> to vector<4096x128xbf16>
    %dot_general3A_121 = arith.constant dense<0.000000e+00> : vector<800x128xf32>
    %dot_general3A_122 = tpu.matmul %convert_element_type3A_115, %get3A_120, %dot_general3A_121 {dimension_numbers = #tpu.dot_dimension_numbers<[1], [0], [0], [1], [0, 0, 1, 1], [], []>, transpose_lhs_hint = false} : vector<800x4096xbf16>, vector<4096x128xbf16>, vector<800x128xf32> -> vector<800x128xf32>
    %swap3A = arith.constant 0 : index
    %swap3A_123 = arith.constant 0 : index
    %swap3A_124 = arith.constant 0 : index
    %swap3A_125 = vector.load %arg8[%swap3A, %swap3A_123, %swap3A_124] : memref<1x800x128xf32, #tpu.memory_space<vmem>>, vector<1x800x128xf32>
    %swap3A_126 = vector.shape_cast %swap3A_125 : vector<1x800x128xf32> to vector<800x128xf32>
    %swap3A_127 = vector.shape_cast %dot_general3A_122 : vector<800x128xf32> to vector<1x800x128xf32>
    tpu.vector_store %arg8[%swap3A, %swap3A_123, %swap3A_124], %swap3A_127 {strides = array<i32>} : memref<1x800x128xf32, #tpu.memory_space<vmem>>, vector<1x800x128xf32>,
    return
  }
  func.func @transform_0(%arg0: i32, %arg1: i32) -> (i32, i32, i32) {
    %c0_i32 = arith.constant 0 : i32
    %c0_i32_0 = arith.constant 0 : i32
    return %arg0, %arg1, %c0_i32 : i32, i32, i32
  }
  func.func @transform_1(%arg0: i32, %arg1: i32) -> (i32, i32) {
    %c0_i32 = arith.constant 0 : i32
    %c0_i32_0 = arith.constant 0 : i32
    %c0_i32_1 = arith.constant 0 : i32
    return %c0_i32, %c0_i32_0 : i32, i32
  }
  func.func @transform_2(%arg0: i32, %arg1: i32) -> (i32, i32) {
    %c0_i32 = arith.constant 0 : i32
    %c0_i32_0 = arith.constant 0 : i32
    %c0_i32_1 = arith.constant 0 : i32
    return %c0_i32, %c0_i32_0 : i32, i32
  }
  func.func @transform_3(%arg0: i32, %arg1: i32) -> (i32, i32, i32) {
    %c0_i32 = arith.constant 0 : i32
    %c0_i32_0 = arith.constant 0 : i32
    %c0_i32_1 = arith.constant 0 : i32
    return %arg0, %c0_i32, %c0_i32_0 : i32, i32, i32
  }
  func.func @transform_4(%arg0: i32, %arg1: i32) -> (i32, i32, i32) {
    %c0_i32 = arith.constant 0 : i32
    %c0_i32_0 = arith.constant 0 : i32
    %c0_i32_1 = arith.constant 0 : i32
    return %arg0, %c0_i32, %c0_i32_0 : i32, i32, i32
  }
  func.func @transform_5(%arg0: i32, %arg1: i32) -> (i32, i32) {
    %c0_i32 = arith.constant 0 : i32
    %c0_i32_0 = arith.constant 0 : i32
    %c0_i32_1 = arith.constant 0 : i32
    return %c0_i32, %c0_i32_0 : i32, i32
  }
  func.func @transform_6(%arg0: i32, %arg1: i32) -> (i32, i32, i32) {
    %c0_i32 = arith.constant 0 : i32
    %c0_i32_0 = arith.constant 0 : i32
    return %arg0, %arg1, %c0_i32 : i32, i32, i32
  }
}

module attributes {stable_mosaic.version = 14 : i64} {
  func.func @_attn_fold_body(%arg0: i32, %arg1: i32, %arg2: memref<1x576x256xf32, #tpu.memory_space<vmem>>, %arg3: memref<1x256xf32, #tpu.memory_space<vmem>>, %arg4: memref<1x256xf32, #tpu.memory_space<vmem>>, %arg5: memref<1x256x4096xbf16, #tpu.memory_space<vmem>>, %arg6: memref<1x4096x256xbf16, #tpu.memory_space<vmem>>, %arg7: memref<1x4096xf32, #tpu.memory_space<vmem>>, %arg8: memref<1x576x256xf32, #tpu.memory_space<vmem>>) attributes {dimension_semantics = [#tpu.dimension_semantics<arbitrary>, #tpu.dimension_semantics<arbitrary>], iteration_bounds = array<i64: 2, 1>, scalar_prefetch = 0 : i64, scratch_operands = 0 : i64, tpu.core_type = #tpu.core_type<tc>, window_params = [{transform_indices = @transform_0, window_bounds = array<i64: 1, 576, 256>}, {pipeline_mode = #tpu.pipeline_mode<synchronous>, transform_indices = @transform_1, window_bounds = array<i64: 1, 256>}, {pipeline_mode = #tpu.pipeline_mode<synchronous>, transform_indices = @transform_2, window_bounds = array<i64: 1, 256>}, {transform_indices = @transform_3, window_bounds = array<i64: 1, 256, 4096>}, {transform_indices = @transform_4, window_bounds = array<i64: 1, 4096, 256>}, {pipeline_mode = #tpu.pipeline_mode<synchronous>, transform_indices = @transform_5, window_bounds = array<i64: 1, 4096>}, {transform_indices = @transform_6, window_bounds = array<i64: 1, 576, 256>}]} {
    %get3A = arith.constant 0 : index
    %get3A_0 = arith.constant 0 : index
    %get3A_1 = arith.constant 0 : index
    %get3A_2 = vector.load %arg2[%get3A, %get3A_0, %get3A_1] : memref<1x576x256xf32, #tpu.memory_space<vmem>>, vector<1x576x256xf32>
    %get3A_3 = vector.shape_cast %get3A_2 : vector<1x576x256xf32> to vector<576x256xf32>
    %broadcast_in_dim3A = arith.constant 1.000000e+00 : f32
    %broadcast_in_dim3A_4 = vector.broadcast %broadcast_in_dim3A : f32 to vector<256x1xf32>
    %dot_general3A = arith.constant dense<0.000000e+00> : vector<576x1xf32>
    %dot_general3A_5 = tpu.matmul %get3A_3, %broadcast_in_dim3A_4, %dot_general3A {dimension_numbers = #tpu.dot_dimension_numbers<[1], [0], [0], [1], [0, 0, 1, 1], [], []>, transpose_lhs_hint = false} : vector<576x256xf32>, vector<256x1xf32>, vector<576x1xf32> -> vector<576x1xf32>
    %mul3A = arith.mulf %get3A_3, %get3A_3 : vector<576x256xf32>
    %dot_general3A_6 = arith.constant dense<0.000000e+00> : vector<576x1xf32>
    %dot_general3A_7 = tpu.matmul %mul3A, %broadcast_in_dim3A_4, %dot_general3A_6 {dimension_numbers = #tpu.dot_dimension_numbers<[1], [0], [0], [1], [0, 0, 1, 1], [], []>, transpose_lhs_hint = false} : vector<576x256xf32>, vector<256x1xf32>, vector<576x1xf32> -> vector<576x1xf32>
    %div3A = arith.constant 2.560000e+02 : f32
    %div3A_8 = vector.broadcast %div3A : f32 to vector<576x1xf32>
    %div3A_9 = arith.divf %dot_general3A_5, %div3A_8 : vector<576x1xf32>
    %div3A_10 = arith.constant 2.560000e+02 : f32
    %div3A_11 = vector.broadcast %div3A_10 : f32 to vector<576x1xf32>
    %div3A_12 = arith.divf %dot_general3A_7, %div3A_11 : vector<576x1xf32>
    %mul3A_13 = arith.mulf %div3A_9, %div3A_9 : vector<576x1xf32>
    %sub3A = arith.subf %div3A_12, %mul3A_13 : vector<576x1xf32>
    %sub3A_14 = vector.broadcast %div3A_9 : vector<576x1xf32> to vector<576x256xf32>
    %sub3A_15 = arith.subf %get3A_3, %sub3A_14 : vector<576x256xf32>
    %add3A = arith.constant 9.99999974E-6 : f32
    %add3A_16 = vector.broadcast %add3A : f32 to vector<576x1xf32>
    %add3A_17 = arith.addf %sub3A, %add3A_16 : vector<576x1xf32>
    %rsqrt3A = math.rsqrt %add3A_17 : vector<576x1xf32>
    %mul3A_18 = vector.broadcast %rsqrt3A : vector<576x1xf32> to vector<576x256xf32>
    %mul3A_19 = arith.mulf %sub3A_15, %mul3A_18 : vector<576x256xf32>
    %get3A_20 = arith.constant 0 : index
    %get3A_21 = arith.constant 0 : index
    %get3A_22 = vector.load %arg3[%get3A_20, %get3A_21] : memref<1x256xf32, #tpu.memory_space<vmem>>, vector<1x256xf32>
    %mul3A_23 = vector.broadcast %get3A_22 : vector<1x256xf32> to vector<576x256xf32>
    %mul3A_24 = arith.mulf %mul3A_19, %mul3A_23 : vector<576x256xf32>
    %get3A_25 = arith.constant 0 : index
    %get3A_26 = arith.constant 0 : index
    %get3A_27 = vector.load %arg4[%get3A_25, %get3A_26] : memref<1x256xf32, #tpu.memory_space<vmem>>, vector<1x256xf32>
    %add3A_28 = vector.broadcast %get3A_27 : vector<1x256xf32> to vector<576x256xf32>
    %add3A_29 = arith.addf %mul3A_24, %add3A_28 : vector<576x256xf32>
    %convert_element_type3A = arith.truncf %add3A_29 : vector<576x256xf32> to vector<576x256xbf16>
    %get3A_30 = arith.constant 0 : index
    %get3A_31 = arith.constant 0 : index
    %get3A_32 = arith.constant 0 : index
    %get3A_33 = vector.load %arg5[%get3A_30, %get3A_31, %get3A_32] : memref<1x256x4096xbf16, #tpu.memory_space<vmem>>, vector<1x256x4096xbf16>
    %get3A_34 = vector.shape_cast %get3A_33 : vector<1x256x4096xbf16> to vector<256x4096xbf16>
    %dot_general3A_35 = arith.constant dense<0.000000e+00> : vector<576x4096xf32>
    %dot_general3A_36 = tpu.matmul %convert_element_type3A, %get3A_34, %dot_general3A_35 {dimension_numbers = #tpu.dot_dimension_numbers<[1], [0], [0], [1], [0, 0, 1, 1], [], []>, transpose_lhs_hint = false} : vector<576x256xbf16>, vector<256x4096xbf16>, vector<576x4096xf32> -> vector<576x4096xf32>
    %mul3A_37 = arith.constant 6.250000e-02 : f32
    %mul3A_38 = vector.broadcast %mul3A_37 : f32 to vector<576x4096xf32>
    %mul3A_39 = arith.mulf %dot_general3A_36, %mul3A_38 : vector<576x4096xf32>
    %get3A_40 = arith.constant 0 : index
    %get3A_41 = arith.constant 0 : index
    %get3A_42 = vector.load %arg7[%get3A_40, %get3A_41] : memref<1x4096xf32, #tpu.memory_space<vmem>>, vector<1x4096xf32>
    %add3A_43 = vector.broadcast %get3A_42 : vector<1x4096xf32> to vector<576x4096xf32>
    %add3A_44 = arith.addf %mul3A_39, %add3A_43 : vector<576x4096xf32>
    %exp3A = math.exp %add3A_44 : vector<576x4096xf32>
    %slice3A = vector.extract_strided_slice %exp3A {offsets = [0, 0], sizes = [576, 512], strides = [1, 1]} : vector<576x4096xf32> to vector<576x512xf32>
    %reduce_sum3A = arith.constant dense<0.000000e+00> : vector<576xf32>
    %reduce_sum3A_45 = vector.multi_reduction <add>, %slice3A, %reduce_sum3A [1] : vector<576x512xf32> to vector<576xf32>
    %broadcast_in_dim3A_46 = vector.shape_cast %reduce_sum3A_45 : vector<576xf32> to vector<576x1xf32>
    %div3A_47 = vector.broadcast %broadcast_in_dim3A_46 : vector<576x1xf32> to vector<576x512xf32>
    %div3A_48 = arith.divf %slice3A, %div3A_47 : vector<576x512xf32>
    %slice3A_49 = vector.extract_strided_slice %exp3A {offsets = [0, 512], sizes = [576, 256], strides = [1, 1]} : vector<576x4096xf32> to vector<576x256xf32>
    %reduce_sum3A_50 = arith.constant dense<0.000000e+00> : vector<576xf32>
    %reduce_sum3A_51 = vector.multi_reduction <add>, %slice3A_49, %reduce_sum3A_50 [1] : vector<576x256xf32> to vector<576xf32>
    %broadcast_in_dim3A_52 = vector.shape_cast %reduce_sum3A_51 : vector<576xf32> to vector<576x1xf32>
    %div3A_53 = vector.broadcast %broadcast_in_dim3A_52 : vector<576x1xf32> to vector<576x256xf32>
    %div3A_54 = arith.divf %slice3A_49, %div3A_53 : vector<576x256xf32>
    %slice3A_55 = vector.extract_strided_slice %exp3A {offsets = [0, 768], sizes = [576, 256], strides = [1, 1]} : vector<576x4096xf32> to vector<576x256xf32>
    %reduce_sum3A_56 = arith.constant dense<0.000000e+00> : vector<576xf32>
    %reduce_sum3A_57 = vector.multi_reduction <add>, %slice3A_55, %reduce_sum3A_56 [1] : vector<576x256xf32> to vector<576xf32>
    %broadcast_in_dim3A_58 = vector.shape_cast %reduce_sum3A_57 : vector<576xf32> to vector<576x1xf32>
    %div3A_59 = vector.broadcast %broadcast_in_dim3A_58 : vector<576x1xf32> to vector<576x256xf32>
    %div3A_60 = arith.divf %slice3A_55, %div3A_59 : vector<576x256xf32>
    %slice3A_61 = vector.extract_strided_slice %exp3A {offsets = [0, 1024], sizes = [576, 512], strides = [1, 1]} : vector<576x4096xf32> to vector<576x512xf32>
    %reduce_sum3A_62 = arith.constant dense<0.000000e+00> : vector<576xf32>
    %reduce_sum3A_63 = vector.multi_reduction <add>, %slice3A_61, %reduce_sum3A_62 [1] : vector<576x512xf32> to vector<576xf32>
    %broadcast_in_dim3A_64 = vector.shape_cast %reduce_sum3A_63 : vector<576xf32> to vector<576x1xf32>
    %div3A_65 = vector.broadcast %broadcast_in_dim3A_64 : vector<576x1xf32> to vector<576x512xf32>
    %div3A_66 = arith.divf %slice3A_61, %div3A_65 : vector<576x512xf32>
    %slice3A_67 = vector.extract_strided_slice %exp3A {offsets = [0, 1536], sizes = [576, 256], strides = [1, 1]} : vector<576x4096xf32> to vector<576x256xf32>
    %reduce_sum3A_68 = arith.constant dense<0.000000e+00> : vector<576xf32>
    %reduce_sum3A_69 = vector.multi_reduction <add>, %slice3A_67, %reduce_sum3A_68 [1] : vector<576x256xf32> to vector<576xf32>
    %broadcast_in_dim3A_70 = vector.shape_cast %reduce_sum3A_69 : vector<576xf32> to vector<576x1xf32>
    %div3A_71 = vector.broadcast %broadcast_in_dim3A_70 : vector<576x1xf32> to vector<576x256xf32>
    %div3A_72 = arith.divf %slice3A_67, %div3A_71 : vector<576x256xf32>
    %slice3A_73 = vector.extract_strided_slice %exp3A {offsets = [0, 1792], sizes = [576, 256], strides = [1, 1]} : vector<576x4096xf32> to vector<576x256xf32>
    %reduce_sum3A_74 = arith.constant dense<0.000000e+00> : vector<576xf32>
    %reduce_sum3A_75 = vector.multi_reduction <add>, %slice3A_73, %reduce_sum3A_74 [1] : vector<576x256xf32> to vector<576xf32>
    %broadcast_in_dim3A_76 = vector.shape_cast %reduce_sum3A_75 : vector<576xf32> to vector<576x1xf32>
    %div3A_77 = vector.broadcast %broadcast_in_dim3A_76 : vector<576x1xf32> to vector<576x256xf32>
    %div3A_78 = arith.divf %slice3A_73, %div3A_77 : vector<576x256xf32>
    %slice3A_79 = vector.extract_strided_slice %exp3A {offsets = [0, 2048], sizes = [576, 512], strides = [1, 1]} : vector<576x4096xf32> to vector<576x512xf32>
    %reduce_sum3A_80 = arith.constant dense<0.000000e+00> : vector<576xf32>
    %reduce_sum3A_81 = vector.multi_reduction <add>, %slice3A_79, %reduce_sum3A_80 [1] : vector<576x512xf32> to vector<576xf32>
    %broadcast_in_dim3A_82 = vector.shape_cast %reduce_sum3A_81 : vector<576xf32> to vector<576x1xf32>
    %div3A_83 = vector.broadcast %broadcast_in_dim3A_82 : vector<576x1xf32> to vector<576x512xf32>
    %div3A_84 = arith.divf %slice3A_79, %div3A_83 : vector<576x512xf32>
    %slice3A_85 = vector.extract_strided_slice %exp3A {offsets = [0, 2560], sizes = [576, 256], strides = [1, 1]} : vector<576x4096xf32> to vector<576x256xf32>
    %reduce_sum3A_86 = arith.constant dense<0.000000e+00> : vector<576xf32>
    %reduce_sum3A_87 = vector.multi_reduction <add>, %slice3A_85, %reduce_sum3A_86 [1] : vector<576x256xf32> to vector<576xf32>
    %broadcast_in_dim3A_88 = vector.shape_cast %reduce_sum3A_87 : vector<576xf32> to vector<576x1xf32>
    %div3A_89 = vector.broadcast %broadcast_in_dim3A_88 : vector<576x1xf32> to vector<576x256xf32>
    %div3A_90 = arith.divf %slice3A_85, %div3A_89 : vector<576x256xf32>
    %slice3A_91 = vector.extract_strided_slice %exp3A {offsets = [0, 2816], sizes = [576, 256], strides = [1, 1]} : vector<576x4096xf32> to vector<576x256xf32>
    %reduce_sum3A_92 = arith.constant dense<0.000000e+00> : vector<576xf32>
    %reduce_sum3A_93 = vector.multi_reduction <add>, %slice3A_91, %reduce_sum3A_92 [1] : vector<576x256xf32> to vector<576xf32>
    %broadcast_in_dim3A_94 = vector.shape_cast %reduce_sum3A_93 : vector<576xf32> to vector<576x1xf32>
    %div3A_95 = vector.broadcast %broadcast_in_dim3A_94 : vector<576x1xf32> to vector<576x256xf32>
    %div3A_96 = arith.divf %slice3A_91, %div3A_95 : vector<576x256xf32>
    %slice3A_97 = vector.extract_strided_slice %exp3A {offsets = [0, 3072], sizes = [576, 512], strides = [1, 1]} : vector<576x4096xf32> to vector<576x512xf32>
    %reduce_sum3A_98 = arith.constant dense<0.000000e+00> : vector<576xf32>
    %reduce_sum3A_99 = vector.multi_reduction <add>, %slice3A_97, %reduce_sum3A_98 [1] : vector<576x512xf32> to vector<576xf32>
    %broadcast_in_dim3A_100 = vector.shape_cast %reduce_sum3A_99 : vector<576xf32> to vector<576x1xf32>
    %div3A_101 = vector.broadcast %broadcast_in_dim3A_100 : vector<576x1xf32> to vector<576x512xf32>
    %div3A_102 = arith.divf %slice3A_97, %div3A_101 : vector<576x512xf32>
    %slice3A_103 = vector.extract_strided_slice %exp3A {offsets = [0, 3584], sizes = [576, 256], strides = [1, 1]} : vector<576x4096xf32> to vector<576x256xf32>
    %reduce_sum3A_104 = arith.constant dense<0.000000e+00> : vector<576xf32>
    %reduce_sum3A_105 = vector.multi_reduction <add>, %slice3A_103, %reduce_sum3A_104 [1] : vector<576x256xf32> to vector<576xf32>
    %broadcast_in_dim3A_106 = vector.shape_cast %reduce_sum3A_105 : vector<576xf32> to vector<576x1xf32>
    %div3A_107 = vector.broadcast %broadcast_in_dim3A_106 : vector<576x1xf32> to vector<576x256xf32>
    %div3A_108 = arith.divf %slice3A_103, %div3A_107 : vector<576x256xf32>
    %slice3A_109 = vector.extract_strided_slice %exp3A {offsets = [0, 3840], sizes = [576, 256], strides = [1, 1]} : vector<576x4096xf32> to vector<576x256xf32>
    %reduce_sum3A_110 = arith.constant dense<0.000000e+00> : vector<576xf32>
    %reduce_sum3A_111 = vector.multi_reduction <add>, %slice3A_109, %reduce_sum3A_110 [1] : vector<576x256xf32> to vector<576xf32>
    %broadcast_in_dim3A_112 = vector.shape_cast %reduce_sum3A_111 : vector<576xf32> to vector<576x1xf32>
    %div3A_113 = vector.broadcast %broadcast_in_dim3A_112 : vector<576x1xf32> to vector<576x256xf32>
    %div3A_114 = arith.divf %slice3A_109, %div3A_113 : vector<576x256xf32>
    %concatenate3A = tpu.concatenate %div3A_48, %div3A_54, %div3A_60, %div3A_66, %div3A_72, %div3A_78, %div3A_84, %div3A_90, %div3A_96, %div3A_102, %div3A_108, %div3A_114 in 1 : vector<576x512xf32>, vector<576x256xf32>, vector<576x256xf32>, vector<576x512xf32>, vector<576x256xf32>, vector<576x256xf32>, vector<576x512xf32>, vector<576x256xf32>, vector<576x256xf32>, vector<576x512xf32>, vector<576x256xf32>, vector<576x256xf32> -> vector<576x4096xf32>
    %convert_element_type3A_115 = arith.truncf %concatenate3A : vector<576x4096xf32> to vector<576x4096xbf16>
    %get3A_116 = arith.constant 0 : index
    %get3A_117 = arith.constant 0 : index
    %get3A_118 = arith.constant 0 : index
    %get3A_119 = vector.load %arg6[%get3A_116, %get3A_117, %get3A_118] : memref<1x4096x256xbf16, #tpu.memory_space<vmem>>, vector<1x4096x256xbf16>
    %get3A_120 = vector.shape_cast %get3A_119 : vector<1x4096x256xbf16> to vector<4096x256xbf16>
    %dot_general3A_121 = arith.constant dense<0.000000e+00> : vector<576x256xf32>
    %dot_general3A_122 = tpu.matmul %convert_element_type3A_115, %get3A_120, %dot_general3A_121 {dimension_numbers = #tpu.dot_dimension_numbers<[1], [0], [0], [1], [0, 0, 1, 1], [], []>, transpose_lhs_hint = false} : vector<576x4096xbf16>, vector<4096x256xbf16>, vector<576x256xf32> -> vector<576x256xf32>
    %swap3A = arith.constant 0 : index
    %swap3A_123 = arith.constant 0 : index
    %swap3A_124 = arith.constant 0 : index
    %swap3A_125 = vector.load %arg8[%swap3A, %swap3A_123, %swap3A_124] : memref<1x576x256xf32, #tpu.memory_space<vmem>>, vector<1x576x256xf32>
    %swap3A_126 = vector.shape_cast %swap3A_125 : vector<1x576x256xf32> to vector<576x256xf32>
    %swap3A_127 = vector.shape_cast %dot_general3A_122 : vector<576x256xf32> to vector<1x576x256xf32>
    tpu.vector_store %arg8[%swap3A, %swap3A_123, %swap3A_124], %swap3A_127 {strides = array<i32>} : memref<1x576x256xf32, #tpu.memory_space<vmem>>, vector<1x576x256xf32>,
    return
  }
  func.func @transform_0(%arg0: i32, %arg1: i32) -> (i32, i32, i32) {
    %c0_i32 = arith.constant 0 : i32
    %c0_i32_0 = arith.constant 0 : i32
    return %arg0, %arg1, %c0_i32 : i32, i32, i32
  }
  func.func @transform_1(%arg0: i32, %arg1: i32) -> (i32, i32) {
    %c0_i32 = arith.constant 0 : i32
    %c0_i32_0 = arith.constant 0 : i32
    %c0_i32_1 = arith.constant 0 : i32
    return %c0_i32, %c0_i32_0 : i32, i32
  }
  func.func @transform_2(%arg0: i32, %arg1: i32) -> (i32, i32) {
    %c0_i32 = arith.constant 0 : i32
    %c0_i32_0 = arith.constant 0 : i32
    %c0_i32_1 = arith.constant 0 : i32
    return %c0_i32, %c0_i32_0 : i32, i32
  }
  func.func @transform_3(%arg0: i32, %arg1: i32) -> (i32, i32, i32) {
    %c0_i32 = arith.constant 0 : i32
    %c0_i32_0 = arith.constant 0 : i32
    %c0_i32_1 = arith.constant 0 : i32
    return %arg0, %c0_i32, %c0_i32_0 : i32, i32, i32
  }
  func.func @transform_4(%arg0: i32, %arg1: i32) -> (i32, i32, i32) {
    %c0_i32 = arith.constant 0 : i32
    %c0_i32_0 = arith.constant 0 : i32
    %c0_i32_1 = arith.constant 0 : i32
    return %arg0, %c0_i32, %c0_i32_0 : i32, i32, i32
  }
  func.func @transform_5(%arg0: i32, %arg1: i32) -> (i32, i32) {
    %c0_i32 = arith.constant 0 : i32
    %c0_i32_0 = arith.constant 0 : i32
    %c0_i32_1 = arith.constant 0 : i32
    return %c0_i32, %c0_i32_0 : i32, i32
  }
  func.func @transform_6(%arg0: i32, %arg1: i32) -> (i32, i32, i32) {
    %c0_i32 = arith.constant 0 : i32
    %c0_i32_0 = arith.constant 0 : i32
    return %arg0, %arg1, %c0_i32 : i32, i32, i32
  }
}

</mosaic_0001>

<sc_bundles>
// kernel: kernel.18.cloned.1.call-start
scs
__scs_entry_jumppad:
0x0: {  	(pc) =	sbr.rel $0x88, $3  }
0x1: {  	(tag) =	ssettag $0x0;
	lr =	simm.s32 $0x1  }
0x2: {  	[smem:$0x3F35] =	sst lr;
	_ =	strace $0xD0000000  }
0x3: {  	_ = 	snop  }
0x4: {  	_ = 	snop  }
0x5: {  	_ = 	snop  }
0x6: {  	_ = 	snop  }
0x7: {  	_ = 	snop  }
__scs_overlays_trampoline_lowered:
0x8: {  	[smem:$0x3F44] =	sst s0  }
0x9: {  	[smem:$0x3F45] =	sst s1  }
0xa: {  	[smem:$0x3F46] =	sst s2  }
0xb: {  	[smem:$0x3F47] =	sst s3  }
0xc: {  	[smem:$0x3F48] =	sst s4  }
0xd: {  	[smem:$0x3F49] =	sst s5  }
0xe: {  	[smem:$0x3F4A] =	sst s6  }
0xf: {  	[smem:$0x3F4B] =	sst s7  }
0x10: {  	[smem:$0x3F4C] =	sst s8  }
0x11: {  	[smem:$0x3F4D] =	sst s9;
	s0 =	simm.s32 @!p0 $0x0  }
0x12: {  	s1 =	sld [smem:$0x3F33];
	s0 =	simm.s32 @p0 $0x1  }
0x13: {  	[smem:$0x3F4E] =	sst s0;
	s0 =	simm.s32 @!p1 $0x0  }
0x14: {  	s2 =	sld [smem:$0x3F32];
	s0 =	simm.s32 @p1 $0x1  }
0x15: {  	[smem:$0x3F4F] =	sst s0;
	s0 =	simm.s32 @!p2 $0x0  }
0x16: {  	s3 =	sld [smem:$0x3FDB];
	s0 =	simm.s32 @p2 $0x1  }
0x17: {  	s4 =	simm.s32 $0x1BF5;
	[smem:$0x3F51] =	sst s0  }
0x18: {  	s0 =	sld [smem:$0x3F34];
	_ =	swait.ge [sflag:s4], $0x0  }
0x19: {  	s7 =	sld [smem:$0x3F35]  }
0x1a: {  	s8 =	sadd.s32 $0xFFFFE003, lr  }
0x1b: {  	s9 =	sadd.s32 $0xFFFFFEF7, lr;
	s5 =	simm.s32 $0xFFFFFFFF;
	p2 =	slt.u32 s8, $0xFFFFF086  }
0x1c: {  	p1 =	slt.u32 s9, $0xF7A;
	s5 =	simm.s32 @!p2 $0x0  }
0x1d: {  	s5 =	simm.s32 @p1 $0x1;
	p0 =	seq.s32 s7, s2  }
0x1e: {  	s7 =	smul.u32 @!p0 $0xF7A, s2;
	p2 =	seq.s32 @!p0 s5, $0x0  }
0x1f: {  	s9 =	smul.u32 $0xF7A, s1;
	s8 =	simm.s32 @!p0 $0x1BF5;
	p2 =	por !p2, p0  }
0x20: {  	[sflag:s8] =	ssyncset.s32 @!p0 $0xFFFFF086;
	s6 =	sadd.s32 @!p0 s3, s7;
	s7 =	simm.s32 @!p0 $0x108  }
0x21: {  	s3 =	sadd.s32 s3, s9;
	s6 =	sadd.s32 @!p0 $0x88, s6;
	s7 =	simm.s32 @p2 $0x1082  }
0x22: {  	[simem:s7], [sflag:s8] =	dma.local @!p0 [hbm:s6], $0xF7A  }
0x23: {  	s9 =	sor.u32 $0xD0000000, s2;
	s6 =	simm.s32 $0x108;
	_ =	swait.ge @!p0 [sflag:s8], $0x0  }
0x24: {  	s3 =	sadd.s32 $0x88, s3;
	s6 =	simm.s32 @!p1 $0x1082;
	[sflag:s4] =	ssyncset.s32 $0xFFFFF086  }
0x25: {  	[simem:s6], [sflag:s4] =	dma.local [hbm:s3], $0xF7A  }
0x26: {  	[smem:$0x3F35] =	sst s1;
	(tag) =	ssettag s2;
	_ =	strace s9  }
0x27: {  	s1 =	sld [smem:$0x3F45]  }
0x28: {  	s2 =	sld [smem:$0x3F46]  }
0x29: {  	s4 =	sld [smem:$0x3F48]  }
0x2a: {  	p0 =	seq.s32 s5, $0x0;
	s5 =	sld [smem:$0x3F49]  }
0x2b: {  	s6 =	sld [smem:$0x3F4A]  }
0x2c: {  	s7 =	sld [smem:$0x3F4B]  }
0x2d: {  	s3 =	simm.s32 $0x108;
	s8 =	sld [smem:$0x3F4C]  }
0x2e: {  	s3 =	simm.s32 @!p0 $0x1082;
	s9 =	sld [smem:$0x3F4D]  }
0x2f: {  	lr =	sadd.s32 s0, s3;
	s0 =	sld [smem:$0x3F44]  }
0x30: {  	s3 =	sld [smem:$0x3F47]  }
0x31: {  	[smem:$0x3F50] =	sst s10  }
0x32: {  	s10 =	sld [smem:$0x3F4E];
	_ =	sdelay $0x3  }
0x33: {  	p0 =	seq.s32 s10, $0x1;
	s10 =	sld [smem:$0x3F50];
	_ =	sdelay $0x3  }
0x34: {  	[smem:$0x3F50] =	sst s10  }
0x35: {  	s10 =	sld [smem:$0x3F4F];
	_ =	sdelay $0x3  }
0x36: {  	p1 =	seq.s32 s10, $0x1;
	s10 =	sld [smem:$0x3F50];
	_ =	sdelay $0x3  }
0x37: {  	[smem:$0x3F50] =	sst s10  }
0x38: {  	s10 =	sld [smem:$0x3F51]  }
0x39: {  	_ = 	snop;
	(pc) =	sbr.ind lr, $3  }
0x3a: {  	_ = 	snop  }
0x3b: {  	_ = 	snop  }
0x3c: {  	p2 =	seq.s32 s10, $0x1;
	s10 =	sld [smem:$0x3F50]  }
0x3d: {  	_ =	shalt  }
0x3e: {  	_ =	shalt  }
0x3f: {  	_ =	shalt  }
0x40: {  	_ =	shalt  }
0x41: {  	_ =	shalt  }
0x42: {  	_ =	shalt  }
0x43: {  	_ =	shalt  }
0x44: {  	_ =	shalt  }
0x45: {  	_ =	shalt  }
0x46: {  	_ =	shalt  }
0x47: {  	_ =	shalt  }
0x48: {  	_ =	shalt  }
0x49: {  	_ =	shalt  }
0x4a: {  	_ =	shalt  }
0x4b: {  	_ =	shalt  }
0x4c: {  	_ =	shalt  }
0x4d: {  	_ =	shalt  }
0x4e: {  	_ =	shalt  }
0x4f: {  	_ =	shalt  }
0x50: {  	_ =	shalt  }
0x51: {  	_ =	shalt  }
0x52: {  	_ =	shalt  }
0x53: {  	_ =	shalt  }
0x54: {  	_ =	shalt  }
0x55: {  	_ =	shalt  }
0x56: {  	_ =	shalt  }
0x57: {  	_ =	shalt  }
0x58: {  	_ =	shalt  }
0x59: {  	_ =	shalt  }
0x5a: {  	_ =	shalt  }
0x5b: {  	_ =	shalt  }
0x5c: {  	_ =	shalt  }
0x5d: {  	_ =	shalt  }
0x5e: {  	_ =	shalt  }
0x5f: {  	_ =	shalt  }
0x60: {  	_ =	shalt  }
0x61: {  	_ =	shalt  }
0x62: {  	_ =	shalt  }
0x63: {  	_ =	shalt  }
0x64: {  	_ =	shalt  }
0x65: {  	_ =	shalt  }
0x66: {  	_ =	shalt  }
0x67: {  	_ =	shalt  }
0x68: {  	_ =	shalt  }
0x69: {  	_ =	shalt  }
0x6a: {  	_ =	shalt  }
0x6b: {  	_ =	shalt  }
0x6c: {  	_ =	shalt  }
0x6d: {  	_ =	shalt  }
0x6e: {  	_ =	shalt  }
0x6f: {  	_ =	shalt  }
0x70: {  	_ =	shalt  }
0x71: {  	_ =	shalt  }
0x72: {  	_ =	shalt  }
0x73: {  	_ =	shalt  }
0x74: {  	_ =	shalt  }
0x75: {  	_ =	shalt  }
0x76: {  	_ =	shalt  }
0x77: {  	_ =	shalt  }
0x78: {  	_ =	shalt  }
0x79: {  	_ =	shalt  }
0x7a: {  	_ =	shalt  }
0x7b: {  	_ =	shalt  }
0x7c: {  	_ =	shalt  }
0x7d: {  	_ =	shalt  }
0x7e: {  	_ =	shalt  }
0x7f: {  	_ =	shalt  }
0x80: {  	_ =	shalt  }
0x81: {  	_ =	shalt  }
0x82: {  	_ =	shalt  }
0x83: {  	_ =	shalt  }
0x84: {  	_ =	shalt  }
0x85: {  	_ =	shalt  }
0x86: {  	_ =	shalt  }
0x87: {  	_ =	shalt  }
.Lfunc_end0:
.L_simem_size_0:
called_computation_lowered:
.L_overlay_start_0:
0x88: {  	s2 =	sld [smem:$0x3FD9]  }
0x89: {  	s3 =	sld [smem:$0x3FFE];
	_ =	sdelay $0x1  }
0x8a: {  	s1 =	srdreg.scid  }
0x8b: {  	s0 =	sand.u32 $0x1, s1  }
0x8c: {  	s14 =	sshll.u32 s0, $0xA;
	s2 =	sadd.s32 s3, s2  }
0x8d: {  	s2 =	sadd.s32 s2, s14  }
0x8e: {  	[smem:$0x3F5C] =	sst s2  }
0x8f: {  	_ = 	snop  }
0x90: {  	s2 =	sld [smem:$0x3FD0];
	_ =	sdelay $0x2  }
0x91: {  	s15 =	simm.s32 $0xA;
	s4 =	simm.s32 $0x10  }
0x92: {  	[smem:s4], [sflag:s15] =	dma.local [hbm:s2], $0x1  }
0x93: {  	_ =	swait.eq [sflag:s15], $0x1  }
0x94: {  	s16 =	sld [smem:$0x10]  }
0x95: {  	s17 =	sld [smem:$0x11];
	[sflag:s15] =	ssyncset.done $0x0  }
0x96: {  	s5 =	sld [smem:$0x12];
	[sflag:s15] =	ssyncadd.s32 $0xFFFFFFFF  }
0x97: {  	s18 =	sld [smem:$0x13];
	(tm) =	ssettm $0x1  }
0x98: {  	s6 =	sld [smem:$0x3FFB];
	_ =	sdelay $0x3  }
0x99: {  	_ =	strace s6  }
0x9a: {  	s6 =	sld [smem:$0x3FFC];
	_ =	sdelay $0x3  }
0x9b: {  	_ =	strace s6  }
0x9c: {  	s6 =	sld [smem:$0x3FFD];
	_ =	sdelay $0x3  }
0x9d: {  	_ =	strace s6  }
0x9e: {  	_ =	strace $0x8FFFFFFF  }
0x9f: {  	s19 =	sld [smem:$0x3FDB];
	_ =	sdelay $0x1  }
0xa0: {  	s7 =	simm.s32 $_scs_section_size  }
0xa1: {  	s8 =	simm.s32 $_size__tile_overlayer_lowered;
	s9 =	simm.s32 $_tile_overlayer_lowered  }
0xa2: {  	s22 =	simm.s32 $0x1BFF;
	s21 =	sshll.u32 s9, $0x1;
	s6 =	sadd.s32 s7, s19  }
0xa3: {  	s10 =	simm.s32 $0x0;
	s20 =	sshll.u32 s8, $0x1;
	s8 =	sadd.s32 s21, s6  }
0xa4: {  	[timem:s10], [sflag:s22] =	dma.local [hbm:s8], s20  }
0xa5: {  	_ =	swait.ge [sflag:s22], s20  }
0xa6: {  	s7 =	ssub.s32 $0x0, s20;
	[sflag:s22] =	ssyncset.done $0x0  }
0xa7: {  	[sflag:s22] =	ssyncadd.s32 s7;
	_ =	sdelay $0x1  }
0xa8: {  	s23 =	simm.s32 $0x1B8B  }
0xa9: {  	_ =	swait.ge [sflag:s23], $0x1  }
0xaa: {  	[sflag:s23] =	ssyncset.done $0x0  }
0xab: {  	s25 =	simm.s32 $0x1B8E;
	s24 =	sld [smem:$0x3FFE];
	[sflag:s23] =	ssyncadd.s32 $0xFFFFFFFF  }
0xac: {  	s26 =	simm.s32 $execute0_lowered;
	[smem:$0x3FD2] =	sst s25  }
0xad: {  	s8 =	sshll.u32 s26, $0x1;
	_ =	strace $0x80000046;
	[dreg:$0x1] =	wrdreg $0xFFFFFFFF  }
0xae: {  	s28 =	simm.s32 $_size_execute0_lowered;
	s6 =	sadd.s32 s6, s8;
	[dreg:$0x0] =	wrdreg $0x0  }
0xaf: {  	s8 =	sshll.u32 s28, $0x1;
	[dreg:$0x2] =	wrdreg s6  }
0xb0: {  	[dreg:$0x3] =	wrdreg s8  }
0xb1: {  	[dreg:$0x4] =	wrdreg $0xC0  }
0xb2: {  	_ =	task [dreg:s10], $0x5FFFF  }
0xb3: {  	[dreg:$0x1] =	wrdreg $0xFFFFFFFF  }
0xb4: {  	[dreg:$0x0] =	wrdreg $0x60  }
0xb5: {  	[dreg:$0x2] =	wrdreg s24  }
0xb6: {  	[dreg:$0x3] =	wrdreg s16  }
0xb7: {  	[dreg:$0x4] =	wrdreg s17  }
0xb8: {  	[dreg:$0x5] =	wrdreg s5  }
0xb9: {  	[dreg:$0x6] =	wrdreg s18  }
0xba: {  	[dreg:$0x7] =	wrdreg $0x9  }
0xbb: {  	_ =	task.clear_ibuf [dreg:s10], $0x8FFFF;
	_ =	strace $0x90000046  }
0xbc: {  	s29 =	simm.s32 $0x9;
	_ =	strace $0x80000048  }
0xbd: {  	_ =	swait.ge [sflag:s29], $0x1  }
0xbe: {  	[sflag:s29] =	ssyncadd.s32 $0xFFFFFFFF  }
0xbf: {  	_ =	strace $0x90000048  }
0xc0: {  	_ =	sfence  }
0xc1: {  	s30 =	sld [smem:$0x0];
	_ =	sdelay $0x2  }
0xc2: {  	s31 =	sshll.u32 s1, $0xD;
	s1 =	sshrl.u32 s1, $0x2  }
0xc3: {  	s3 =	sand.u32 $0x4000, s31;
	s1 =	sadd.s32 s1, s30  }
0xc4: {  	s0 =	sor.u32 s3, s0;
	s1 =	sshll.u32 s1, $0x11  }
0xc5: {  	s0 =	sor.u32 s1, s0  }
0xc6: {  	s0 =	sadd.s32 $0x8F2B, s0  }
0xc7: {  	[sflag:s0] =	ssyncadd.remote.s32 $0x1  }
0xc8: {  	_ =	sfence.sel $0xFFFF  }
0xc9: {  	[dreg:$0x0] =	wrdreg $0xFFFFFFFF;
	(pc) =	sbr.abs _section_cstart, $3  }
0xca: {  	[dreg:$0x1] =	wrdreg $0xFFFFFFFF  }
0xcb: {  	_ =	task.clear_ibuf [dreg:s10], $0x2FFFF;
	_ =	strace $0x9FFFFFFF  }
0xcc: {  	(tm) =	ssettm $0x7FFFFFFF  }
0xcd: {  	_ =	shalt  }
tec
execute0_lowered:
.L_overlay_start_1:
0x0: {  	(tag) =	ssettag $0x1  }
0x1: {  	s3 =	rddreg [dreg:$0x0]  }
0x2: {  	s5 =	rddreg [dreg:$0x1]  }
0x3: {  	s8 =	rddreg [dreg:$0x2]  }
0x4: {  	s2 =	srdreg.scid;
	s1 =	stileid.u32  }
0x5: {  	s4 =	rddreg [dreg:$0x3];
	s7 =	sand.u32 $0x1, s2;
	s28 =	sshll.u32 s1, $0x1  }
0x6: {  	s13 =	rddreg [dreg:$0x4];
	s14 =	sor.u32 s7, s28;
	s7 =	ssub.s32 $0x2, s7  }
0x7: {  	s0 =	rddreg [dreg:$0x5];
	s10 =	sshrl.u32 s7, $0x1  }
0x8: {  	s6 =	simm.s32 $0x0;
	p2 =	por $0x0, $0x0;
	s7 =	ssub.s32 s7, s10  }
0x9: {  	[smem:$0x7FF] =	sst s6;
	s2 =	sadd.s32 $0x17E00, s3;
	s16 =	smax.u32 s7, $0x1  }
0xa: {  	p1 =	sgt.u32 s1, $0xB;
	_ =	strace $0x80000047;
	s30 =	sadd.s32 $0xFFFFFFFF, s16  }
0xb: {  	s29 =	sshll.u32 s14, $0x1;
	s9 =	sshll.u32 s14, $0x8;
	p3 =	sne.s32 s30, $0x0  }
.Ltmp0:
0xc: {  	s31 =	sshll.u32 s14, $0x9;
	s11 =	sshll.u32 s14, $0x2;
	(pc) =	sbr.rel @!p3 .LBB2_3-.Ltmp0, $4  }
0xd: {  	p0 =	sne.s32 s14, $0x18;
	s6 =	sadd.s32 s29, s3;
	s15 =	sadd.s32 s9, s3  }
0xe: {  	s3 =	sadd.s32 s31, s3;
	s12 =	sadd.s32 s5, s11;
	s9 =	sadd.s32 s13, s31  }
0xf: {  	s5 =	sadd.s32 $0x60, s5;
	s11 =	sadd.s32 $0x17A00, s6;
	s10 =	sadd.s32 $0x17C00, s6  }
0x10: {  	vm0 =	vmmov @!p1 $0xffff;
	s7 =	sadd.s32 $0x41400, s15;
	s6 =	sadd.s32 $0x3E400, s3;
	s3 =	sadd.s32 $0x3000, s13  }
0x11: {  	s13 =	simm.s32 @!p1 $0x0  }
0x12: {  	[tilespmem:s13], [sflag:$0x1] =	stream.linear.gather @!p1 [hbm4b:s12+s13], $0x20, $0x38;
	[tilespmem:$0x2980] =	vst v63  }
0x13: {  	s14 =	simm.s32 @!p1 $0x1080  }
0x14: {  	[tilespmem:s14], [sflag:$0x2] =	stream.linear.gather @!p1 [hbm4b:s11+s13], $0x10, $0x38;
	[tilespmem:$0x2980] =	vst v63  }
0x15: {  	s15 =	simm.s32 @!p1 $0x1900;
	s16 =	simm.s32 @!p1 $0x1  }
0x16: {  	[tilespmem:s15], [sflag:$0x3] =	stream.linear.gather @!p1 [hbm4b:s10+s13], $0x10, $0x38;
	[tilespmem:$0x2980] =	vst v63  }
0x17: {  	_ =	swait.ge @!p1 [sflag:s16], $0x20  }
0x18: {  	s17 =	simm.s32 @!p1 $0x2;
	[sflag:s16] =	ssyncset.done @!p1 $0x0  }
0x19: {  	s18 =	simm.s32 @!p1 $0x20;
	s19 =	simm.s32 @!p1 $0x80;
	[sflag:s16] =	ssyncadd.s32 @!p1 $0xFFFFFFE0  }
0x1a: {  	[tilespmem:s19], [sflag:$0x1] =	stream.indirect.gather @!p1 [hbm4b:s2+s18], $0x80, s13, s18, $0xb8;
	[tilespmem:$0x2980] =	vst v63  }
0x1b: {  	_ =	swait.ge @!p1 [sflag:s17], $0x10  }
0x1c: {  	s20 =	simm.s32 @!p1 $0x3;
	[sflag:s17] =	ssyncset.done @!p1 $0x0  }
0x1d: {  	s21 =	simm.s32 @!p1 $0x10;
	s22 =	simm.s32 @!p1 $0x1100;
	[sflag:s17] =	ssyncadd.s32 @!p1 $0xFFFFFFF0  }
0x1e: {  	[tilespmem:s22], [sflag:$0x2] =	stream.indirect.gather @!p1 [hbm4b:s8+s21], $0x80, s14, s21, $0xb8;
	[tilespmem:$0x2980] =	vst v63  }
0x1f: {  	_ =	swait.ge @!p1 [sflag:s20], $0x10  }
0x20: {  	[sflag:s20] =	ssyncset.done @!p1 $0x0  }
0x21: {  	[sflag:s20] =	ssyncadd.s32 @!p1 $0xFFFFFFF0  }
0x22: {  	v0 =	vld @!p1 [tilespmem:$0x1900];
	_ =	sdelay $0x4  }
0x23: {  	v1 =	vshll.u32 @!p1 v0, $0x1  }
0x24: {  	v2 =	vlaneseq.u32 @!p1;
	v0 =	vand.u32 @!p1 $0x7, v0;
	v1 =	vand.u32 @!p1 $0xFFFFFFF0, v1  }
0x25: {  	v3 =	vor.u32 @!p1 v0, v1;
	v0 =	vand.u32 @!p1 $0x7, v2;
	v1 =	vshrl.u32 @!p1 v2, $0x3  }
0x26: {  	v4 =	vperm.xlane @!p1 v3, v0;
	v1 =	vmul.u32 @!p1 $0x8, v1  }
0x27: {  	v2 =	vor.u32 @!p1 $0x8, v2  }
0x28: {  	v3 =	vperm.xlane @!p1 v3, v2;
	v4 =	vadd.s32 @!p1 v1, v4;
	_ =	sdelay $0x1  }
0x29: {  	v3 =	vadd.s32 @!p1 v1, v3;
	_ =	sdelay $0x1  }
0x2a: {  	s23 =	simm.s32 @!p1 $0x1980  }
0x2b: {  	[tilespmem:s23], [sflag:$0x3] =	stream.indirect_vreg.gather @!p1 [hbm4b:s4+s13], $0x80, v4, vm0, $0xb8;
	[tilespmem:$0x2980] =	vst v63  }
0x2c: {  	s24 =	simm.s32 @!p1 $0x2180  }
0x2d: {  	[tilespmem:s24], [sflag:$0x3] =	stream.indirect_vreg.gather @!p1 [hbm4b:s4+s13], $0x80, v3, vm0, $0xb8;
	[tilespmem:$0x2980] =	vst v63  }
0x2e: {  	_ =	swait.ge @!p1 [sflag:s16], $0x1000  }
0x2f: {  	[sflag:s16] =	ssyncset.done @!p1 $0x0  }
0x30: {  	[sflag:s16] =	ssyncadd.s32 @!p1 $0xFFFFF000  }
0x31: {  	[hbm4b:s9+s13] =	stream.linear.scatter @!p1 [tilespmem:s19], [sflag:$0x1], $0x1000, $0x38;
	[tilespmem:$0x2980] =	vst v63  }
0x32: {  	_ =	swait.ge @!p1 [sflag:s17], $0x800  }
0x33: {  	[sflag:s17] =	ssyncset.done @!p1 $0x0  }
0x34: {  	[sflag:s17] =	ssyncadd.s32 @!p1 $0xFFFFF800  }
0x35: {  	[hbm4b:s7+s13] =	stream.linear.scatter @!p1 [tilespmem:s22], [sflag:$0x2], $0x800, $0x38;
	[tilespmem:$0x2980] =	vst v63  }
0x36: {  	_ =	swait.ge @!p1 [sflag:s20], $0x1000  }
0x37: {  	[sflag:s20] =	ssyncset.done @!p1 $0x0  }
0x38: {  	[sflag:s20] =	ssyncadd.s32 @!p1 $0xFFFFF000  }
0x39: {  	[hbm4b:s6+s13] =	stream.linear.scatter @!p1 [tilespmem:s23], [sflag:$0x3], $0x1000, $0x38;
	[tilespmem:$0x2980] =	vst v63  }
0x3a: {  	_ =	swait.ge @!p1 [sflag:s16], $0x1000  }
0x3b: {  	[sflag:s16] =	ssyncset.done @!p1 $0x0  }
0x3c: {  	[sflag:s16] =	ssyncadd.s32 @!p1 $0xFFFFF000  }
0x3d: {  	_ =	swait.ge @!p1 [sflag:s17], $0x800  }
0x3e: {  	[sflag:s17] =	ssyncset.done @!p1 $0x0  }
0x3f: {  	[sflag:s17] =	ssyncadd.s32 @!p1 $0xFFFFF800  }
0x40: {  	_ =	swait.ge @!p1 [sflag:s20], $0x1000  }
0x41: {  	[sflag:s20] =	ssyncset.done @!p1 $0x0  }
0x42: {  	s26 =	simm.s32 @!p0 $0x0;
	s25 =	simm.s32 @!p0 $0x1;
	[sflag:s20] =	ssyncadd.s32 @!p1 $0xFFFFF000  }
0x43: {  	[tilespmem:s26], [sflag:$0x1] =	stream.linear.gather @!p0 [hbm4b:s5+s26], $0x20, $0x38;
	[tilespmem:$0x2980] =	vst v63  }
0x44: {  	_ =	swait.ge @!p0 [sflag:s25], $0x20  }
0x45: {  	s28 =	simm.s32 @!p0 $0x20;
	[sflag:s25] =	ssyncset.done @!p0 $0x0  }
0x46: {  	s29 =	simm.s32 @!p0 $0x80;
	s30 =	sadd.s32 $0xFFFFFFFF, s30;
	[sflag:s25] =	ssyncadd.s32 @!p0 $0xFFFFFFE0  }
0x47: {  	[tilespmem:s29], [sflag:$0x1] =	stream.indirect.gather @!p0 [hbm4b:s2+s28], $0x80, s26, s28, $0xb8;
	[tilespmem:$0x2980] =	vst v63  }
0x48: {  	p3 =	sne.s32 s30, $0x0;
	_ =	swait.ge @!p0 [sflag:s25], $0x1000  }
.Ltmp1:
0x49: {  	[sflag:s25] =	ssyncset.done @!p0 $0x0;
	(pc) =	sbr.rel @!p3 .LBB2_3-.Ltmp1, $4  }
0x4a: {  	[sflag:s25] =	ssyncadd.s32 @!p0 $0xFFFFF000  }
0x4b: {  	[hbm4b:s3+s26] =	stream.linear.scatter @!p0 [tilespmem:s29], [sflag:$0x1], $0x1000, $0x38;
	[tilespmem:$0x2980] =	vst v63  }
0x4c: {  	_ =	swait.ge @!p0 [sflag:s25], $0x1000  }
0x4d: {  	p2 =	por $0x1, $0x1;
	[sflag:s25] =	ssyncset.done @!p0 $0x0  }
.LBB2_2:
0x4e: {  	s30 =	sadd.s32 $0xFFFFFFFF, s30;
	[sflag:s25] =	ssyncadd.s32 @!p0 $0xFFFFF000  }
0x4f: {  	[tilespmem:s13], [sflag:$0x1] =	stream.linear.gather @!p1 [hbm4b:s12+s13], $0x20, $0x38;
	[tilespmem:$0x2980] =	vst v63  }
0x50: {  	p3 =	sne.s32 s30, $0x0  }
0x51: {  	[tilespmem:s14], [sflag:$0x2] =	stream.linear.gather @!p1 [hbm4b:s11+s13], $0x10, $0x38;
	[tilespmem:$0x2980] =	vst v63  }
0x52: {  	_ = 	snop  }
0x53: {  	[tilespmem:s15], [sflag:$0x3] =	stream.linear.gather @!p1 [hbm4b:s10+s13], $0x10, $0x38;
	[tilespmem:$0x2980] =	vst v63  }
0x54: {  	_ =	swait.ge @!p1 [sflag:s16], $0x20  }
0x55: {  	[sflag:s16] =	ssyncset.done @!p1 $0x0  }
0x56: {  	[sflag:s16] =	ssyncadd.s32 @!p1 $0xFFFFFFE0  }
0x57: {  	[tilespmem:s19], [sflag:$0x1] =	stream.indirect.gather @!p1 [hbm4b:s2+s18], $0x80, s13, s18, $0xb8;
	[tilespmem:$0x2980] =	vst v63  }
0x58: {  	_ =	swait.ge @!p1 [sflag:s17], $0x10  }
0x59: {  	[sflag:s17] =	ssyncset.done @!p1 $0x0  }
0x5a: {  	[sflag:s17] =	ssyncadd.s32 @!p1 $0xFFFFFFF0  }
0x5b: {  	[tilespmem:s22], [sflag:$0x2] =	stream.indirect.gather @!p1 [hbm4b:s8+s21], $0x80, s14, s21, $0xb8;
	[tilespmem:$0x2980] =	vst v63  }
0x5c: {  	_ =	swait.ge @!p1 [sflag:s20], $0x10  }
0x5d: {  	[sflag:s20] =	ssyncset.done @!p1 $0x0  }
0x5e: {  	[sflag:s20] =	ssyncadd.s32 @!p1 $0xFFFFFFF0  }
0x5f: {  	v3 =	vld @!p1 [tilespmem:$0x1900];
	_ =	sdelay $0x4  }
0x60: {  	v4 =	vshll.u32 @!p1 v3, $0x1  }
0x61: {  	v3 =	vand.u32 @!p1 $0x7, v3;
	v4 =	vand.u32 @!p1 $0xFFFFFFF0, v4  }
0x62: {  	v3 =	vor.u32 @!p1 v3, v4  }
0x63: {  	v4 =	vperm.xlane @!p1 v3, v0  }
0x64: {  	v3 =	vperm.xlane @!p1 v3, v2  }
0x65: {  	v4 =	vadd.s32 @!p1 v1, v4  }
0x66: {  	v3 =	vadd.s32 @!p1 v1, v3;
	_ =	sdelay $0x3  }
0x67: {  	[tilespmem:s23], [sflag:$0x3] =	stream.indirect_vreg.gather @!p1 [hbm4b:s4+s13], $0x80, v4, vm0, $0xb8;
	[tilespmem:$0x2980] =	vst v63  }
0x68: {  	_ = 	snop  }
0x69: {  	[tilespmem:s24], [sflag:$0x3] =	stream.indirect_vreg.gather @!p1 [hbm4b:s4+s13], $0x80, v3, vm0, $0xb8;
	[tilespmem:$0x2980] =	vst v63  }
0x6a: {  	_ =	swait.ge @!p1 [sflag:s16], $0x1000  }
0x6b: {  	[sflag:s16] =	ssyncset.done @!p1 $0x0  }
0x6c: {  	[sflag:s16] =	ssyncadd.s32 @!p1 $0xFFFFF000  }
0x6d: {  	[hbm4b:s9+s13] =	stream.linear.scatter @!p1 [tilespmem:s19], [sflag:$0x1], $0x1000, $0x38;
	[tilespmem:$0x2980] =	vst v63  }
0x6e: {  	_ =	swait.ge @!p1 [sflag:s17], $0x800  }
0x6f: {  	[sflag:s17] =	ssyncset.done @!p1 $0x0  }
0x70: {  	[sflag:s17] =	ssyncadd.s32 @!p1 $0xFFFFF800  }
0x71: {  	[hbm4b:s7+s13] =	stream.linear.scatter @!p1 [tilespmem:s22], [sflag:$0x2], $0x800, $0x38;
	[tilespmem:$0x2980] =	vst v63  }
0x72: {  	_ =	swait.ge @!p1 [sflag:s20], $0x1000  }
0x73: {  	[sflag:s20] =	ssyncset.done @!p1 $0x0  }
0x74: {  	[sflag:s20] =	ssyncadd.s32 @!p1 $0xFFFFF000  }
0x75: {  	[hbm4b:s6+s13] =	stream.linear.scatter @!p1 [tilespmem:s23], [sflag:$0x3], $0x1000, $0x38;
	[tilespmem:$0x2980] =	vst v63  }
0x76: {  	_ =	swait.ge @!p1 [sflag:s16], $0x1000  }
0x77: {  	[sflag:s16] =	ssyncset.done @!p1 $0x0  }
0x78: {  	[sflag:s16] =	ssyncadd.s32 @!p1 $0xFFFFF000  }
0x79: {  	_ =	swait.ge @!p1 [sflag:s17], $0x800  }
0x7a: {  	[sflag:s17] =	ssyncset.done @!p1 $0x0  }
0x7b: {  	[sflag:s17] =	ssyncadd.s32 @!p1 $0xFFFFF800  }
0x7c: {  	_ =	swait.ge @!p1 [sflag:s20], $0x1000  }
0x7d: {  	[sflag:s20] =	ssyncset.done @!p1 $0x0  }
0x7e: {  	[sflag:s20] =	ssyncadd.s32 @!p1 $0xFFFFF000  }
0x7f: {  	[tilespmem:s26], [sflag:$0x1] =	stream.linear.gather @!p0 [hbm4b:s5+s26], $0x20, $0x38;
	[tilespmem:$0x2980] =	vst v63  }
0x80: {  	_ =	swait.ge @!p0 [sflag:s25], $0x20  }
0x81: {  	[sflag:s25] =	ssyncset.done @!p0 $0x0  }
0x82: {  	[sflag:s25] =	ssyncadd.s32 @!p0 $0xFFFFFFE0  }
0x83: {  	[tilespmem:s29], [sflag:$0x1] =	stream.indirect.gather @!p0 [hbm4b:s2+s28], $0x80, s26, s28, $0xb8;
	[tilespmem:$0x2980] =	vst v63  }
0x84: {  	_ =	swait.ge @!p0 [sflag:s25], $0x1000  }
.Ltmp2:
0x85: {  	[sflag:s25] =	ssyncset.done @!p0 $0x0;
	(pc) =	sbr.rel @p3 .LBB2_2-.Ltmp2, $4  }
0x86: {  	[sflag:s25] =	ssyncadd.s32 @!p0 $0xFFFFF000  }
0x87: {  	[hbm4b:s3+s26] =	stream.linear.scatter @!p0 [tilespmem:s29], [sflag:$0x1], $0x1000, $0x38;
	[tilespmem:$0x2980] =	vst v63  }
0x88: {  	_ =	swait.ge @!p0 [sflag:s25], $0x1000  }
0x89: {  	[sflag:s25] =	ssyncset.done @!p0 $0x0  }
.LBB2_3:
0x8a: {  	p2 =	por p0, !p2  }
0x8b: {  	s13 =	simm.s32 @!p1 $0x0;
	[sflag:s25] =	ssyncadd.s32 @!p2 $0xFFFFF000  }
0x8c: {  	[tilespmem:s13], [sflag:$0x1] =	stream.linear.gather @!p1 [hbm4b:s12+s13], $0x20, $0x38;
	[tilespmem:$0x2980] =	vst v63  }
0x8d: {  	s12 =	simm.s32 @!p1 $0x1080  }
0x8e: {  	[tilespmem:s12], [sflag:$0x2] =	stream.linear.gather @!p1 [hbm4b:s11+s13], $0x10, $0x38;
	[tilespmem:$0x2980] =	vst v63  }
0x8f: {  	s14 =	simm.s32 @!p1 $0x1;
	s11 =	simm.s32 @!p1 $0x1900  }
0x90: {  	[tilespmem:s11], [sflag:$0x3] =	stream.linear.gather @!p1 [hbm4b:s10+s13], $0x10, $0x38;
	[tilespmem:$0x2980] =	vst v63  }
0x91: {  	_ =	swait.ge @!p1 [sflag:s14], $0x20  }
0x92: {  	s15 =	simm.s32 @!p1 $0x80;
	[sflag:s14] =	ssyncset.done @!p1 $0x0  }
0x93: {  	s10 =	simm.s32 @!p1 $0x2;
	s11 =	simm.s32 @!p1 $0x20;
	[sflag:s14] =	ssyncadd.s32 @!p1 $0xFFFFFFE0  }
0x94: {  	[tilespmem:s15], [sflag:$0x1] =	stream.indirect.gather @!p1 [hbm4b:s2+s11], $0x80, s13, s11, $0xb8;
	[tilespmem:$0x2980] =	vst v63  }
0x95: {  	_ =	swait.ge @!p1 [sflag:s10], $0x10  }
0x96: {  	s16 =	simm.s32 @!p1 $0x10;
	[sflag:s10] =	ssyncset.done @!p1 $0x0  }
0x97: {  	s17 =	simm.s32 @!p1 $0x1100;
	s11 =	simm.s32 @!p1 $0x3;
	[sflag:s10] =	ssyncadd.s32 @!p1 $0xFFFFFFF0  }
0x98: {  	[tilespmem:s17], [sflag:$0x2] =	stream.indirect.gather @!p1 [hbm4b:s8+s16], $0x80, s12, s16, $0xb8;
	[tilespmem:$0x2980] =	vst v63  }
0x99: {  	_ =	swait.ge @!p1 [sflag:s11], $0x10  }
0x9a: {  	[sflag:s11] =	ssyncset.done @!p1 $0x0  }
0x9b: {  	[sflag:s11] =	ssyncadd.s32 @!p1 $0xFFFFFFF0  }
0x9c: {  	v0 =	vld @!p1 [tilespmem:$0x1900];
	_ =	sdelay $0x4  }
0x9d: {  	v1 =	vshll.u32 @!p1 v0, $0x1  }
0x9e: {  	v2 =	vlaneseq.u32 @!p1;
	v0 =	vand.u32 @!p1 $0x7, v0;
	v1 =	vand.u32 @!p1 $0xFFFFFFF0, v1  }
0x9f: {  	v3 =	vshrl.u32 @!p1 v2, $0x3;
	v0 =	vor.u32 @!p1 v0, v1;
	v1 =	vand.u32 @!p1 $0x7, v2  }
0xa0: {  	v3 =	vmul.u32 @!p1 $0x8, v3;
	v1 =	vperm.xlane @!p1 v0, v1  }
0xa1: {  	v2 =	vor.u32 @!p1 $0x8, v2  }
0xa2: {  	v0 =	vperm.xlane @!p1 v0, v2;
	v1 =	vadd.s32 @!p1 v3, v1;
	_ =	sdelay $0x1  }
0xa3: {  	v0 =	vadd.s32 @!p1 v3, v0;
	_ =	sdelay $0x1  }
0xa4: {  	s8 =	simm.s32 @!p1 $0x1980  }
0xa5: {  	[tilespmem:s8], [sflag:$0x3] =	stream.indirect_vreg.gather @!p1 [hbm4b:s4+s13], $0x80, v1, vm0, $0xb8;
	[tilespmem:$0x2980] =	vst v63  }
0xa6: {  	s12 =	simm.s32 @!p1 $0x2180  }
0xa7: {  	[tilespmem:s12], [sflag:$0x3] =	stream.indirect_vreg.gather @!p1 [hbm4b:s4+s13], $0x80, v0, vm0, $0xb8;
	[tilespmem:$0x2980] =	vst v63  }
0xa8: {  	_ =	swait.ge @!p1 [sflag:s14], $0x1000  }
0xa9: {  	[sflag:s14] =	ssyncset.done @!p1 $0x0  }
0xaa: {  	[sflag:s14] =	ssyncadd.s32 @!p1 $0xFFFFF000  }
0xab: {  	[hbm4b:s9+s13] =	stream.linear.scatter @!p1 [tilespmem:s15], [sflag:$0x1], $0x1000, $0x38;
	[tilespmem:$0x2980] =	vst v63  }
0xac: {  	_ =	swait.ge @!p1 [sflag:s10], $0x800  }
0xad: {  	[sflag:s10] =	ssyncset.done @!p1 $0x0  }
0xae: {  	[sflag:s10] =	ssyncadd.s32 @!p1 $0xFFFFF800  }
0xaf: {  	[hbm4b:s7+s13] =	stream.linear.scatter @!p1 [tilespmem:s17], [sflag:$0x2], $0x800, $0x38;
	[tilespmem:$0x2980] =	vst v63  }
0xb0: {  	_ =	swait.ge @!p1 [sflag:s11], $0x1000  }
0xb1: {  	[sflag:s11] =	ssyncset.done @!p1 $0x0  }
0xb2: {  	[sflag:s11] =	ssyncadd.s32 @!p1 $0xFFFFF000  }
0xb3: {  	[hbm4b:s6+s13] =	stream.linear.scatter @!p1 [tilespmem:s8], [sflag:$0x3], $0x1000, $0x38;
	[tilespmem:$0x2980] =	vst v63  }
0xb4: {  	_ =	swait.ge @!p1 [sflag:s14], $0x1000  }
0xb5: {  	[sflag:s14] =	ssyncset.done @!p1 $0x0  }
0xb6: {  	[sflag:s14] =	ssyncadd.s32 @!p1 $0xFFFFF000  }
0xb7: {  	_ =	swait.ge @!p1 [sflag:s10], $0x800  }
0xb8: {  	[sflag:s10] =	ssyncset.done @!p1 $0x0  }
0xb9: {  	[sflag:s10] =	ssyncadd.s32 @!p1 $0xFFFFF800  }
0xba: {  	_ =	swait.ge @!p1 [sflag:s11], $0x1000  }
0xbb: {  	[sflag:s11] =	ssyncset.done @!p1 $0x0  }
0xbc: {  	s4 =	simm.s32 @!p0 $0x0;
	s6 =	simm.s32 @!p0 $0x1;
	[sflag:s11] =	ssyncadd.s32 @!p1 $0xFFFFF000  }
0xbd: {  	[tilespmem:s4], [sflag:$0x1] =	stream.linear.gather @!p0 [hbm4b:s5+s4], $0x20, $0x38;
	[tilespmem:$0x2980] =	vst v63  }
0xbe: {  	_ =	swait.ge @!p0 [sflag:s6], $0x20  }
0xbf: {  	[sflag:s6] =	ssyncset.done @!p0 $0x0  }
0xc0: {  	s7 =	simm.s32 @!p0 $0x80;
	s5 =	simm.s32 @!p0 $0x20;
	[sflag:s6] =	ssyncadd.s32 @!p0 $0xFFFFFFE0  }
0xc1: {  	[tilespmem:s7], [sflag:$0x1] =	stream.indirect.gather @!p0 [hbm4b:s2+s5], $0x80, s4, s5, $0xb8;
	[tilespmem:$0x2980] =	vst v63  }
0xc2: {  	_ =	swait.ge @!p0 [sflag:s6], $0x1000  }
0xc3: {  	[sflag:s6] =	ssyncset.done @!p0 $0x0  }
0xc4: {  	[sflag:s6] =	ssyncadd.s32 @!p0 $0xFFFFF000  }
0xc5: {  	[hbm4b:s3+s4] =	stream.linear.scatter @!p0 [tilespmem:s7], [sflag:$0x1], $0x1000, $0x38;
	[tilespmem:$0x2980] =	vst v63  }
0xc6: {  	_ =	swait.ge @!p0 [sflag:s6], $0x1000  }
0xc7: {  	[sflag:s6] =	ssyncset.done @!p0 $0x0  }
0xc8: {  	[sflag:s6] =	ssyncadd.s32 @!p0 $0xFFFFF000  }
0xc9: {  	_ =	sfence.sel $0x180000  }
0xca: {  	[bflag:$0x0] =	sbarrier.arrive $0xFFFF  }
0xcb: {  	p0 =	sne.s32 s1, $0x0;
	_ =	strace $0x90000047  }
0xcc: {  	s0 =	sadd.s32 @!p0 $0x100000, s0;
	[bflag:$0x2] =	sbarrier.arrive $0xFFFF  }
0xcd: {  	[sflag:s0] =	ssyncadd.tile.s32 @!p0 $0x1;
	_ =	shalt  }
.Lfunc_end2:
_tile_overlayer_lowered:
.L_overlay_start_2:
0xce: {  	(tag) =	ssettag $0x2  }
0xcf: {  	s0 =	rddreg [dreg:$0x0];
	s2 =	stileid.u32  }
0xd0: {  	s1 =	rddreg [dreg:$0x1];
	p0 =	sne.s32 s2, $0x0  }
0xd1: {  	s3 =	rddreg [dreg:$0x2];
	[bflag:$0x3] =	sbarrier.arrive $0xFFFF;
	s2 =	simm.s32 @!p0 $0x1C04  }
0xd2: {  	[timem:s3], [sflag:s2] =	dma.local @!p0 [hbm:s0], s1  }
0xd3: {  	s0 =	simm.s32 @!p0 $0x4  }
0xd4: {  	_ =	swait.ge @!p0 [sflag:s0], s1  }
0xd5: {  	s1 =	ssub.s32 @!p0 $0x0, s1;
	[sflag:s0] =	ssyncset.done @!p0 $0x0  }
0xd6: {  	[sflag:s0] =	ssyncadd.s32 @!p0 s1  }
0xd7: {  	[bflag:$0x3] =	sbarrier.arrive $0xFFFF  }
0xd8: {  	_ =	shalt  }

// kernel: kernel.21.cloned.1.call-start
scs
__scs_entry_jumppad:
0x0: {  	(pc) =	sbr.rel $0x88, $3  }
0x1: {  	(tag) =	ssettag $0x0;
	lr =	simm.s32 $0x1  }
0x2: {  	[smem:$0x3F35] =	sst lr;
	_ =	strace $0xD0000000  }
0x3: {  	_ = 	snop  }
0x4: {  	_ = 	snop  }
0x5: {  	_ = 	snop  }
0x6: {  	_ = 	snop  }
0x7: {  	_ = 	snop  }
__scs_overlays_trampoline_lowered:
0x8: {  	[smem:$0x3F44] =	sst s0  }
0x9: {  	[smem:$0x3F45] =	sst s1  }
0xa: {  	[smem:$0x3F46] =	sst s2  }
0xb: {  	[smem:$0x3F47] =	sst s3  }
0xc: {  	[smem:$0x3F48] =	sst s4  }
0xd: {  	[smem:$0x3F49] =	sst s5  }
0xe: {  	[smem:$0x3F4A] =	sst s6  }
0xf: {  	[smem:$0x3F4B] =	sst s7  }
0x10: {  	[smem:$0x3F4C] =	sst s8  }
0x11: {  	[smem:$0x3F4D] =	sst s9;
	s0 =	simm.s32 @!p0 $0x0  }
0x12: {  	s1 =	sld [smem:$0x3F33];
	s0 =	simm.s32 @p0 $0x1  }
0x13: {  	[smem:$0x3F4E] =	sst s0;
	s0 =	simm.s32 @!p1 $0x0  }
0x14: {  	s2 =	sld [smem:$0x3F32];
	s0 =	simm.s32 @p1 $0x1  }
0x15: {  	[smem:$0x3F4F] =	sst s0;
	s0 =	simm.s32 @!p2 $0x0  }
0x16: {  	s3 =	sld [smem:$0x3FDB];
	s0 =	simm.s32 @p2 $0x1  }
0x17: {  	s4 =	simm.s32 $0x1BF5;
	[smem:$0x3F51] =	sst s0  }
0x18: {  	s0 =	sld [smem:$0x3F34];
	_ =	swait.ge [sflag:s4], $0x0  }
0x19: {  	s7 =	sld [smem:$0x3F35]  }
0x1a: {  	s8 =	sadd.s32 $0xFFFFE003, lr  }
0x1b: {  	s9 =	sadd.s32 $0xFFFFFEF7, lr;
	s5 =	simm.s32 $0xFFFFFFFF;
	p2 =	slt.u32 s8, $0xFFFFF086  }
0x1c: {  	p1 =	slt.u32 s9, $0xF7A;
	s5 =	simm.s32 @!p2 $0x0  }
0x1d: {  	s5 =	simm.s32 @p1 $0x1;
	p0 =	seq.s32 s7, s2  }
0x1e: {  	s7 =	smul.u32 @!p0 $0xF7A, s2;
	p2 =	seq.s32 @!p0 s5, $0x0  }
0x1f: {  	s9 =	smul.u32 $0xF7A, s1;
	s8 =	simm.s32 @!p0 $0x1BF5;
	p2 =	por !p2, p0  }
0x20: {  	[sflag:s8] =	ssyncset.s32 @!p0 $0xFFFFF086;
	s6 =	sadd.s32 @!p0 s3, s7;
	s7 =	simm.s32 @!p0 $0x108  }
0x21: {  	s3 =	sadd.s32 s3, s9;
	s6 =	sadd.s32 @!p0 $0x88, s6;
	s7 =	simm.s32 @p2 $0x1082  }
0x22: {  	[simem:s7], [sflag:s8] =	dma.local @!p0 [hbm:s6], $0xF7A  }
0x23: {  	s9 =	sor.u32 $0xD0000000, s2;
	s6 =	simm.s32 $0x108;
	_ =	swait.ge @!p0 [sflag:s8], $0x0  }
0x24: {  	s3 =	sadd.s32 $0x88, s3;
	s6 =	simm.s32 @!p1 $0x1082;
	[sflag:s4] =	ssyncset.s32 $0xFFFFF086  }
0x25: {  	[simem:s6], [sflag:s4] =	dma.local [hbm:s3], $0xF7A  }
0x26: {  	[smem:$0x3F35] =	sst s1;
	(tag) =	ssettag s2;
	_ =	strace s9  }
0x27: {  	s1 =	sld [smem:$0x3F45]  }
0x28: {  	s2 =	sld [smem:$0x3F46]  }
0x29: {  	s4 =	sld [smem:$0x3F48]  }
0x2a: {  	p0 =	seq.s32 s5, $0x0;
	s5 =	sld [smem:$0x3F49]  }
0x2b: {  	s6 =	sld [smem:$0x3F4A]  }
0x2c: {  	s7 =	sld [smem:$0x3F4B]  }
0x2d: {  	s3 =	simm.s32 $0x108;
	s8 =	sld [smem:$0x3F4C]  }
0x2e: {  	s3 =	simm.s32 @!p0 $0x1082;
	s9 =	sld [smem:$0x3F4D]  }
0x2f: {  	lr =	sadd.s32 s0, s3;
	s0 =	sld [smem:$0x3F44]  }
0x30: {  	s3 =	sld [smem:$0x3F47]  }
0x31: {  	[smem:$0x3F50] =	sst s10  }
0x32: {  	s10 =	sld [smem:$0x3F4E];
	_ =	sdelay $0x3  }
0x33: {  	p0 =	seq.s32 s10, $0x1;
	s10 =	sld [smem:$0x3F50];
	_ =	sdelay $0x3  }
0x34: {  	[smem:$0x3F50] =	sst s10  }
0x35: {  	s10 =	sld [smem:$0x3F4F];
	_ =	sdelay $0x3  }
0x36: {  	p1 =	seq.s32 s10, $0x1;
	s10 =	sld [smem:$0x3F50];
	_ =	sdelay $0x3  }
0x37: {  	[smem:$0x3F50] =	sst s10  }
0x38: {  	s10 =	sld [smem:$0x3F51]  }
0x39: {  	_ = 	snop;
	(pc) =	sbr.ind lr, $3  }
0x3a: {  	_ = 	snop  }
0x3b: {  	_ = 	snop  }
0x3c: {  	p2 =	seq.s32 s10, $0x1;
	s10 =	sld [smem:$0x3F50]  }
0x3d: {  	_ =	shalt  }
0x3e: {  	_ =	shalt  }
0x3f: {  	_ =	shalt  }
0x40: {  	_ =	shalt  }
0x41: {  	_ =	shalt  }
0x42: {  	_ =	shalt  }
0x43: {  	_ =	shalt  }
0x44: {  	_ =	shalt  }
0x45: {  	_ =	shalt  }
0x46: {  	_ =	shalt  }
0x47: {  	_ =	shalt  }
0x48: {  	_ =	shalt  }
0x49: {  	_ =	shalt  }
0x4a: {  	_ =	shalt  }
0x4b: {  	_ =	shalt  }
0x4c: {  	_ =	shalt  }
0x4d: {  	_ =	shalt  }
0x4e: {  	_ =	shalt  }
0x4f: {  	_ =	shalt  }
0x50: {  	_ =	shalt  }
0x51: {  	_ =	shalt  }
0x52: {  	_ =	shalt  }
0x53: {  	_ =	shalt  }
0x54: {  	_ =	shalt  }
0x55: {  	_ =	shalt  }
0x56: {  	_ =	shalt  }
0x57: {  	_ =	shalt  }
0x58: {  	_ =	shalt  }
0x59: {  	_ =	shalt  }
0x5a: {  	_ =	shalt  }
0x5b: {  	_ =	shalt  }
0x5c: {  	_ =	shalt  }
0x5d: {  	_ =	shalt  }
0x5e: {  	_ =	shalt  }
0x5f: {  	_ =	shalt  }
0x60: {  	_ =	shalt  }
0x61: {  	_ =	shalt  }
0x62: {  	_ =	shalt  }
0x63: {  	_ =	shalt  }
0x64: {  	_ =	shalt  }
0x65: {  	_ =	shalt  }
0x66: {  	_ =	shalt  }
0x67: {  	_ =	shalt  }
0x68: {  	_ =	shalt  }
0x69: {  	_ =	shalt  }
0x6a: {  	_ =	shalt  }
0x6b: {  	_ =	shalt  }
0x6c: {  	_ =	shalt  }
0x6d: {  	_ =	shalt  }
0x6e: {  	_ =	shalt  }
0x6f: {  	_ =	shalt  }
0x70: {  	_ =	shalt  }
0x71: {  	_ =	shalt  }
0x72: {  	_ =	shalt  }
0x73: {  	_ =	shalt  }
0x74: {  	_ =	shalt  }
0x75: {  	_ =	shalt  }
0x76: {  	_ =	shalt  }
0x77: {  	_ =	shalt  }
0x78: {  	_ =	shalt  }
0x79: {  	_ =	shalt  }
0x7a: {  	_ =	shalt  }
0x7b: {  	_ =	shalt  }
0x7c: {  	_ =	shalt  }
0x7d: {  	_ =	shalt  }
0x7e: {  	_ =	shalt  }
0x7f: {  	_ =	shalt  }
0x80: {  	_ =	shalt  }
0x81: {  	_ =	shalt  }
0x82: {  	_ =	shalt  }
0x83: {  	_ =	shalt  }
0x84: {  	_ =	shalt  }
0x85: {  	_ =	shalt  }
0x86: {  	_ =	shalt  }
0x87: {  	_ =	shalt  }
.Lfunc_end0:
.L_simem_size_0:
called_computation.1_lowered:
.L_overlay_start_0:
0x88: {  	s2 =	sld [smem:$0x3FD9]  }
0x89: {  	s3 =	sld [smem:$0x3FFE];
	_ =	sdelay $0x1  }
0x8a: {  	s1 =	srdreg.scid  }
0x8b: {  	s0 =	sand.u32 $0x1, s1  }
0x8c: {  	s14 =	sshll.u32 s0, $0xA;
	s2 =	sadd.s32 s3, s2  }
0x8d: {  	s2 =	sadd.s32 s2, s14  }
0x8e: {  	[smem:$0x3F5C] =	sst s2  }
0x8f: {  	_ = 	snop  }
0x90: {  	s2 =	sld [smem:$0x3FD0];
	_ =	sdelay $0x2  }
0x91: {  	s15 =	simm.s32 $0xA;
	s4 =	simm.s32 $0x10  }
0x92: {  	[smem:s4], [sflag:s15] =	dma.local [hbm:s2], $0x1  }
0x93: {  	_ =	swait.eq [sflag:s15], $0x1  }
0x94: {  	[sflag:s15] =	ssyncset.done $0x0  }
0x95: {  	s16 =	sld [smem:$0x11];
	[sflag:s15] =	ssyncadd.s32 $0xFFFFFFFF  }
0x96: {  	s17 =	sld [smem:$0x12];
	(tm) =	ssettm $0x1  }
0x97: {  	s18 =	sld [smem:$0x3FFB];
	_ =	sdelay $0x3  }
0x98: {  	_ =	strace s18  }
0x99: {  	s4 =	sld [smem:$0x3FFC];
	_ =	sdelay $0x3  }
0x9a: {  	_ =	strace s4  }
0x9b: {  	s4 =	sld [smem:$0x3FFD];
	_ =	sdelay $0x3  }
0x9c: {  	_ =	strace s4  }
0x9d: {  	_ =	strace $0x8FFFFFFF  }
0x9e: {  	s19 =	sld [smem:$0x3FDB];
	_ =	sdelay $0x1  }
0x9f: {  	s5 =	simm.s32 $_scs_section_size  }
0xa0: {  	s6 =	simm.s32 $_size__tile_overlayer_lowered;
	s7 =	simm.s32 $_tile_overlayer_lowered  }
0xa1: {  	s22 =	simm.s32 $0x1BFF;
	s21 =	sshll.u32 s7, $0x1;
	s4 =	sadd.s32 s5, s19  }
0xa2: {  	s8 =	simm.s32 $0x0;
	s20 =	sshll.u32 s6, $0x1;
	s6 =	sadd.s32 s21, s4  }
0xa3: {  	[timem:s8], [sflag:s22] =	dma.local [hbm:s6], s20  }
0xa4: {  	_ =	swait.ge [sflag:s22], s20  }
0xa5: {  	s5 =	ssub.s32 $0x0, s20;
	[sflag:s22] =	ssyncset.done $0x0  }
0xa6: {  	[sflag:s22] =	ssyncadd.s32 s5;
	_ =	sdelay $0x1  }
0xa7: {  	s23 =	simm.s32 $0x1B8B  }
0xa8: {  	_ =	swait.ge [sflag:s23], $0x1  }
0xa9: {  	[sflag:s23] =	ssyncset.done $0x0  }
0xaa: {  	s25 =	simm.s32 $0x1B8E;
	s24 =	sld [smem:$0x3FFE];
	[sflag:s23] =	ssyncadd.s32 $0xFFFFFFFF  }
0xab: {  	s26 =	simm.s32 $execute0_lowered;
	[smem:$0x3FD2] =	sst s25  }
0xac: {  	s6 =	sshll.u32 s26, $0x1;
	_ =	strace $0x80000049;
	[dreg:$0x1] =	wrdreg $0xFFFFFFFF  }
0xad: {  	s28 =	simm.s32 $_size_execute0_lowered;
	s4 =	sadd.s32 s4, s6;
	[dreg:$0x0] =	wrdreg $0x0  }
0xae: {  	s6 =	sshll.u32 s28, $0x1;
	[dreg:$0x2] =	wrdreg s4  }
0xaf: {  	[dreg:$0x3] =	wrdreg s6  }
0xb0: {  	[dreg:$0x4] =	wrdreg $0xC0  }
0xb1: {  	_ =	task [dreg:s8], $0x5FFFF  }
0xb2: {  	[dreg:$0x1] =	wrdreg $0xFFFFFFFF  }
0xb3: {  	[dreg:$0x0] =	wrdreg $0x60  }
0xb4: {  	[dreg:$0x2] =	wrdreg s24  }
0xb5: {  	[dreg:$0x3] =	wrdreg s16  }
0xb6: {  	[dreg:$0x4] =	wrdreg s17  }
0xb7: {  	[dreg:$0x5] =	wrdreg $0x9  }
0xb8: {  	_ =	task.clear_ibuf [dreg:s8], $0x6FFFF;
	_ =	strace $0x90000049  }
0xb9: {  	s29 =	simm.s32 $0x9;
	_ =	strace $0x8000004B  }
0xba: {  	_ =	swait.ge [sflag:s29], $0x1  }
0xbb: {  	[sflag:s29] =	ssyncadd.s32 $0xFFFFFFFF  }
0xbc: {  	_ =	strace $0x9000004B  }
0xbd: {  	_ =	sfence  }
0xbe: {  	s30 =	sld [smem:$0x0];
	_ =	sdelay $0x2  }
0xbf: {  	s31 =	sshll.u32 s1, $0xD;
	s1 =	sshrl.u32 s1, $0x2  }
0xc0: {  	s3 =	sand.u32 $0x4000, s31;
	s1 =	sadd.s32 s1, s30  }
0xc1: {  	s0 =	sor.u32 s3, s0;
	s1 =	sshll.u32 s1, $0x11  }
0xc2: {  	s0 =	sor.u32 s1, s0  }
0xc3: {  	s0 =	sadd.s32 $0x8F2B, s0  }
0xc4: {  	[sflag:s0] =	ssyncadd.remote.s32 $0x1  }
0xc5: {  	_ =	sfence.sel $0xFFFF  }
0xc6: {  	[dreg:$0x0] =	wrdreg $0xFFFFFFFF;
	(pc) =	sbr.abs _section_cstart, $3  }
0xc7: {  	[dreg:$0x1] =	wrdreg $0xFFFFFFFF  }
0xc8: {  	_ =	task.clear_ibuf [dreg:s8], $0x2FFFF;
	_ =	strace $0x9FFFFFFF  }
0xc9: {  	(tm) =	ssettm $0x7FFFFFFF  }
tec
execute0_lowered:
.L_overlay_start_1:
0x0: {  	(tag) =	ssettag $0x1  }
0x1: {  	s3 =	rddreg [dreg:$0x0]  }
0x2: {  	s2 =	srdreg.scid;
	s1 =	stileid.u32  }
0x3: {  	s8 =	rddreg [dreg:$0x1];
	s6 =	sand.u32 $0x1, s2;
	s26 =	sshll.u32 s1, $0x1  }
0x4: {  	s4 =	rddreg [dreg:$0x2];
	s13 =	sor.u32 s6, s26;
	s6 =	ssub.s32 $0x2, s6  }
0x5: {  	s0 =	rddreg [dreg:$0x3];
	s5 =	simm.s32 $0x0;
	s29 =	sshrl.u32 s6, $0x1  }
0x6: {  	p2 =	por $0x0, $0x0;
	[smem:$0x7FF] =	sst s5;
	s6 =	ssub.s32 s6, s29  }
0x7: {  	s2 =	sadd.s32 $0x42C00, s3;
	p1 =	sgt.u32 s1, $0xB;
	s31 =	smax.u32 s6, $0x1  }
0x8: {  	_ =	strace $0x8000004A;
	s28 =	sshll.u32 s13, $0x2;
	s30 =	sadd.s32 $0xFFFFFFFF, s31  }
0x9: {  	s7 =	sshll.u32 s13, $0x1;
	s9 =	sshll.u32 s13, $0x8;
	p3 =	sne.s32 s30, $0x0  }
.Ltmp0:
0xa: {  	s10 =	sshll.u32 s13, $0x9;
	p0 =	sne.s32 s13, $0x18;
	(pc) =	sbr.rel @!p3 .LBB2_3-.Ltmp0, $4  }
0xb: {  	s5 =	sadd.s32 s28, s3;
	s7 =	sadd.s32 s7, s3;
	s14 =	sadd.s32 s9, s3  }
0xc: {  	s15 =	sadd.s32 s10, s3;
	s12 =	sadd.s32 $0x20A00, s5;
	s11 =	sadd.s32 $0x20C00, s7  }
0xd: {  	s10 =	sadd.s32 $0x20E00, s7;
	s9 =	sadd.s32 $0x21000, s15;
	s7 =	sadd.s32 $0x27200, s14  }
0xe: {  	vm0 =	vmmov @!p1 $0xffff;
	s6 =	sadd.s32 $0x24200, s15;
	s5 =	sadd.s32 $0x20A60, s3;
	s3 =	sadd.s32 $0x24000, s3  }
0xf: {  	s13 =	simm.s32 @!p1 $0x0  }
0x10: {  	[tilespmem:s13], [sflag:$0x1] =	stream.linear.gather @!p1 [hbm4b:s12+s13], $0x20, $0x38;
	[tilespmem:$0x2980] =	vst v63  }
0x11: {  	s14 =	simm.s32 @!p1 $0x1080  }
0x12: {  	[tilespmem:s14], [sflag:$0x2] =	stream.linear.gather @!p1 [hbm4b:s11+s13], $0x10, $0x38;
	[tilespmem:$0x2980] =	vst v63  }
0x13: {  	s15 =	simm.s32 @!p1 $0x1900;
	s16 =	simm.s32 @!p1 $0x1  }
0x14: {  	[tilespmem:s15], [sflag:$0x3] =	stream.linear.gather @!p1 [hbm4b:s10+s13], $0x10, $0x38;
	[tilespmem:$0x2980] =	vst v63  }
0x15: {  	_ =	swait.ge @!p1 [sflag:s16], $0x20  }
0x16: {  	s17 =	simm.s32 @!p1 $0x2;
	[sflag:s16] =	ssyncset.done @!p1 $0x0  }
0x17: {  	s18 =	simm.s32 @!p1 $0x20;
	s19 =	simm.s32 @!p1 $0x80;
	[sflag:s16] =	ssyncadd.s32 @!p1 $0xFFFFFFE0  }
0x18: {  	[tilespmem:s19], [sflag:$0x1] =	stream.indirect.gather @!p1 [hbm4b:s2+s18], $0x80, s13, s18, $0xb8;
	[tilespmem:$0x2980] =	vst v63  }
0x19: {  	_ =	swait.ge @!p1 [sflag:s17], $0x10  }
0x1a: {  	s20 =	simm.s32 @!p1 $0x3;
	[sflag:s17] =	ssyncset.done @!p1 $0x0  }
0x1b: {  	s21 =	simm.s32 @!p1 $0x10;
	s22 =	simm.s32 @!p1 $0x1100;
	[sflag:s17] =	ssyncadd.s32 @!p1 $0xFFFFFFF0  }
0x1c: {  	[tilespmem:s22], [sflag:$0x2] =	stream.indirect.gather @!p1 [hbm4b:s8+s21], $0x80, s14, s21, $0xb8;
	[tilespmem:$0x2980] =	vst v63  }
0x1d: {  	_ =	swait.ge @!p1 [sflag:s20], $0x10  }
0x1e: {  	[sflag:s20] =	ssyncset.done @!p1 $0x0  }
0x1f: {  	[sflag:s20] =	ssyncadd.s32 @!p1 $0xFFFFFFF0  }
0x20: {  	v0 =	vld @!p1 [tilespmem:$0x1900];
	_ =	sdelay $0x4  }
0x21: {  	v1 =	vshll.u32 @!p1 v0, $0x1  }
0x22: {  	v2 =	vlaneseq.u32 @!p1;
	v0 =	vand.u32 @!p1 $0x7, v0;
	v1 =	vand.u32 @!p1 $0xFFFFFFF0, v1  }
0x23: {  	v3 =	vor.u32 @!p1 v0, v1;
	v0 =	vand.u32 @!p1 $0x7, v2;
	v1 =	vshrl.u32 @!p1 v2, $0x3  }
0x24: {  	v4 =	vperm.xlane @!p1 v3, v0;
	v1 =	vmul.u32 @!p1 $0x8, v1  }
0x25: {  	v2 =	vor.u32 @!p1 $0x8, v2  }
0x26: {  	v3 =	vperm.xlane @!p1 v3, v2;
	v4 =	vadd.s32 @!p1 v1, v4;
	_ =	sdelay $0x1  }
0x27: {  	v3 =	vadd.s32 @!p1 v1, v3;
	_ =	sdelay $0x1  }
0x28: {  	s23 =	simm.s32 @!p1 $0x1980  }
0x29: {  	[tilespmem:s23], [sflag:$0x3] =	stream.indirect_vreg.gather @!p1 [hbm4b:s4+s13], $0x80, v4, vm0, $0xb8;
	[tilespmem:$0x2980] =	vst v63  }
0x2a: {  	s24 =	simm.s32 @!p1 $0x2180  }
0x2b: {  	[tilespmem:s24], [sflag:$0x3] =	stream.indirect_vreg.gather @!p1 [hbm4b:s4+s13], $0x80, v3, vm0, $0xb8;
	[tilespmem:$0x2980] =	vst v63  }
0x2c: {  	_ =	swait.ge @!p1 [sflag:s16], $0x1000  }
0x2d: {  	[sflag:s16] =	ssyncset.done @!p1 $0x0  }
0x2e: {  	[sflag:s16] =	ssyncadd.s32 @!p1 $0xFFFFF000  }
0x2f: {  	[hbm4b:s9+s13] =	stream.linear.scatter @!p1 [tilespmem:s19], [sflag:$0x1], $0x1000, $0x38;
	[tilespmem:$0x2980] =	vst v63  }
0x30: {  	_ =	swait.ge @!p1 [sflag:s17], $0x800  }
0x31: {  	[sflag:s17] =	ssyncset.done @!p1 $0x0  }
0x32: {  	[sflag:s17] =	ssyncadd.s32 @!p1 $0xFFFFF800  }
0x33: {  	[hbm4b:s7+s13] =	stream.linear.scatter @!p1 [tilespmem:s22], [sflag:$0x2], $0x800, $0x38;
	[tilespmem:$0x2980] =	vst v63  }
0x34: {  	_ =	swait.ge @!p1 [sflag:s20], $0x1000  }
0x35: {  	[sflag:s20] =	ssyncset.done @!p1 $0x0  }
0x36: {  	[sflag:s20] =	ssyncadd.s32 @!p1 $0xFFFFF000  }
0x37: {  	[hbm4b:s6+s13] =	stream.linear.scatter @!p1 [tilespmem:s23], [sflag:$0x3], $0x1000, $0x38;
	[tilespmem:$0x2980] =	vst v63  }
0x38: {  	_ =	swait.ge @!p1 [sflag:s16], $0x1000  }
0x39: {  	[sflag:s16] =	ssyncset.done @!p1 $0x0  }
0x3a: {  	[sflag:s16] =	ssyncadd.s32 @!p1 $0xFFFFF000  }
0x3b: {  	_ =	swait.ge @!p1 [sflag:s17], $0x800  }
0x3c: {  	[sflag:s17] =	ssyncset.done @!p1 $0x0  }
0x3d: {  	[sflag:s17] =	ssyncadd.s32 @!p1 $0xFFFFF800  }
0x3e: {  	_ =	swait.ge @!p1 [sflag:s20], $0x1000  }
0x3f: {  	[sflag:s20] =	ssyncset.done @!p1 $0x0  }
0x40: {  	s26 =	simm.s32 @!p0 $0x0;
	s25 =	simm.s32 @!p0 $0x1;
	[sflag:s20] =	ssyncadd.s32 @!p1 $0xFFFFF000  }
0x41: {  	[tilespmem:s26], [sflag:$0x1] =	stream.linear.gather @!p0 [hbm4b:s5+s26], $0x20, $0x38;
	[tilespmem:$0x2980] =	vst v63  }
0x42: {  	_ =	swait.ge @!p0 [sflag:s25], $0x20  }
0x43: {  	s28 =	simm.s32 @!p0 $0x20;
	[sflag:s25] =	ssyncset.done @!p0 $0x0  }
0x44: {  	s29 =	simm.s32 @!p0 $0x80;
	s30 =	sadd.s32 $0xFFFFFFFF, s30;
	[sflag:s25] =	ssyncadd.s32 @!p0 $0xFFFFFFE0  }
0x45: {  	[tilespmem:s29], [sflag:$0x1] =	stream.indirect.gather @!p0 [hbm4b:s2+s28], $0x80, s26, s28, $0xb8;
	[tilespmem:$0x2980] =	vst v63  }
0x46: {  	p3 =	sne.s32 s30, $0x0;
	_ =	swait.ge @!p0 [sflag:s25], $0x1000  }
.Ltmp1:
0x47: {  	[sflag:s25] =	ssyncset.done @!p0 $0x0;
	(pc) =	sbr.rel @!p3 .LBB2_3-.Ltmp1, $4  }
0x48: {  	[sflag:s25] =	ssyncadd.s32 @!p0 $0xFFFFF000  }
0x49: {  	[hbm4b:s3+s26] =	stream.linear.scatter @!p0 [tilespmem:s29], [sflag:$0x1], $0x1000, $0x38;
	[tilespmem:$0x2980] =	vst v63  }
0x4a: {  	_ =	swait.ge @!p0 [sflag:s25], $0x1000  }
0x4b: {  	p2 =	por $0x1, $0x1;
	[sflag:s25] =	ssyncset.done @!p0 $0x0  }
.LBB2_2:
0x4c: {  	s30 =	sadd.s32 $0xFFFFFFFF, s30;
	[sflag:s25] =	ssyncadd.s32 @!p0 $0xFFFFF000  }
0x4d: {  	[tilespmem:s13], [sflag:$0x1] =	stream.linear.gather @!p1 [hbm4b:s12+s13], $0x20, $0x38;
	[tilespmem:$0x2980] =	vst v63  }
0x4e: {  	p3 =	sne.s32 s30, $0x0  }
0x4f: {  	[tilespmem:s14], [sflag:$0x2] =	stream.linear.gather @!p1 [hbm4b:s11+s13], $0x10, $0x38;
	[tilespmem:$0x2980] =	vst v63  }
0x50: {  	_ = 	snop  }
0x51: {  	[tilespmem:s15], [sflag:$0x3] =	stream.linear.gather @!p1 [hbm4b:s10+s13], $0x10, $0x38;
	[tilespmem:$0x2980] =	vst v63  }
0x52: {  	_ =	swait.ge @!p1 [sflag:s16], $0x20  }
0x53: {  	[sflag:s16] =	ssyncset.done @!p1 $0x0  }
0x54: {  	[sflag:s16] =	ssyncadd.s32 @!p1 $0xFFFFFFE0  }
0x55: {  	[tilespmem:s19], [sflag:$0x1] =	stream.indirect.gather @!p1 [hbm4b:s2+s18], $0x80, s13, s18, $0xb8;
	[tilespmem:$0x2980] =	vst v63  }
0x56: {  	_ =	swait.ge @!p1 [sflag:s17], $0x10  }
0x57: {  	[sflag:s17] =	ssyncset.done @!p1 $0x0  }
0x58: {  	[sflag:s17] =	ssyncadd.s32 @!p1 $0xFFFFFFF0  }
0x59: {  	[tilespmem:s22], [sflag:$0x2] =	stream.indirect.gather @!p1 [hbm4b:s8+s21], $0x80, s14, s21, $0xb8;
	[tilespmem:$0x2980] =	vst v63  }
0x5a: {  	_ =	swait.ge @!p1 [sflag:s20], $0x10  }
0x5b: {  	[sflag:s20] =	ssyncset.done @!p1 $0x0  }
0x5c: {  	[sflag:s20] =	ssyncadd.s32 @!p1 $0xFFFFFFF0  }
0x5d: {  	v3 =	vld @!p1 [tilespmem:$0x1900];
	_ =	sdelay $0x4  }
0x5e: {  	v4 =	vshll.u32 @!p1 v3, $0x1  }
0x5f: {  	v3 =	vand.u32 @!p1 $0x7, v3;
	v4 =	vand.u32 @!p1 $0xFFFFFFF0, v4  }
0x60: {  	v3 =	vor.u32 @!p1 v3, v4  }
0x61: {  	v4 =	vperm.xlane @!p1 v3, v0  }
0x62: {  	v3 =	vperm.xlane @!p1 v3, v2  }
0x63: {  	v4 =	vadd.s32 @!p1 v1, v4  }
0x64: {  	v3 =	vadd.s32 @!p1 v1, v3;
	_ =	sdelay $0x3  }
0x65: {  	[tilespmem:s23], [sflag:$0x3] =	stream.indirect_vreg.gather @!p1 [hbm4b:s4+s13], $0x80, v4, vm0, $0xb8;
	[tilespmem:$0x2980] =	vst v63  }
0x66: {  	_ = 	snop  }
0x67: {  	[tilespmem:s24], [sflag:$0x3] =	stream.indirect_vreg.gather @!p1 [hbm4b:s4+s13], $0x80, v3, vm0, $0xb8;
	[tilespmem:$0x2980] =	vst v63  }
0x68: {  	_ =	swait.ge @!p1 [sflag:s16], $0x1000  }
0x69: {  	[sflag:s16] =	ssyncset.done @!p1 $0x0  }
0x6a: {  	[sflag:s16] =	ssyncadd.s32 @!p1 $0xFFFFF000  }
0x6b: {  	[hbm4b:s9+s13] =	stream.linear.scatter @!p1 [tilespmem:s19], [sflag:$0x1], $0x1000, $0x38;
	[tilespmem:$0x2980] =	vst v63  }
0x6c: {  	_ =	swait.ge @!p1 [sflag:s17], $0x800  }
0x6d: {  	[sflag:s17] =	ssyncset.done @!p1 $0x0  }
0x6e: {  	[sflag:s17] =	ssyncadd.s32 @!p1 $0xFFFFF800  }
0x6f: {  	[hbm4b:s7+s13] =	stream.linear.scatter @!p1 [tilespmem:s22], [sflag:$0x2], $0x800, $0x38;
	[tilespmem:$0x2980] =	vst v63  }
0x70: {  	_ =	swait.ge @!p1 [sflag:s20], $0x1000  }
0x71: {  	[sflag:s20] =	ssyncset.done @!p1 $0x0  }
0x72: {  	[sflag:s20] =	ssyncadd.s32 @!p1 $0xFFFFF000  }
0x73: {  	[hbm4b:s6+s13] =	stream.linear.scatter @!p1 [tilespmem:s23], [sflag:$0x3], $0x1000, $0x38;
	[tilespmem:$0x2980] =	vst v63  }
0x74: {  	_ =	swait.ge @!p1 [sflag:s16], $0x1000  }
0x75: {  	[sflag:s16] =	ssyncset.done @!p1 $0x0  }
0x76: {  	[sflag:s16] =	ssyncadd.s32 @!p1 $0xFFFFF000  }
0x77: {  	_ =	swait.ge @!p1 [sflag:s17], $0x800  }
0x78: {  	[sflag:s17] =	ssyncset.done @!p1 $0x0  }
0x79: {  	[sflag:s17] =	ssyncadd.s32 @!p1 $0xFFFFF800  }
0x7a: {  	_ =	swait.ge @!p1 [sflag:s20], $0x1000  }
0x7b: {  	[sflag:s20] =	ssyncset.done @!p1 $0x0  }
0x7c: {  	[sflag:s20] =	ssyncadd.s32 @!p1 $0xFFFFF000  }
0x7d: {  	[tilespmem:s26], [sflag:$0x1] =	stream.linear.gather @!p0 [hbm4b:s5+s26], $0x20, $0x38;
	[tilespmem:$0x2980] =	vst v63  }
0x7e: {  	_ =	swait.ge @!p0 [sflag:s25], $0x20  }
0x7f: {  	[sflag:s25] =	ssyncset.done @!p0 $0x0  }
0x80: {  	[sflag:s25] =	ssyncadd.s32 @!p0 $0xFFFFFFE0  }
0x81: {  	[tilespmem:s29], [sflag:$0x1] =	stream.indirect.gather @!p0 [hbm4b:s2+s28], $0x80, s26, s28, $0xb8;
	[tilespmem:$0x2980] =	vst v63  }
0x82: {  	_ =	swait.ge @!p0 [sflag:s25], $0x1000  }
.Ltmp2:
0x83: {  	[sflag:s25] =	ssyncset.done @!p0 $0x0;
	(pc) =	sbr.rel @p3 .LBB2_2-.Ltmp2, $4  }
0x84: {  	[sflag:s25] =	ssyncadd.s32 @!p0 $0xFFFFF000  }
0x85: {  	[hbm4b:s3+s26] =	stream.linear.scatter @!p0 [tilespmem:s29], [sflag:$0x1], $0x1000, $0x38;
	[tilespmem:$0x2980] =	vst v63  }
0x86: {  	_ =	swait.ge @!p0 [sflag:s25], $0x1000  }
0x87: {  	[sflag:s25] =	ssyncset.done @!p0 $0x0  }
.LBB2_3:
0x88: {  	p2 =	por p0, !p2  }
0x89: {  	s13 =	simm.s32 @!p1 $0x0;
	[sflag:s25] =	ssyncadd.s32 @!p2 $0xFFFFF000  }
0x8a: {  	[tilespmem:s13], [sflag:$0x1] =	stream.linear.gather @!p1 [hbm4b:s12+s13], $0x20, $0x38;
	[tilespmem:$0x2980] =	vst v63  }
0x8b: {  	s12 =	simm.s32 @!p1 $0x1080  }
0x8c: {  	[tilespmem:s12], [sflag:$0x2] =	stream.linear.gather @!p1 [hbm4b:s11+s13], $0x10, $0x38;
	[tilespmem:$0x2980] =	vst v63  }
0x8d: {  	s14 =	simm.s32 @!p1 $0x1;
	s11 =	simm.s32 @!p1 $0x1900  }
0x8e: {  	[tilespmem:s11], [sflag:$0x3] =	stream.linear.gather @!p1 [hbm4b:s10+s13], $0x10, $0x38;
	[tilespmem:$0x2980] =	vst v63  }
0x8f: {  	_ =	swait.ge @!p1 [sflag:s14], $0x20  }
0x90: {  	s15 =	simm.s32 @!p1 $0x80;
	[sflag:s14] =	ssyncset.done @!p1 $0x0  }
0x91: {  	s10 =	simm.s32 @!p1 $0x2;
	s11 =	simm.s32 @!p1 $0x20;
	[sflag:s14] =	ssyncadd.s32 @!p1 $0xFFFFFFE0  }
0x92: {  	[tilespmem:s15], [sflag:$0x1] =	stream.indirect.gather @!p1 [hbm4b:s2+s11], $0x80, s13, s11, $0xb8;
	[tilespmem:$0x2980] =	vst v63  }
0x93: {  	_ =	swait.ge @!p1 [sflag:s10], $0x10  }
0x94: {  	s16 =	simm.s32 @!p1 $0x10;
	[sflag:s10] =	ssyncset.done @!p1 $0x0  }
0x95: {  	s17 =	simm.s32 @!p1 $0x1100;
	s11 =	simm.s32 @!p1 $0x3;
	[sflag:s10] =	ssyncadd.s32 @!p1 $0xFFFFFFF0  }
0x96: {  	[tilespmem:s17], [sflag:$0x2] =	stream.indirect.gather @!p1 [hbm4b:s8+s16], $0x80, s12, s16, $0xb8;
	[tilespmem:$0x2980] =	vst v63  }
0x97: {  	_ =	swait.ge @!p1 [sflag:s11], $0x10  }
0x98: {  	[sflag:s11] =	ssyncset.done @!p1 $0x0  }
0x99: {  	[sflag:s11] =	ssyncadd.s32 @!p1 $0xFFFFFFF0  }
0x9a: {  	v0 =	vld @!p1 [tilespmem:$0x1900];
	_ =	sdelay $0x4  }
0x9b: {  	v1 =	vshll.u32 @!p1 v0, $0x1  }
0x9c: {  	v2 =	vlaneseq.u32 @!p1;
	v0 =	vand.u32 @!p1 $0x7, v0;
	v1 =	vand.u32 @!p1 $0xFFFFFFF0, v1  }
0x9d: {  	v3 =	vshrl.u32 @!p1 v2, $0x3;
	v0 =	vor.u32 @!p1 v0, v1;
	v1 =	vand.u32 @!p1 $0x7, v2  }
0x9e: {  	v3 =	vmul.u32 @!p1 $0x8, v3;
	v1 =	vperm.xlane @!p1 v0, v1  }
0x9f: {  	v2 =	vor.u32 @!p1 $0x8, v2  }
0xa0: {  	v0 =	vperm.xlane @!p1 v0, v2;
	v1 =	vadd.s32 @!p1 v3, v1;
	_ =	sdelay $0x1  }
0xa1: {  	v0 =	vadd.s32 @!p1 v3, v0;
	_ =	sdelay $0x1  }
0xa2: {  	s8 =	simm.s32 @!p1 $0x1980  }
0xa3: {  	[tilespmem:s8], [sflag:$0x3] =	stream.indirect_vreg.gather @!p1 [hbm4b:s4+s13], $0x80, v1, vm0, $0xb8;
	[tilespmem:$0x2980] =	vst v63  }
0xa4: {  	s12 =	simm.s32 @!p1 $0x2180  }
0xa5: {  	[tilespmem:s12], [sflag:$0x3] =	stream.indirect_vreg.gather @!p1 [hbm4b:s4+s13], $0x80, v0, vm0, $0xb8;
	[tilespmem:$0x2980] =	vst v63  }
0xa6: {  	_ =	swait.ge @!p1 [sflag:s14], $0x1000  }
0xa7: {  	[sflag:s14] =	ssyncset.done @!p1 $0x0  }
0xa8: {  	[sflag:s14] =	ssyncadd.s32 @!p1 $0xFFFFF000  }
0xa9: {  	[hbm4b:s9+s13] =	stream.linear.scatter @!p1 [tilespmem:s15], [sflag:$0x1], $0x1000, $0x38;
	[tilespmem:$0x2980] =	vst v63  }
0xaa: {  	_ =	swait.ge @!p1 [sflag:s10], $0x800  }
0xab: {  	[sflag:s10] =	ssyncset.done @!p1 $0x0  }
0xac: {  	[sflag:s10] =	ssyncadd.s32 @!p1 $0xFFFFF800  }
0xad: {  	[hbm4b:s7+s13] =	stream.linear.scatter @!p1 [tilespmem:s17], [sflag:$0x2], $0x800, $0x38;
	[tilespmem:$0x2980] =	vst v63  }
0xae: {  	_ =	swait.ge @!p1 [sflag:s11], $0x1000  }
0xaf: {  	[sflag:s11] =	ssyncset.done @!p1 $0x0  }
0xb0: {  	[sflag:s11] =	ssyncadd.s32 @!p1 $0xFFFFF000  }
0xb1: {  	[hbm4b:s6+s13] =	stream.linear.scatter @!p1 [tilespmem:s8], [sflag:$0x3], $0x1000, $0x38;
	[tilespmem:$0x2980] =	vst v63  }
0xb2: {  	_ =	swait.ge @!p1 [sflag:s14], $0x1000  }
0xb3: {  	[sflag:s14] =	ssyncset.done @!p1 $0x0  }
0xb4: {  	[sflag:s14] =	ssyncadd.s32 @!p1 $0xFFFFF000  }
0xb5: {  	_ =	swait.ge @!p1 [sflag:s10], $0x800  }
0xb6: {  	[sflag:s10] =	ssyncset.done @!p1 $0x0  }
0xb7: {  	[sflag:s10] =	ssyncadd.s32 @!p1 $0xFFFFF800  }
0xb8: {  	_ =	swait.ge @!p1 [sflag:s11], $0x1000  }
0xb9: {  	[sflag:s11] =	ssyncset.done @!p1 $0x0  }
0xba: {  	s4 =	simm.s32 @!p0 $0x0;
	s6 =	simm.s32 @!p0 $0x1;
	[sflag:s11] =	ssyncadd.s32 @!p1 $0xFFFFF000  }
0xbb: {  	[tilespmem:s4], [sflag:$0x1] =	stream.linear.gather @!p0 [hbm4b:s5+s4], $0x20, $0x38;
	[tilespmem:$0x2980] =	vst v63  }
0xbc: {  	_ =	swait.ge @!p0 [sflag:s6], $0x20  }
0xbd: {  	[sflag:s6] =	ssyncset.done @!p0 $0x0  }
0xbe: {  	s7 =	simm.s32 @!p0 $0x80;
	s5 =	simm.s32 @!p0 $0x20;
	[sflag:s6] =	ssyncadd.s32 @!p0 $0xFFFFFFE0  }
0xbf: {  	[tilespmem:s7], [sflag:$0x1] =	stream.indirect.gather @!p0 [hbm4b:s2+s5], $0x80, s4, s5, $0xb8;
	[tilespmem:$0x2980] =	vst v63  }
0xc0: {  	_ =	swait.ge @!p0 [sflag:s6], $0x1000  }
0xc1: {  	[sflag:s6] =	ssyncset.done @!p0 $0x0  }
0xc2: {  	[sflag:s6] =	ssyncadd.s32 @!p0 $0xFFFFF000  }
0xc3: {  	[hbm4b:s3+s4] =	stream.linear.scatter @!p0 [tilespmem:s7], [sflag:$0x1], $0x1000, $0x38;
	[tilespmem:$0x2980] =	vst v63  }
0xc4: {  	_ =	swait.ge @!p0 [sflag:s6], $0x1000  }
0xc5: {  	[sflag:s6] =	ssyncset.done @!p0 $0x0  }
0xc6: {  	[sflag:s6] =	ssyncadd.s32 @!p0 $0xFFFFF000  }
0xc7: {  	_ =	sfence.sel $0x180000  }
0xc8: {  	[bflag:$0x0] =	sbarrier.arrive $0xFFFF  }
0xc9: {  	p0 =	sne.s32 s1, $0x0;
	_ =	strace $0x9000004A  }
0xca: {  	s0 =	sadd.s32 @!p0 $0x100000, s0;
	[bflag:$0x2] =	sbarrier.arrive $0xFFFF  }
0xcb: {  	[sflag:s0] =	ssyncadd.tile.s32 @!p0 $0x1;
	_ =	shalt  }
.Lfunc_end2:
_tile_overlayer_lowered:
.L_overlay_start_2:
0xcc: {  	(tag) =	ssettag $0x2  }
0xcd: {  	s0 =	rddreg [dreg:$0x0];
	s2 =	stileid.u32  }
0xce: {  	s1 =	rddreg [dreg:$0x1];
	p0 =	sne.s32 s2, $0x0  }
0xcf: {  	s3 =	rddreg [dreg:$0x2];
	[bflag:$0x3] =	sbarrier.arrive $0xFFFF;
	s2 =	simm.s32 @!p0 $0x1C04  }
0xd0: {  	[timem:s3], [sflag:s2] =	dma.local @!p0 [hbm:s0], s1  }
0xd1: {  	s0 =	simm.s32 @!p0 $0x4  }
0xd2: {  	_ =	swait.ge @!p0 [sflag:s0], s1  }
0xd3: {  	s1 =	ssub.s32 @!p0 $0x0, s1;
	[sflag:s0] =	ssyncset.done @!p0 $0x0  }
0xd4: {  	[sflag:s0] =	ssyncadd.s32 @!p0 s1  }
0xd5: {  	[bflag:$0x3] =	sbarrier.arrive $0xFFFF  }
0xd6: {  	_ =	shalt  }

</sc_bundles>
